<compile_context>
chip_gen: v7x
topology: tpu7x:2x2x1
jax: 0.10.2.dev20260603
libtpu: 0.0.44.dev20260713+nightly
codegen_flags: <defaults>
</compile_context>

<pallas_src>
import functools

import jax
import jax.numpy as jnp
from jax import lax
from jax.experimental import pallas as pl
from jax.experimental.pallas import tpu as pltpu
from jax.experimental.pallas import tpu_sc as plsc

P = 8
N = 512
B = 64
EPS = 1e-06

NC = 2
NS = 16
NW = NC * NS
RB = N // NW


def _norm_body(s_ref, g_ref, m_ref):
    s = s_ref[0]
    rows = lax.broadcasted_iota(jnp.int32, (N, N), 0)
    cols = lax.broadcasted_iota(jnp.int32, (N, N), 1)
    sz = jnp.where(rows == cols, 0.0, s)
    denom = jnp.clip(jnp.sum(jnp.abs(sz), axis=1, keepdims=True), EPS, None)
    graw = g_ref[0]
    g = jnp.maximum(graw, 0.0) + jnp.log1p(jnp.exp(-jnp.abs(graw))) + 1e-06
    gsum = jnp.clip(jnp.sum(g), EPS, None)
    m_ref[0] = sz * (g * (N / gsum) / denom)


_mesh = plsc.VectorSubcoreMesh(core_axis_name="c", subcore_axis_name="s")


HB = B // NC


@functools.partial(
    pl.kernel,
    mesh=_mesh,
    out_type=jax.ShapeDtypeStruct((NC, HB, N, N), jnp.float32),
    scratch_types=[
        pltpu.VMEM((P, RB, N), jnp.float32),
        pltpu.VMEM((B + 16, ), jnp.int32),
        pltpu.SemaphoreType.DMA,
        pltpu.SemaphoreType.DMA,
    ],
)
def _sc_gather(m_hbm, ph_hbm, out_hbm, buf, ph_v, rsem, wsem):
    c = lax.axis_index("c")
    s = lax.axis_index("s")

    pltpu.sync_copy(ph_hbm, ph_v.at[pl.ds(0, B)])

    for chunk in range(2):
        r0 = s * (2 * RB) + chunk * RB
        for p in range(P):
            pltpu.make_async_copy(
                m_hbm.at[p, pl.ds(r0, RB), :], buf.at[p], rsem
            ).start()
        for _ in range(P):
            pltpu.make_async_copy(
                m_hbm.at[0, pl.ds(r0, RB), :], buf.at[0], rsem
            ).wait()

        for i in range(HB):
            ph_b = ph_v[pl.ds(c * HB + i, 16)][0]
            pltpu.make_async_copy(
                buf.at[ph_b], out_hbm.at[c, i, pl.ds(r0, RB), :], wsem
            ).start()

        def drain(b, acc):
            pltpu.make_async_copy(
                buf.at[0], out_hbm.at[0, 0, pl.ds(r0, RB), :], wsem
            ).wait()
            return acc

        lax.fori_loop(0, HB, drain, 0)


@jax.jit
def kernel(phases, S, G):
    phases = phases.astype(jnp.int32)
    Gc = G.reshape(P, N, 1)

    M = pl.pallas_call(
        _norm_body,
        grid=(P,),
        in_specs=[
            pl.BlockSpec((1, N, N), lambda i: (i, 0, 0)),
            pl.BlockSpec((1, N, 1), lambda i: (i, 0, 0)),
        ],
        out_specs=pl.BlockSpec((1, N, N), lambda i: (i, 0, 0)),
        out_shape=jax.ShapeDtypeStruct((P, N, N), jnp.float32),
    )(S, Gc)

    return _sc_gather(M, phases).reshape(B, N, N)

# --- scband reference (transcript-rebuilt; emitter-appended) ---
"""Pipeline reference for scband-phase-graphs-6390911336477 (READ-ONLY COPY).

The authoritative reference and input builder live on the scoring server;
editing this copy changes nothing except your own understanding.
"""

import jax, jax.numpy as jnp
import numpy as np

P = 8
N = 512
B = 64
EPS = 1e-06


def setup_inputs(seed: int = 0) -> dict:
    key = jax.random.key(seed)
    k1, k2, k3 = jax.random.split(key, 3)
    phases = jax.random.randint(k1, (B,), 0, P)
    S = jax.random.normal(k2, (P, N, N), dtype=jnp.float32) * 0.1
    G = jax.random.normal(k3, (P, N), dtype=jnp.float32) * 0.1
    return {"phases": phases, "S": S, "G": G}


def reference(phases, S, G):
    n = S.shape[-1]
    I = jnp.eye(n, dtype=S.dtype)
    Sz = S * (1.0 - I)
    denom = jnp.clip(jnp.sum(jnp.abs(Sz), axis=-1, keepdims=True), EPS, None)
    Sn = Sz / denom
    A = jnp.take(Sn, phases, axis=0)
    g = jax.nn.softplus(G) + 1e-06
    g = g * (n / jnp.clip(jnp.sum(g, axis=-1, keepdims=True), EPS, None))
    A = A * jnp.take(g, phases, axis=0)[..., None]
    return A

if __name__ == "__main__":
    import jax
    _d = setup_inputs()
    print(jax.jit(kernel)(*tuple(_d.values())))

</pallas_src>

<mosaic_0001>
#map = affine_map<(d0, d1) -> (0, 0, 0)>
#map1 = affine_map<(d0, d1) -> (0)>
#map2 = affine_map<(d0, d1) -> (0, 0, 0, 0)>
module attributes {stable_mosaic.version = 14 : i64} {
  func.func @_sc_gather(%arg0: i32, %arg1: i32, %arg2: memref<8x512x512xf32, #tpu.memory_space<hbm>>, %arg3: memref<64xi32, #tpu.memory_space<hbm>>, %arg4: memref<2x32x512x512xf32, #tpu.memory_space<hbm>>, %arg5: memref<8x16x512xf32, #tpu.memory_space<vmem>>, %arg6: memref<80xi32, #tpu.memory_space<vmem>>, %arg7: memref<!tpu.dma_semaphore, #tpu.memory_space<semaphore_mem>>, %arg8: memref<!tpu.dma_semaphore, #tpu.memory_space<semaphore_mem>>) attributes {dimension_semantics = [#tpu.dimension_semantics<core_parallel>, #tpu.dimension_semantics<subcore_parallel>], iteration_bounds = array<i64: 2, 16>, scalar_prefetch = 0 : i64, scratch_operands = 4 : i64, tpu.core_type = #tpu.core_type<sc_vector_subcore>, window_params = [{transform_indices = #map}, {transform_indices = #map1}, {transform_indices = #map2}]} {
    "tpu.region"() ({
      %run_scoped3A = tpu.sem_alloc : memref<!tpu.dma_semaphore, #tpu.memory_space<semaphore_mem>>
      %dma_start3A_2060 = arith.constant 0 : i32
      %dma_start3A_2061 = tpu.memref_slice %arg6[%dma_start3A_2060] : memref<80xi32, #tpu.memory_space<vmem>> -> memref<64xi32, #tpu.memory_space<vmem>>
      %dma_start3A_2062 = arith.constant 0 : i32
      %dma_start3A_2063 = tpu.memref_slice %arg6[%dma_start3A_2062] : memref<80xi32, #tpu.memory_space<vmem>> -> memref<64xi32, #tpu.memory_space<vmem>>
      tpu.enqueue_dma source(%arg3 : memref<64xi32, #tpu.memory_space<hbm>>) target(%dma_start3A_2063 : memref<64xi32, #tpu.memory_space<vmem>>) target_semaphore(%run_scoped3A : memref<!tpu.dma_semaphore, #tpu.memory_space<semaphore_mem>>)
      %dma_wait3A_2064 = arith.constant 0 : i32
      %dma_wait3A_2065 = tpu.memref_slice %arg6[%dma_wait3A_2064] : memref<80xi32, #tpu.memory_space<vmem>> -> memref<64xi32, #tpu.memory_space<vmem>>
      %dma_wait3A_2066 = arith.constant 0 : i32
      %dma_wait3A_2067 = tpu.memref_slice %arg6[%dma_wait3A_2066] : memref<80xi32, #tpu.memory_space<vmem>> -> memref<64xi32, #tpu.memory_space<vmem>>
      tpu.wait_dma2 semaphore(%run_scoped3A : memref<!tpu.dma_semaphore, #tpu.memory_space<semaphore_mem>>) src(%arg3 : memref<64xi32, #tpu.memory_space<hbm>>) dst(%dma_wait3A_2067 : memref<64xi32, #tpu.memory_space<vmem>>)
      tpu.yield
    }) : () -> ()
    %mul3A = arith.constant 32 : i32
    %mul3A_0 = arith.muli %arg1, %mul3A : i32
    %add3A = arith.constant 0 : i32
    %add3A_1 = arith.addi %mul3A_0, %add3A : i32
    %dma_start3A = arith.constant 0 : i32
    %dma_start3A_2 = arith.constant 0 : i32
    %dma_start3A_3 = arith.constant 0 : i32
    %dma_start3A_4 = arith.constant 0 : i32
    %dma_start3A_5 = tpu.memref_slice %arg5[%dma_start3A_2, %dma_start3A_3, %dma_start3A_4] : memref<8x16x512xf32, #tpu.memory_space<vmem>> -> memref<1x16x512xf32, #tpu.memory_space<vmem>>
    %dma_start3A_6 = tpu.memref_squeeze %dma_start3A_5 : memref<1x16x512xf32, #tpu.memory_space<vmem>> -> memref<16x512xf32, #tpu.memory_space<vmem>>
    %dma_start3A_7 = arith.constant 0 : i32
    %dma_start3A_8 = tpu.memref_slice %arg2[%dma_start3A, %add3A_1, %dma_start3A_7] : memref<8x512x512xf32, #tpu.memory_space<hbm>> -> memref<1x16x512xf32, #tpu.memory_space<hbm>>
    %dma_start3A_9 = tpu.memref_squeeze %dma_start3A_8 : memref<1x16x512xf32, #tpu.memory_space<hbm>> -> memref<16x512xf32, #tpu.memory_space<hbm>>
    %dma_start3A_10 = arith.constant 0 : i32
    %dma_start3A_11 = arith.constant 0 : i32
    %dma_start3A_12 = tpu.memref_slice %arg5[%dma_start3A_2, %dma_start3A_10, %dma_start3A_11] : memref<8x16x512xf32, #tpu.memory_space<vmem>> -> memref<1x16x512xf32, #tpu.memory_space<vmem>>
    %dma_start3A_13 = tpu.memref_squeeze %dma_start3A_12 : memref<1x16x512xf32, #tpu.memory_space<vmem>> -> memref<16x512xf32, #tpu.memory_space<vmem>>
    %dma_start3A_14 = arith.constant 0 : i32
    %dma_start3A_15 = tpu.memref_slice %arg2[%dma_start3A, %add3A_1, %dma_start3A_14] : memref<8x512x512xf32, #tpu.memory_space<hbm>> -> memref<1x16x512xf32, #tpu.memory_space<hbm>>
    %dma_start3A_16 = tpu.memref_squeeze %dma_start3A_15 : memref<1x16x512xf32, #tpu.memory_space<hbm>> -> memref<16x512xf32, #tpu.memory_space<hbm>>
    tpu.enqueue_dma source(%dma_start3A_16 : memref<16x512xf32, #tpu.memory_space<hbm>>) target(%dma_start3A_13 : memref<16x512xf32, #tpu.memory_space<vmem>>) target_semaphore(%arg7 : memref<!tpu.dma_semaphore, #tpu.memory_space<semaphore_mem>>)
    %dma_start3A_17 = arith.constant 1 : i32
    %dma_start3A_18 = arith.constant 1 : i32
    %dma_start3A_19 = arith.constant 0 : i32
    %dma_start3A_20 = arith.constant 0 : i32
    %dma_start3A_21 = tpu.memref_slice %arg5[%dma_start3A_18, %dma_start3A_19, %dma_start3A_20] : memref<8x16x512xf32, #tpu.memory_space<vmem>> -> memref<1x16x512xf32, #tpu.memory_space<vmem>>
    %dma_start3A_22 = tpu.memref_squeeze %dma_start3A_21 : memref<1x16x512xf32, #tpu.memory_space<vmem>> -> memref<16x512xf32, #tpu.memory_space<vmem>>
    %dma_start3A_23 = arith.constant 0 : i32
    %dma_start3A_24 = tpu.memref_slice %arg2[%dma_start3A_17, %add3A_1, %dma_start3A_23] : memref<8x512x512xf32, #tpu.memory_space<hbm>> -> memref<1x16x512xf32, #tpu.memory_space<hbm>>
    %dma_start3A_25 = tpu.memref_squeeze %dma_start3A_24 : memref<1x16x512xf32, #tpu.memory_space<hbm>> -> memref<16x512xf32, #tpu.memory_space<hbm>>
    %dma_start3A_26 = arith.constant 0 : i32
    %dma_start3A_27 = arith.constant 0 : i32
    %dma_start3A_28 = tpu.memref_slice %arg5[%dma_start3A_18, %dma_start3A_26, %dma_start3A_27] : memref<8x16x512xf32, #tpu.memory_space<vmem>> -> memref<1x16x512xf32, #tpu.memory_space<vmem>>
    %dma_start3A_29 = tpu.memref_squeeze %dma_start3A_28 : memref<1x16x512xf32, #tpu.memory_space<vmem>> -> memref<16x512xf32, #tpu.memory_space<vmem>>
    %dma_start3A_30 = arith.constant 0 : i32
    %dma_start3A_31 = tpu.memref_slice %arg2[%dma_start3A_17, %add3A_1, %dma_start3A_30] : memref<8x512x512xf32, #tpu.memory_space<hbm>> -> memref<1x16x512xf32, #tpu.memory_space<hbm>>
    %dma_start3A_32 = tpu.memref_squeeze %dma_start3A_31 : memref<1x16x512xf32, #tpu.memory_space<hbm>> -> memref<16x512xf32, #tpu.memory_space<hbm>>
    tpu.enqueue_dma source(%dma_start3A_32 : memref<16x512xf32, #tpu.memory_space<hbm>>) target(%dma_start3A_29 : memref<16x512xf32, #tpu.memory_space<vmem>>) target_semaphore(%arg7 : memref<!tpu.dma_semaphore, #tpu.memory_space<semaphore_mem>>)
    %dma_start3A_33 = arith.constant 2 : i32
    %dma_start3A_34 = arith.constant 2 : i32
    %dma_start3A_35 = arith.constant 0 : i32
    %dma_start3A_36 = arith.constant 0 : i32
    %dma_start3A_37 = tpu.memref_slice %arg5[%dma_start3A_34, %dma_start3A_35, %dma_start3A_36] : memref<8x16x512xf32, #tpu.memory_space<vmem>> -> memref<1x16x512xf32, #tpu.memory_space<vmem>>
    %dma_start3A_38 = tpu.memref_squeeze %dma_start3A_37 : memref<1x16x512xf32, #tpu.memory_space<vmem>> -> memref<16x512xf32, #tpu.memory_space<vmem>>
    %dma_start3A_39 = arith.constant 0 : i32
    %dma_start3A_40 = tpu.memref_slice %arg2[%dma_start3A_33, %add3A_1, %dma_start3A_39] : memref<8x512x512xf32, #tpu.memory_space<hbm>> -> memref<1x16x512xf32, #tpu.memory_space<hbm>>
    %dma_start3A_41 = tpu.memref_squeeze %dma_start3A_40 : memref<1x16x512xf32, #tpu.memory_space<hbm>> -> memref<16x512xf32, #tpu.memory_space<hbm>>
    %dma_start3A_42 = arith.constant 0 : i32
    %dma_start3A_43 = arith.constant 0 : i32
    %dma_start3A_44 = tpu.memref_slice %arg5[%dma_start3A_34, %dma_start3A_42, %dma_start3A_43] : memref<8x16x512xf32, #tpu.memory_space<vmem>> -> memref<1x16x512xf32, #tpu.memory_space<vmem>>
    %dma_start3A_45 = tpu.memref_squeeze %dma_start3A_44 : memref<1x16x512xf32, #tpu.memory_space<vmem>> -> memref<16x512xf32, #tpu.memory_space<vmem>>
    %dma_start3A_46 = arith.constant 0 : i32
    %dma_start3A_47 = tpu.memref_slice %arg2[%dma_start3A_33, %add3A_1, %dma_start3A_46] : memref<8x512x512xf32, #tpu.memory_space<hbm>> -> memref<1x16x512xf32, #tpu.memory_space<hbm>>
    %dma_start3A_48 = tpu.memref_squeeze %dma_start3A_47 : memref<1x16x512xf32, #tpu.memory_space<hbm>> -> memref<16x512xf32, #tpu.memory_space<hbm>>
    tpu.enqueue_dma source(%dma_start3A_48 : memref<16x512xf32, #tpu.memory_space<hbm>>) target(%dma_start3A_45 : memref<16x512xf32, #tpu.memory_space<vmem>>) target_semaphore(%arg7 : memref<!tpu.dma_semaphore, #tpu.memory_space<semaphore_mem>>)
    %dma_start3A_49 = arith.constant 3 : i32
    %dma_start3A_50 = arith.constant 3 : i32
    %dma_start3A_51 = arith.constant 0 : i32
    %dma_start3A_52 = arith.constant 0 : i32
    %dma_start3A_53 = tpu.memref_slice %arg5[%dma_start3A_50, %dma_start3A_51, %dma_start3A_52] : memref<8x16x512xf32, #tpu.memory_space<vmem>> -> memref<1x16x512xf32, #tpu.memory_space<vmem>>
    %dma_start3A_54 = tpu.memref_squeeze %dma_start3A_53 : memref<1x16x512xf32, #tpu.memory_space<vmem>> -> memref<16x512xf32, #tpu.memory_space<vmem>>
    %dma_start3A_55 = arith.constant 0 : i32
    %dma_start3A_56 = tpu.memref_slice %arg2[%dma_start3A_49, %add3A_1, %dma_start3A_55] : memref<8x512x512xf32, #tpu.memory_space<hbm>> -> memref<1x16x512xf32, #tpu.memory_space<hbm>>
    %dma_start3A_57 = tpu.memref_squeeze %dma_start3A_56 : memref<1x16x512xf32, #tpu.memory_space<hbm>> -> memref<16x512xf32, #tpu.memory_space<hbm>>
    %dma_start3A_58 = arith.constant 0 : i32
    %dma_start3A_59 = arith.constant 0 : i32
    %dma_start3A_60 = tpu.memref_slice %arg5[%dma_start3A_50, %dma_start3A_58, %dma_start3A_59] : memref<8x16x512xf32, #tpu.memory_space<vmem>> -> memref<1x16x512xf32, #tpu.memory_space<vmem>>
    %dma_start3A_61 = tpu.memref_squeeze %dma_start3A_60 : memref<1x16x512xf32, #tpu.memory_space<vmem>> -> memref<16x512xf32, #tpu.memory_space<vmem>>
    %dma_start3A_62 = arith.constant 0 : i32
    %dma_start3A_63 = tpu.memref_slice %arg2[%dma_start3A_49, %add3A_1, %dma_start3A_62] : memref<8x512x512xf32, #tpu.memory_space<hbm>> -> memref<1x16x512xf32, #tpu.memory_space<hbm>>
    %dma_start3A_64 = tpu.memref_squeeze %dma_start3A_63 : memref<1x16x512xf32, #tpu.memory_space<hbm>> -> memref<16x512xf32, #tpu.memory_space<hbm>>
    tpu.enqueue_dma source(%dma_start3A_64 : memref<16x512xf32, #tpu.memory_space<hbm>>) target(%dma_start3A_61 : memref<16x512xf32, #tpu.memory_space<vmem>>) target_semaphore(%arg7 : memref<!tpu.dma_semaphore, #tpu.memory_space<semaphore_mem>>)
    %dma_start3A_65 = arith.constant 4 : i32
    %dma_start3A_66 = arith.constant 4 : i32
    %dma_start3A_67 = arith.constant 0 : i32
    %dma_start3A_68 = arith.constant 0 : i32
    %dma_start3A_69 = tpu.memref_slice %arg5[%dma_start3A_66, %dma_start3A_67, %dma_start3A_68] : memref<8x16x512xf32, #tpu.memory_space<vmem>> -> memref<1x16x512xf32, #tpu.memory_space<vmem>>
    %dma_start3A_70 = tpu.memref_squeeze %dma_start3A_69 : memref<1x16x512xf32, #tpu.memory_space<vmem>> -> memref<16x512xf32, #tpu.memory_space<vmem>>
    %dma_start3A_71 = arith.constant 0 : i32
    %dma_start3A_72 = tpu.memref_slice %arg2[%dma_start3A_65, %add3A_1, %dma_start3A_71] : memref<8x512x512xf32, #tpu.memory_space<hbm>> -> memref<1x16x512xf32, #tpu.memory_space<hbm>>
    %dma_start3A_73 = tpu.memref_squeeze %dma_start3A_72 : memref<1x16x512xf32, #tpu.memory_space<hbm>> -> memref<16x512xf32, #tpu.memory_space<hbm>>
    %dma_start3A_74 = arith.constant 0 : i32
    %dma_start3A_75 = arith.constant 0 : i32
    %dma_start3A_76 = tpu.memref_slice %arg5[%dma_start3A_66, %dma_start3A_74, %dma_start3A_75] : memref<8x16x512xf32, #tpu.memory_space<vmem>> -> memref<1x16x512xf32, #tpu.memory_space<vmem>>
    %dma_start3A_77 = tpu.memref_squeeze %dma_start3A_76 : memref<1x16x512xf32, #tpu.memory_space<vmem>> -> memref<16x512xf32, #tpu.memory_space<vmem>>
    %dma_start3A_78 = arith.constant 0 : i32
    %dma_start3A_79 = tpu.memref_slice %arg2[%dma_start3A_65, %add3A_1, %dma_start3A_78] : memref<8x512x512xf32, #tpu.memory_space<hbm>> -> memref<1x16x512xf32, #tpu.memory_space<hbm>>
    %dma_start3A_80 = tpu.memref_squeeze %dma_start3A_79 : memref<1x16x512xf32, #tpu.memory_space<hbm>> -> memref<16x512xf32, #tpu.memory_space<hbm>>
    tpu.enqueue_dma source(%dma_start3A_80 : memref<16x512xf32, #tpu.memory_space<hbm>>) target(%dma_start3A_77 : memref<16x512xf32, #tpu.memory_space<vmem>>) target_semaphore(%arg7 : memref<!tpu.dma_semaphore, #tpu.memory_space<semaphore_mem>>)
    %dma_start3A_81 = arith.constant 5 : i32
    %dma_start3A_82 = arith.constant 5 : i32
    %dma_start3A_83 = arith.constant 0 : i32
    %dma_start3A_84 = arith.constant 0 : i32
    %dma_start3A_85 = tpu.memref_slice %arg5[%dma_start3A_82, %dma_start3A_83, %dma_start3A_84] : memref<8x16x512xf32, #tpu.memory_space<vmem>> -> memref<1x16x512xf32, #tpu.memory_space<vmem>>
    %dma_start3A_86 = tpu.memref_squeeze %dma_start3A_85 : memref<1x16x512xf32, #tpu.memory_space<vmem>> -> memref<16x512xf32, #tpu.memory_space<vmem>>
    %dma_start3A_87 = arith.constant 0 : i32
    %dma_start3A_88 = tpu.memref_slice %arg2[%dma_start3A_81, %add3A_1, %dma_start3A_87] : memref<8x512x512xf32, #tpu.memory_space<hbm>> -> memref<1x16x512xf32, #tpu.memory_space<hbm>>
    %dma_start3A_89 = tpu.memref_squeeze %dma_start3A_88 : memref<1x16x512xf32, #tpu.memory_space<hbm>> -> memref<16x512xf32, #tpu.memory_space<hbm>>
    %dma_start3A_90 = arith.constant 0 : i32
    %dma_start3A_91 = arith.constant 0 : i32
    %dma_start3A_92 = tpu.memref_slice %arg5[%dma_start3A_82, %dma_start3A_90, %dma_start3A_91] : memref<8x16x512xf32, #tpu.memory_space<vmem>> -> memref<1x16x512xf32, #tpu.memory_space<vmem>>
    %dma_start3A_93 = tpu.memref_squeeze %dma_start3A_92 : memref<1x16x512xf32, #tpu.memory_space<vmem>> -> memref<16x512xf32, #tpu.memory_space<vmem>>
    %dma_start3A_94 = arith.constant 0 : i32
    %dma_start3A_95 = tpu.memref_slice %arg2[%dma_start3A_81, %add3A_1, %dma_start3A_94] : memref<8x512x512xf32, #tpu.memory_space<hbm>> -> memref<1x16x512xf32, #tpu.memory_space<hbm>>
    %dma_start3A_96 = tpu.memref_squeeze %dma_start3A_95 : memref<1x16x512xf32, #tpu.memory_space<hbm>> -> memref<16x512xf32, #tpu.memory_space<hbm>>
    tpu.enqueue_dma source(%dma_start3A_96 : memref<16x512xf32, #tpu.memory_space<hbm>>) target(%dma_start3A_93 : memref<16x512xf32, #tpu.memory_space<vmem>>) target_semaphore(%arg7 : memref<!tpu.dma_semaphore, #tpu.memory_space<semaphore_mem>>)
    %dma_start3A_97 = arith.constant 6 : i32
    %dma_start3A_98 = arith.constant 6 : i32
    %dma_start3A_99 = arith.constant 0 : i32
    %dma_start3A_100 = arith.constant 0 : i32
    %dma_start3A_101 = tpu.memref_slice %arg5[%dma_start3A_98, %dma_start3A_99, %dma_start3A_100] : memref<8x16x512xf32, #tpu.memory_space<vmem>> -> memref<1x16x512xf32, #tpu.memory_space<vmem>>
    %dma_start3A_102 = tpu.memref_squeeze %dma_start3A_101 : memref<1x16x512xf32, #tpu.memory_space<vmem>> -> memref<16x512xf32, #tpu.memory_space<vmem>>
    %dma_start3A_103 = arith.constant 0 : i32
    %dma_start3A_104 = tpu.memref_slice %arg2[%dma_start3A_97, %add3A_1, %dma_start3A_103] : memref<8x512x512xf32, #tpu.memory_space<hbm>> -> memref<1x16x512xf32, #tpu.memory_space<hbm>>
    %dma_start3A_105 = tpu.memref_squeeze %dma_start3A_104 : memref<1x16x512xf32, #tpu.memory_space<hbm>> -> memref<16x512xf32, #tpu.memory_space<hbm>>
    %dma_start3A_106 = arith.constant 0 : i32
    %dma_start3A_107 = arith.constant 0 : i32
    %dma_start3A_108 = tpu.memref_slice %arg5[%dma_start3A_98, %dma_start3A_106, %dma_start3A_107] : memref<8x16x512xf32, #tpu.memory_space<vmem>> -> memref<1x16x512xf32, #tpu.memory_space<vmem>>
    %dma_start3A_109 = tpu.memref_squeeze %dma_start3A_108 : memref<1x16x512xf32, #tpu.memory_space<vmem>> -> memref<16x512xf32, #tpu.memory_space<vmem>>
    %dma_start3A_110 = arith.constant 0 : i32
    %dma_start3A_111 = tpu.memref_slice %arg2[%dma_start3A_97, %add3A_1, %dma_start3A_110] : memref<8x512x512xf32, #tpu.memory_space<hbm>> -> memref<1x16x512xf32, #tpu.memory_space<hbm>>
    %dma_start3A_112 = tpu.memref_squeeze %dma_start3A_111 : memref<1x16x512xf32, #tpu.memory_space<hbm>> -> memref<16x512xf32, #tpu.memory_space<hbm>>
    tpu.enqueue_dma source(%dma_start3A_112 : memref<16x512xf32, #tpu.memory_space<hbm>>) target(%dma_start3A_109 : memref<16x512xf32, #tpu.memory_space<vmem>>) target_semaphore(%arg7 : memref<!tpu.dma_semaphore, #tpu.memory_space<semaphore_mem>>)
    %dma_start3A_113 = arith.constant 7 : i32
    %dma_start3A_114 = arith.constant 7 : i32
    %dma_start3A_115 = arith.constant 0 : i32
    %dma_start3A_116 = arith.constant 0 : i32
    %dma_start3A_117 = tpu.memref_slice %arg5[%dma_start3A_114, %dma_start3A_115, %dma_start3A_116] : memref<8x16x512xf32, #tpu.memory_space<vmem>> -> memref<1x16x512xf32, #tpu.memory_space<vmem>>
    %dma_start3A_118 = tpu.memref_squeeze %dma_start3A_117 : memref<1x16x512xf32, #tpu.memory_space<vmem>> -> memref<16x512xf32, #tpu.memory_space<vmem>>
    %dma_start3A_119 = arith.constant 0 : i32
    %dma_start3A_120 = tpu.memref_slice %arg2[%dma_start3A_113, %add3A_1, %dma_start3A_119] : memref<8x512x512xf32, #tpu.memory_space<hbm>> -> memref<1x16x512xf32, #tpu.memory_space<hbm>>
    %dma_start3A_121 = tpu.memref_squeeze %dma_start3A_120 : memref<1x16x512xf32, #tpu.memory_space<hbm>> -> memref<16x512xf32, #tpu.memory_space<hbm>>
    %dma_start3A_122 = arith.constant 0 : i32
    %dma_start3A_123 = arith.constant 0 : i32
    %dma_start3A_124 = tpu.memref_slice %arg5[%dma_start3A_114, %dma_start3A_122, %dma_start3A_123] : memref<8x16x512xf32, #tpu.memory_space<vmem>> -> memref<1x16x512xf32, #tpu.memory_space<vmem>>
    %dma_start3A_125 = tpu.memref_squeeze %dma_start3A_124 : memref<1x16x512xf32, #tpu.memory_space<vmem>> -> memref<16x512xf32, #tpu.memory_space<vmem>>
    %dma_start3A_126 = arith.constant 0 : i32
    %dma_start3A_127 = tpu.memref_slice %arg2[%dma_start3A_113, %add3A_1, %dma_start3A_126] : memref<8x512x512xf32, #tpu.memory_space<hbm>> -> memref<1x16x512xf32, #tpu.memory_space<hbm>>
    %dma_start3A_128 = tpu.memref_squeeze %dma_start3A_127 : memref<1x16x512xf32, #tpu.memory_space<hbm>> -> memref<16x512xf32, #tpu.memory_space<hbm>>
    tpu.enqueue_dma source(%dma_start3A_128 : memref<16x512xf32, #tpu.memory_space<hbm>>) target(%dma_start3A_125 : memref<16x512xf32, #tpu.memory_space<vmem>>) target_semaphore(%arg7 : memref<!tpu.dma_semaphore, #tpu.memory_space<semaphore_mem>>)
    %dma_wait3A = arith.constant 0 : i32
    %dma_wait3A_129 = arith.constant 0 : i32
    %dma_wait3A_130 = arith.constant 0 : i32
    %dma_wait3A_131 = arith.constant 0 : i32
    %dma_wait3A_132 = tpu.memref_slice %arg5[%dma_wait3A_129, %dma_wait3A_130, %dma_wait3A_131] : memref<8x16x512xf32, #tpu.memory_space<vmem>> -> memref<1x16x512xf32, #tpu.memory_space<vmem>>
    %dma_wait3A_133 = tpu.memref_squeeze %dma_wait3A_132 : memref<1x16x512xf32, #tpu.memory_space<vmem>> -> memref<16x512xf32, #tpu.memory_space<vmem>>
    %dma_wait3A_134 = arith.constant 0 : i32
    %dma_wait3A_135 = tpu.memref_slice %arg2[%dma_wait3A, %add3A_1, %dma_wait3A_134] : memref<8x512x512xf32, #tpu.memory_space<hbm>> -> memref<1x16x512xf32, #tpu.memory_space<hbm>>
    %dma_wait3A_136 = tpu.memref_squeeze %dma_wait3A_135 : memref<1x16x512xf32, #tpu.memory_space<hbm>> -> memref<16x512xf32, #tpu.memory_space<hbm>>
    %dma_wait3A_137 = arith.constant 0 : i32
    %dma_wait3A_138 = arith.constant 0 : i32
    %dma_wait3A_139 = tpu.memref_slice %arg5[%dma_wait3A_129, %dma_wait3A_137, %dma_wait3A_138] : memref<8x16x512xf32, #tpu.memory_space<vmem>> -> memref<1x16x512xf32, #tpu.memory_space<vmem>>
    %dma_wait3A_140 = tpu.memref_squeeze %dma_wait3A_139 : memref<1x16x512xf32, #tpu.memory_space<vmem>> -> memref<16x512xf32, #tpu.memory_space<vmem>>
    %dma_wait3A_141 = arith.constant 0 : i32
    %dma_wait3A_142 = tpu.memref_slice %arg2[%dma_wait3A, %add3A_1, %dma_wait3A_141] : memref<8x512x512xf32, #tpu.memory_space<hbm>> -> memref<1x16x512xf32, #tpu.memory_space<hbm>>
    %dma_wait3A_143 = tpu.memref_squeeze %dma_wait3A_142 : memref<1x16x512xf32, #tpu.memory_space<hbm>> -> memref<16x512xf32, #tpu.memory_space<hbm>>
    tpu.wait_dma2 semaphore(%arg7 : memref<!tpu.dma_semaphore, #tpu.memory_space<semaphore_mem>>) src(%dma_wait3A_143 : memref<16x512xf32, #tpu.memory_space<hbm>>) dst(%dma_wait3A_140 : memref<16x512xf32, #tpu.memory_space<vmem>>)
    %dma_wait3A_144 = arith.constant 0 : i32
    %dma_wait3A_145 = arith.constant 0 : i32
    %dma_wait3A_146 = arith.constant 0 : i32
    %dma_wait3A_147 = arith.constant 0 : i32
    %dma_wait3A_148 = tpu.memref_slice %arg5[%dma_wait3A_145, %dma_wait3A_146, %dma_wait3A_147] : memref<8x16x512xf32, #tpu.memory_space<vmem>> -> memref<1x16x512xf32, #tpu.memory_space<vmem>>
    %dma_wait3A_149 = tpu.memref_squeeze %dma_wait3A_148 : memref<1x16x512xf32, #tpu.memory_space<vmem>> -> memref<16x512xf32, #tpu.memory_space<vmem>>
    %dma_wait3A_150 = arith.constant 0 : i32
    %dma_wait3A_151 = tpu.memref_slice %arg2[%dma_wait3A_144, %add3A_1, %dma_wait3A_150] : memref<8x512x512xf32, #tpu.memory_space<hbm>> -> memref<1x16x512xf32, #tpu.memory_space<hbm>>
    %dma_wait3A_152 = tpu.memref_squeeze %dma_wait3A_151 : memref<1x16x512xf32, #tpu.memory_space<hbm>> -> memref<16x512xf32, #tpu.memory_space<hbm>>
    %dma_wait3A_153 = arith.constant 0 : i32
    %dma_wait3A_154 = arith.constant 0 : i32
    %dma_wait3A_155 = tpu.memref_slice %arg5[%dma_wait3A_145, %dma_wait3A_153, %dma_wait3A_154] : memref<8x16x512xf32, #tpu.memory_space<vmem>> -> memref<1x16x512xf32, #tpu.memory_space<vmem>>
    %dma_wait3A_156 = tpu.memref_squeeze %dma_wait3A_155 : memref<1x16x512xf32, #tpu.memory_space<vmem>> -> memref<16x512xf32, #tpu.memory_space<vmem>>
    %dma_wait3A_157 = arith.constant 0 : i32
    %dma_wait3A_158 = tpu.memref_slice %arg2[%dma_wait3A_144, %add3A_1, %dma_wait3A_157] : memref<8x512x512xf32, #tpu.memory_space<hbm>> -> memref<1x16x512xf32, #tpu.memory_space<hbm>>
    %dma_wait3A_159 = tpu.memref_squeeze %dma_wait3A_158 : memref<1x16x512xf32, #tpu.memory_space<hbm>> -> memref<16x512xf32, #tpu.memory_space<hbm>>
    tpu.wait_dma2 semaphore(%arg7 : memref<!tpu.dma_semaphore, #tpu.memory_space<semaphore_mem>>) src(%dma_wait3A_159 : memref<16x512xf32, #tpu.memory_space<hbm>>) dst(%dma_wait3A_156 : memref<16x512xf32, #tpu.memory_space<vmem>>)
    %dma_wait3A_160 = arith.constant 0 : i32
    %dma_wait3A_161 = arith.constant 0 : i32
    %dma_wait3A_162 = arith.constant 0 : i32
    %dma_wait3A_163 = arith.constant 0 : i32
    %dma_wait3A_164 = tpu.memref_slice %arg5[%dma_wait3A_161, %dma_wait3A_162, %dma_wait3A_163] : memref<8x16x512xf32, #tpu.memory_space<vmem>> -> memref<1x16x512xf32, #tpu.memory_space<vmem>>
    %dma_wait3A_165 = tpu.memref_squeeze %dma_wait3A_164 : memref<1x16x512xf32, #tpu.memory_space<vmem>> -> memref<16x512xf32, #tpu.memory_space<vmem>>
    %dma_wait3A_166 = arith.constant 0 : i32
    %dma_wait3A_167 = tpu.memref_slice %arg2[%dma_wait3A_160, %add3A_1, %dma_wait3A_166] : memref<8x512x512xf32, #tpu.memory_space<hbm>> -> memref<1x16x512xf32, #tpu.memory_space<hbm>>
    %dma_wait3A_168 = tpu.memref_squeeze %dma_wait3A_167 : memref<1x16x512xf32, #tpu.memory_space<hbm>> -> memref<16x512xf32, #tpu.memory_space<hbm>>
    %dma_wait3A_169 = arith.constant 0 : i32
    %dma_wait3A_170 = arith.constant 0 : i32
    %dma_wait3A_171 = tpu.memref_slice %arg5[%dma_wait3A_161, %dma_wait3A_169, %dma_wait3A_170] : memref<8x16x512xf32, #tpu.memory_space<vmem>> -> memref<1x16x512xf32, #tpu.memory_space<vmem>>
    %dma_wait3A_172 = tpu.memref_squeeze %dma_wait3A_171 : memref<1x16x512xf32, #tpu.memory_space<vmem>> -> memref<16x512xf32, #tpu.memory_space<vmem>>
    %dma_wait3A_173 = arith.constant 0 : i32
    %dma_wait3A_174 = tpu.memref_slice %arg2[%dma_wait3A_160, %add3A_1, %dma_wait3A_173] : memref<8x512x512xf32, #tpu.memory_space<hbm>> -> memref<1x16x512xf32, #tpu.memory_space<hbm>>
    %dma_wait3A_175 = tpu.memref_squeeze %dma_wait3A_174 : memref<1x16x512xf32, #tpu.memory_space<hbm>> -> memref<16x512xf32, #tpu.memory_space<hbm>>
    tpu.wait_dma2 semaphore(%arg7 : memref<!tpu.dma_semaphore, #tpu.memory_space<semaphore_mem>>) src(%dma_wait3A_175 : memref<16x512xf32, #tpu.memory_space<hbm>>) dst(%dma_wait3A_172 : memref<16x512xf32, #tpu.memory_space<vmem>>)
    %dma_wait3A_176 = arith.constant 0 : i32
    %dma_wait3A_177 = arith.constant 0 : i32
    %dma_wait3A_178 = arith.constant 0 : i32
    %dma_wait3A_179 = arith.constant 0 : i32
    %dma_wait3A_180 = tpu.memref_slice %arg5[%dma_wait3A_177, %dma_wait3A_178, %dma_wait3A_179] : memref<8x16x512xf32, #tpu.memory_space<vmem>> -> memref<1x16x512xf32, #tpu.memory_space<vmem>>
    %dma_wait3A_181 = tpu.memref_squeeze %dma_wait3A_180 : memref<1x16x512xf32, #tpu.memory_space<vmem>> -> memref<16x512xf32, #tpu.memory_space<vmem>>
    %dma_wait3A_182 = arith.constant 0 : i32
    %dma_wait3A_183 = tpu.memref_slice %arg2[%dma_wait3A_176, %add3A_1, %dma_wait3A_182] : memref<8x512x512xf32, #tpu.memory_space<hbm>> -> memref<1x16x512xf32, #tpu.memory_space<hbm>>
    %dma_wait3A_184 = tpu.memref_squeeze %dma_wait3A_183 : memref<1x16x512xf32, #tpu.memory_space<hbm>> -> memref<16x512xf32, #tpu.memory_space<hbm>>
    %dma_wait3A_185 = arith.constant 0 : i32
    %dma_wait3A_186 = arith.constant 0 : i32
    %dma_wait3A_187 = tpu.memref_slice %arg5[%dma_wait3A_177, %dma_wait3A_185, %dma_wait3A_186] : memref<8x16x512xf32, #tpu.memory_space<vmem>> -> memref<1x16x512xf32, #tpu.memory_space<vmem>>
    %dma_wait3A_188 = tpu.memref_squeeze %dma_wait3A_187 : memref<1x16x512xf32, #tpu.memory_space<vmem>> -> memref<16x512xf32, #tpu.memory_space<vmem>>
    %dma_wait3A_189 = arith.constant 0 : i32
    %dma_wait3A_190 = tpu.memref_slice %arg2[%dma_wait3A_176, %add3A_1, %dma_wait3A_189] : memref<8x512x512xf32, #tpu.memory_space<hbm>> -> memref<1x16x512xf32, #tpu.memory_space<hbm>>
    %dma_wait3A_191 = tpu.memref_squeeze %dma_wait3A_190 : memref<1x16x512xf32, #tpu.memory_space<hbm>> -> memref<16x512xf32, #tpu.memory_space<hbm>>
    tpu.wait_dma2 semaphore(%arg7 : memref<!tpu.dma_semaphore, #tpu.memory_space<semaphore_mem>>) src(%dma_wait3A_191 : memref<16x512xf32, #tpu.memory_space<hbm>>) dst(%dma_wait3A_188 : memref<16x512xf32, #tpu.memory_space<vmem>>)
    %dma_wait3A_192 = arith.constant 0 : i32
    %dma_wait3A_193 = arith.constant 0 : i32
    %dma_wait3A_194 = arith.constant 0 : i32
    %dma_wait3A_195 = arith.constant 0 : i32
    %dma_wait3A_196 = tpu.memref_slice %arg5[%dma_wait3A_193, %dma_wait3A_194, %dma_wait3A_195] : memref<8x16x512xf32, #tpu.memory_space<vmem>> -> memref<1x16x512xf32, #tpu.memory_space<vmem>>
    %dma_wait3A_197 = tpu.memref_squeeze %dma_wait3A_196 : memref<1x16x512xf32, #tpu.memory_space<vmem>> -> memref<16x512xf32, #tpu.memory_space<vmem>>
    %dma_wait3A_198 = arith.constant 0 : i32
    %dma_wait3A_199 = tpu.memref_slice %arg2[%dma_wait3A_192, %add3A_1, %dma_wait3A_198] : memref<8x512x512xf32, #tpu.memory_space<hbm>> -> memref<1x16x512xf32, #tpu.memory_space<hbm>>
    %dma_wait3A_200 = tpu.memref_squeeze %dma_wait3A_199 : memref<1x16x512xf32, #tpu.memory_space<hbm>> -> memref<16x512xf32, #tpu.memory_space<hbm>>
    %dma_wait3A_201 = arith.constant 0 : i32
    %dma_wait3A_202 = arith.constant 0 : i32
    %dma_wait3A_203 = tpu.memref_slice %arg5[%dma_wait3A_193, %dma_wait3A_201, %dma_wait3A_202] : memref<8x16x512xf32, #tpu.memory_space<vmem>> -> memref<1x16x512xf32, #tpu.memory_space<vmem>>
    %dma_wait3A_204 = tpu.memref_squeeze %dma_wait3A_203 : memref<1x16x512xf32, #tpu.memory_space<vmem>> -> memref<16x512xf32, #tpu.memory_space<vmem>>
    %dma_wait3A_205 = arith.constant 0 : i32
    %dma_wait3A_206 = tpu.memref_slice %arg2[%dma_wait3A_192, %add3A_1, %dma_wait3A_205] : memref<8x512x512xf32, #tpu.memory_space<hbm>> -> memref<1x16x512xf32, #tpu.memory_space<hbm>>
    %dma_wait3A_207 = tpu.memref_squeeze %dma_wait3A_206 : memref<1x16x512xf32, #tpu.memory_space<hbm>> -> memref<16x512xf32, #tpu.memory_space<hbm>>
    tpu.wait_dma2 semaphore(%arg7 : memref<!tpu.dma_semaphore, #tpu.memory_space<semaphore_mem>>) src(%dma_wait3A_207 : memref<16x512xf32, #tpu.memory_space<hbm>>) dst(%dma_wait3A_204 : memref<16x512xf32, #tpu.memory_space<vmem>>)
    %dma_wait3A_208 = arith.constant 0 : i32
    %dma_wait3A_209 = arith.constant 0 : i32
    %dma_wait3A_210 = arith.constant 0 : i32
    %dma_wait3A_211 = arith.constant 0 : i32
    %dma_wait3A_212 = tpu.memref_slice %arg5[%dma_wait3A_209, %dma_wait3A_210, %dma_wait3A_211] : memref<8x16x512xf32, #tpu.memory_space<vmem>> -> memref<1x16x512xf32, #tpu.memory_space<vmem>>
    %dma_wait3A_213 = tpu.memref_squeeze %dma_wait3A_212 : memref<1x16x512xf32, #tpu.memory_space<vmem>> -> memref<16x512xf32, #tpu.memory_space<vmem>>
    %dma_wait3A_214 = arith.constant 0 : i32
    %dma_wait3A_215 = tpu.memref_slice %arg2[%dma_wait3A_208, %add3A_1, %dma_wait3A_214] : memref<8x512x512xf32, #tpu.memory_space<hbm>> -> memref<1x16x512xf32, #tpu.memory_space<hbm>>
    %dma_wait3A_216 = tpu.memref_squeeze %dma_wait3A_215 : memref<1x16x512xf32, #tpu.memory_space<hbm>> -> memref<16x512xf32, #tpu.memory_space<hbm>>
    %dma_wait3A_217 = arith.constant 0 : i32
    %dma_wait3A_218 = arith.constant 0 : i32
    %dma_wait3A_219 = tpu.memref_slice %arg5[%dma_wait3A_209, %dma_wait3A_217, %dma_wait3A_218] : memref<8x16x512xf32, #tpu.memory_space<vmem>> -> memref<1x16x512xf32, #tpu.memory_space<vmem>>
    %dma_wait3A_220 = tpu.memref_squeeze %dma_wait3A_219 : memref<1x16x512xf32, #tpu.memory_space<vmem>> -> memref<16x512xf32, #tpu.memory_space<vmem>>
    %dma_wait3A_221 = arith.constant 0 : i32
    %dma_wait3A_222 = tpu.memref_slice %arg2[%dma_wait3A_208, %add3A_1, %dma_wait3A_221] : memref<8x512x512xf32, #tpu.memory_space<hbm>> -> memref<1x16x512xf32, #tpu.memory_space<hbm>>
    %dma_wait3A_223 = tpu.memref_squeeze %dma_wait3A_222 : memref<1x16x512xf32, #tpu.memory_space<hbm>> -> memref<16x512xf32, #tpu.memory_space<hbm>>
    tpu.wait_dma2 semaphore(%arg7 : memref<!tpu.dma_semaphore, #tpu.memory_space<semaphore_mem>>) src(%dma_wait3A_223 : memref<16x512xf32, #tpu.memory_space<hbm>>) dst(%dma_wait3A_220 : memref<16x512xf32, #tpu.memory_space<vmem>>)
    %dma_wait3A_224 = arith.constant 0 : i32
    %dma_wait3A_225 = arith.constant 0 : i32
    %dma_wait3A_226 = arith.constant 0 : i32
    %dma_wait3A_227 = arith.constant 0 : i32
    %dma_wait3A_228 = tpu.memref_slice %arg5[%dma_wait3A_225, %dma_wait3A_226, %dma_wait3A_227] : memref<8x16x512xf32, #tpu.memory_space<vmem>> -> memref<1x16x512xf32, #tpu.memory_space<vmem>>
    %dma_wait3A_229 = tpu.memref_squeeze %dma_wait3A_228 : memref<1x16x512xf32, #tpu.memory_space<vmem>> -> memref<16x512xf32, #tpu.memory_space<vmem>>
    %dma_wait3A_230 = arith.constant 0 : i32
    %dma_wait3A_231 = tpu.memref_slice %arg2[%dma_wait3A_224, %add3A_1, %dma_wait3A_230] : memref<8x512x512xf32, #tpu.memory_space<hbm>> -> memref<1x16x512xf32, #tpu.memory_space<hbm>>
    %dma_wait3A_232 = tpu.memref_squeeze %dma_wait3A_231 : memref<1x16x512xf32, #tpu.memory_space<hbm>> -> memref<16x512xf32, #tpu.memory_space<hbm>>
    %dma_wait3A_233 = arith.constant 0 : i32
    %dma_wait3A_234 = arith.constant 0 : i32
    %dma_wait3A_235 = tpu.memref_slice %arg5[%dma_wait3A_225, %dma_wait3A_233, %dma_wait3A_234] : memref<8x16x512xf32, #tpu.memory_space<vmem>> -> memref<1x16x512xf32, #tpu.memory_space<vmem>>
    %dma_wait3A_236 = tpu.memref_squeeze %dma_wait3A_235 : memref<1x16x512xf32, #tpu.memory_space<vmem>> -> memref<16x512xf32, #tpu.memory_space<vmem>>
    %dma_wait3A_237 = arith.constant 0 : i32
    %dma_wait3A_238 = tpu.memref_slice %arg2[%dma_wait3A_224, %add3A_1, %dma_wait3A_237] : memref<8x512x512xf32, #tpu.memory_space<hbm>> -> memref<1x16x512xf32, #tpu.memory_space<hbm>>
    %dma_wait3A_239 = tpu.memref_squeeze %dma_wait3A_238 : memref<1x16x512xf32, #tpu.memory_space<hbm>> -> memref<16x512xf32, #tpu.memory_space<hbm>>
    tpu.wait_dma2 semaphore(%arg7 : memref<!tpu.dma_semaphore, #tpu.memory_space<semaphore_mem>>) src(%dma_wait3A_239 : memref<16x512xf32, #tpu.memory_space<hbm>>) dst(%dma_wait3A_236 : memref<16x512xf32, #tpu.memory_space<vmem>>)
    %dma_wait3A_240 = arith.constant 0 : i32
    %dma_wait3A_241 = arith.constant 0 : i32
    %dma_wait3A_242 = arith.constant 0 : i32
    %dma_wait3A_243 = arith.constant 0 : i32
    %dma_wait3A_244 = tpu.memref_slice %arg5[%dma_wait3A_241, %dma_wait3A_242, %dma_wait3A_243] : memref<8x16x512xf32, #tpu.memory_space<vmem>> -> memref<1x16x512xf32, #tpu.memory_space<vmem>>
    %dma_wait3A_245 = tpu.memref_squeeze %dma_wait3A_244 : memref<1x16x512xf32, #tpu.memory_space<vmem>> -> memref<16x512xf32, #tpu.memory_space<vmem>>
    %dma_wait3A_246 = arith.constant 0 : i32
    %dma_wait3A_247 = tpu.memref_slice %arg2[%dma_wait3A_240, %add3A_1, %dma_wait3A_246] : memref<8x512x512xf32, #tpu.memory_space<hbm>> -> memref<1x16x512xf32, #tpu.memory_space<hbm>>
    %dma_wait3A_248 = tpu.memref_squeeze %dma_wait3A_247 : memref<1x16x512xf32, #tpu.memory_space<hbm>> -> memref<16x512xf32, #tpu.memory_space<hbm>>
    %dma_wait3A_249 = arith.constant 0 : i32
    %dma_wait3A_250 = arith.constant 0 : i32
    %dma_wait3A_251 = tpu.memref_slice %arg5[%dma_wait3A_241, %dma_wait3A_249, %dma_wait3A_250] : memref<8x16x512xf32, #tpu.memory_space<vmem>> -> memref<1x16x512xf32, #tpu.memory_space<vmem>>
    %dma_wait3A_252 = tpu.memref_squeeze %dma_wait3A_251 : memref<1x16x512xf32, #tpu.memory_space<vmem>> -> memref<16x512xf32, #tpu.memory_space<vmem>>
    %dma_wait3A_253 = arith.constant 0 : i32
    %dma_wait3A_254 = tpu.memref_slice %arg2[%dma_wait3A_240, %add3A_1, %dma_wait3A_253] : memref<8x512x512xf32, #tpu.memory_space<hbm>> -> memref<1x16x512xf32, #tpu.memory_space<hbm>>
    %dma_wait3A_255 = tpu.memref_squeeze %dma_wait3A_254 : memref<1x16x512xf32, #tpu.memory_space<hbm>> -> memref<16x512xf32, #tpu.memory_space<hbm>>
    tpu.wait_dma2 semaphore(%arg7 : memref<!tpu.dma_semaphore, #tpu.memory_space<semaphore_mem>>) src(%dma_wait3A_255 : memref<16x512xf32, #tpu.memory_space<hbm>>) dst(%dma_wait3A_252 : memref<16x512xf32, #tpu.memory_space<vmem>>)
    %mul3A_256 = arith.constant 32 : i32
    %mul3A_257 = arith.muli %arg0, %mul3A_256 : i32
    %add3A_258 = arith.constant 0 : i32
    %add3A_259 = arith.addi %mul3A_257, %add3A_258 : i32
    %get3A = arith.index_cast %add3A_259 : i32 to index
    %get3A_260 = tpu.vector_load %arg6[%get3A] {strides = array<i32>} : memref<80xi32, #tpu.memory_space<vmem>>, vector<16xi32>,
    %get3A_261 = vector.shape_cast %get3A_260 : vector<16xi32> to vector<16xi32>
    %slice3A = vector.extract_strided_slice %get3A_261 {offsets = [0], sizes = [1], strides = [1]} : vector<16xi32> to vector<1xi32>
    %squeeze3A = vector.extract %slice3A[0] : i32 from vector<1xi32>
    %dma_start3A_262 = arith.constant 0 : i32
    %dma_start3A_263 = arith.constant 0 : i32
    %dma_start3A_264 = arith.constant 0 : i32
    %dma_start3A_265 = tpu.memref_slice %arg5[%squeeze3A, %dma_start3A_263, %dma_start3A_264] : memref<8x16x512xf32, #tpu.memory_space<vmem>> -> memref<1x16x512xf32, #tpu.memory_space<vmem>>
    %dma_start3A_266 = tpu.memref_squeeze %dma_start3A_265 : memref<1x16x512xf32, #tpu.memory_space<vmem>> -> memref<16x512xf32, #tpu.memory_space<vmem>>
    %dma_start3A_267 = arith.constant 0 : i32
    %dma_start3A_268 = tpu.memref_slice %arg4[%arg0, %dma_start3A_262, %add3A_1, %dma_start3A_267] : memref<2x32x512x512xf32, #tpu.memory_space<hbm>> -> memref<1x1x16x512xf32, #tpu.memory_space<hbm>>
    %dma_start3A_269 = tpu.memref_squeeze %dma_start3A_268 : memref<1x1x16x512xf32, #tpu.memory_space<hbm>> -> memref<16x512xf32, #tpu.memory_space<hbm>>
    %dma_start3A_270 = arith.constant 0 : i32
    %dma_start3A_271 = tpu.memref_slice %arg4[%arg0, %dma_start3A_262, %add3A_1, %dma_start3A_270] : memref<2x32x512x512xf32, #tpu.memory_space<hbm>> -> memref<1x1x16x512xf32, #tpu.memory_space<hbm>>
    %dma_start3A_272 = tpu.memref_squeeze %dma_start3A_271 : memref<1x1x16x512xf32, #tpu.memory_space<hbm>> -> memref<16x512xf32, #tpu.memory_space<hbm>>
    %dma_start3A_273 = arith.constant 0 : i32
    %dma_start3A_274 = arith.constant 0 : i32
    %dma_start3A_275 = tpu.memref_slice %arg5[%squeeze3A, %dma_start3A_273, %dma_start3A_274] : memref<8x16x512xf32, #tpu.memory_space<vmem>> -> memref<1x16x512xf32, #tpu.memory_space<vmem>>
    %dma_start3A_276 = tpu.memref_squeeze %dma_start3A_275 : memref<1x16x512xf32, #tpu.memory_space<vmem>> -> memref<16x512xf32, #tpu.memory_space<vmem>>
    tpu.enqueue_dma source(%dma_start3A_276 : memref<16x512xf32, #tpu.memory_space<vmem>>) target(%dma_start3A_272 : memref<16x512xf32, #tpu.memory_space<hbm>>) target_semaphore(%arg8 : memref<!tpu.dma_semaphore, #tpu.memory_space<semaphore_mem>>)
    %mul3A_277 = arith.constant 32 : i32
    %mul3A_278 = arith.muli %arg0, %mul3A_277 : i32
    %add3A_279 = arith.constant 1 : i32
    %add3A_280 = arith.addi %mul3A_278, %add3A_279 : i32
    %get3A_281 = arith.index_cast %add3A_280 : i32 to index
    %get3A_282 = tpu.vector_load %arg6[%get3A_281] {strides = array<i32>} : memref<80xi32, #tpu.memory_space<vmem>>, vector<16xi32>,
    %get3A_283 = vector.shape_cast %get3A_282 : vector<16xi32> to vector<16xi32>
    %slice3A_284 = vector.extract_strided_slice %get3A_283 {offsets = [0], sizes = [1], strides = [1]} : vector<16xi32> to vector<1xi32>
    %squeeze3A_285 = vector.extract %slice3A_284[0] : i32 from vector<1xi32>
    %dma_start3A_286 = arith.constant 1 : i32
    %dma_start3A_287 = arith.constant 0 : i32
    %dma_start3A_288 = arith.constant 0 : i32
    %dma_start3A_289 = tpu.memref_slice %arg5[%squeeze3A_285, %dma_start3A_287, %dma_start3A_288] : memref<8x16x512xf32, #tpu.memory_space<vmem>> -> memref<1x16x512xf32, #tpu.memory_space<vmem>>
    %dma_start3A_290 = tpu.memref_squeeze %dma_start3A_289 : memref<1x16x512xf32, #tpu.memory_space<vmem>> -> memref<16x512xf32, #tpu.memory_space<vmem>>
    %dma_start3A_291 = arith.constant 0 : i32
    %dma_start3A_292 = tpu.memref_slice %arg4[%arg0, %dma_start3A_286, %add3A_1, %dma_start3A_291] : memref<2x32x512x512xf32, #tpu.memory_space<hbm>> -> memref<1x1x16x512xf32, #tpu.memory_space<hbm>>
    %dma_start3A_293 = tpu.memref_squeeze %dma_start3A_292 : memref<1x1x16x512xf32, #tpu.memory_space<hbm>> -> memref<16x512xf32, #tpu.memory_space<hbm>>
    %dma_start3A_294 = arith.constant 0 : i32
    %dma_start3A_295 = tpu.memref_slice %arg4[%arg0, %dma_start3A_286, %add3A_1, %dma_start3A_294] : memref<2x32x512x512xf32, #tpu.memory_space<hbm>> -> memref<1x1x16x512xf32, #tpu.memory_space<hbm>>
    %dma_start3A_296 = tpu.memref_squeeze %dma_start3A_295 : memref<1x1x16x512xf32, #tpu.memory_space<hbm>> -> memref<16x512xf32, #tpu.memory_space<hbm>>
    %dma_start3A_297 = arith.constant 0 : i32
    %dma_start3A_298 = arith.constant 0 : i32
    %dma_start3A_299 = tpu.memref_slice %arg5[%squeeze3A_285, %dma_start3A_297, %dma_start3A_298] : memref<8x16x512xf32, #tpu.memory_space<vmem>> -> memref<1x16x512xf32, #tpu.memory_space<vmem>>
    %dma_start3A_300 = tpu.memref_squeeze %dma_start3A_299 : memref<1x16x512xf32, #tpu.memory_space<vmem>> -> memref<16x512xf32, #tpu.memory_space<vmem>>
    tpu.enqueue_dma source(%dma_start3A_300 : memref<16x512xf32, #tpu.memory_space<vmem>>) target(%dma_start3A_296 : memref<16x512xf32, #tpu.memory_space<hbm>>) target_semaphore(%arg8 : memref<!tpu.dma_semaphore, #tpu.memory_space<semaphore_mem>>)
    %mul3A_301 = arith.constant 32 : i32
    %mul3A_302 = arith.muli %arg0, %mul3A_301 : i32
    %add3A_303 = arith.constant 2 : i32
    %add3A_304 = arith.addi %mul3A_302, %add3A_303 : i32
    %get3A_305 = arith.index_cast %add3A_304 : i32 to index
    %get3A_306 = tpu.vector_load %arg6[%get3A_305] {strides = array<i32>} : memref<80xi32, #tpu.memory_space<vmem>>, vector<16xi32>,
    %get3A_307 = vector.shape_cast %get3A_306 : vector<16xi32> to vector<16xi32>
    %slice3A_308 = vector.extract_strided_slice %get3A_307 {offsets = [0], sizes = [1], strides = [1]} : vector<16xi32> to vector<1xi32>
    %squeeze3A_309 = vector.extract %slice3A_308[0] : i32 from vector<1xi32>
    %dma_start3A_310 = arith.constant 2 : i32
    %dma_start3A_311 = arith.constant 0 : i32
    %dma_start3A_312 = arith.constant 0 : i32
    %dma_start3A_313 = tpu.memref_slice %arg5[%squeeze3A_309, %dma_start3A_311, %dma_start3A_312] : memref<8x16x512xf32, #tpu.memory_space<vmem>> -> memref<1x16x512xf32, #tpu.memory_space<vmem>>
    %dma_start3A_314 = tpu.memref_squeeze %dma_start3A_313 : memref<1x16x512xf32, #tpu.memory_space<vmem>> -> memref<16x512xf32, #tpu.memory_space<vmem>>
    %dma_start3A_315 = arith.constant 0 : i32
    %dma_start3A_316 = tpu.memref_slice %arg4[%arg0, %dma_start3A_310, %add3A_1, %dma_start3A_315] : memref<2x32x512x512xf32, #tpu.memory_space<hbm>> -> memref<1x1x16x512xf32, #tpu.memory_space<hbm>>
    %dma_start3A_317 = tpu.memref_squeeze %dma_start3A_316 : memref<1x1x16x512xf32, #tpu.memory_space<hbm>> -> memref<16x512xf32, #tpu.memory_space<hbm>>
    %dma_start3A_318 = arith.constant 0 : i32
    %dma_start3A_319 = tpu.memref_slice %arg4[%arg0, %dma_start3A_310, %add3A_1, %dma_start3A_318] : memref<2x32x512x512xf32, #tpu.memory_space<hbm>> -> memref<1x1x16x512xf32, #tpu.memory_space<hbm>>
    %dma_start3A_320 = tpu.memref_squeeze %dma_start3A_319 : memref<1x1x16x512xf32, #tpu.memory_space<hbm>> -> memref<16x512xf32, #tpu.memory_space<hbm>>
    %dma_start3A_321 = arith.constant 0 : i32
    %dma_start3A_322 = arith.constant 0 : i32
    %dma_start3A_323 = tpu.memref_slice %arg5[%squeeze3A_309, %dma_start3A_321, %dma_start3A_322] : memref<8x16x512xf32, #tpu.memory_space<vmem>> -> memref<1x16x512xf32, #tpu.memory_space<vmem>>
    %dma_start3A_324 = tpu.memref_squeeze %dma_start3A_323 : memref<1x16x512xf32, #tpu.memory_space<vmem>> -> memref<16x512xf32, #tpu.memory_space<vmem>>
    tpu.enqueue_dma source(%dma_start3A_324 : memref<16x512xf32, #tpu.memory_space<vmem>>) target(%dma_start3A_320 : memref<16x512xf32, #tpu.memory_space<hbm>>) target_semaphore(%arg8 : memref<!tpu.dma_semaphore, #tpu.memory_space<semaphore_mem>>)
    %mul3A_325 = arith.constant 32 : i32
    %mul3A_326 = arith.muli %arg0, %mul3A_325 : i32
    %add3A_327 = arith.constant 3 : i32
    %add3A_328 = arith.addi %mul3A_326, %add3A_327 : i32
    %get3A_329 = arith.index_cast %add3A_328 : i32 to index
    %get3A_330 = tpu.vector_load %arg6[%get3A_329] {strides = array<i32>} : memref<80xi32, #tpu.memory_space<vmem>>, vector<16xi32>,
    %get3A_331 = vector.shape_cast %get3A_330 : vector<16xi32> to vector<16xi32>
    %slice3A_332 = vector.extract_strided_slice %get3A_331 {offsets = [0], sizes = [1], strides = [1]} : vector<16xi32> to vector<1xi32>
    %squeeze3A_333 = vector.extract %slice3A_332[0] : i32 from vector<1xi32>
    %dma_start3A_334 = arith.constant 3 : i32
    %dma_start3A_335 = arith.constant 0 : i32
    %dma_start3A_336 = arith.constant 0 : i32
    %dma_start3A_337 = tpu.memref_slice %arg5[%squeeze3A_333, %dma_start3A_335, %dma_start3A_336] : memref<8x16x512xf32, #tpu.memory_space<vmem>> -> memref<1x16x512xf32, #tpu.memory_space<vmem>>
    %dma_start3A_338 = tpu.memref_squeeze %dma_start3A_337 : memref<1x16x512xf32, #tpu.memory_space<vmem>> -> memref<16x512xf32, #tpu.memory_space<vmem>>
    %dma_start3A_339 = arith.constant 0 : i32
    %dma_start3A_340 = tpu.memref_slice %arg4[%arg0, %dma_start3A_334, %add3A_1, %dma_start3A_339] : memref<2x32x512x512xf32, #tpu.memory_space<hbm>> -> memref<1x1x16x512xf32, #tpu.memory_space<hbm>>
    %dma_start3A_341 = tpu.memref_squeeze %dma_start3A_340 : memref<1x1x16x512xf32, #tpu.memory_space<hbm>> -> memref<16x512xf32, #tpu.memory_space<hbm>>
    %dma_start3A_342 = arith.constant 0 : i32
    %dma_start3A_343 = tpu.memref_slice %arg4[%arg0, %dma_start3A_334, %add3A_1, %dma_start3A_342] : memref<2x32x512x512xf32, #tpu.memory_space<hbm>> -> memref<1x1x16x512xf32, #tpu.memory_space<hbm>>
    %dma_start3A_344 = tpu.memref_squeeze %dma_start3A_343 : memref<1x1x16x512xf32, #tpu.memory_space<hbm>> -> memref<16x512xf32, #tpu.memory_space<hbm>>
    %dma_start3A_345 = arith.constant 0 : i32
    %dma_start3A_346 = arith.constant 0 : i32
    %dma_start3A_347 = tpu.memref_slice %arg5[%squeeze3A_333, %dma_start3A_345, %dma_start3A_346] : memref<8x16x512xf32, #tpu.memory_space<vmem>> -> memref<1x16x512xf32, #tpu.memory_space<vmem>>
    %dma_start3A_348 = tpu.memref_squeeze %dma_start3A_347 : memref<1x16x512xf32, #tpu.memory_space<vmem>> -> memref<16x512xf32, #tpu.memory_space<vmem>>
    tpu.enqueue_dma source(%dma_start3A_348 : memref<16x512xf32, #tpu.memory_space<vmem>>) target(%dma_start3A_344 : memref<16x512xf32, #tpu.memory_space<hbm>>) target_semaphore(%arg8 : memref<!tpu.dma_semaphore, #tpu.memory_space<semaphore_mem>>)
    %mul3A_349 = arith.constant 32 : i32
    %mul3A_350 = arith.muli %arg0, %mul3A_349 : i32
    %add3A_351 = arith.constant 4 : i32
    %add3A_352 = arith.addi %mul3A_350, %add3A_351 : i32
    %get3A_353 = arith.index_cast %add3A_352 : i32 to index
    %get3A_354 = tpu.vector_load %arg6[%get3A_353] {strides = array<i32>} : memref<80xi32, #tpu.memory_space<vmem>>, vector<16xi32>,
    %get3A_355 = vector.shape_cast %get3A_354 : vector<16xi32> to vector<16xi32>
    %slice3A_356 = vector.extract_strided_slice %get3A_355 {offsets = [0], sizes = [1], strides = [1]} : vector<16xi32> to vector<1xi32>
    %squeeze3A_357 = vector.extract %slice3A_356[0] : i32 from vector<1xi32>
    %dma_start3A_358 = arith.constant 4 : i32
    %dma_start3A_359 = arith.constant 0 : i32
    %dma_start3A_360 = arith.constant 0 : i32
    %dma_start3A_361 = tpu.memref_slice %arg5[%squeeze3A_357, %dma_start3A_359, %dma_start3A_360] : memref<8x16x512xf32, #tpu.memory_space<vmem>> -> memref<1x16x512xf32, #tpu.memory_space<vmem>>
    %dma_start3A_362 = tpu.memref_squeeze %dma_start3A_361 : memref<1x16x512xf32, #tpu.memory_space<vmem>> -> memref<16x512xf32, #tpu.memory_space<vmem>>
    %dma_start3A_363 = arith.constant 0 : i32
    %dma_start3A_364 = tpu.memref_slice %arg4[%arg0, %dma_start3A_358, %add3A_1, %dma_start3A_363] : memref<2x32x512x512xf32, #tpu.memory_space<hbm>> -> memref<1x1x16x512xf32, #tpu.memory_space<hbm>>
    %dma_start3A_365 = tpu.memref_squeeze %dma_start3A_364 : memref<1x1x16x512xf32, #tpu.memory_space<hbm>> -> memref<16x512xf32, #tpu.memory_space<hbm>>
    %dma_start3A_366 = arith.constant 0 : i32
    %dma_start3A_367 = tpu.memref_slice %arg4[%arg0, %dma_start3A_358, %add3A_1, %dma_start3A_366] : memref<2x32x512x512xf32, #tpu.memory_space<hbm>> -> memref<1x1x16x512xf32, #tpu.memory_space<hbm>>
    %dma_start3A_368 = tpu.memref_squeeze %dma_start3A_367 : memref<1x1x16x512xf32, #tpu.memory_space<hbm>> -> memref<16x512xf32, #tpu.memory_space<hbm>>
    %dma_start3A_369 = arith.constant 0 : i32
    %dma_start3A_370 = arith.constant 0 : i32
    %dma_start3A_371 = tpu.memref_slice %arg5[%squeeze3A_357, %dma_start3A_369, %dma_start3A_370] : memref<8x16x512xf32, #tpu.memory_space<vmem>> -> memref<1x16x512xf32, #tpu.memory_space<vmem>>
    %dma_start3A_372 = tpu.memref_squeeze %dma_start3A_371 : memref<1x16x512xf32, #tpu.memory_space<vmem>> -> memref<16x512xf32, #tpu.memory_space<vmem>>
    tpu.enqueue_dma source(%dma_start3A_372 : memref<16x512xf32, #tpu.memory_space<vmem>>) target(%dma_start3A_368 : memref<16x512xf32, #tpu.memory_space<hbm>>) target_semaphore(%arg8 : memref<!tpu.dma_semaphore, #tpu.memory_space<semaphore_mem>>)
    %mul3A_373 = arith.constant 32 : i32
    %mul3A_374 = arith.muli %arg0, %mul3A_373 : i32
    %add3A_375 = arith.constant 5 : i32
    %add3A_376 = arith.addi %mul3A_374, %add3A_375 : i32
    %get3A_377 = arith.index_cast %add3A_376 : i32 to index
    %get3A_378 = tpu.vector_load %arg6[%get3A_377] {strides = array<i32>} : memref<80xi32, #tpu.memory_space<vmem>>, vector<16xi32>,
    %get3A_379 = vector.shape_cast %get3A_378 : vector<16xi32> to vector<16xi32>
    %slice3A_380 = vector.extract_strided_slice %get3A_379 {offsets = [0], sizes = [1], strides = [1]} : vector<16xi32> to vector<1xi32>
    %squeeze3A_381 = vector.extract %slice3A_380[0] : i32 from vector<1xi32>
    %dma_start3A_382 = arith.constant 5 : i32
    %dma_start3A_383 = arith.constant 0 : i32
    %dma_start3A_384 = arith.constant 0 : i32
    %dma_start3A_385 = tpu.memref_slice %arg5[%squeeze3A_381, %dma_start3A_383, %dma_start3A_384] : memref<8x16x512xf32, #tpu.memory_space<vmem>> -> memref<1x16x512xf32, #tpu.memory_space<vmem>>
    %dma_start3A_386 = tpu.memref_squeeze %dma_start3A_385 : memref<1x16x512xf32, #tpu.memory_space<vmem>> -> memref<16x512xf32, #tpu.memory_space<vmem>>
    %dma_start3A_387 = arith.constant 0 : i32
    %dma_start3A_388 = tpu.memref_slice %arg4[%arg0, %dma_start3A_382, %add3A_1, %dma_start3A_387] : memref<2x32x512x512xf32, #tpu.memory_space<hbm>> -> memref<1x1x16x512xf32, #tpu.memory_space<hbm>>
    %dma_start3A_389 = tpu.memref_squeeze %dma_start3A_388 : memref<1x1x16x512xf32, #tpu.memory_space<hbm>> -> memref<16x512xf32, #tpu.memory_space<hbm>>
    %dma_start3A_390 = arith.constant 0 : i32
    %dma_start3A_391 = tpu.memref_slice %arg4[%arg0, %dma_start3A_382, %add3A_1, %dma_start3A_390] : memref<2x32x512x512xf32, #tpu.memory_space<hbm>> -> memref<1x1x16x512xf32, #tpu.memory_space<hbm>>
    %dma_start3A_392 = tpu.memref_squeeze %dma_start3A_391 : memref<1x1x16x512xf32, #tpu.memory_space<hbm>> -> memref<16x512xf32, #tpu.memory_space<hbm>>
    %dma_start3A_393 = arith.constant 0 : i32
    %dma_start3A_394 = arith.constant 0 : i32
    %dma_start3A_395 = tpu.memref_slice %arg5[%squeeze3A_381, %dma_start3A_393, %dma_start3A_394] : memref<8x16x512xf32, #tpu.memory_space<vmem>> -> memref<1x16x512xf32, #tpu.memory_space<vmem>>
    %dma_start3A_396 = tpu.memref_squeeze %dma_start3A_395 : memref<1x16x512xf32, #tpu.memory_space<vmem>> -> memref<16x512xf32, #tpu.memory_space<vmem>>
    tpu.enqueue_dma source(%dma_start3A_396 : memref<16x512xf32, #tpu.memory_space<vmem>>) target(%dma_start3A_392 : memref<16x512xf32, #tpu.memory_space<hbm>>) target_semaphore(%arg8 : memref<!tpu.dma_semaphore, #tpu.memory_space<semaphore_mem>>)
    %mul3A_397 = arith.constant 32 : i32
    %mul3A_398 = arith.muli %arg0, %mul3A_397 : i32
    %add3A_399 = arith.constant 6 : i32
    %add3A_400 = arith.addi %mul3A_398, %add3A_399 : i32
    %get3A_401 = arith.index_cast %add3A_400 : i32 to index
    %get3A_402 = tpu.vector_load %arg6[%get3A_401] {strides = array<i32>} : memref<80xi32, #tpu.memory_space<vmem>>, vector<16xi32>,
    %get3A_403 = vector.shape_cast %get3A_402 : vector<16xi32> to vector<16xi32>
    %slice3A_404 = vector.extract_strided_slice %get3A_403 {offsets = [0], sizes = [1], strides = [1]} : vector<16xi32> to vector<1xi32>
    %squeeze3A_405 = vector.extract %slice3A_404[0] : i32 from vector<1xi32>
    %dma_start3A_406 = arith.constant 6 : i32
    %dma_start3A_407 = arith.constant 0 : i32
    %dma_start3A_408 = arith.constant 0 : i32
    %dma_start3A_409 = tpu.memref_slice %arg5[%squeeze3A_405, %dma_start3A_407, %dma_start3A_408] : memref<8x16x512xf32, #tpu.memory_space<vmem>> -> memref<1x16x512xf32, #tpu.memory_space<vmem>>
    %dma_start3A_410 = tpu.memref_squeeze %dma_start3A_409 : memref<1x16x512xf32, #tpu.memory_space<vmem>> -> memref<16x512xf32, #tpu.memory_space<vmem>>
    %dma_start3A_411 = arith.constant 0 : i32
    %dma_start3A_412 = tpu.memref_slice %arg4[%arg0, %dma_start3A_406, %add3A_1, %dma_start3A_411] : memref<2x32x512x512xf32, #tpu.memory_space<hbm>> -> memref<1x1x16x512xf32, #tpu.memory_space<hbm>>
    %dma_start3A_413 = tpu.memref_squeeze %dma_start3A_412 : memref<1x1x16x512xf32, #tpu.memory_space<hbm>> -> memref<16x512xf32, #tpu.memory_space<hbm>>
    %dma_start3A_414 = arith.constant 0 : i32
    %dma_start3A_415 = tpu.memref_slice %arg4[%arg0, %dma_start3A_406, %add3A_1, %dma_start3A_414] : memref<2x32x512x512xf32, #tpu.memory_space<hbm>> -> memref<1x1x16x512xf32, #tpu.memory_space<hbm>>
    %dma_start3A_416 = tpu.memref_squeeze %dma_start3A_415 : memref<1x1x16x512xf32, #tpu.memory_space<hbm>> -> memref<16x512xf32, #tpu.memory_space<hbm>>
    %dma_start3A_417 = arith.constant 0 : i32
    %dma_start3A_418 = arith.constant 0 : i32
    %dma_start3A_419 = tpu.memref_slice %arg5[%squeeze3A_405, %dma_start3A_417, %dma_start3A_418] : memref<8x16x512xf32, #tpu.memory_space<vmem>> -> memref<1x16x512xf32, #tpu.memory_space<vmem>>
    %dma_start3A_420 = tpu.memref_squeeze %dma_start3A_419 : memref<1x16x512xf32, #tpu.memory_space<vmem>> -> memref<16x512xf32, #tpu.memory_space<vmem>>
    tpu.enqueue_dma source(%dma_start3A_420 : memref<16x512xf32, #tpu.memory_space<vmem>>) target(%dma_start3A_416 : memref<16x512xf32, #tpu.memory_space<hbm>>) target_semaphore(%arg8 : memref<!tpu.dma_semaphore, #tpu.memory_space<semaphore_mem>>)
    %mul3A_421 = arith.constant 32 : i32
    %mul3A_422 = arith.muli %arg0, %mul3A_421 : i32
    %add3A_423 = arith.constant 7 : i32
    %add3A_424 = arith.addi %mul3A_422, %add3A_423 : i32
    %get3A_425 = arith.index_cast %add3A_424 : i32 to index
    %get3A_426 = tpu.vector_load %arg6[%get3A_425] {strides = array<i32>} : memref<80xi32, #tpu.memory_space<vmem>>, vector<16xi32>,
    %get3A_427 = vector.shape_cast %get3A_426 : vector<16xi32> to vector<16xi32>
    %slice3A_428 = vector.extract_strided_slice %get3A_427 {offsets = [0], sizes = [1], strides = [1]} : vector<16xi32> to vector<1xi32>
    %squeeze3A_429 = vector.extract %slice3A_428[0] : i32 from vector<1xi32>
    %dma_start3A_430 = arith.constant 7 : i32
    %dma_start3A_431 = arith.constant 0 : i32
    %dma_start3A_432 = arith.constant 0 : i32
    %dma_start3A_433 = tpu.memref_slice %arg5[%squeeze3A_429, %dma_start3A_431, %dma_start3A_432] : memref<8x16x512xf32, #tpu.memory_space<vmem>> -> memref<1x16x512xf32, #tpu.memory_space<vmem>>
    %dma_start3A_434 = tpu.memref_squeeze %dma_start3A_433 : memref<1x16x512xf32, #tpu.memory_space<vmem>> -> memref<16x512xf32, #tpu.memory_space<vmem>>
    %dma_start3A_435 = arith.constant 0 : i32
    %dma_start3A_436 = tpu.memref_slice %arg4[%arg0, %dma_start3A_430, %add3A_1, %dma_start3A_435] : memref<2x32x512x512xf32, #tpu.memory_space<hbm>> -> memref<1x1x16x512xf32, #tpu.memory_space<hbm>>
    %dma_start3A_437 = tpu.memref_squeeze %dma_start3A_436 : memref<1x1x16x512xf32, #tpu.memory_space<hbm>> -> memref<16x512xf32, #tpu.memory_space<hbm>>
    %dma_start3A_438 = arith.constant 0 : i32
    %dma_start3A_439 = tpu.memref_slice %arg4[%arg0, %dma_start3A_430, %add3A_1, %dma_start3A_438] : memref<2x32x512x512xf32, #tpu.memory_space<hbm>> -> memref<1x1x16x512xf32, #tpu.memory_space<hbm>>
    %dma_start3A_440 = tpu.memref_squeeze %dma_start3A_439 : memref<1x1x16x512xf32, #tpu.memory_space<hbm>> -> memref<16x512xf32, #tpu.memory_space<hbm>>
    %dma_start3A_441 = arith.constant 0 : i32
    %dma_start3A_442 = arith.constant 0 : i32
    %dma_start3A_443 = tpu.memref_slice %arg5[%squeeze3A_429, %dma_start3A_441, %dma_start3A_442] : memref<8x16x512xf32, #tpu.memory_space<vmem>> -> memref<1x16x512xf32, #tpu.memory_space<vmem>>
    %dma_start3A_444 = tpu.memref_squeeze %dma_start3A_443 : memref<1x16x512xf32, #tpu.memory_space<vmem>> -> memref<16x512xf32, #tpu.memory_space<vmem>>
    tpu.enqueue_dma source(%dma_start3A_444 : memref<16x512xf32, #tpu.memory_space<vmem>>) target(%dma_start3A_440 : memref<16x512xf32, #tpu.memory_space<hbm>>) target_semaphore(%arg8 : memref<!tpu.dma_semaphore, #tpu.memory_space<semaphore_mem>>)
    %mul3A_445 = arith.constant 32 : i32
    %mul3A_446 = arith.muli %arg0, %mul3A_445 : i32
    %add3A_447 = arith.constant 8 : i32
    %add3A_448 = arith.addi %mul3A_446, %add3A_447 : i32
    %get3A_449 = arith.index_cast %add3A_448 : i32 to index
    %get3A_450 = tpu.vector_load %arg6[%get3A_449] {strides = array<i32>} : memref<80xi32, #tpu.memory_space<vmem>>, vector<16xi32>,
    %get3A_451 = vector.shape_cast %get3A_450 : vector<16xi32> to vector<16xi32>
    %slice3A_452 = vector.extract_strided_slice %get3A_451 {offsets = [0], sizes = [1], strides = [1]} : vector<16xi32> to vector<1xi32>
    %squeeze3A_453 = vector.extract %slice3A_452[0] : i32 from vector<1xi32>
    %dma_start3A_454 = arith.constant 8 : i32
    %dma_start3A_455 = arith.constant 0 : i32
    %dma_start3A_456 = arith.constant 0 : i32
    %dma_start3A_457 = tpu.memref_slice %arg5[%squeeze3A_453, %dma_start3A_455, %dma_start3A_456] : memref<8x16x512xf32, #tpu.memory_space<vmem>> -> memref<1x16x512xf32, #tpu.memory_space<vmem>>
    %dma_start3A_458 = tpu.memref_squeeze %dma_start3A_457 : memref<1x16x512xf32, #tpu.memory_space<vmem>> -> memref<16x512xf32, #tpu.memory_space<vmem>>
    %dma_start3A_459 = arith.constant 0 : i32
    %dma_start3A_460 = tpu.memref_slice %arg4[%arg0, %dma_start3A_454, %add3A_1, %dma_start3A_459] : memref<2x32x512x512xf32, #tpu.memory_space<hbm>> -> memref<1x1x16x512xf32, #tpu.memory_space<hbm>>
    %dma_start3A_461 = tpu.memref_squeeze %dma_start3A_460 : memref<1x1x16x512xf32, #tpu.memory_space<hbm>> -> memref<16x512xf32, #tpu.memory_space<hbm>>
    %dma_start3A_462 = arith.constant 0 : i32
    %dma_start3A_463 = tpu.memref_slice %arg4[%arg0, %dma_start3A_454, %add3A_1, %dma_start3A_462] : memref<2x32x512x512xf32, #tpu.memory_space<hbm>> -> memref<1x1x16x512xf32, #tpu.memory_space<hbm>>
    %dma_start3A_464 = tpu.memref_squeeze %dma_start3A_463 : memref<1x1x16x512xf32, #tpu.memory_space<hbm>> -> memref<16x512xf32, #tpu.memory_space<hbm>>
    %dma_start3A_465 = arith.constant 0 : i32
    %dma_start3A_466 = arith.constant 0 : i32
    %dma_start3A_467 = tpu.memref_slice %arg5[%squeeze3A_453, %dma_start3A_465, %dma_start3A_466] : memref<8x16x512xf32, #tpu.memory_space<vmem>> -> memref<1x16x512xf32, #tpu.memory_space<vmem>>
    %dma_start3A_468 = tpu.memref_squeeze %dma_start3A_467 : memref<1x16x512xf32, #tpu.memory_space<vmem>> -> memref<16x512xf32, #tpu.memory_space<vmem>>
    tpu.enqueue_dma source(%dma_start3A_468 : memref<16x512xf32, #tpu.memory_space<vmem>>) target(%dma_start3A_464 : memref<16x512xf32, #tpu.memory_space<hbm>>) target_semaphore(%arg8 : memref<!tpu.dma_semaphore, #tpu.memory_space<semaphore_mem>>)
    %mul3A_469 = arith.constant 32 : i32
    %mul3A_470 = arith.muli %arg0, %mul3A_469 : i32
    %add3A_471 = arith.constant 9 : i32
    %add3A_472 = arith.addi %mul3A_470, %add3A_471 : i32
    %get3A_473 = arith.index_cast %add3A_472 : i32 to index
    %get3A_474 = tpu.vector_load %arg6[%get3A_473] {strides = array<i32>} : memref<80xi32, #tpu.memory_space<vmem>>, vector<16xi32>,
    %get3A_475 = vector.shape_cast %get3A_474 : vector<16xi32> to vector<16xi32>
    %slice3A_476 = vector.extract_strided_slice %get3A_475 {offsets = [0], sizes = [1], strides = [1]} : vector<16xi32> to vector<1xi32>
    %squeeze3A_477 = vector.extract %slice3A_476[0] : i32 from vector<1xi32>
    %dma_start3A_478 = arith.constant 9 : i32
    %dma_start3A_479 = arith.constant 0 : i32
    %dma_start3A_480 = arith.constant 0 : i32
    %dma_start3A_481 = tpu.memref_slice %arg5[%squeeze3A_477, %dma_start3A_479, %dma_start3A_480] : memref<8x16x512xf32, #tpu.memory_space<vmem>> -> memref<1x16x512xf32, #tpu.memory_space<vmem>>
    %dma_start3A_482 = tpu.memref_squeeze %dma_start3A_481 : memref<1x16x512xf32, #tpu.memory_space<vmem>> -> memref<16x512xf32, #tpu.memory_space<vmem>>
    %dma_start3A_483 = arith.constant 0 : i32
    %dma_start3A_484 = tpu.memref_slice %arg4[%arg0, %dma_start3A_478, %add3A_1, %dma_start3A_483] : memref<2x32x512x512xf32, #tpu.memory_space<hbm>> -> memref<1x1x16x512xf32, #tpu.memory_space<hbm>>
    %dma_start3A_485 = tpu.memref_squeeze %dma_start3A_484 : memref<1x1x16x512xf32, #tpu.memory_space<hbm>> -> memref<16x512xf32, #tpu.memory_space<hbm>>
    %dma_start3A_486 = arith.constant 0 : i32
    %dma_start3A_487 = tpu.memref_slice %arg4[%arg0, %dma_start3A_478, %add3A_1, %dma_start3A_486] : memref<2x32x512x512xf32, #tpu.memory_space<hbm>> -> memref<1x1x16x512xf32, #tpu.memory_space<hbm>>
    %dma_start3A_488 = tpu.memref_squeeze %dma_start3A_487 : memref<1x1x16x512xf32, #tpu.memory_space<hbm>> -> memref<16x512xf32, #tpu.memory_space<hbm>>
    %dma_start3A_489 = arith.constant 0 : i32
    %dma_start3A_490 = arith.constant 0 : i32
    %dma_start3A_491 = tpu.memref_slice %arg5[%squeeze3A_477, %dma_start3A_489, %dma_start3A_490] : memref<8x16x512xf32, #tpu.memory_space<vmem>> -> memref<1x16x512xf32, #tpu.memory_space<vmem>>
    %dma_start3A_492 = tpu.memref_squeeze %dma_start3A_491 : memref<1x16x512xf32, #tpu.memory_space<vmem>> -> memref<16x512xf32, #tpu.memory_space<vmem>>
    tpu.enqueue_dma source(%dma_start3A_492 : memref<16x512xf32, #tpu.memory_space<vmem>>) target(%dma_start3A_488 : memref<16x512xf32, #tpu.memory_space<hbm>>) target_semaphore(%arg8 : memref<!tpu.dma_semaphore, #tpu.memory_space<semaphore_mem>>)
    %mul3A_493 = arith.constant 32 : i32
    %mul3A_494 = arith.muli %arg0, %mul3A_493 : i32
    %add3A_495 = arith.constant 10 : i32
    %add3A_496 = arith.addi %mul3A_494, %add3A_495 : i32
    %get3A_497 = arith.index_cast %add3A_496 : i32 to index
    %get3A_498 = tpu.vector_load %arg6[%get3A_497] {strides = array<i32>} : memref<80xi32, #tpu.memory_space<vmem>>, vector<16xi32>,
    %get3A_499 = vector.shape_cast %get3A_498 : vector<16xi32> to vector<16xi32>
    %slice3A_500 = vector.extract_strided_slice %get3A_499 {offsets = [0], sizes = [1], strides = [1]} : vector<16xi32> to vector<1xi32>
    %squeeze3A_501 = vector.extract %slice3A_500[0] : i32 from vector<1xi32>
    %dma_start3A_502 = arith.constant 10 : i32
    %dma_start3A_503 = arith.constant 0 : i32
    %dma_start3A_504 = arith.constant 0 : i32
    %dma_start3A_505 = tpu.memref_slice %arg5[%squeeze3A_501, %dma_start3A_503, %dma_start3A_504] : memref<8x16x512xf32, #tpu.memory_space<vmem>> -> memref<1x16x512xf32, #tpu.memory_space<vmem>>
    %dma_start3A_506 = tpu.memref_squeeze %dma_start3A_505 : memref<1x16x512xf32, #tpu.memory_space<vmem>> -> memref<16x512xf32, #tpu.memory_space<vmem>>
    %dma_start3A_507 = arith.constant 0 : i32
    %dma_start3A_508 = tpu.memref_slice %arg4[%arg0, %dma_start3A_502, %add3A_1, %dma_start3A_507] : memref<2x32x512x512xf32, #tpu.memory_space<hbm>> -> memref<1x1x16x512xf32, #tpu.memory_space<hbm>>
    %dma_start3A_509 = tpu.memref_squeeze %dma_start3A_508 : memref<1x1x16x512xf32, #tpu.memory_space<hbm>> -> memref<16x512xf32, #tpu.memory_space<hbm>>
    %dma_start3A_510 = arith.constant 0 : i32
    %dma_start3A_511 = tpu.memref_slice %arg4[%arg0, %dma_start3A_502, %add3A_1, %dma_start3A_510] : memref<2x32x512x512xf32, #tpu.memory_space<hbm>> -> memref<1x1x16x512xf32, #tpu.memory_space<hbm>>
    %dma_start3A_512 = tpu.memref_squeeze %dma_start3A_511 : memref<1x1x16x512xf32, #tpu.memory_space<hbm>> -> memref<16x512xf32, #tpu.memory_space<hbm>>
    %dma_start3A_513 = arith.constant 0 : i32
    %dma_start3A_514 = arith.constant 0 : i32
    %dma_start3A_515 = tpu.memref_slice %arg5[%squeeze3A_501, %dma_start3A_513, %dma_start3A_514] : memref<8x16x512xf32, #tpu.memory_space<vmem>> -> memref<1x16x512xf32, #tpu.memory_space<vmem>>
    %dma_start3A_516 = tpu.memref_squeeze %dma_start3A_515 : memref<1x16x512xf32, #tpu.memory_space<vmem>> -> memref<16x512xf32, #tpu.memory_space<vmem>>
    tpu.enqueue_dma source(%dma_start3A_516 : memref<16x512xf32, #tpu.memory_space<vmem>>) target(%dma_start3A_512 : memref<16x512xf32, #tpu.memory_space<hbm>>) target_semaphore(%arg8 : memref<!tpu.dma_semaphore, #tpu.memory_space<semaphore_mem>>)
    %mul3A_517 = arith.constant 32 : i32
    %mul3A_518 = arith.muli %arg0, %mul3A_517 : i32
    %add3A_519 = arith.constant 11 : i32
    %add3A_520 = arith.addi %mul3A_518, %add3A_519 : i32
    %get3A_521 = arith.index_cast %add3A_520 : i32 to index
    %get3A_522 = tpu.vector_load %arg6[%get3A_521] {strides = array<i32>} : memref<80xi32, #tpu.memory_space<vmem>>, vector<16xi32>,
    %get3A_523 = vector.shape_cast %get3A_522 : vector<16xi32> to vector<16xi32>
    %slice3A_524 = vector.extract_strided_slice %get3A_523 {offsets = [0], sizes = [1], strides = [1]} : vector<16xi32> to vector<1xi32>
    %squeeze3A_525 = vector.extract %slice3A_524[0] : i32 from vector<1xi32>
    %dma_start3A_526 = arith.constant 11 : i32
    %dma_start3A_527 = arith.constant 0 : i32
    %dma_start3A_528 = arith.constant 0 : i32
    %dma_start3A_529 = tpu.memref_slice %arg5[%squeeze3A_525, %dma_start3A_527, %dma_start3A_528] : memref<8x16x512xf32, #tpu.memory_space<vmem>> -> memref<1x16x512xf32, #tpu.memory_space<vmem>>
    %dma_start3A_530 = tpu.memref_squeeze %dma_start3A_529 : memref<1x16x512xf32, #tpu.memory_space<vmem>> -> memref<16x512xf32, #tpu.memory_space<vmem>>
    %dma_start3A_531 = arith.constant 0 : i32
    %dma_start3A_532 = tpu.memref_slice %arg4[%arg0, %dma_start3A_526, %add3A_1, %dma_start3A_531] : memref<2x32x512x512xf32, #tpu.memory_space<hbm>> -> memref<1x1x16x512xf32, #tpu.memory_space<hbm>>
    %dma_start3A_533 = tpu.memref_squeeze %dma_start3A_532 : memref<1x1x16x512xf32, #tpu.memory_space<hbm>> -> memref<16x512xf32, #tpu.memory_space<hbm>>
    %dma_start3A_534 = arith.constant 0 : i32
    %dma_start3A_535 = tpu.memref_slice %arg4[%arg0, %dma_start3A_526, %add3A_1, %dma_start3A_534] : memref<2x32x512x512xf32, #tpu.memory_space<hbm>> -> memref<1x1x16x512xf32, #tpu.memory_space<hbm>>
    %dma_start3A_536 = tpu.memref_squeeze %dma_start3A_535 : memref<1x1x16x512xf32, #tpu.memory_space<hbm>> -> memref<16x512xf32, #tpu.memory_space<hbm>>
    %dma_start3A_537 = arith.constant 0 : i32
    %dma_start3A_538 = arith.constant 0 : i32
    %dma_start3A_539 = tpu.memref_slice %arg5[%squeeze3A_525, %dma_start3A_537, %dma_start3A_538] : memref<8x16x512xf32, #tpu.memory_space<vmem>> -> memref<1x16x512xf32, #tpu.memory_space<vmem>>
    %dma_start3A_540 = tpu.memref_squeeze %dma_start3A_539 : memref<1x16x512xf32, #tpu.memory_space<vmem>> -> memref<16x512xf32, #tpu.memory_space<vmem>>
    tpu.enqueue_dma source(%dma_start3A_540 : memref<16x512xf32, #tpu.memory_space<vmem>>) target(%dma_start3A_536 : memref<16x512xf32, #tpu.memory_space<hbm>>) target_semaphore(%arg8 : memref<!tpu.dma_semaphore, #tpu.memory_space<semaphore_mem>>)
    %mul3A_541 = arith.constant 32 : i32
    %mul3A_542 = arith.muli %arg0, %mul3A_541 : i32
    %add3A_543 = arith.constant 12 : i32
    %add3A_544 = arith.addi %mul3A_542, %add3A_543 : i32
    %get3A_545 = arith.index_cast %add3A_544 : i32 to index
    %get3A_546 = tpu.vector_load %arg6[%get3A_545] {strides = array<i32>} : memref<80xi32, #tpu.memory_space<vmem>>, vector<16xi32>,
    %get3A_547 = vector.shape_cast %get3A_546 : vector<16xi32> to vector<16xi32>
    %slice3A_548 = vector.extract_strided_slice %get3A_547 {offsets = [0], sizes = [1], strides = [1]} : vector<16xi32> to vector<1xi32>
    %squeeze3A_549 = vector.extract %slice3A_548[0] : i32 from vector<1xi32>
    %dma_start3A_550 = arith.constant 12 : i32
    %dma_start3A_551 = arith.constant 0 : i32
    %dma_start3A_552 = arith.constant 0 : i32
    %dma_start3A_553 = tpu.memref_slice %arg5[%squeeze3A_549, %dma_start3A_551, %dma_start3A_552] : memref<8x16x512xf32, #tpu.memory_space<vmem>> -> memref<1x16x512xf32, #tpu.memory_space<vmem>>
    %dma_start3A_554 = tpu.memref_squeeze %dma_start3A_553 : memref<1x16x512xf32, #tpu.memory_space<vmem>> -> memref<16x512xf32, #tpu.memory_space<vmem>>
    %dma_start3A_555 = arith.constant 0 : i32
    %dma_start3A_556 = tpu.memref_slice %arg4[%arg0, %dma_start3A_550, %add3A_1, %dma_start3A_555] : memref<2x32x512x512xf32, #tpu.memory_space<hbm>> -> memref<1x1x16x512xf32, #tpu.memory_space<hbm>>
    %dma_start3A_557 = tpu.memref_squeeze %dma_start3A_556 : memref<1x1x16x512xf32, #tpu.memory_space<hbm>> -> memref<16x512xf32, #tpu.memory_space<hbm>>
    %dma_start3A_558 = arith.constant 0 : i32
    %dma_start3A_559 = tpu.memref_slice %arg4[%arg0, %dma_start3A_550, %add3A_1, %dma_start3A_558] : memref<2x32x512x512xf32, #tpu.memory_space<hbm>> -> memref<1x1x16x512xf32, #tpu.memory_space<hbm>>
    %dma_start3A_560 = tpu.memref_squeeze %dma_start3A_559 : memref<1x1x16x512xf32, #tpu.memory_space<hbm>> -> memref<16x512xf32, #tpu.memory_space<hbm>>
    %dma_start3A_561 = arith.constant 0 : i32
    %dma_start3A_562 = arith.constant 0 : i32
    %dma_start3A_563 = tpu.memref_slice %arg5[%squeeze3A_549, %dma_start3A_561, %dma_start3A_562] : memref<8x16x512xf32, #tpu.memory_space<vmem>> -> memref<1x16x512xf32, #tpu.memory_space<vmem>>
    %dma_start3A_564 = tpu.memref_squeeze %dma_start3A_563 : memref<1x16x512xf32, #tpu.memory_space<vmem>> -> memref<16x512xf32, #tpu.memory_space<vmem>>
    tpu.enqueue_dma source(%dma_start3A_564 : memref<16x512xf32, #tpu.memory_space<vmem>>) target(%dma_start3A_560 : memref<16x512xf32, #tpu.memory_space<hbm>>) target_semaphore(%arg8 : memref<!tpu.dma_semaphore, #tpu.memory_space<semaphore_mem>>)
    %mul3A_565 = arith.constant 32 : i32
    %mul3A_566 = arith.muli %arg0, %mul3A_565 : i32
    %add3A_567 = arith.constant 13 : i32
    %add3A_568 = arith.addi %mul3A_566, %add3A_567 : i32
    %get3A_569 = arith.index_cast %add3A_568 : i32 to index
    %get3A_570 = tpu.vector_load %arg6[%get3A_569] {strides = array<i32>} : memref<80xi32, #tpu.memory_space<vmem>>, vector<16xi32>,
    %get3A_571 = vector.shape_cast %get3A_570 : vector<16xi32> to vector<16xi32>
    %slice3A_572 = vector.extract_strided_slice %get3A_571 {offsets = [0], sizes = [1], strides = [1]} : vector<16xi32> to vector<1xi32>
    %squeeze3A_573 = vector.extract %slice3A_572[0] : i32 from vector<1xi32>
    %dma_start3A_574 = arith.constant 13 : i32
    %dma_start3A_575 = arith.constant 0 : i32
    %dma_start3A_576 = arith.constant 0 : i32
    %dma_start3A_577 = tpu.memref_slice %arg5[%squeeze3A_573, %dma_start3A_575, %dma_start3A_576] : memref<8x16x512xf32, #tpu.memory_space<vmem>> -> memref<1x16x512xf32, #tpu.memory_space<vmem>>
    %dma_start3A_578 = tpu.memref_squeeze %dma_start3A_577 : memref<1x16x512xf32, #tpu.memory_space<vmem>> -> memref<16x512xf32, #tpu.memory_space<vmem>>
    %dma_start3A_579 = arith.constant 0 : i32
    %dma_start3A_580 = tpu.memref_slice %arg4[%arg0, %dma_start3A_574, %add3A_1, %dma_start3A_579] : memref<2x32x512x512xf32, #tpu.memory_space<hbm>> -> memref<1x1x16x512xf32, #tpu.memory_space<hbm>>
    %dma_start3A_581 = tpu.memref_squeeze %dma_start3A_580 : memref<1x1x16x512xf32, #tpu.memory_space<hbm>> -> memref<16x512xf32, #tpu.memory_space<hbm>>
    %dma_start3A_582 = arith.constant 0 : i32
    %dma_start3A_583 = tpu.memref_slice %arg4[%arg0, %dma_start3A_574, %add3A_1, %dma_start3A_582] : memref<2x32x512x512xf32, #tpu.memory_space<hbm>> -> memref<1x1x16x512xf32, #tpu.memory_space<hbm>>
    %dma_start3A_584 = tpu.memref_squeeze %dma_start3A_583 : memref<1x1x16x512xf32, #tpu.memory_space<hbm>> -> memref<16x512xf32, #tpu.memory_space<hbm>>
    %dma_start3A_585 = arith.constant 0 : i32
    %dma_start3A_586 = arith.constant 0 : i32
    %dma_start3A_587 = tpu.memref_slice %arg5[%squeeze3A_573, %dma_start3A_585, %dma_start3A_586] : memref<8x16x512xf32, #tpu.memory_space<vmem>> -> memref<1x16x512xf32, #tpu.memory_space<vmem>>
    %dma_start3A_588 = tpu.memref_squeeze %dma_start3A_587 : memref<1x16x512xf32, #tpu.memory_space<vmem>> -> memref<16x512xf32, #tpu.memory_space<vmem>>
    tpu.enqueue_dma source(%dma_start3A_588 : memref<16x512xf32, #tpu.memory_space<vmem>>) target(%dma_start3A_584 : memref<16x512xf32, #tpu.memory_space<hbm>>) target_semaphore(%arg8 : memref<!tpu.dma_semaphore, #tpu.memory_space<semaphore_mem>>)
    %mul3A_589 = arith.constant 32 : i32
    %mul3A_590 = arith.muli %arg0, %mul3A_589 : i32
    %add3A_591 = arith.constant 14 : i32
    %add3A_592 = arith.addi %mul3A_590, %add3A_591 : i32
    %get3A_593 = arith.index_cast %add3A_592 : i32 to index
    %get3A_594 = tpu.vector_load %arg6[%get3A_593] {strides = array<i32>} : memref<80xi32, #tpu.memory_space<vmem>>, vector<16xi32>,
    %get3A_595 = vector.shape_cast %get3A_594 : vector<16xi32> to vector<16xi32>
    %slice3A_596 = vector.extract_strided_slice %get3A_595 {offsets = [0], sizes = [1], strides = [1]} : vector<16xi32> to vector<1xi32>
    %squeeze3A_597 = vector.extract %slice3A_596[0] : i32 from vector<1xi32>
    %dma_start3A_598 = arith.constant 14 : i32
    %dma_start3A_599 = arith.constant 0 : i32
    %dma_start3A_600 = arith.constant 0 : i32
    %dma_start3A_601 = tpu.memref_slice %arg5[%squeeze3A_597, %dma_start3A_599, %dma_start3A_600] : memref<8x16x512xf32, #tpu.memory_space<vmem>> -> memref<1x16x512xf32, #tpu.memory_space<vmem>>
    %dma_start3A_602 = tpu.memref_squeeze %dma_start3A_601 : memref<1x16x512xf32, #tpu.memory_space<vmem>> -> memref<16x512xf32, #tpu.memory_space<vmem>>
    %dma_start3A_603 = arith.constant 0 : i32
    %dma_start3A_604 = tpu.memref_slice %arg4[%arg0, %dma_start3A_598, %add3A_1, %dma_start3A_603] : memref<2x32x512x512xf32, #tpu.memory_space<hbm>> -> memref<1x1x16x512xf32, #tpu.memory_space<hbm>>
    %dma_start3A_605 = tpu.memref_squeeze %dma_start3A_604 : memref<1x1x16x512xf32, #tpu.memory_space<hbm>> -> memref<16x512xf32, #tpu.memory_space<hbm>>
    %dma_start3A_606 = arith.constant 0 : i32
    %dma_start3A_607 = tpu.memref_slice %arg4[%arg0, %dma_start3A_598, %add3A_1, %dma_start3A_606] : memref<2x32x512x512xf32, #tpu.memory_space<hbm>> -> memref<1x1x16x512xf32, #tpu.memory_space<hbm>>
    %dma_start3A_608 = tpu.memref_squeeze %dma_start3A_607 : memref<1x1x16x512xf32, #tpu.memory_space<hbm>> -> memref<16x512xf32, #tpu.memory_space<hbm>>
    %dma_start3A_609 = arith.constant 0 : i32
    %dma_start3A_610 = arith.constant 0 : i32
    %dma_start3A_611 = tpu.memref_slice %arg5[%squeeze3A_597, %dma_start3A_609, %dma_start3A_610] : memref<8x16x512xf32, #tpu.memory_space<vmem>> -> memref<1x16x512xf32, #tpu.memory_space<vmem>>
    %dma_start3A_612 = tpu.memref_squeeze %dma_start3A_611 : memref<1x16x512xf32, #tpu.memory_space<vmem>> -> memref<16x512xf32, #tpu.memory_space<vmem>>
    tpu.enqueue_dma source(%dma_start3A_612 : memref<16x512xf32, #tpu.memory_space<vmem>>) target(%dma_start3A_608 : memref<16x512xf32, #tpu.memory_space<hbm>>) target_semaphore(%arg8 : memref<!tpu.dma_semaphore, #tpu.memory_space<semaphore_mem>>)
    %mul3A_613 = arith.constant 32 : i32
    %mul3A_614 = arith.muli %arg0, %mul3A_613 : i32
    %add3A_615 = arith.constant 15 : i32
    %add3A_616 = arith.addi %mul3A_614, %add3A_615 : i32
    %get3A_617 = arith.index_cast %add3A_616 : i32 to index
    %get3A_618 = tpu.vector_load %arg6[%get3A_617] {strides = array<i32>} : memref<80xi32, #tpu.memory_space<vmem>>, vector<16xi32>,
    %get3A_619 = vector.shape_cast %get3A_618 : vector<16xi32> to vector<16xi32>
    %slice3A_620 = vector.extract_strided_slice %get3A_619 {offsets = [0], sizes = [1], strides = [1]} : vector<16xi32> to vector<1xi32>
    %squeeze3A_621 = vector.extract %slice3A_620[0] : i32 from vector<1xi32>
    %dma_start3A_622 = arith.constant 15 : i32
    %dma_start3A_623 = arith.constant 0 : i32
    %dma_start3A_624 = arith.constant 0 : i32
    %dma_start3A_625 = tpu.memref_slice %arg5[%squeeze3A_621, %dma_start3A_623, %dma_start3A_624] : memref<8x16x512xf32, #tpu.memory_space<vmem>> -> memref<1x16x512xf32, #tpu.memory_space<vmem>>
    %dma_start3A_626 = tpu.memref_squeeze %dma_start3A_625 : memref<1x16x512xf32, #tpu.memory_space<vmem>> -> memref<16x512xf32, #tpu.memory_space<vmem>>
    %dma_start3A_627 = arith.constant 0 : i32
    %dma_start3A_628 = tpu.memref_slice %arg4[%arg0, %dma_start3A_622, %add3A_1, %dma_start3A_627] : memref<2x32x512x512xf32, #tpu.memory_space<hbm>> -> memref<1x1x16x512xf32, #tpu.memory_space<hbm>>
    %dma_start3A_629 = tpu.memref_squeeze %dma_start3A_628 : memref<1x1x16x512xf32, #tpu.memory_space<hbm>> -> memref<16x512xf32, #tpu.memory_space<hbm>>
    %dma_start3A_630 = arith.constant 0 : i32
    %dma_start3A_631 = tpu.memref_slice %arg4[%arg0, %dma_start3A_622, %add3A_1, %dma_start3A_630] : memref<2x32x512x512xf32, #tpu.memory_space<hbm>> -> memref<1x1x16x512xf32, #tpu.memory_space<hbm>>
    %dma_start3A_632 = tpu.memref_squeeze %dma_start3A_631 : memref<1x1x16x512xf32, #tpu.memory_space<hbm>> -> memref<16x512xf32, #tpu.memory_space<hbm>>
    %dma_start3A_633 = arith.constant 0 : i32
    %dma_start3A_634 = arith.constant 0 : i32
    %dma_start3A_635 = tpu.memref_slice %arg5[%squeeze3A_621, %dma_start3A_633, %dma_start3A_634] : memref<8x16x512xf32, #tpu.memory_space<vmem>> -> memref<1x16x512xf32, #tpu.memory_space<vmem>>
    %dma_start3A_636 = tpu.memref_squeeze %dma_start3A_635 : memref<1x16x512xf32, #tpu.memory_space<vmem>> -> memref<16x512xf32, #tpu.memory_space<vmem>>
    tpu.enqueue_dma source(%dma_start3A_636 : memref<16x512xf32, #tpu.memory_space<vmem>>) target(%dma_start3A_632 : memref<16x512xf32, #tpu.memory_space<hbm>>) target_semaphore(%arg8 : memref<!tpu.dma_semaphore, #tpu.memory_space<semaphore_mem>>)
    %mul3A_637 = arith.constant 32 : i32
    %mul3A_638 = arith.muli %arg0, %mul3A_637 : i32
    %add3A_639 = arith.constant 16 : i32
    %add3A_640 = arith.addi %mul3A_638, %add3A_639 : i32
    %get3A_641 = arith.index_cast %add3A_640 : i32 to index
    %get3A_642 = tpu.vector_load %arg6[%get3A_641] {strides = array<i32>} : memref<80xi32, #tpu.memory_space<vmem>>, vector<16xi32>,
    %get3A_643 = vector.shape_cast %get3A_642 : vector<16xi32> to vector<16xi32>
    %slice3A_644 = vector.extract_strided_slice %get3A_643 {offsets = [0], sizes = [1], strides = [1]} : vector<16xi32> to vector<1xi32>
    %squeeze3A_645 = vector.extract %slice3A_644[0] : i32 from vector<1xi32>
    %dma_start3A_646 = arith.constant 16 : i32
    %dma_start3A_647 = arith.constant 0 : i32
    %dma_start3A_648 = arith.constant 0 : i32
    %dma_start3A_649 = tpu.memref_slice %arg5[%squeeze3A_645, %dma_start3A_647, %dma_start3A_648] : memref<8x16x512xf32, #tpu.memory_space<vmem>> -> memref<1x16x512xf32, #tpu.memory_space<vmem>>
    %dma_start3A_650 = tpu.memref_squeeze %dma_start3A_649 : memref<1x16x512xf32, #tpu.memory_space<vmem>> -> memref<16x512xf32, #tpu.memory_space<vmem>>
    %dma_start3A_651 = arith.constant 0 : i32
    %dma_start3A_652 = tpu.memref_slice %arg4[%arg0, %dma_start3A_646, %add3A_1, %dma_start3A_651] : memref<2x32x512x512xf32, #tpu.memory_space<hbm>> -> memref<1x1x16x512xf32, #tpu.memory_space<hbm>>
    %dma_start3A_653 = tpu.memref_squeeze %dma_start3A_652 : memref<1x1x16x512xf32, #tpu.memory_space<hbm>> -> memref<16x512xf32, #tpu.memory_space<hbm>>
    %dma_start3A_654 = arith.constant 0 : i32
    %dma_start3A_655 = tpu.memref_slice %arg4[%arg0, %dma_start3A_646, %add3A_1, %dma_start3A_654] : memref<2x32x512x512xf32, #tpu.memory_space<hbm>> -> memref<1x1x16x512xf32, #tpu.memory_space<hbm>>
    %dma_start3A_656 = tpu.memref_squeeze %dma_start3A_655 : memref<1x1x16x512xf32, #tpu.memory_space<hbm>> -> memref<16x512xf32, #tpu.memory_space<hbm>>
    %dma_start3A_657 = arith.constant 0 : i32
    %dma_start3A_658 = arith.constant 0 : i32
    %dma_start3A_659 = tpu.memref_slice %arg5[%squeeze3A_645, %dma_start3A_657, %dma_start3A_658] : memref<8x16x512xf32, #tpu.memory_space<vmem>> -> memref<1x16x512xf32, #tpu.memory_space<vmem>>
    %dma_start3A_660 = tpu.memref_squeeze %dma_start3A_659 : memref<1x16x512xf32, #tpu.memory_space<vmem>> -> memref<16x512xf32, #tpu.memory_space<vmem>>
    tpu.enqueue_dma source(%dma_start3A_660 : memref<16x512xf32, #tpu.memory_space<vmem>>) target(%dma_start3A_656 : memref<16x512xf32, #tpu.memory_space<hbm>>) target_semaphore(%arg8 : memref<!tpu.dma_semaphore, #tpu.memory_space<semaphore_mem>>)
    %mul3A_661 = arith.constant 32 : i32
    %mul3A_662 = arith.muli %arg0, %mul3A_661 : i32
    %add3A_663 = arith.constant 17 : i32
    %add3A_664 = arith.addi %mul3A_662, %add3A_663 : i32
    %get3A_665 = arith.index_cast %add3A_664 : i32 to index
    %get3A_666 = tpu.vector_load %arg6[%get3A_665] {strides = array<i32>} : memref<80xi32, #tpu.memory_space<vmem>>, vector<16xi32>,
    %get3A_667 = vector.shape_cast %get3A_666 : vector<16xi32> to vector<16xi32>
    %slice3A_668 = vector.extract_strided_slice %get3A_667 {offsets = [0], sizes = [1], strides = [1]} : vector<16xi32> to vector<1xi32>
    %squeeze3A_669 = vector.extract %slice3A_668[0] : i32 from vector<1xi32>
    %dma_start3A_670 = arith.constant 17 : i32
    %dma_start3A_671 = arith.constant 0 : i32
    %dma_start3A_672 = arith.constant 0 : i32
    %dma_start3A_673 = tpu.memref_slice %arg5[%squeeze3A_669, %dma_start3A_671, %dma_start3A_672] : memref<8x16x512xf32, #tpu.memory_space<vmem>> -> memref<1x16x512xf32, #tpu.memory_space<vmem>>
    %dma_start3A_674 = tpu.memref_squeeze %dma_start3A_673 : memref<1x16x512xf32, #tpu.memory_space<vmem>> -> memref<16x512xf32, #tpu.memory_space<vmem>>
    %dma_start3A_675 = arith.constant 0 : i32
    %dma_start3A_676 = tpu.memref_slice %arg4[%arg0, %dma_start3A_670, %add3A_1, %dma_start3A_675] : memref<2x32x512x512xf32, #tpu.memory_space<hbm>> -> memref<1x1x16x512xf32, #tpu.memory_space<hbm>>
    %dma_start3A_677 = tpu.memref_squeeze %dma_start3A_676 : memref<1x1x16x512xf32, #tpu.memory_space<hbm>> -> memref<16x512xf32, #tpu.memory_space<hbm>>
    %dma_start3A_678 = arith.constant 0 : i32
    %dma_start3A_679 = tpu.memref_slice %arg4[%arg0, %dma_start3A_670, %add3A_1, %dma_start3A_678] : memref<2x32x512x512xf32, #tpu.memory_space<hbm>> -> memref<1x1x16x512xf32, #tpu.memory_space<hbm>>
    %dma_start3A_680 = tpu.memref_squeeze %dma_start3A_679 : memref<1x1x16x512xf32, #tpu.memory_space<hbm>> -> memref<16x512xf32, #tpu.memory_space<hbm>>
    %dma_start3A_681 = arith.constant 0 : i32
    %dma_start3A_682 = arith.constant 0 : i32
    %dma_start3A_683 = tpu.memref_slice %arg5[%squeeze3A_669, %dma_start3A_681, %dma_start3A_682] : memref<8x16x512xf32, #tpu.memory_space<vmem>> -> memref<1x16x512xf32, #tpu.memory_space<vmem>>
    %dma_start3A_684 = tpu.memref_squeeze %dma_start3A_683 : memref<1x16x512xf32, #tpu.memory_space<vmem>> -> memref<16x512xf32, #tpu.memory_space<vmem>>
    tpu.enqueue_dma source(%dma_start3A_684 : memref<16x512xf32, #tpu.memory_space<vmem>>) target(%dma_start3A_680 : memref<16x512xf32, #tpu.memory_space<hbm>>) target_semaphore(%arg8 : memref<!tpu.dma_semaphore, #tpu.memory_space<semaphore_mem>>)
    %mul3A_685 = arith.constant 32 : i32
    %mul3A_686 = arith.muli %arg0, %mul3A_685 : i32
    %add3A_687 = arith.constant 18 : i32
    %add3A_688 = arith.addi %mul3A_686, %add3A_687 : i32
    %get3A_689 = arith.index_cast %add3A_688 : i32 to index
    %get3A_690 = tpu.vector_load %arg6[%get3A_689] {strides = array<i32>} : memref<80xi32, #tpu.memory_space<vmem>>, vector<16xi32>,
    %get3A_691 = vector.shape_cast %get3A_690 : vector<16xi32> to vector<16xi32>
    %slice3A_692 = vector.extract_strided_slice %get3A_691 {offsets = [0], sizes = [1], strides = [1]} : vector<16xi32> to vector<1xi32>
    %squeeze3A_693 = vector.extract %slice3A_692[0] : i32 from vector<1xi32>
    %dma_start3A_694 = arith.constant 18 : i32
    %dma_start3A_695 = arith.constant 0 : i32
    %dma_start3A_696 = arith.constant 0 : i32
    %dma_start3A_697 = tpu.memref_slice %arg5[%squeeze3A_693, %dma_start3A_695, %dma_start3A_696] : memref<8x16x512xf32, #tpu.memory_space<vmem>> -> memref<1x16x512xf32, #tpu.memory_space<vmem>>
    %dma_start3A_698 = tpu.memref_squeeze %dma_start3A_697 : memref<1x16x512xf32, #tpu.memory_space<vmem>> -> memref<16x512xf32, #tpu.memory_space<vmem>>
    %dma_start3A_699 = arith.constant 0 : i32
    %dma_start3A_700 = tpu.memref_slice %arg4[%arg0, %dma_start3A_694, %add3A_1, %dma_start3A_699] : memref<2x32x512x512xf32, #tpu.memory_space<hbm>> -> memref<1x1x16x512xf32, #tpu.memory_space<hbm>>
    %dma_start3A_701 = tpu.memref_squeeze %dma_start3A_700 : memref<1x1x16x512xf32, #tpu.memory_space<hbm>> -> memref<16x512xf32, #tpu.memory_space<hbm>>
    %dma_start3A_702 = arith.constant 0 : i32
    %dma_start3A_703 = tpu.memref_slice %arg4[%arg0, %dma_start3A_694, %add3A_1, %dma_start3A_702] : memref<2x32x512x512xf32, #tpu.memory_space<hbm>> -> memref<1x1x16x512xf32, #tpu.memory_space<hbm>>
    %dma_start3A_704 = tpu.memref_squeeze %dma_start3A_703 : memref<1x1x16x512xf32, #tpu.memory_space<hbm>> -> memref<16x512xf32, #tpu.memory_space<hbm>>
    %dma_start3A_705 = arith.constant 0 : i32
    %dma_start3A_706 = arith.constant 0 : i32
    %dma_start3A_707 = tpu.memref_slice %arg5[%squeeze3A_693, %dma_start3A_705, %dma_start3A_706] : memref<8x16x512xf32, #tpu.memory_space<vmem>> -> memref<1x16x512xf32, #tpu.memory_space<vmem>>
    %dma_start3A_708 = tpu.memref_squeeze %dma_start3A_707 : memref<1x16x512xf32, #tpu.memory_space<vmem>> -> memref<16x512xf32, #tpu.memory_space<vmem>>
    tpu.enqueue_dma source(%dma_start3A_708 : memref<16x512xf32, #tpu.memory_space<vmem>>) target(%dma_start3A_704 : memref<16x512xf32, #tpu.memory_space<hbm>>) target_semaphore(%arg8 : memref<!tpu.dma_semaphore, #tpu.memory_space<semaphore_mem>>)
    %mul3A_709 = arith.constant 32 : i32
    %mul3A_710 = arith.muli %arg0, %mul3A_709 : i32
    %add3A_711 = arith.constant 19 : i32
    %add3A_712 = arith.addi %mul3A_710, %add3A_711 : i32
    %get3A_713 = arith.index_cast %add3A_712 : i32 to index
    %get3A_714 = tpu.vector_load %arg6[%get3A_713] {strides = array<i32>} : memref<80xi32, #tpu.memory_space<vmem>>, vector<16xi32>,
    %get3A_715 = vector.shape_cast %get3A_714 : vector<16xi32> to vector<16xi32>
    %slice3A_716 = vector.extract_strided_slice %get3A_715 {offsets = [0], sizes = [1], strides = [1]} : vector<16xi32> to vector<1xi32>
    %squeeze3A_717 = vector.extract %slice3A_716[0] : i32 from vector<1xi32>
    %dma_start3A_718 = arith.constant 19 : i32
    %dma_start3A_719 = arith.constant 0 : i32
    %dma_start3A_720 = arith.constant 0 : i32
    %dma_start3A_721 = tpu.memref_slice %arg5[%squeeze3A_717, %dma_start3A_719, %dma_start3A_720] : memref<8x16x512xf32, #tpu.memory_space<vmem>> -> memref<1x16x512xf32, #tpu.memory_space<vmem>>
    %dma_start3A_722 = tpu.memref_squeeze %dma_start3A_721 : memref<1x16x512xf32, #tpu.memory_space<vmem>> -> memref<16x512xf32, #tpu.memory_space<vmem>>
    %dma_start3A_723 = arith.constant 0 : i32
    %dma_start3A_724 = tpu.memref_slice %arg4[%arg0, %dma_start3A_718, %add3A_1, %dma_start3A_723] : memref<2x32x512x512xf32, #tpu.memory_space<hbm>> -> memref<1x1x16x512xf32, #tpu.memory_space<hbm>>
    %dma_start3A_725 = tpu.memref_squeeze %dma_start3A_724 : memref<1x1x16x512xf32, #tpu.memory_space<hbm>> -> memref<16x512xf32, #tpu.memory_space<hbm>>
    %dma_start3A_726 = arith.constant 0 : i32
    %dma_start3A_727 = tpu.memref_slice %arg4[%arg0, %dma_start3A_718, %add3A_1, %dma_start3A_726] : memref<2x32x512x512xf32, #tpu.memory_space<hbm>> -> memref<1x1x16x512xf32, #tpu.memory_space<hbm>>
    %dma_start3A_728 = tpu.memref_squeeze %dma_start3A_727 : memref<1x1x16x512xf32, #tpu.memory_space<hbm>> -> memref<16x512xf32, #tpu.memory_space<hbm>>
    %dma_start3A_729 = arith.constant 0 : i32
    %dma_start3A_730 = arith.constant 0 : i32
    %dma_start3A_731 = tpu.memref_slice %arg5[%squeeze3A_717, %dma_start3A_729, %dma_start3A_730] : memref<8x16x512xf32, #tpu.memory_space<vmem>> -> memref<1x16x512xf32, #tpu.memory_space<vmem>>
    %dma_start3A_732 = tpu.memref_squeeze %dma_start3A_731 : memref<1x16x512xf32, #tpu.memory_space<vmem>> -> memref<16x512xf32, #tpu.memory_space<vmem>>
    tpu.enqueue_dma source(%dma_start3A_732 : memref<16x512xf32, #tpu.memory_space<vmem>>) target(%dma_start3A_728 : memref<16x512xf32, #tpu.memory_space<hbm>>) target_semaphore(%arg8 : memref<!tpu.dma_semaphore, #tpu.memory_space<semaphore_mem>>)
    %mul3A_733 = arith.constant 32 : i32
    %mul3A_734 = arith.muli %arg0, %mul3A_733 : i32
    %add3A_735 = arith.constant 20 : i32
    %add3A_736 = arith.addi %mul3A_734, %add3A_735 : i32
    %get3A_737 = arith.index_cast %add3A_736 : i32 to index
    %get3A_738 = tpu.vector_load %arg6[%get3A_737] {strides = array<i32>} : memref<80xi32, #tpu.memory_space<vmem>>, vector<16xi32>,
    %get3A_739 = vector.shape_cast %get3A_738 : vector<16xi32> to vector<16xi32>
    %slice3A_740 = vector.extract_strided_slice %get3A_739 {offsets = [0], sizes = [1], strides = [1]} : vector<16xi32> to vector<1xi32>
    %squeeze3A_741 = vector.extract %slice3A_740[0] : i32 from vector<1xi32>
    %dma_start3A_742 = arith.constant 20 : i32
    %dma_start3A_743 = arith.constant 0 : i32
    %dma_start3A_744 = arith.constant 0 : i32
    %dma_start3A_745 = tpu.memref_slice %arg5[%squeeze3A_741, %dma_start3A_743, %dma_start3A_744] : memref<8x16x512xf32, #tpu.memory_space<vmem>> -> memref<1x16x512xf32, #tpu.memory_space<vmem>>
    %dma_start3A_746 = tpu.memref_squeeze %dma_start3A_745 : memref<1x16x512xf32, #tpu.memory_space<vmem>> -> memref<16x512xf32, #tpu.memory_space<vmem>>
    %dma_start3A_747 = arith.constant 0 : i32
    %dma_start3A_748 = tpu.memref_slice %arg4[%arg0, %dma_start3A_742, %add3A_1, %dma_start3A_747] : memref<2x32x512x512xf32, #tpu.memory_space<hbm>> -> memref<1x1x16x512xf32, #tpu.memory_space<hbm>>
    %dma_start3A_749 = tpu.memref_squeeze %dma_start3A_748 : memref<1x1x16x512xf32, #tpu.memory_space<hbm>> -> memref<16x512xf32, #tpu.memory_space<hbm>>
    %dma_start3A_750 = arith.constant 0 : i32
    %dma_start3A_751 = tpu.memref_slice %arg4[%arg0, %dma_start3A_742, %add3A_1, %dma_start3A_750] : memref<2x32x512x512xf32, #tpu.memory_space<hbm>> -> memref<1x1x16x512xf32, #tpu.memory_space<hbm>>
    %dma_start3A_752 = tpu.memref_squeeze %dma_start3A_751 : memref<1x1x16x512xf32, #tpu.memory_space<hbm>> -> memref<16x512xf32, #tpu.memory_space<hbm>>
    %dma_start3A_753 = arith.constant 0 : i32
    %dma_start3A_754 = arith.constant 0 : i32
    %dma_start3A_755 = tpu.memref_slice %arg5[%squeeze3A_741, %dma_start3A_753, %dma_start3A_754] : memref<8x16x512xf32, #tpu.memory_space<vmem>> -> memref<1x16x512xf32, #tpu.memory_space<vmem>>
    %dma_start3A_756 = tpu.memref_squeeze %dma_start3A_755 : memref<1x16x512xf32, #tpu.memory_space<vmem>> -> memref<16x512xf32, #tpu.memory_space<vmem>>
    tpu.enqueue_dma source(%dma_start3A_756 : memref<16x512xf32, #tpu.memory_space<vmem>>) target(%dma_start3A_752 : memref<16x512xf32, #tpu.memory_space<hbm>>) target_semaphore(%arg8 : memref<!tpu.dma_semaphore, #tpu.memory_space<semaphore_mem>>)
    %mul3A_757 = arith.constant 32 : i32
    %mul3A_758 = arith.muli %arg0, %mul3A_757 : i32
    %add3A_759 = arith.constant 21 : i32
    %add3A_760 = arith.addi %mul3A_758, %add3A_759 : i32
    %get3A_761 = arith.index_cast %add3A_760 : i32 to index
    %get3A_762 = tpu.vector_load %arg6[%get3A_761] {strides = array<i32>} : memref<80xi32, #tpu.memory_space<vmem>>, vector<16xi32>,
    %get3A_763 = vector.shape_cast %get3A_762 : vector<16xi32> to vector<16xi32>
    %slice3A_764 = vector.extract_strided_slice %get3A_763 {offsets = [0], sizes = [1], strides = [1]} : vector<16xi32> to vector<1xi32>
    %squeeze3A_765 = vector.extract %slice3A_764[0] : i32 from vector<1xi32>
    %dma_start3A_766 = arith.constant 21 : i32
    %dma_start3A_767 = arith.constant 0 : i32
    %dma_start3A_768 = arith.constant 0 : i32
    %dma_start3A_769 = tpu.memref_slice %arg5[%squeeze3A_765, %dma_start3A_767, %dma_start3A_768] : memref<8x16x512xf32, #tpu.memory_space<vmem>> -> memref<1x16x512xf32, #tpu.memory_space<vmem>>
    %dma_start3A_770 = tpu.memref_squeeze %dma_start3A_769 : memref<1x16x512xf32, #tpu.memory_space<vmem>> -> memref<16x512xf32, #tpu.memory_space<vmem>>
    %dma_start3A_771 = arith.constant 0 : i32
    %dma_start3A_772 = tpu.memref_slice %arg4[%arg0, %dma_start3A_766, %add3A_1, %dma_start3A_771] : memref<2x32x512x512xf32, #tpu.memory_space<hbm>> -> memref<1x1x16x512xf32, #tpu.memory_space<hbm>>
    %dma_start3A_773 = tpu.memref_squeeze %dma_start3A_772 : memref<1x1x16x512xf32, #tpu.memory_space<hbm>> -> memref<16x512xf32, #tpu.memory_space<hbm>>
    %dma_start3A_774 = arith.constant 0 : i32
    %dma_start3A_775 = tpu.memref_slice %arg4[%arg0, %dma_start3A_766, %add3A_1, %dma_start3A_774] : memref<2x32x512x512xf32, #tpu.memory_space<hbm>> -> memref<1x1x16x512xf32, #tpu.memory_space<hbm>>
    %dma_start3A_776 = tpu.memref_squeeze %dma_start3A_775 : memref<1x1x16x512xf32, #tpu.memory_space<hbm>> -> memref<16x512xf32, #tpu.memory_space<hbm>>
    %dma_start3A_777 = arith.constant 0 : i32
    %dma_start3A_778 = arith.constant 0 : i32
    %dma_start3A_779 = tpu.memref_slice %arg5[%squeeze3A_765, %dma_start3A_777, %dma_start3A_778] : memref<8x16x512xf32, #tpu.memory_space<vmem>> -> memref<1x16x512xf32, #tpu.memory_space<vmem>>
    %dma_start3A_780 = tpu.memref_squeeze %dma_start3A_779 : memref<1x16x512xf32, #tpu.memory_space<vmem>> -> memref<16x512xf32, #tpu.memory_space<vmem>>
    tpu.enqueue_dma source(%dma_start3A_780 : memref<16x512xf32, #tpu.memory_space<vmem>>) target(%dma_start3A_776 : memref<16x512xf32, #tpu.memory_space<hbm>>) target_semaphore(%arg8 : memref<!tpu.dma_semaphore, #tpu.memory_space<semaphore_mem>>)
    %mul3A_781 = arith.constant 32 : i32
    %mul3A_782 = arith.muli %arg0, %mul3A_781 : i32
    %add3A_783 = arith.constant 22 : i32
    %add3A_784 = arith.addi %mul3A_782, %add3A_783 : i32
    %get3A_785 = arith.index_cast %add3A_784 : i32 to index
    %get3A_786 = tpu.vector_load %arg6[%get3A_785] {strides = array<i32>} : memref<80xi32, #tpu.memory_space<vmem>>, vector<16xi32>,
    %get3A_787 = vector.shape_cast %get3A_786 : vector<16xi32> to vector<16xi32>
    %slice3A_788 = vector.extract_strided_slice %get3A_787 {offsets = [0], sizes = [1], strides = [1]} : vector<16xi32> to vector<1xi32>
    %squeeze3A_789 = vector.extract %slice3A_788[0] : i32 from vector<1xi32>
    %dma_start3A_790 = arith.constant 22 : i32
    %dma_start3A_791 = arith.constant 0 : i32
    %dma_start3A_792 = arith.constant 0 : i32
    %dma_start3A_793 = tpu.memref_slice %arg5[%squeeze3A_789, %dma_start3A_791, %dma_start3A_792] : memref<8x16x512xf32, #tpu.memory_space<vmem>> -> memref<1x16x512xf32, #tpu.memory_space<vmem>>
    %dma_start3A_794 = tpu.memref_squeeze %dma_start3A_793 : memref<1x16x512xf32, #tpu.memory_space<vmem>> -> memref<16x512xf32, #tpu.memory_space<vmem>>
    %dma_start3A_795 = arith.constant 0 : i32
    %dma_start3A_796 = tpu.memref_slice %arg4[%arg0, %dma_start3A_790, %add3A_1, %dma_start3A_795] : memref<2x32x512x512xf32, #tpu.memory_space<hbm>> -> memref<1x1x16x512xf32, #tpu.memory_space<hbm>>
    %dma_start3A_797 = tpu.memref_squeeze %dma_start3A_796 : memref<1x1x16x512xf32, #tpu.memory_space<hbm>> -> memref<16x512xf32, #tpu.memory_space<hbm>>
    %dma_start3A_798 = arith.constant 0 : i32
    %dma_start3A_799 = tpu.memref_slice %arg4[%arg0, %dma_start3A_790, %add3A_1, %dma_start3A_798] : memref<2x32x512x512xf32, #tpu.memory_space<hbm>> -> memref<1x1x16x512xf32, #tpu.memory_space<hbm>>
    %dma_start3A_800 = tpu.memref_squeeze %dma_start3A_799 : memref<1x1x16x512xf32, #tpu.memory_space<hbm>> -> memref<16x512xf32, #tpu.memory_space<hbm>>
    %dma_start3A_801 = arith.constant 0 : i32
    %dma_start3A_802 = arith.constant 0 : i32
    %dma_start3A_803 = tpu.memref_slice %arg5[%squeeze3A_789, %dma_start3A_801, %dma_start3A_802] : memref<8x16x512xf32, #tpu.memory_space<vmem>> -> memref<1x16x512xf32, #tpu.memory_space<vmem>>
    %dma_start3A_804 = tpu.memref_squeeze %dma_start3A_803 : memref<1x16x512xf32, #tpu.memory_space<vmem>> -> memref<16x512xf32, #tpu.memory_space<vmem>>
    tpu.enqueue_dma source(%dma_start3A_804 : memref<16x512xf32, #tpu.memory_space<vmem>>) target(%dma_start3A_800 : memref<16x512xf32, #tpu.memory_space<hbm>>) target_semaphore(%arg8 : memref<!tpu.dma_semaphore, #tpu.memory_space<semaphore_mem>>)
    %mul3A_805 = arith.constant 32 : i32
    %mul3A_806 = arith.muli %arg0, %mul3A_805 : i32
    %add3A_807 = arith.constant 23 : i32
    %add3A_808 = arith.addi %mul3A_806, %add3A_807 : i32
    %get3A_809 = arith.index_cast %add3A_808 : i32 to index
    %get3A_810 = tpu.vector_load %arg6[%get3A_809] {strides = array<i32>} : memref<80xi32, #tpu.memory_space<vmem>>, vector<16xi32>,
    %get3A_811 = vector.shape_cast %get3A_810 : vector<16xi32> to vector<16xi32>
    %slice3A_812 = vector.extract_strided_slice %get3A_811 {offsets = [0], sizes = [1], strides = [1]} : vector<16xi32> to vector<1xi32>
    %squeeze3A_813 = vector.extract %slice3A_812[0] : i32 from vector<1xi32>
    %dma_start3A_814 = arith.constant 23 : i32
    %dma_start3A_815 = arith.constant 0 : i32
    %dma_start3A_816 = arith.constant 0 : i32
    %dma_start3A_817 = tpu.memref_slice %arg5[%squeeze3A_813, %dma_start3A_815, %dma_start3A_816] : memref<8x16x512xf32, #tpu.memory_space<vmem>> -> memref<1x16x512xf32, #tpu.memory_space<vmem>>
    %dma_start3A_818 = tpu.memref_squeeze %dma_start3A_817 : memref<1x16x512xf32, #tpu.memory_space<vmem>> -> memref<16x512xf32, #tpu.memory_space<vmem>>
    %dma_start3A_819 = arith.constant 0 : i32
    %dma_start3A_820 = tpu.memref_slice %arg4[%arg0, %dma_start3A_814, %add3A_1, %dma_start3A_819] : memref<2x32x512x512xf32, #tpu.memory_space<hbm>> -> memref<1x1x16x512xf32, #tpu.memory_space<hbm>>
    %dma_start3A_821 = tpu.memref_squeeze %dma_start3A_820 : memref<1x1x16x512xf32, #tpu.memory_space<hbm>> -> memref<16x512xf32, #tpu.memory_space<hbm>>
    %dma_start3A_822 = arith.constant 0 : i32
    %dma_start3A_823 = tpu.memref_slice %arg4[%arg0, %dma_start3A_814, %add3A_1, %dma_start3A_822] : memref<2x32x512x512xf32, #tpu.memory_space<hbm>> -> memref<1x1x16x512xf32, #tpu.memory_space<hbm>>
    %dma_start3A_824 = tpu.memref_squeeze %dma_start3A_823 : memref<1x1x16x512xf32, #tpu.memory_space<hbm>> -> memref<16x512xf32, #tpu.memory_space<hbm>>
    %dma_start3A_825 = arith.constant 0 : i32
    %dma_start3A_826 = arith.constant 0 : i32
    %dma_start3A_827 = tpu.memref_slice %arg5[%squeeze3A_813, %dma_start3A_825, %dma_start3A_826] : memref<8x16x512xf32, #tpu.memory_space<vmem>> -> memref<1x16x512xf32, #tpu.memory_space<vmem>>
    %dma_start3A_828 = tpu.memref_squeeze %dma_start3A_827 : memref<1x16x512xf32, #tpu.memory_space<vmem>> -> memref<16x512xf32, #tpu.memory_space<vmem>>
    tpu.enqueue_dma source(%dma_start3A_828 : memref<16x512xf32, #tpu.memory_space<vmem>>) target(%dma_start3A_824 : memref<16x512xf32, #tpu.memory_space<hbm>>) target_semaphore(%arg8 : memref<!tpu.dma_semaphore, #tpu.memory_space<semaphore_mem>>)
    %mul3A_829 = arith.constant 32 : i32
    %mul3A_830 = arith.muli %arg0, %mul3A_829 : i32
    %add3A_831 = arith.constant 24 : i32
    %add3A_832 = arith.addi %mul3A_830, %add3A_831 : i32
    %get3A_833 = arith.index_cast %add3A_832 : i32 to index
    %get3A_834 = tpu.vector_load %arg6[%get3A_833] {strides = array<i32>} : memref<80xi32, #tpu.memory_space<vmem>>, vector<16xi32>,
    %get3A_835 = vector.shape_cast %get3A_834 : vector<16xi32> to vector<16xi32>
    %slice3A_836 = vector.extract_strided_slice %get3A_835 {offsets = [0], sizes = [1], strides = [1]} : vector<16xi32> to vector<1xi32>
    %squeeze3A_837 = vector.extract %slice3A_836[0] : i32 from vector<1xi32>
    %dma_start3A_838 = arith.constant 24 : i32
    %dma_start3A_839 = arith.constant 0 : i32
    %dma_start3A_840 = arith.constant 0 : i32
    %dma_start3A_841 = tpu.memref_slice %arg5[%squeeze3A_837, %dma_start3A_839, %dma_start3A_840] : memref<8x16x512xf32, #tpu.memory_space<vmem>> -> memref<1x16x512xf32, #tpu.memory_space<vmem>>
    %dma_start3A_842 = tpu.memref_squeeze %dma_start3A_841 : memref<1x16x512xf32, #tpu.memory_space<vmem>> -> memref<16x512xf32, #tpu.memory_space<vmem>>
    %dma_start3A_843 = arith.constant 0 : i32
    %dma_start3A_844 = tpu.memref_slice %arg4[%arg0, %dma_start3A_838, %add3A_1, %dma_start3A_843] : memref<2x32x512x512xf32, #tpu.memory_space<hbm>> -> memref<1x1x16x512xf32, #tpu.memory_space<hbm>>
    %dma_start3A_845 = tpu.memref_squeeze %dma_start3A_844 : memref<1x1x16x512xf32, #tpu.memory_space<hbm>> -> memref<16x512xf32, #tpu.memory_space<hbm>>
    %dma_start3A_846 = arith.constant 0 : i32
    %dma_start3A_847 = tpu.memref_slice %arg4[%arg0, %dma_start3A_838, %add3A_1, %dma_start3A_846] : memref<2x32x512x512xf32, #tpu.memory_space<hbm>> -> memref<1x1x16x512xf32, #tpu.memory_space<hbm>>
    %dma_start3A_848 = tpu.memref_squeeze %dma_start3A_847 : memref<1x1x16x512xf32, #tpu.memory_space<hbm>> -> memref<16x512xf32, #tpu.memory_space<hbm>>
    %dma_start3A_849 = arith.constant 0 : i32
    %dma_start3A_850 = arith.constant 0 : i32
    %dma_start3A_851 = tpu.memref_slice %arg5[%squeeze3A_837, %dma_start3A_849, %dma_start3A_850] : memref<8x16x512xf32, #tpu.memory_space<vmem>> -> memref<1x16x512xf32, #tpu.memory_space<vmem>>
    %dma_start3A_852 = tpu.memref_squeeze %dma_start3A_851 : memref<1x16x512xf32, #tpu.memory_space<vmem>> -> memref<16x512xf32, #tpu.memory_space<vmem>>
    tpu.enqueue_dma source(%dma_start3A_852 : memref<16x512xf32, #tpu.memory_space<vmem>>) target(%dma_start3A_848 : memref<16x512xf32, #tpu.memory_space<hbm>>) target_semaphore(%arg8 : memref<!tpu.dma_semaphore, #tpu.memory_space<semaphore_mem>>)
    %mul3A_853 = arith.constant 32 : i32
    %mul3A_854 = arith.muli %arg0, %mul3A_853 : i32
    %add3A_855 = arith.constant 25 : i32
    %add3A_856 = arith.addi %mul3A_854, %add3A_855 : i32
    %get3A_857 = arith.index_cast %add3A_856 : i32 to index
    %get3A_858 = tpu.vector_load %arg6[%get3A_857] {strides = array<i32>} : memref<80xi32, #tpu.memory_space<vmem>>, vector<16xi32>,
    %get3A_859 = vector.shape_cast %get3A_858 : vector<16xi32> to vector<16xi32>
    %slice3A_860 = vector.extract_strided_slice %get3A_859 {offsets = [0], sizes = [1], strides = [1]} : vector<16xi32> to vector<1xi32>
    %squeeze3A_861 = vector.extract %slice3A_860[0] : i32 from vector<1xi32>
    %dma_start3A_862 = arith.constant 25 : i32
    %dma_start3A_863 = arith.constant 0 : i32
    %dma_start3A_864 = arith.constant 0 : i32
    %dma_start3A_865 = tpu.memref_slice %arg5[%squeeze3A_861, %dma_start3A_863, %dma_start3A_864] : memref<8x16x512xf32, #tpu.memory_space<vmem>> -> memref<1x16x512xf32, #tpu.memory_space<vmem>>
    %dma_start3A_866 = tpu.memref_squeeze %dma_start3A_865 : memref<1x16x512xf32, #tpu.memory_space<vmem>> -> memref<16x512xf32, #tpu.memory_space<vmem>>
    %dma_start3A_867 = arith.constant 0 : i32
    %dma_start3A_868 = tpu.memref_slice %arg4[%arg0, %dma_start3A_862, %add3A_1, %dma_start3A_867] : memref<2x32x512x512xf32, #tpu.memory_space<hbm>> -> memref<1x1x16x512xf32, #tpu.memory_space<hbm>>
    %dma_start3A_869 = tpu.memref_squeeze %dma_start3A_868 : memref<1x1x16x512xf32, #tpu.memory_space<hbm>> -> memref<16x512xf32, #tpu.memory_space<hbm>>
    %dma_start3A_870 = arith.constant 0 : i32
    %dma_start3A_871 = tpu.memref_slice %arg4[%arg0, %dma_start3A_862, %add3A_1, %dma_start3A_870] : memref<2x32x512x512xf32, #tpu.memory_space<hbm>> -> memref<1x1x16x512xf32, #tpu.memory_space<hbm>>
    %dma_start3A_872 = tpu.memref_squeeze %dma_start3A_871 : memref<1x1x16x512xf32, #tpu.memory_space<hbm>> -> memref<16x512xf32, #tpu.memory_space<hbm>>
    %dma_start3A_873 = arith.constant 0 : i32
    %dma_start3A_874 = arith.constant 0 : i32
    %dma_start3A_875 = tpu.memref_slice %arg5[%squeeze3A_861, %dma_start3A_873, %dma_start3A_874] : memref<8x16x512xf32, #tpu.memory_space<vmem>> -> memref<1x16x512xf32, #tpu.memory_space<vmem>>
    %dma_start3A_876 = tpu.memref_squeeze %dma_start3A_875 : memref<1x16x512xf32, #tpu.memory_space<vmem>> -> memref<16x512xf32, #tpu.memory_space<vmem>>
    tpu.enqueue_dma source(%dma_start3A_876 : memref<16x512xf32, #tpu.memory_space<vmem>>) target(%dma_start3A_872 : memref<16x512xf32, #tpu.memory_space<hbm>>) target_semaphore(%arg8 : memref<!tpu.dma_semaphore, #tpu.memory_space<semaphore_mem>>)
    %mul3A_877 = arith.constant 32 : i32
    %mul3A_878 = arith.muli %arg0, %mul3A_877 : i32
    %add3A_879 = arith.constant 26 : i32
    %add3A_880 = arith.addi %mul3A_878, %add3A_879 : i32
    %get3A_881 = arith.index_cast %add3A_880 : i32 to index
    %get3A_882 = tpu.vector_load %arg6[%get3A_881] {strides = array<i32>} : memref<80xi32, #tpu.memory_space<vmem>>, vector<16xi32>,
    %get3A_883 = vector.shape_cast %get3A_882 : vector<16xi32> to vector<16xi32>
    %slice3A_884 = vector.extract_strided_slice %get3A_883 {offsets = [0], sizes = [1], strides = [1]} : vector<16xi32> to vector<1xi32>
    %squeeze3A_885 = vector.extract %slice3A_884[0] : i32 from vector<1xi32>
    %dma_start3A_886 = arith.constant 26 : i32
    %dma_start3A_887 = arith.constant 0 : i32
    %dma_start3A_888 = arith.constant 0 : i32
    %dma_start3A_889 = tpu.memref_slice %arg5[%squeeze3A_885, %dma_start3A_887, %dma_start3A_888] : memref<8x16x512xf32, #tpu.memory_space<vmem>> -> memref<1x16x512xf32, #tpu.memory_space<vmem>>
    %dma_start3A_890 = tpu.memref_squeeze %dma_start3A_889 : memref<1x16x512xf32, #tpu.memory_space<vmem>> -> memref<16x512xf32, #tpu.memory_space<vmem>>
    %dma_start3A_891 = arith.constant 0 : i32
    %dma_start3A_892 = tpu.memref_slice %arg4[%arg0, %dma_start3A_886, %add3A_1, %dma_start3A_891] : memref<2x32x512x512xf32, #tpu.memory_space<hbm>> -> memref<1x1x16x512xf32, #tpu.memory_space<hbm>>
    %dma_start3A_893 = tpu.memref_squeeze %dma_start3A_892 : memref<1x1x16x512xf32, #tpu.memory_space<hbm>> -> memref<16x512xf32, #tpu.memory_space<hbm>>
    %dma_start3A_894 = arith.constant 0 : i32
    %dma_start3A_895 = tpu.memref_slice %arg4[%arg0, %dma_start3A_886, %add3A_1, %dma_start3A_894] : memref<2x32x512x512xf32, #tpu.memory_space<hbm>> -> memref<1x1x16x512xf32, #tpu.memory_space<hbm>>
    %dma_start3A_896 = tpu.memref_squeeze %dma_start3A_895 : memref<1x1x16x512xf32, #tpu.memory_space<hbm>> -> memref<16x512xf32, #tpu.memory_space<hbm>>
    %dma_start3A_897 = arith.constant 0 : i32
    %dma_start3A_898 = arith.constant 0 : i32
    %dma_start3A_899 = tpu.memref_slice %arg5[%squeeze3A_885, %dma_start3A_897, %dma_start3A_898] : memref<8x16x512xf32, #tpu.memory_space<vmem>> -> memref<1x16x512xf32, #tpu.memory_space<vmem>>
    %dma_start3A_900 = tpu.memref_squeeze %dma_start3A_899 : memref<1x16x512xf32, #tpu.memory_space<vmem>> -> memref<16x512xf32, #tpu.memory_space<vmem>>
    tpu.enqueue_dma source(%dma_start3A_900 : memref<16x512xf32, #tpu.memory_space<vmem>>) target(%dma_start3A_896 : memref<16x512xf32, #tpu.memory_space<hbm>>) target_semaphore(%arg8 : memref<!tpu.dma_semaphore, #tpu.memory_space<semaphore_mem>>)
    %mul3A_901 = arith.constant 32 : i32
    %mul3A_902 = arith.muli %arg0, %mul3A_901 : i32
    %add3A_903 = arith.constant 27 : i32
    %add3A_904 = arith.addi %mul3A_902, %add3A_903 : i32
    %get3A_905 = arith.index_cast %add3A_904 : i32 to index
    %get3A_906 = tpu.vector_load %arg6[%get3A_905] {strides = array<i32>} : memref<80xi32, #tpu.memory_space<vmem>>, vector<16xi32>,
    %get3A_907 = vector.shape_cast %get3A_906 : vector<16xi32> to vector<16xi32>
    %slice3A_908 = vector.extract_strided_slice %get3A_907 {offsets = [0], sizes = [1], strides = [1]} : vector<16xi32> to vector<1xi32>
    %squeeze3A_909 = vector.extract %slice3A_908[0] : i32 from vector<1xi32>
    %dma_start3A_910 = arith.constant 27 : i32
    %dma_start3A_911 = arith.constant 0 : i32
    %dma_start3A_912 = arith.constant 0 : i32
    %dma_start3A_913 = tpu.memref_slice %arg5[%squeeze3A_909, %dma_start3A_911, %dma_start3A_912] : memref<8x16x512xf32, #tpu.memory_space<vmem>> -> memref<1x16x512xf32, #tpu.memory_space<vmem>>
    %dma_start3A_914 = tpu.memref_squeeze %dma_start3A_913 : memref<1x16x512xf32, #tpu.memory_space<vmem>> -> memref<16x512xf32, #tpu.memory_space<vmem>>
    %dma_start3A_915 = arith.constant 0 : i32
    %dma_start3A_916 = tpu.memref_slice %arg4[%arg0, %dma_start3A_910, %add3A_1, %dma_start3A_915] : memref<2x32x512x512xf32, #tpu.memory_space<hbm>> -> memref<1x1x16x512xf32, #tpu.memory_space<hbm>>
    %dma_start3A_917 = tpu.memref_squeeze %dma_start3A_916 : memref<1x1x16x512xf32, #tpu.memory_space<hbm>> -> memref<16x512xf32, #tpu.memory_space<hbm>>
    %dma_start3A_918 = arith.constant 0 : i32
    %dma_start3A_919 = tpu.memref_slice %arg4[%arg0, %dma_start3A_910, %add3A_1, %dma_start3A_918] : memref<2x32x512x512xf32, #tpu.memory_space<hbm>> -> memref<1x1x16x512xf32, #tpu.memory_space<hbm>>
    %dma_start3A_920 = tpu.memref_squeeze %dma_start3A_919 : memref<1x1x16x512xf32, #tpu.memory_space<hbm>> -> memref<16x512xf32, #tpu.memory_space<hbm>>
    %dma_start3A_921 = arith.constant 0 : i32
    %dma_start3A_922 = arith.constant 0 : i32
    %dma_start3A_923 = tpu.memref_slice %arg5[%squeeze3A_909, %dma_start3A_921, %dma_start3A_922] : memref<8x16x512xf32, #tpu.memory_space<vmem>> -> memref<1x16x512xf32, #tpu.memory_space<vmem>>
    %dma_start3A_924 = tpu.memref_squeeze %dma_start3A_923 : memref<1x16x512xf32, #tpu.memory_space<vmem>> -> memref<16x512xf32, #tpu.memory_space<vmem>>
    tpu.enqueue_dma source(%dma_start3A_924 : memref<16x512xf32, #tpu.memory_space<vmem>>) target(%dma_start3A_920 : memref<16x512xf32, #tpu.memory_space<hbm>>) target_semaphore(%arg8 : memref<!tpu.dma_semaphore, #tpu.memory_space<semaphore_mem>>)
    %mul3A_925 = arith.constant 32 : i32
    %mul3A_926 = arith.muli %arg0, %mul3A_925 : i32
    %add3A_927 = arith.constant 28 : i32
    %add3A_928 = arith.addi %mul3A_926, %add3A_927 : i32
    %get3A_929 = arith.index_cast %add3A_928 : i32 to index
    %get3A_930 = tpu.vector_load %arg6[%get3A_929] {strides = array<i32>} : memref<80xi32, #tpu.memory_space<vmem>>, vector<16xi32>,
    %get3A_931 = vector.shape_cast %get3A_930 : vector<16xi32> to vector<16xi32>
    %slice3A_932 = vector.extract_strided_slice %get3A_931 {offsets = [0], sizes = [1], strides = [1]} : vector<16xi32> to vector<1xi32>
    %squeeze3A_933 = vector.extract %slice3A_932[0] : i32 from vector<1xi32>
    %dma_start3A_934 = arith.constant 28 : i32
    %dma_start3A_935 = arith.constant 0 : i32
    %dma_start3A_936 = arith.constant 0 : i32
    %dma_start3A_937 = tpu.memref_slice %arg5[%squeeze3A_933, %dma_start3A_935, %dma_start3A_936] : memref<8x16x512xf32, #tpu.memory_space<vmem>> -> memref<1x16x512xf32, #tpu.memory_space<vmem>>
    %dma_start3A_938 = tpu.memref_squeeze %dma_start3A_937 : memref<1x16x512xf32, #tpu.memory_space<vmem>> -> memref<16x512xf32, #tpu.memory_space<vmem>>
    %dma_start3A_939 = arith.constant 0 : i32
    %dma_start3A_940 = tpu.memref_slice %arg4[%arg0, %dma_start3A_934, %add3A_1, %dma_start3A_939] : memref<2x32x512x512xf32, #tpu.memory_space<hbm>> -> memref<1x1x16x512xf32, #tpu.memory_space<hbm>>
    %dma_start3A_941 = tpu.memref_squeeze %dma_start3A_940 : memref<1x1x16x512xf32, #tpu.memory_space<hbm>> -> memref<16x512xf32, #tpu.memory_space<hbm>>
    %dma_start3A_942 = arith.constant 0 : i32
    %dma_start3A_943 = tpu.memref_slice %arg4[%arg0, %dma_start3A_934, %add3A_1, %dma_start3A_942] : memref<2x32x512x512xf32, #tpu.memory_space<hbm>> -> memref<1x1x16x512xf32, #tpu.memory_space<hbm>>
    %dma_start3A_944 = tpu.memref_squeeze %dma_start3A_943 : memref<1x1x16x512xf32, #tpu.memory_space<hbm>> -> memref<16x512xf32, #tpu.memory_space<hbm>>
    %dma_start3A_945 = arith.constant 0 : i32
    %dma_start3A_946 = arith.constant 0 : i32
    %dma_start3A_947 = tpu.memref_slice %arg5[%squeeze3A_933, %dma_start3A_945, %dma_start3A_946] : memref<8x16x512xf32, #tpu.memory_space<vmem>> -> memref<1x16x512xf32, #tpu.memory_space<vmem>>
    %dma_start3A_948 = tpu.memref_squeeze %dma_start3A_947 : memref<1x16x512xf32, #tpu.memory_space<vmem>> -> memref<16x512xf32, #tpu.memory_space<vmem>>
    tpu.enqueue_dma source(%dma_start3A_948 : memref<16x512xf32, #tpu.memory_space<vmem>>) target(%dma_start3A_944 : memref<16x512xf32, #tpu.memory_space<hbm>>) target_semaphore(%arg8 : memref<!tpu.dma_semaphore, #tpu.memory_space<semaphore_mem>>)
    %mul3A_949 = arith.constant 32 : i32
    %mul3A_950 = arith.muli %arg0, %mul3A_949 : i32
    %add3A_951 = arith.constant 29 : i32
    %add3A_952 = arith.addi %mul3A_950, %add3A_951 : i32
    %get3A_953 = arith.index_cast %add3A_952 : i32 to index
    %get3A_954 = tpu.vector_load %arg6[%get3A_953] {strides = array<i32>} : memref<80xi32, #tpu.memory_space<vmem>>, vector<16xi32>,
    %get3A_955 = vector.shape_cast %get3A_954 : vector<16xi32> to vector<16xi32>
    %slice3A_956 = vector.extract_strided_slice %get3A_955 {offsets = [0], sizes = [1], strides = [1]} : vector<16xi32> to vector<1xi32>
    %squeeze3A_957 = vector.extract %slice3A_956[0] : i32 from vector<1xi32>
    %dma_start3A_958 = arith.constant 29 : i32
    %dma_start3A_959 = arith.constant 0 : i32
    %dma_start3A_960 = arith.constant 0 : i32
    %dma_start3A_961 = tpu.memref_slice %arg5[%squeeze3A_957, %dma_start3A_959, %dma_start3A_960] : memref<8x16x512xf32, #tpu.memory_space<vmem>> -> memref<1x16x512xf32, #tpu.memory_space<vmem>>
    %dma_start3A_962 = tpu.memref_squeeze %dma_start3A_961 : memref<1x16x512xf32, #tpu.memory_space<vmem>> -> memref<16x512xf32, #tpu.memory_space<vmem>>
    %dma_start3A_963 = arith.constant 0 : i32
    %dma_start3A_964 = tpu.memref_slice %arg4[%arg0, %dma_start3A_958, %add3A_1, %dma_start3A_963] : memref<2x32x512x512xf32, #tpu.memory_space<hbm>> -> memref<1x1x16x512xf32, #tpu.memory_space<hbm>>
    %dma_start3A_965 = tpu.memref_squeeze %dma_start3A_964 : memref<1x1x16x512xf32, #tpu.memory_space<hbm>> -> memref<16x512xf32, #tpu.memory_space<hbm>>
    %dma_start3A_966 = arith.constant 0 : i32
    %dma_start3A_967 = tpu.memref_slice %arg4[%arg0, %dma_start3A_958, %add3A_1, %dma_start3A_966] : memref<2x32x512x512xf32, #tpu.memory_space<hbm>> -> memref<1x1x16x512xf32, #tpu.memory_space<hbm>>
    %dma_start3A_968 = tpu.memref_squeeze %dma_start3A_967 : memref<1x1x16x512xf32, #tpu.memory_space<hbm>> -> memref<16x512xf32, #tpu.memory_space<hbm>>
    %dma_start3A_969 = arith.constant 0 : i32
    %dma_start3A_970 = arith.constant 0 : i32
    %dma_start3A_971 = tpu.memref_slice %arg5[%squeeze3A_957, %dma_start3A_969, %dma_start3A_970] : memref<8x16x512xf32, #tpu.memory_space<vmem>> -> memref<1x16x512xf32, #tpu.memory_space<vmem>>
    %dma_start3A_972 = tpu.memref_squeeze %dma_start3A_971 : memref<1x16x512xf32, #tpu.memory_space<vmem>> -> memref<16x512xf32, #tpu.memory_space<vmem>>
    tpu.enqueue_dma source(%dma_start3A_972 : memref<16x512xf32, #tpu.memory_space<vmem>>) target(%dma_start3A_968 : memref<16x512xf32, #tpu.memory_space<hbm>>) target_semaphore(%arg8 : memref<!tpu.dma_semaphore, #tpu.memory_space<semaphore_mem>>)
    %mul3A_973 = arith.constant 32 : i32
    %mul3A_974 = arith.muli %arg0, %mul3A_973 : i32
    %add3A_975 = arith.constant 30 : i32
    %add3A_976 = arith.addi %mul3A_974, %add3A_975 : i32
    %get3A_977 = arith.index_cast %add3A_976 : i32 to index
    %get3A_978 = tpu.vector_load %arg6[%get3A_977] {strides = array<i32>} : memref<80xi32, #tpu.memory_space<vmem>>, vector<16xi32>,
    %get3A_979 = vector.shape_cast %get3A_978 : vector<16xi32> to vector<16xi32>
    %slice3A_980 = vector.extract_strided_slice %get3A_979 {offsets = [0], sizes = [1], strides = [1]} : vector<16xi32> to vector<1xi32>
    %squeeze3A_981 = vector.extract %slice3A_980[0] : i32 from vector<1xi32>
    %dma_start3A_982 = arith.constant 30 : i32
    %dma_start3A_983 = arith.constant 0 : i32
    %dma_start3A_984 = arith.constant 0 : i32
    %dma_start3A_985 = tpu.memref_slice %arg5[%squeeze3A_981, %dma_start3A_983, %dma_start3A_984] : memref<8x16x512xf32, #tpu.memory_space<vmem>> -> memref<1x16x512xf32, #tpu.memory_space<vmem>>
    %dma_start3A_986 = tpu.memref_squeeze %dma_start3A_985 : memref<1x16x512xf32, #tpu.memory_space<vmem>> -> memref<16x512xf32, #tpu.memory_space<vmem>>
    %dma_start3A_987 = arith.constant 0 : i32
    %dma_start3A_988 = tpu.memref_slice %arg4[%arg0, %dma_start3A_982, %add3A_1, %dma_start3A_987] : memref<2x32x512x512xf32, #tpu.memory_space<hbm>> -> memref<1x1x16x512xf32, #tpu.memory_space<hbm>>
    %dma_start3A_989 = tpu.memref_squeeze %dma_start3A_988 : memref<1x1x16x512xf32, #tpu.memory_space<hbm>> -> memref<16x512xf32, #tpu.memory_space<hbm>>
    %dma_start3A_990 = arith.constant 0 : i32
    %dma_start3A_991 = tpu.memref_slice %arg4[%arg0, %dma_start3A_982, %add3A_1, %dma_start3A_990] : memref<2x32x512x512xf32, #tpu.memory_space<hbm>> -> memref<1x1x16x512xf32, #tpu.memory_space<hbm>>
    %dma_start3A_992 = tpu.memref_squeeze %dma_start3A_991 : memref<1x1x16x512xf32, #tpu.memory_space<hbm>> -> memref<16x512xf32, #tpu.memory_space<hbm>>
    %dma_start3A_993 = arith.constant 0 : i32
    %dma_start3A_994 = arith.constant 0 : i32
    %dma_start3A_995 = tpu.memref_slice %arg5[%squeeze3A_981, %dma_start3A_993, %dma_start3A_994] : memref<8x16x512xf32, #tpu.memory_space<vmem>> -> memref<1x16x512xf32, #tpu.memory_space<vmem>>
    %dma_start3A_996 = tpu.memref_squeeze %dma_start3A_995 : memref<1x16x512xf32, #tpu.memory_space<vmem>> -> memref<16x512xf32, #tpu.memory_space<vmem>>
    tpu.enqueue_dma source(%dma_start3A_996 : memref<16x512xf32, #tpu.memory_space<vmem>>) target(%dma_start3A_992 : memref<16x512xf32, #tpu.memory_space<hbm>>) target_semaphore(%arg8 : memref<!tpu.dma_semaphore, #tpu.memory_space<semaphore_mem>>)
    %mul3A_997 = arith.constant 32 : i32
    %mul3A_998 = arith.muli %arg0, %mul3A_997 : i32
    %add3A_999 = arith.constant 31 : i32
    %add3A_1000 = arith.addi %mul3A_998, %add3A_999 : i32
    %get3A_1001 = arith.index_cast %add3A_1000 : i32 to index
    %get3A_1002 = tpu.vector_load %arg6[%get3A_1001] {strides = array<i32>} : memref<80xi32, #tpu.memory_space<vmem>>, vector<16xi32>,
    %get3A_1003 = vector.shape_cast %get3A_1002 : vector<16xi32> to vector<16xi32>
    %slice3A_1004 = vector.extract_strided_slice %get3A_1003 {offsets = [0], sizes = [1], strides = [1]} : vector<16xi32> to vector<1xi32>
    %squeeze3A_1005 = vector.extract %slice3A_1004[0] : i32 from vector<1xi32>
    %dma_start3A_1006 = arith.constant 31 : i32
    %dma_start3A_1007 = arith.constant 0 : i32
    %dma_start3A_1008 = arith.constant 0 : i32
    %dma_start3A_1009 = tpu.memref_slice %arg5[%squeeze3A_1005, %dma_start3A_1007, %dma_start3A_1008] : memref<8x16x512xf32, #tpu.memory_space<vmem>> -> memref<1x16x512xf32, #tpu.memory_space<vmem>>
    %dma_start3A_1010 = tpu.memref_squeeze %dma_start3A_1009 : memref<1x16x512xf32, #tpu.memory_space<vmem>> -> memref<16x512xf32, #tpu.memory_space<vmem>>
    %dma_start3A_1011 = arith.constant 0 : i32
    %dma_start3A_1012 = tpu.memref_slice %arg4[%arg0, %dma_start3A_1006, %add3A_1, %dma_start3A_1011] : memref<2x32x512x512xf32, #tpu.memory_space<hbm>> -> memref<1x1x16x512xf32, #tpu.memory_space<hbm>>
    %dma_start3A_1013 = tpu.memref_squeeze %dma_start3A_1012 : memref<1x1x16x512xf32, #tpu.memory_space<hbm>> -> memref<16x512xf32, #tpu.memory_space<hbm>>
    %dma_start3A_1014 = arith.constant 0 : i32
    %dma_start3A_1015 = tpu.memref_slice %arg4[%arg0, %dma_start3A_1006, %add3A_1, %dma_start3A_1014] : memref<2x32x512x512xf32, #tpu.memory_space<hbm>> -> memref<1x1x16x512xf32, #tpu.memory_space<hbm>>
    %dma_start3A_1016 = tpu.memref_squeeze %dma_start3A_1015 : memref<1x1x16x512xf32, #tpu.memory_space<hbm>> -> memref<16x512xf32, #tpu.memory_space<hbm>>
    %dma_start3A_1017 = arith.constant 0 : i32
    %dma_start3A_1018 = arith.constant 0 : i32
    %dma_start3A_1019 = tpu.memref_slice %arg5[%squeeze3A_1005, %dma_start3A_1017, %dma_start3A_1018] : memref<8x16x512xf32, #tpu.memory_space<vmem>> -> memref<1x16x512xf32, #tpu.memory_space<vmem>>
    %dma_start3A_1020 = tpu.memref_squeeze %dma_start3A_1019 : memref<1x16x512xf32, #tpu.memory_space<vmem>> -> memref<16x512xf32, #tpu.memory_space<vmem>>
    tpu.enqueue_dma source(%dma_start3A_1020 : memref<16x512xf32, #tpu.memory_space<vmem>>) target(%dma_start3A_1016 : memref<16x512xf32, #tpu.memory_space<hbm>>) target_semaphore(%arg8 : memref<!tpu.dma_semaphore, #tpu.memory_space<semaphore_mem>>)
    %scan3A = arith.constant 0 : i32
    %scan3A_1021 = arith.constant 0 : i32
    %scan3A_1022 = arith.constant 32 : i32
    %scan3A_1023 = arith.addi %scan3A_1021, %scan3A_1022 : i32
    %scan3A_1024 = arith.constant 1 : i32
    scf.for %scan3A_2060 = %scan3A_1021 to %scan3A_1023 step %scan3A_1024  : i32 {
      %dma_wait3A_2061 = arith.constant 0 : i32
      %dma_wait3A_2062 = arith.constant 0 : i32
      %dma_wait3A_2063 = arith.constant 0 : i32
      %dma_wait3A_2064 = arith.constant 0 : i32
      %dma_wait3A_2065 = arith.constant 0 : i32
      %dma_wait3A_2066 = tpu.memref_slice %arg5[%dma_wait3A_2061, %dma_wait3A_2064, %dma_wait3A_2065] : memref<8x16x512xf32, #tpu.memory_space<vmem>> -> memref<1x16x512xf32, #tpu.memory_space<vmem>>
      %dma_wait3A_2067 = tpu.memref_squeeze %dma_wait3A_2066 : memref<1x16x512xf32, #tpu.memory_space<vmem>> -> memref<16x512xf32, #tpu.memory_space<vmem>>
      %dma_wait3A_2068 = arith.constant 0 : i32
      %dma_wait3A_2069 = tpu.memref_slice %arg4[%dma_wait3A_2062, %dma_wait3A_2063, %add3A_1, %dma_wait3A_2068] : memref<2x32x512x512xf32, #tpu.memory_space<hbm>> -> memref<1x1x16x512xf32, #tpu.memory_space<hbm>>
      %dma_wait3A_2070 = tpu.memref_squeeze %dma_wait3A_2069 : memref<1x1x16x512xf32, #tpu.memory_space<hbm>> -> memref<16x512xf32, #tpu.memory_space<hbm>>
      %dma_wait3A_2071 = arith.constant 0 : i32
      %dma_wait3A_2072 = tpu.memref_slice %arg4[%dma_wait3A_2062, %dma_wait3A_2063, %add3A_1, %dma_wait3A_2071] : memref<2x32x512x512xf32, #tpu.memory_space<hbm>> -> memref<1x1x16x512xf32, #tpu.memory_space<hbm>>
      %dma_wait3A_2073 = tpu.memref_squeeze %dma_wait3A_2072 : memref<1x1x16x512xf32, #tpu.memory_space<hbm>> -> memref<16x512xf32, #tpu.memory_space<hbm>>
      %dma_wait3A_2074 = arith.constant 0 : i32
      %dma_wait3A_2075 = arith.constant 0 : i32
      %dma_wait3A_2076 = tpu.memref_slice %arg5[%dma_wait3A_2061, %dma_wait3A_2074, %dma_wait3A_2075] : memref<8x16x512xf32, #tpu.memory_space<vmem>> -> memref<1x16x512xf32, #tpu.memory_space<vmem>>
      %dma_wait3A_2077 = tpu.memref_squeeze %dma_wait3A_2076 : memref<1x16x512xf32, #tpu.memory_space<vmem>> -> memref<16x512xf32, #tpu.memory_space<vmem>>
      tpu.wait_dma2 semaphore(%arg8 : memref<!tpu.dma_semaphore, #tpu.memory_space<semaphore_mem>>) src(%dma_wait3A_2077 : memref<16x512xf32, #tpu.memory_space<vmem>>) dst(%dma_wait3A_2073 : memref<16x512xf32, #tpu.memory_space<hbm>>)
    }
    %scan3A_1025 = arith.constant 32 : i32
    %mul3A_1026 = arith.constant 32 : i32
    %mul3A_1027 = arith.muli %arg1, %mul3A_1026 : i32
    %add3A_1028 = arith.constant 16 : i32
    %add3A_1029 = arith.addi %mul3A_1027, %add3A_1028 : i32
    %dma_start3A_1030 = arith.constant 0 : i32
    %dma_start3A_1031 = arith.constant 0 : i32
    %dma_start3A_1032 = arith.constant 0 : i32
    %dma_start3A_1033 = arith.constant 0 : i32
    %dma_start3A_1034 = tpu.memref_slice %arg5[%dma_start3A_1031, %dma_start3A_1032, %dma_start3A_1033] : memref<8x16x512xf32, #tpu.memory_space<vmem>> -> memref<1x16x512xf32, #tpu.memory_space<vmem>>
    %dma_start3A_1035 = tpu.memref_squeeze %dma_start3A_1034 : memref<1x16x512xf32, #tpu.memory_space<vmem>> -> memref<16x512xf32, #tpu.memory_space<vmem>>
    %dma_start3A_1036 = arith.constant 0 : i32
    %dma_start3A_1037 = tpu.memref_slice %arg2[%dma_start3A_1030, %add3A_1029, %dma_start3A_1036] : memref<8x512x512xf32, #tpu.memory_space<hbm>> -> memref<1x16x512xf32, #tpu.memory_space<hbm>>
    %dma_start3A_1038 = tpu.memref_squeeze %dma_start3A_1037 : memref<1x16x512xf32, #tpu.memory_space<hbm>> -> memref<16x512xf32, #tpu.memory_space<hbm>>
    %dma_start3A_1039 = arith.constant 0 : i32
    %dma_start3A_1040 = arith.constant 0 : i32
    %dma_start3A_1041 = tpu.memref_slice %arg5[%dma_start3A_1031, %dma_start3A_1039, %dma_start3A_1040] : memref<8x16x512xf32, #tpu.memory_space<vmem>> -> memref<1x16x512xf32, #tpu.memory_space<vmem>>
    %dma_start3A_1042 = tpu.memref_squeeze %dma_start3A_1041 : memref<1x16x512xf32, #tpu.memory_space<vmem>> -> memref<16x512xf32, #tpu.memory_space<vmem>>
    %dma_start3A_1043 = arith.constant 0 : i32
    %dma_start3A_1044 = tpu.memref_slice %arg2[%dma_start3A_1030, %add3A_1029, %dma_start3A_1043] : memref<8x512x512xf32, #tpu.memory_space<hbm>> -> memref<1x16x512xf32, #tpu.memory_space<hbm>>
    %dma_start3A_1045 = tpu.memref_squeeze %dma_start3A_1044 : memref<1x16x512xf32, #tpu.memory_space<hbm>> -> memref<16x512xf32, #tpu.memory_space<hbm>>
    tpu.enqueue_dma source(%dma_start3A_1045 : memref<16x512xf32, #tpu.memory_space<hbm>>) target(%dma_start3A_1042 : memref<16x512xf32, #tpu.memory_space<vmem>>) target_semaphore(%arg7 : memref<!tpu.dma_semaphore, #tpu.memory_space<semaphore_mem>>)
    %dma_start3A_1046 = arith.constant 1 : i32
    %dma_start3A_1047 = arith.constant 1 : i32
    %dma_start3A_1048 = arith.constant 0 : i32
    %dma_start3A_1049 = arith.constant 0 : i32
    %dma_start3A_1050 = tpu.memref_slice %arg5[%dma_start3A_1047, %dma_start3A_1048, %dma_start3A_1049] : memref<8x16x512xf32, #tpu.memory_space<vmem>> -> memref<1x16x512xf32, #tpu.memory_space<vmem>>
    %dma_start3A_1051 = tpu.memref_squeeze %dma_start3A_1050 : memref<1x16x512xf32, #tpu.memory_space<vmem>> -> memref<16x512xf32, #tpu.memory_space<vmem>>
    %dma_start3A_1052 = arith.constant 0 : i32
    %dma_start3A_1053 = tpu.memref_slice %arg2[%dma_start3A_1046, %add3A_1029, %dma_start3A_1052] : memref<8x512x512xf32, #tpu.memory_space<hbm>> -> memref<1x16x512xf32, #tpu.memory_space<hbm>>
    %dma_start3A_1054 = tpu.memref_squeeze %dma_start3A_1053 : memref<1x16x512xf32, #tpu.memory_space<hbm>> -> memref<16x512xf32, #tpu.memory_space<hbm>>
    %dma_start3A_1055 = arith.constant 0 : i32
    %dma_start3A_1056 = arith.constant 0 : i32
    %dma_start3A_1057 = tpu.memref_slice %arg5[%dma_start3A_1047, %dma_start3A_1055, %dma_start3A_1056] : memref<8x16x512xf32, #tpu.memory_space<vmem>> -> memref<1x16x512xf32, #tpu.memory_space<vmem>>
    %dma_start3A_1058 = tpu.memref_squeeze %dma_start3A_1057 : memref<1x16x512xf32, #tpu.memory_space<vmem>> -> memref<16x512xf32, #tpu.memory_space<vmem>>
    %dma_start3A_1059 = arith.constant 0 : i32
    %dma_start3A_1060 = tpu.memref_slice %arg2[%dma_start3A_1046, %add3A_1029, %dma_start3A_1059] : memref<8x512x512xf32, #tpu.memory_space<hbm>> -> memref<1x16x512xf32, #tpu.memory_space<hbm>>
    %dma_start3A_1061 = tpu.memref_squeeze %dma_start3A_1060 : memref<1x16x512xf32, #tpu.memory_space<hbm>> -> memref<16x512xf32, #tpu.memory_space<hbm>>
    tpu.enqueue_dma source(%dma_start3A_1061 : memref<16x512xf32, #tpu.memory_space<hbm>>) target(%dma_start3A_1058 : memref<16x512xf32, #tpu.memory_space<vmem>>) target_semaphore(%arg7 : memref<!tpu.dma_semaphore, #tpu.memory_space<semaphore_mem>>)
    %dma_start3A_1062 = arith.constant 2 : i32
    %dma_start3A_1063 = arith.constant 2 : i32
    %dma_start3A_1064 = arith.constant 0 : i32
    %dma_start3A_1065 = arith.constant 0 : i32
    %dma_start3A_1066 = tpu.memref_slice %arg5[%dma_start3A_1063, %dma_start3A_1064, %dma_start3A_1065] : memref<8x16x512xf32, #tpu.memory_space<vmem>> -> memref<1x16x512xf32, #tpu.memory_space<vmem>>
    %dma_start3A_1067 = tpu.memref_squeeze %dma_start3A_1066 : memref<1x16x512xf32, #tpu.memory_space<vmem>> -> memref<16x512xf32, #tpu.memory_space<vmem>>
    %dma_start3A_1068 = arith.constant 0 : i32
    %dma_start3A_1069 = tpu.memref_slice %arg2[%dma_start3A_1062, %add3A_1029, %dma_start3A_1068] : memref<8x512x512xf32, #tpu.memory_space<hbm>> -> memref<1x16x512xf32, #tpu.memory_space<hbm>>
    %dma_start3A_1070 = tpu.memref_squeeze %dma_start3A_1069 : memref<1x16x512xf32, #tpu.memory_space<hbm>> -> memref<16x512xf32, #tpu.memory_space<hbm>>
    %dma_start3A_1071 = arith.constant 0 : i32
    %dma_start3A_1072 = arith.constant 0 : i32
    %dma_start3A_1073 = tpu.memref_slice %arg5[%dma_start3A_1063, %dma_start3A_1071, %dma_start3A_1072] : memref<8x16x512xf32, #tpu.memory_space<vmem>> -> memref<1x16x512xf32, #tpu.memory_space<vmem>>
    %dma_start3A_1074 = tpu.memref_squeeze %dma_start3A_1073 : memref<1x16x512xf32, #tpu.memory_space<vmem>> -> memref<16x512xf32, #tpu.memory_space<vmem>>
    %dma_start3A_1075 = arith.constant 0 : i32
    %dma_start3A_1076 = tpu.memref_slice %arg2[%dma_start3A_1062, %add3A_1029, %dma_start3A_1075] : memref<8x512x512xf32, #tpu.memory_space<hbm>> -> memref<1x16x512xf32, #tpu.memory_space<hbm>>
    %dma_start3A_1077 = tpu.memref_squeeze %dma_start3A_1076 : memref<1x16x512xf32, #tpu.memory_space<hbm>> -> memref<16x512xf32, #tpu.memory_space<hbm>>
    tpu.enqueue_dma source(%dma_start3A_1077 : memref<16x512xf32, #tpu.memory_space<hbm>>) target(%dma_start3A_1074 : memref<16x512xf32, #tpu.memory_space<vmem>>) target_semaphore(%arg7 : memref<!tpu.dma_semaphore, #tpu.memory_space<semaphore_mem>>)
    %dma_start3A_1078 = arith.constant 3 : i32
    %dma_start3A_1079 = arith.constant 3 : i32
    %dma_start3A_1080 = arith.constant 0 : i32
    %dma_start3A_1081 = arith.constant 0 : i32
    %dma_start3A_1082 = tpu.memref_slice %arg5[%dma_start3A_1079, %dma_start3A_1080, %dma_start3A_1081] : memref<8x16x512xf32, #tpu.memory_space<vmem>> -> memref<1x16x512xf32, #tpu.memory_space<vmem>>
    %dma_start3A_1083 = tpu.memref_squeeze %dma_start3A_1082 : memref<1x16x512xf32, #tpu.memory_space<vmem>> -> memref<16x512xf32, #tpu.memory_space<vmem>>
    %dma_start3A_1084 = arith.constant 0 : i32
    %dma_start3A_1085 = tpu.memref_slice %arg2[%dma_start3A_1078, %add3A_1029, %dma_start3A_1084] : memref<8x512x512xf32, #tpu.memory_space<hbm>> -> memref<1x16x512xf32, #tpu.memory_space<hbm>>
    %dma_start3A_1086 = tpu.memref_squeeze %dma_start3A_1085 : memref<1x16x512xf32, #tpu.memory_space<hbm>> -> memref<16x512xf32, #tpu.memory_space<hbm>>
    %dma_start3A_1087 = arith.constant 0 : i32
    %dma_start3A_1088 = arith.constant 0 : i32
    %dma_start3A_1089 = tpu.memref_slice %arg5[%dma_start3A_1079, %dma_start3A_1087, %dma_start3A_1088] : memref<8x16x512xf32, #tpu.memory_space<vmem>> -> memref<1x16x512xf32, #tpu.memory_space<vmem>>
    %dma_start3A_1090 = tpu.memref_squeeze %dma_start3A_1089 : memref<1x16x512xf32, #tpu.memory_space<vmem>> -> memref<16x512xf32, #tpu.memory_space<vmem>>
    %dma_start3A_1091 = arith.constant 0 : i32
    %dma_start3A_1092 = tpu.memref_slice %arg2[%dma_start3A_1078, %add3A_1029, %dma_start3A_1091] : memref<8x512x512xf32, #tpu.memory_space<hbm>> -> memref<1x16x512xf32, #tpu.memory_space<hbm>>
    %dma_start3A_1093 = tpu.memref_squeeze %dma_start3A_1092 : memref<1x16x512xf32, #tpu.memory_space<hbm>> -> memref<16x512xf32, #tpu.memory_space<hbm>>
    tpu.enqueue_dma source(%dma_start3A_1093 : memref<16x512xf32, #tpu.memory_space<hbm>>) target(%dma_start3A_1090 : memref<16x512xf32, #tpu.memory_space<vmem>>) target_semaphore(%arg7 : memref<!tpu.dma_semaphore, #tpu.memory_space<semaphore_mem>>)
    %dma_start3A_1094 = arith.constant 4 : i32
    %dma_start3A_1095 = arith.constant 4 : i32
    %dma_start3A_1096 = arith.constant 0 : i32
    %dma_start3A_1097 = arith.constant 0 : i32
    %dma_start3A_1098 = tpu.memref_slice %arg5[%dma_start3A_1095, %dma_start3A_1096, %dma_start3A_1097] : memref<8x16x512xf32, #tpu.memory_space<vmem>> -> memref<1x16x512xf32, #tpu.memory_space<vmem>>
    %dma_start3A_1099 = tpu.memref_squeeze %dma_start3A_1098 : memref<1x16x512xf32, #tpu.memory_space<vmem>> -> memref<16x512xf32, #tpu.memory_space<vmem>>
    %dma_start3A_1100 = arith.constant 0 : i32
    %dma_start3A_1101 = tpu.memref_slice %arg2[%dma_start3A_1094, %add3A_1029, %dma_start3A_1100] : memref<8x512x512xf32, #tpu.memory_space<hbm>> -> memref<1x16x512xf32, #tpu.memory_space<hbm>>
    %dma_start3A_1102 = tpu.memref_squeeze %dma_start3A_1101 : memref<1x16x512xf32, #tpu.memory_space<hbm>> -> memref<16x512xf32, #tpu.memory_space<hbm>>
    %dma_start3A_1103 = arith.constant 0 : i32
    %dma_start3A_1104 = arith.constant 0 : i32
    %dma_start3A_1105 = tpu.memref_slice %arg5[%dma_start3A_1095, %dma_start3A_1103, %dma_start3A_1104] : memref<8x16x512xf32, #tpu.memory_space<vmem>> -> memref<1x16x512xf32, #tpu.memory_space<vmem>>
    %dma_start3A_1106 = tpu.memref_squeeze %dma_start3A_1105 : memref<1x16x512xf32, #tpu.memory_space<vmem>> -> memref<16x512xf32, #tpu.memory_space<vmem>>
    %dma_start3A_1107 = arith.constant 0 : i32
    %dma_start3A_1108 = tpu.memref_slice %arg2[%dma_start3A_1094, %add3A_1029, %dma_start3A_1107] : memref<8x512x512xf32, #tpu.memory_space<hbm>> -> memref<1x16x512xf32, #tpu.memory_space<hbm>>
    %dma_start3A_1109 = tpu.memref_squeeze %dma_start3A_1108 : memref<1x16x512xf32, #tpu.memory_space<hbm>> -> memref<16x512xf32, #tpu.memory_space<hbm>>
    tpu.enqueue_dma source(%dma_start3A_1109 : memref<16x512xf32, #tpu.memory_space<hbm>>) target(%dma_start3A_1106 : memref<16x512xf32, #tpu.memory_space<vmem>>) target_semaphore(%arg7 : memref<!tpu.dma_semaphore, #tpu.memory_space<semaphore_mem>>)
    %dma_start3A_1110 = arith.constant 5 : i32
    %dma_start3A_1111 = arith.constant 5 : i32
    %dma_start3A_1112 = arith.constant 0 : i32
    %dma_start3A_1113 = arith.constant 0 : i32
    %dma_start3A_1114 = tpu.memref_slice %arg5[%dma_start3A_1111, %dma_start3A_1112, %dma_start3A_1113] : memref<8x16x512xf32, #tpu.memory_space<vmem>> -> memref<1x16x512xf32, #tpu.memory_space<vmem>>
    %dma_start3A_1115 = tpu.memref_squeeze %dma_start3A_1114 : memref<1x16x512xf32, #tpu.memory_space<vmem>> -> memref<16x512xf32, #tpu.memory_space<vmem>>
    %dma_start3A_1116 = arith.constant 0 : i32
    %dma_start3A_1117 = tpu.memref_slice %arg2[%dma_start3A_1110, %add3A_1029, %dma_start3A_1116] : memref<8x512x512xf32, #tpu.memory_space<hbm>> -> memref<1x16x512xf32, #tpu.memory_space<hbm>>
    %dma_start3A_1118 = tpu.memref_squeeze %dma_start3A_1117 : memref<1x16x512xf32, #tpu.memory_space<hbm>> -> memref<16x512xf32, #tpu.memory_space<hbm>>
    %dma_start3A_1119 = arith.constant 0 : i32
    %dma_start3A_1120 = arith.constant 0 : i32
    %dma_start3A_1121 = tpu.memref_slice %arg5[%dma_start3A_1111, %dma_start3A_1119, %dma_start3A_1120] : memref<8x16x512xf32, #tpu.memory_space<vmem>> -> memref<1x16x512xf32, #tpu.memory_space<vmem>>
    %dma_start3A_1122 = tpu.memref_squeeze %dma_start3A_1121 : memref<1x16x512xf32, #tpu.memory_space<vmem>> -> memref<16x512xf32, #tpu.memory_space<vmem>>
    %dma_start3A_1123 = arith.constant 0 : i32
    %dma_start3A_1124 = tpu.memref_slice %arg2[%dma_start3A_1110, %add3A_1029, %dma_start3A_1123] : memref<8x512x512xf32, #tpu.memory_space<hbm>> -> memref<1x16x512xf32, #tpu.memory_space<hbm>>
    %dma_start3A_1125 = tpu.memref_squeeze %dma_start3A_1124 : memref<1x16x512xf32, #tpu.memory_space<hbm>> -> memref<16x512xf32, #tpu.memory_space<hbm>>
    tpu.enqueue_dma source(%dma_start3A_1125 : memref<16x512xf32, #tpu.memory_space<hbm>>) target(%dma_start3A_1122 : memref<16x512xf32, #tpu.memory_space<vmem>>) target_semaphore(%arg7 : memref<!tpu.dma_semaphore, #tpu.memory_space<semaphore_mem>>)
    %dma_start3A_1126 = arith.constant 6 : i32
    %dma_start3A_1127 = arith.constant 6 : i32
    %dma_start3A_1128 = arith.constant 0 : i32
    %dma_start3A_1129 = arith.constant 0 : i32
    %dma_start3A_1130 = tpu.memref_slice %arg5[%dma_start3A_1127, %dma_start3A_1128, %dma_start3A_1129] : memref<8x16x512xf32, #tpu.memory_space<vmem>> -> memref<1x16x512xf32, #tpu.memory_space<vmem>>
    %dma_start3A_1131 = tpu.memref_squeeze %dma_start3A_1130 : memref<1x16x512xf32, #tpu.memory_space<vmem>> -> memref<16x512xf32, #tpu.memory_space<vmem>>
    %dma_start3A_1132 = arith.constant 0 : i32
    %dma_start3A_1133 = tpu.memref_slice %arg2[%dma_start3A_1126, %add3A_1029, %dma_start3A_1132] : memref<8x512x512xf32, #tpu.memory_space<hbm>> -> memref<1x16x512xf32, #tpu.memory_space<hbm>>
    %dma_start3A_1134 = tpu.memref_squeeze %dma_start3A_1133 : memref<1x16x512xf32, #tpu.memory_space<hbm>> -> memref<16x512xf32, #tpu.memory_space<hbm>>
    %dma_start3A_1135 = arith.constant 0 : i32
    %dma_start3A_1136 = arith.constant 0 : i32
    %dma_start3A_1137 = tpu.memref_slice %arg5[%dma_start3A_1127, %dma_start3A_1135, %dma_start3A_1136] : memref<8x16x512xf32, #tpu.memory_space<vmem>> -> memref<1x16x512xf32, #tpu.memory_space<vmem>>
    %dma_start3A_1138 = tpu.memref_squeeze %dma_start3A_1137 : memref<1x16x512xf32, #tpu.memory_space<vmem>> -> memref<16x512xf32, #tpu.memory_space<vmem>>
    %dma_start3A_1139 = arith.constant 0 : i32
    %dma_start3A_1140 = tpu.memref_slice %arg2[%dma_start3A_1126, %add3A_1029, %dma_start3A_1139] : memref<8x512x512xf32, #tpu.memory_space<hbm>> -> memref<1x16x512xf32, #tpu.memory_space<hbm>>
    %dma_start3A_1141 = tpu.memref_squeeze %dma_start3A_1140 : memref<1x16x512xf32, #tpu.memory_space<hbm>> -> memref<16x512xf32, #tpu.memory_space<hbm>>
    tpu.enqueue_dma source(%dma_start3A_1141 : memref<16x512xf32, #tpu.memory_space<hbm>>) target(%dma_start3A_1138 : memref<16x512xf32, #tpu.memory_space<vmem>>) target_semaphore(%arg7 : memref<!tpu.dma_semaphore, #tpu.memory_space<semaphore_mem>>)
    %dma_start3A_1142 = arith.constant 7 : i32
    %dma_start3A_1143 = arith.constant 7 : i32
    %dma_start3A_1144 = arith.constant 0 : i32
    %dma_start3A_1145 = arith.constant 0 : i32
    %dma_start3A_1146 = tpu.memref_slice %arg5[%dma_start3A_1143, %dma_start3A_1144, %dma_start3A_1145] : memref<8x16x512xf32, #tpu.memory_space<vmem>> -> memref<1x16x512xf32, #tpu.memory_space<vmem>>
    %dma_start3A_1147 = tpu.memref_squeeze %dma_start3A_1146 : memref<1x16x512xf32, #tpu.memory_space<vmem>> -> memref<16x512xf32, #tpu.memory_space<vmem>>
    %dma_start3A_1148 = arith.constant 0 : i32
    %dma_start3A_1149 = tpu.memref_slice %arg2[%dma_start3A_1142, %add3A_1029, %dma_start3A_1148] : memref<8x512x512xf32, #tpu.memory_space<hbm>> -> memref<1x16x512xf32, #tpu.memory_space<hbm>>
    %dma_start3A_1150 = tpu.memref_squeeze %dma_start3A_1149 : memref<1x16x512xf32, #tpu.memory_space<hbm>> -> memref<16x512xf32, #tpu.memory_space<hbm>>
    %dma_start3A_1151 = arith.constant 0 : i32
    %dma_start3A_1152 = arith.constant 0 : i32
    %dma_start3A_1153 = tpu.memref_slice %arg5[%dma_start3A_1143, %dma_start3A_1151, %dma_start3A_1152] : memref<8x16x512xf32, #tpu.memory_space<vmem>> -> memref<1x16x512xf32, #tpu.memory_space<vmem>>
    %dma_start3A_1154 = tpu.memref_squeeze %dma_start3A_1153 : memref<1x16x512xf32, #tpu.memory_space<vmem>> -> memref<16x512xf32, #tpu.memory_space<vmem>>
    %dma_start3A_1155 = arith.constant 0 : i32
    %dma_start3A_1156 = tpu.memref_slice %arg2[%dma_start3A_1142, %add3A_1029, %dma_start3A_1155] : memref<8x512x512xf32, #tpu.memory_space<hbm>> -> memref<1x16x512xf32, #tpu.memory_space<hbm>>
    %dma_start3A_1157 = tpu.memref_squeeze %dma_start3A_1156 : memref<1x16x512xf32, #tpu.memory_space<hbm>> -> memref<16x512xf32, #tpu.memory_space<hbm>>
    tpu.enqueue_dma source(%dma_start3A_1157 : memref<16x512xf32, #tpu.memory_space<hbm>>) target(%dma_start3A_1154 : memref<16x512xf32, #tpu.memory_space<vmem>>) target_semaphore(%arg7 : memref<!tpu.dma_semaphore, #tpu.memory_space<semaphore_mem>>)
    %dma_wait3A_1158 = arith.constant 0 : i32
    %dma_wait3A_1159 = arith.constant 0 : i32
    %dma_wait3A_1160 = arith.constant 0 : i32
    %dma_wait3A_1161 = arith.constant 0 : i32
    %dma_wait3A_1162 = tpu.memref_slice %arg5[%dma_wait3A_1159, %dma_wait3A_1160, %dma_wait3A_1161] : memref<8x16x512xf32, #tpu.memory_space<vmem>> -> memref<1x16x512xf32, #tpu.memory_space<vmem>>
    %dma_wait3A_1163 = tpu.memref_squeeze %dma_wait3A_1162 : memref<1x16x512xf32, #tpu.memory_space<vmem>> -> memref<16x512xf32, #tpu.memory_space<vmem>>
    %dma_wait3A_1164 = arith.constant 0 : i32
    %dma_wait3A_1165 = tpu.memref_slice %arg2[%dma_wait3A_1158, %add3A_1029, %dma_wait3A_1164] : memref<8x512x512xf32, #tpu.memory_space<hbm>> -> memref<1x16x512xf32, #tpu.memory_space<hbm>>
    %dma_wait3A_1166 = tpu.memref_squeeze %dma_wait3A_1165 : memref<1x16x512xf32, #tpu.memory_space<hbm>> -> memref<16x512xf32, #tpu.memory_space<hbm>>
    %dma_wait3A_1167 = arith.constant 0 : i32
    %dma_wait3A_1168 = arith.constant 0 : i32
    %dma_wait3A_1169 = tpu.memref_slice %arg5[%dma_wait3A_1159, %dma_wait3A_1167, %dma_wait3A_1168] : memref<8x16x512xf32, #tpu.memory_space<vmem>> -> memref<1x16x512xf32, #tpu.memory_space<vmem>>
    %dma_wait3A_1170 = tpu.memref_squeeze %dma_wait3A_1169 : memref<1x16x512xf32, #tpu.memory_space<vmem>> -> memref<16x512xf32, #tpu.memory_space<vmem>>
    %dma_wait3A_1171 = arith.constant 0 : i32
    %dma_wait3A_1172 = tpu.memref_slice %arg2[%dma_wait3A_1158, %add3A_1029, %dma_wait3A_1171] : memref<8x512x512xf32, #tpu.memory_space<hbm>> -> memref<1x16x512xf32, #tpu.memory_space<hbm>>
    %dma_wait3A_1173 = tpu.memref_squeeze %dma_wait3A_1172 : memref<1x16x512xf32, #tpu.memory_space<hbm>> -> memref<16x512xf32, #tpu.memory_space<hbm>>
    tpu.wait_dma2 semaphore(%arg7 : memref<!tpu.dma_semaphore, #tpu.memory_space<semaphore_mem>>) src(%dma_wait3A_1173 : memref<16x512xf32, #tpu.memory_space<hbm>>) dst(%dma_wait3A_1170 : memref<16x512xf32, #tpu.memory_space<vmem>>)
    %dma_wait3A_1174 = arith.constant 0 : i32
    %dma_wait3A_1175 = arith.constant 0 : i32
    %dma_wait3A_1176 = arith.constant 0 : i32
    %dma_wait3A_1177 = arith.constant 0 : i32
    %dma_wait3A_1178 = tpu.memref_slice %arg5[%dma_wait3A_1175, %dma_wait3A_1176, %dma_wait3A_1177] : memref<8x16x512xf32, #tpu.memory_space<vmem>> -> memref<1x16x512xf32, #tpu.memory_space<vmem>>
    %dma_wait3A_1179 = tpu.memref_squeeze %dma_wait3A_1178 : memref<1x16x512xf32, #tpu.memory_space<vmem>> -> memref<16x512xf32, #tpu.memory_space<vmem>>
    %dma_wait3A_1180 = arith.constant 0 : i32
    %dma_wait3A_1181 = tpu.memref_slice %arg2[%dma_wait3A_1174, %add3A_1029, %dma_wait3A_1180] : memref<8x512x512xf32, #tpu.memory_space<hbm>> -> memref<1x16x512xf32, #tpu.memory_space<hbm>>
    %dma_wait3A_1182 = tpu.memref_squeeze %dma_wait3A_1181 : memref<1x16x512xf32, #tpu.memory_space<hbm>> -> memref<16x512xf32, #tpu.memory_space<hbm>>
    %dma_wait3A_1183 = arith.constant 0 : i32
    %dma_wait3A_1184 = arith.constant 0 : i32
    %dma_wait3A_1185 = tpu.memref_slice %arg5[%dma_wait3A_1175, %dma_wait3A_1183, %dma_wait3A_1184] : memref<8x16x512xf32, #tpu.memory_space<vmem>> -> memref<1x16x512xf32, #tpu.memory_space<vmem>>
    %dma_wait3A_1186 = tpu.memref_squeeze %dma_wait3A_1185 : memref<1x16x512xf32, #tpu.memory_space<vmem>> -> memref<16x512xf32, #tpu.memory_space<vmem>>
    %dma_wait3A_1187 = arith.constant 0 : i32
    %dma_wait3A_1188 = tpu.memref_slice %arg2[%dma_wait3A_1174, %add3A_1029, %dma_wait3A_1187] : memref<8x512x512xf32, #tpu.memory_space<hbm>> -> memref<1x16x512xf32, #tpu.memory_space<hbm>>
    %dma_wait3A_1189 = tpu.memref_squeeze %dma_wait3A_1188 : memref<1x16x512xf32, #tpu.memory_space<hbm>> -> memref<16x512xf32, #tpu.memory_space<hbm>>
    tpu.wait_dma2 semaphore(%arg7 : memref<!tpu.dma_semaphore, #tpu.memory_space<semaphore_mem>>) src(%dma_wait3A_1189 : memref<16x512xf32, #tpu.memory_space<hbm>>) dst(%dma_wait3A_1186 : memref<16x512xf32, #tpu.memory_space<vmem>>)
    %dma_wait3A_1190 = arith.constant 0 : i32
    %dma_wait3A_1191 = arith.constant 0 : i32
    %dma_wait3A_1192 = arith.constant 0 : i32
    %dma_wait3A_1193 = arith.constant 0 : i32
    %dma_wait3A_1194 = tpu.memref_slice %arg5[%dma_wait3A_1191, %dma_wait3A_1192, %dma_wait3A_1193] : memref<8x16x512xf32, #tpu.memory_space<vmem>> -> memref<1x16x512xf32, #tpu.memory_space<vmem>>
    %dma_wait3A_1195 = tpu.memref_squeeze %dma_wait3A_1194 : memref<1x16x512xf32, #tpu.memory_space<vmem>> -> memref<16x512xf32, #tpu.memory_space<vmem>>
    %dma_wait3A_1196 = arith.constant 0 : i32
    %dma_wait3A_1197 = tpu.memref_slice %arg2[%dma_wait3A_1190, %add3A_1029, %dma_wait3A_1196] : memref<8x512x512xf32, #tpu.memory_space<hbm>> -> memref<1x16x512xf32, #tpu.memory_space<hbm>>
    %dma_wait3A_1198 = tpu.memref_squeeze %dma_wait3A_1197 : memref<1x16x512xf32, #tpu.memory_space<hbm>> -> memref<16x512xf32, #tpu.memory_space<hbm>>
    %dma_wait3A_1199 = arith.constant 0 : i32
    %dma_wait3A_1200 = arith.constant 0 : i32
    %dma_wait3A_1201 = tpu.memref_slice %arg5[%dma_wait3A_1191, %dma_wait3A_1199, %dma_wait3A_1200] : memref<8x16x512xf32, #tpu.memory_space<vmem>> -> memref<1x16x512xf32, #tpu.memory_space<vmem>>
    %dma_wait3A_1202 = tpu.memref_squeeze %dma_wait3A_1201 : memref<1x16x512xf32, #tpu.memory_space<vmem>> -> memref<16x512xf32, #tpu.memory_space<vmem>>
    %dma_wait3A_1203 = arith.constant 0 : i32
    %dma_wait3A_1204 = tpu.memref_slice %arg2[%dma_wait3A_1190, %add3A_1029, %dma_wait3A_1203] : memref<8x512x512xf32, #tpu.memory_space<hbm>> -> memref<1x16x512xf32, #tpu.memory_space<hbm>>
    %dma_wait3A_1205 = tpu.memref_squeeze %dma_wait3A_1204 : memref<1x16x512xf32, #tpu.memory_space<hbm>> -> memref<16x512xf32, #tpu.memory_space<hbm>>
    tpu.wait_dma2 semaphore(%arg7 : memref<!tpu.dma_semaphore, #tpu.memory_space<semaphore_mem>>) src(%dma_wait3A_1205 : memref<16x512xf32, #tpu.memory_space<hbm>>) dst(%dma_wait3A_1202 : memref<16x512xf32, #tpu.memory_space<vmem>>)
    %dma_wait3A_1206 = arith.constant 0 : i32
    %dma_wait3A_1207 = arith.constant 0 : i32
    %dma_wait3A_1208 = arith.constant 0 : i32
    %dma_wait3A_1209 = arith.constant 0 : i32
    %dma_wait3A_1210 = tpu.memref_slice %arg5[%dma_wait3A_1207, %dma_wait3A_1208, %dma_wait3A_1209] : memref<8x16x512xf32, #tpu.memory_space<vmem>> -> memref<1x16x512xf32, #tpu.memory_space<vmem>>
    %dma_wait3A_1211 = tpu.memref_squeeze %dma_wait3A_1210 : memref<1x16x512xf32, #tpu.memory_space<vmem>> -> memref<16x512xf32, #tpu.memory_space<vmem>>
    %dma_wait3A_1212 = arith.constant 0 : i32
    %dma_wait3A_1213 = tpu.memref_slice %arg2[%dma_wait3A_1206, %add3A_1029, %dma_wait3A_1212] : memref<8x512x512xf32, #tpu.memory_space<hbm>> -> memref<1x16x512xf32, #tpu.memory_space<hbm>>
    %dma_wait3A_1214 = tpu.memref_squeeze %dma_wait3A_1213 : memref<1x16x512xf32, #tpu.memory_space<hbm>> -> memref<16x512xf32, #tpu.memory_space<hbm>>
    %dma_wait3A_1215 = arith.constant 0 : i32
    %dma_wait3A_1216 = arith.constant 0 : i32
    %dma_wait3A_1217 = tpu.memref_slice %arg5[%dma_wait3A_1207, %dma_wait3A_1215, %dma_wait3A_1216] : memref<8x16x512xf32, #tpu.memory_space<vmem>> -> memref<1x16x512xf32, #tpu.memory_space<vmem>>
    %dma_wait3A_1218 = tpu.memref_squeeze %dma_wait3A_1217 : memref<1x16x512xf32, #tpu.memory_space<vmem>> -> memref<16x512xf32, #tpu.memory_space<vmem>>
    %dma_wait3A_1219 = arith.constant 0 : i32
    %dma_wait3A_1220 = tpu.memref_slice %arg2[%dma_wait3A_1206, %add3A_1029, %dma_wait3A_1219] : memref<8x512x512xf32, #tpu.memory_space<hbm>> -> memref<1x16x512xf32, #tpu.memory_space<hbm>>
    %dma_wait3A_1221 = tpu.memref_squeeze %dma_wait3A_1220 : memref<1x16x512xf32, #tpu.memory_space<hbm>> -> memref<16x512xf32, #tpu.memory_space<hbm>>
    tpu.wait_dma2 semaphore(%arg7 : memref<!tpu.dma_semaphore, #tpu.memory_space<semaphore_mem>>) src(%dma_wait3A_1221 : memref<16x512xf32, #tpu.memory_space<hbm>>) dst(%dma_wait3A_1218 : memref<16x512xf32, #tpu.memory_space<vmem>>)
    %dma_wait3A_1222 = arith.constant 0 : i32
    %dma_wait3A_1223 = arith.constant 0 : i32
    %dma_wait3A_1224 = arith.constant 0 : i32
    %dma_wait3A_1225 = arith.constant 0 : i32
    %dma_wait3A_1226 = tpu.memref_slice %arg5[%dma_wait3A_1223, %dma_wait3A_1224, %dma_wait3A_1225] : memref<8x16x512xf32, #tpu.memory_space<vmem>> -> memref<1x16x512xf32, #tpu.memory_space<vmem>>
    %dma_wait3A_1227 = tpu.memref_squeeze %dma_wait3A_1226 : memref<1x16x512xf32, #tpu.memory_space<vmem>> -> memref<16x512xf32, #tpu.memory_space<vmem>>
    %dma_wait3A_1228 = arith.constant 0 : i32
    %dma_wait3A_1229 = tpu.memref_slice %arg2[%dma_wait3A_1222, %add3A_1029, %dma_wait3A_1228] : memref<8x512x512xf32, #tpu.memory_space<hbm>> -> memref<1x16x512xf32, #tpu.memory_space<hbm>>
    %dma_wait3A_1230 = tpu.memref_squeeze %dma_wait3A_1229 : memref<1x16x512xf32, #tpu.memory_space<hbm>> -> memref<16x512xf32, #tpu.memory_space<hbm>>
    %dma_wait3A_1231 = arith.constant 0 : i32
    %dma_wait3A_1232 = arith.constant 0 : i32
    %dma_wait3A_1233 = tpu.memref_slice %arg5[%dma_wait3A_1223, %dma_wait3A_1231, %dma_wait3A_1232] : memref<8x16x512xf32, #tpu.memory_space<vmem>> -> memref<1x16x512xf32, #tpu.memory_space<vmem>>
    %dma_wait3A_1234 = tpu.memref_squeeze %dma_wait3A_1233 : memref<1x16x512xf32, #tpu.memory_space<vmem>> -> memref<16x512xf32, #tpu.memory_space<vmem>>
    %dma_wait3A_1235 = arith.constant 0 : i32
    %dma_wait3A_1236 = tpu.memref_slice %arg2[%dma_wait3A_1222, %add3A_1029, %dma_wait3A_1235] : memref<8x512x512xf32, #tpu.memory_space<hbm>> -> memref<1x16x512xf32, #tpu.memory_space<hbm>>
    %dma_wait3A_1237 = tpu.memref_squeeze %dma_wait3A_1236 : memref<1x16x512xf32, #tpu.memory_space<hbm>> -> memref<16x512xf32, #tpu.memory_space<hbm>>
    tpu.wait_dma2 semaphore(%arg7 : memref<!tpu.dma_semaphore, #tpu.memory_space<semaphore_mem>>) src(%dma_wait3A_1237 : memref<16x512xf32, #tpu.memory_space<hbm>>) dst(%dma_wait3A_1234 : memref<16x512xf32, #tpu.memory_space<vmem>>)
    %dma_wait3A_1238 = arith.constant 0 : i32
    %dma_wait3A_1239 = arith.constant 0 : i32
    %dma_wait3A_1240 = arith.constant 0 : i32
    %dma_wait3A_1241 = arith.constant 0 : i32
    %dma_wait3A_1242 = tpu.memref_slice %arg5[%dma_wait3A_1239, %dma_wait3A_1240, %dma_wait3A_1241] : memref<8x16x512xf32, #tpu.memory_space<vmem>> -> memref<1x16x512xf32, #tpu.memory_space<vmem>>
    %dma_wait3A_1243 = tpu.memref_squeeze %dma_wait3A_1242 : memref<1x16x512xf32, #tpu.memory_space<vmem>> -> memref<16x512xf32, #tpu.memory_space<vmem>>
    %dma_wait3A_1244 = arith.constant 0 : i32
    %dma_wait3A_1245 = tpu.memref_slice %arg2[%dma_wait3A_1238, %add3A_1029, %dma_wait3A_1244] : memref<8x512x512xf32, #tpu.memory_space<hbm>> -> memref<1x16x512xf32, #tpu.memory_space<hbm>>
    %dma_wait3A_1246 = tpu.memref_squeeze %dma_wait3A_1245 : memref<1x16x512xf32, #tpu.memory_space<hbm>> -> memref<16x512xf32, #tpu.memory_space<hbm>>
    %dma_wait3A_1247 = arith.constant 0 : i32
    %dma_wait3A_1248 = arith.constant 0 : i32
    %dma_wait3A_1249 = tpu.memref_slice %arg5[%dma_wait3A_1239, %dma_wait3A_1247, %dma_wait3A_1248] : memref<8x16x512xf32, #tpu.memory_space<vmem>> -> memref<1x16x512xf32, #tpu.memory_space<vmem>>
    %dma_wait3A_1250 = tpu.memref_squeeze %dma_wait3A_1249 : memref<1x16x512xf32, #tpu.memory_space<vmem>> -> memref<16x512xf32, #tpu.memory_space<vmem>>
    %dma_wait3A_1251 = arith.constant 0 : i32
    %dma_wait3A_1252 = tpu.memref_slice %arg2[%dma_wait3A_1238, %add3A_1029, %dma_wait3A_1251] : memref<8x512x512xf32, #tpu.memory_space<hbm>> -> memref<1x16x512xf32, #tpu.memory_space<hbm>>
    %dma_wait3A_1253 = tpu.memref_squeeze %dma_wait3A_1252 : memref<1x16x512xf32, #tpu.memory_space<hbm>> -> memref<16x512xf32, #tpu.memory_space<hbm>>
    tpu.wait_dma2 semaphore(%arg7 : memref<!tpu.dma_semaphore, #tpu.memory_space<semaphore_mem>>) src(%dma_wait3A_1253 : memref<16x512xf32, #tpu.memory_space<hbm>>) dst(%dma_wait3A_1250 : memref<16x512xf32, #tpu.memory_space<vmem>>)
    %dma_wait3A_1254 = arith.constant 0 : i32
    %dma_wait3A_1255 = arith.constant 0 : i32
    %dma_wait3A_1256 = arith.constant 0 : i32
    %dma_wait3A_1257 = arith.constant 0 : i32
    %dma_wait3A_1258 = tpu.memref_slice %arg5[%dma_wait3A_1255, %dma_wait3A_1256, %dma_wait3A_1257] : memref<8x16x512xf32, #tpu.memory_space<vmem>> -> memref<1x16x512xf32, #tpu.memory_space<vmem>>
    %dma_wait3A_1259 = tpu.memref_squeeze %dma_wait3A_1258 : memref<1x16x512xf32, #tpu.memory_space<vmem>> -> memref<16x512xf32, #tpu.memory_space<vmem>>
    %dma_wait3A_1260 = arith.constant 0 : i32
    %dma_wait3A_1261 = tpu.memref_slice %arg2[%dma_wait3A_1254, %add3A_1029, %dma_wait3A_1260] : memref<8x512x512xf32, #tpu.memory_space<hbm>> -> memref<1x16x512xf32, #tpu.memory_space<hbm>>
    %dma_wait3A_1262 = tpu.memref_squeeze %dma_wait3A_1261 : memref<1x16x512xf32, #tpu.memory_space<hbm>> -> memref<16x512xf32, #tpu.memory_space<hbm>>
    %dma_wait3A_1263 = arith.constant 0 : i32
    %dma_wait3A_1264 = arith.constant 0 : i32
    %dma_wait3A_1265 = tpu.memref_slice %arg5[%dma_wait3A_1255, %dma_wait3A_1263, %dma_wait3A_1264] : memref<8x16x512xf32, #tpu.memory_space<vmem>> -> memref<1x16x512xf32, #tpu.memory_space<vmem>>
    %dma_wait3A_1266 = tpu.memref_squeeze %dma_wait3A_1265 : memref<1x16x512xf32, #tpu.memory_space<vmem>> -> memref<16x512xf32, #tpu.memory_space<vmem>>
    %dma_wait3A_1267 = arith.constant 0 : i32
    %dma_wait3A_1268 = tpu.memref_slice %arg2[%dma_wait3A_1254, %add3A_1029, %dma_wait3A_1267] : memref<8x512x512xf32, #tpu.memory_space<hbm>> -> memref<1x16x512xf32, #tpu.memory_space<hbm>>
    %dma_wait3A_1269 = tpu.memref_squeeze %dma_wait3A_1268 : memref<1x16x512xf32, #tpu.memory_space<hbm>> -> memref<16x512xf32, #tpu.memory_space<hbm>>
    tpu.wait_dma2 semaphore(%arg7 : memref<!tpu.dma_semaphore, #tpu.memory_space<semaphore_mem>>) src(%dma_wait3A_1269 : memref<16x512xf32, #tpu.memory_space<hbm>>) dst(%dma_wait3A_1266 : memref<16x512xf32, #tpu.memory_space<vmem>>)
    %dma_wait3A_1270 = arith.constant 0 : i32
    %dma_wait3A_1271 = arith.constant 0 : i32
    %dma_wait3A_1272 = arith.constant 0 : i32
    %dma_wait3A_1273 = arith.constant 0 : i32
    %dma_wait3A_1274 = tpu.memref_slice %arg5[%dma_wait3A_1271, %dma_wait3A_1272, %dma_wait3A_1273] : memref<8x16x512xf32, #tpu.memory_space<vmem>> -> memref<1x16x512xf32, #tpu.memory_space<vmem>>
    %dma_wait3A_1275 = tpu.memref_squeeze %dma_wait3A_1274 : memref<1x16x512xf32, #tpu.memory_space<vmem>> -> memref<16x512xf32, #tpu.memory_space<vmem>>
    %dma_wait3A_1276 = arith.constant 0 : i32
    %dma_wait3A_1277 = tpu.memref_slice %arg2[%dma_wait3A_1270, %add3A_1029, %dma_wait3A_1276] : memref<8x512x512xf32, #tpu.memory_space<hbm>> -> memref<1x16x512xf32, #tpu.memory_space<hbm>>
    %dma_wait3A_1278 = tpu.memref_squeeze %dma_wait3A_1277 : memref<1x16x512xf32, #tpu.memory_space<hbm>> -> memref<16x512xf32, #tpu.memory_space<hbm>>
    %dma_wait3A_1279 = arith.constant 0 : i32
    %dma_wait3A_1280 = arith.constant 0 : i32
    %dma_wait3A_1281 = tpu.memref_slice %arg5[%dma_wait3A_1271, %dma_wait3A_1279, %dma_wait3A_1280] : memref<8x16x512xf32, #tpu.memory_space<vmem>> -> memref<1x16x512xf32, #tpu.memory_space<vmem>>
    %dma_wait3A_1282 = tpu.memref_squeeze %dma_wait3A_1281 : memref<1x16x512xf32, #tpu.memory_space<vmem>> -> memref<16x512xf32, #tpu.memory_space<vmem>>
    %dma_wait3A_1283 = arith.constant 0 : i32
    %dma_wait3A_1284 = tpu.memref_slice %arg2[%dma_wait3A_1270, %add3A_1029, %dma_wait3A_1283] : memref<8x512x512xf32, #tpu.memory_space<hbm>> -> memref<1x16x512xf32, #tpu.memory_space<hbm>>
    %dma_wait3A_1285 = tpu.memref_squeeze %dma_wait3A_1284 : memref<1x16x512xf32, #tpu.memory_space<hbm>> -> memref<16x512xf32, #tpu.memory_space<hbm>>
    tpu.wait_dma2 semaphore(%arg7 : memref<!tpu.dma_semaphore, #tpu.memory_space<semaphore_mem>>) src(%dma_wait3A_1285 : memref<16x512xf32, #tpu.memory_space<hbm>>) dst(%dma_wait3A_1282 : memref<16x512xf32, #tpu.memory_space<vmem>>)
    %mul3A_1286 = arith.constant 32 : i32
    %mul3A_1287 = arith.muli %arg0, %mul3A_1286 : i32
    %add3A_1288 = arith.constant 0 : i32
    %add3A_1289 = arith.addi %mul3A_1287, %add3A_1288 : i32
    %get3A_1290 = arith.index_cast %add3A_1289 : i32 to index
    %get3A_1291 = tpu.vector_load %arg6[%get3A_1290] {strides = array<i32>} : memref<80xi32, #tpu.memory_space<vmem>>, vector<16xi32>,
    %get3A_1292 = vector.shape_cast %get3A_1291 : vector<16xi32> to vector<16xi32>
    %slice3A_1293 = vector.extract_strided_slice %get3A_1292 {offsets = [0], sizes = [1], strides = [1]} : vector<16xi32> to vector<1xi32>
    %squeeze3A_1294 = vector.extract %slice3A_1293[0] : i32 from vector<1xi32>
    %dma_start3A_1295 = arith.constant 0 : i32
    %dma_start3A_1296 = arith.constant 0 : i32
    %dma_start3A_1297 = arith.constant 0 : i32
    %dma_start3A_1298 = tpu.memref_slice %arg5[%squeeze3A_1294, %dma_start3A_1296, %dma_start3A_1297] : memref<8x16x512xf32, #tpu.memory_space<vmem>> -> memref<1x16x512xf32, #tpu.memory_space<vmem>>
    %dma_start3A_1299 = tpu.memref_squeeze %dma_start3A_1298 : memref<1x16x512xf32, #tpu.memory_space<vmem>> -> memref<16x512xf32, #tpu.memory_space<vmem>>
    %dma_start3A_1300 = arith.constant 0 : i32
    %dma_start3A_1301 = tpu.memref_slice %arg4[%arg0, %dma_start3A_1295, %add3A_1029, %dma_start3A_1300] : memref<2x32x512x512xf32, #tpu.memory_space<hbm>> -> memref<1x1x16x512xf32, #tpu.memory_space<hbm>>
    %dma_start3A_1302 = tpu.memref_squeeze %dma_start3A_1301 : memref<1x1x16x512xf32, #tpu.memory_space<hbm>> -> memref<16x512xf32, #tpu.memory_space<hbm>>
    %dma_start3A_1303 = arith.constant 0 : i32
    %dma_start3A_1304 = tpu.memref_slice %arg4[%arg0, %dma_start3A_1295, %add3A_1029, %dma_start3A_1303] : memref<2x32x512x512xf32, #tpu.memory_space<hbm>> -> memref<1x1x16x512xf32, #tpu.memory_space<hbm>>
    %dma_start3A_1305 = tpu.memref_squeeze %dma_start3A_1304 : memref<1x1x16x512xf32, #tpu.memory_space<hbm>> -> memref<16x512xf32, #tpu.memory_space<hbm>>
    %dma_start3A_1306 = arith.constant 0 : i32
    %dma_start3A_1307 = arith.constant 0 : i32
    %dma_start3A_1308 = tpu.memref_slice %arg5[%squeeze3A_1294, %dma_start3A_1306, %dma_start3A_1307] : memref<8x16x512xf32, #tpu.memory_space<vmem>> -> memref<1x16x512xf32, #tpu.memory_space<vmem>>
    %dma_start3A_1309 = tpu.memref_squeeze %dma_start3A_1308 : memref<1x16x512xf32, #tpu.memory_space<vmem>> -> memref<16x512xf32, #tpu.memory_space<vmem>>
    tpu.enqueue_dma source(%dma_start3A_1309 : memref<16x512xf32, #tpu.memory_space<vmem>>) target(%dma_start3A_1305 : memref<16x512xf32, #tpu.memory_space<hbm>>) target_semaphore(%arg8 : memref<!tpu.dma_semaphore, #tpu.memory_space<semaphore_mem>>)
    %mul3A_1310 = arith.constant 32 : i32
    %mul3A_1311 = arith.muli %arg0, %mul3A_1310 : i32
    %add3A_1312 = arith.constant 1 : i32
    %add3A_1313 = arith.addi %mul3A_1311, %add3A_1312 : i32
    %get3A_1314 = arith.index_cast %add3A_1313 : i32 to index
    %get3A_1315 = tpu.vector_load %arg6[%get3A_1314] {strides = array<i32>} : memref<80xi32, #tpu.memory_space<vmem>>, vector<16xi32>,
    %get3A_1316 = vector.shape_cast %get3A_1315 : vector<16xi32> to vector<16xi32>
    %slice3A_1317 = vector.extract_strided_slice %get3A_1316 {offsets = [0], sizes = [1], strides = [1]} : vector<16xi32> to vector<1xi32>
    %squeeze3A_1318 = vector.extract %slice3A_1317[0] : i32 from vector<1xi32>
    %dma_start3A_1319 = arith.constant 1 : i32
    %dma_start3A_1320 = arith.constant 0 : i32
    %dma_start3A_1321 = arith.constant 0 : i32
    %dma_start3A_1322 = tpu.memref_slice %arg5[%squeeze3A_1318, %dma_start3A_1320, %dma_start3A_1321] : memref<8x16x512xf32, #tpu.memory_space<vmem>> -> memref<1x16x512xf32, #tpu.memory_space<vmem>>
    %dma_start3A_1323 = tpu.memref_squeeze %dma_start3A_1322 : memref<1x16x512xf32, #tpu.memory_space<vmem>> -> memref<16x512xf32, #tpu.memory_space<vmem>>
    %dma_start3A_1324 = arith.constant 0 : i32
    %dma_start3A_1325 = tpu.memref_slice %arg4[%arg0, %dma_start3A_1319, %add3A_1029, %dma_start3A_1324] : memref<2x32x512x512xf32, #tpu.memory_space<hbm>> -> memref<1x1x16x512xf32, #tpu.memory_space<hbm>>
    %dma_start3A_1326 = tpu.memref_squeeze %dma_start3A_1325 : memref<1x1x16x512xf32, #tpu.memory_space<hbm>> -> memref<16x512xf32, #tpu.memory_space<hbm>>
    %dma_start3A_1327 = arith.constant 0 : i32
    %dma_start3A_1328 = tpu.memref_slice %arg4[%arg0, %dma_start3A_1319, %add3A_1029, %dma_start3A_1327] : memref<2x32x512x512xf32, #tpu.memory_space<hbm>> -> memref<1x1x16x512xf32, #tpu.memory_space<hbm>>
    %dma_start3A_1329 = tpu.memref_squeeze %dma_start3A_1328 : memref<1x1x16x512xf32, #tpu.memory_space<hbm>> -> memref<16x512xf32, #tpu.memory_space<hbm>>
    %dma_start3A_1330 = arith.constant 0 : i32
    %dma_start3A_1331 = arith.constant 0 : i32
    %dma_start3A_1332 = tpu.memref_slice %arg5[%squeeze3A_1318, %dma_start3A_1330, %dma_start3A_1331] : memref<8x16x512xf32, #tpu.memory_space<vmem>> -> memref<1x16x512xf32, #tpu.memory_space<vmem>>
    %dma_start3A_1333 = tpu.memref_squeeze %dma_start3A_1332 : memref<1x16x512xf32, #tpu.memory_space<vmem>> -> memref<16x512xf32, #tpu.memory_space<vmem>>
    tpu.enqueue_dma source(%dma_start3A_1333 : memref<16x512xf32, #tpu.memory_space<vmem>>) target(%dma_start3A_1329 : memref<16x512xf32, #tpu.memory_space<hbm>>) target_semaphore(%arg8 : memref<!tpu.dma_semaphore, #tpu.memory_space<semaphore_mem>>)
    %mul3A_1334 = arith.constant 32 : i32
    %mul3A_1335 = arith.muli %arg0, %mul3A_1334 : i32
    %add3A_1336 = arith.constant 2 : i32
    %add3A_1337 = arith.addi %mul3A_1335, %add3A_1336 : i32
    %get3A_1338 = arith.index_cast %add3A_1337 : i32 to index
    %get3A_1339 = tpu.vector_load %arg6[%get3A_1338] {strides = array<i32>} : memref<80xi32, #tpu.memory_space<vmem>>, vector<16xi32>,
    %get3A_1340 = vector.shape_cast %get3A_1339 : vector<16xi32> to vector<16xi32>
    %slice3A_1341 = vector.extract_strided_slice %get3A_1340 {offsets = [0], sizes = [1], strides = [1]} : vector<16xi32> to vector<1xi32>
    %squeeze3A_1342 = vector.extract %slice3A_1341[0] : i32 from vector<1xi32>
    %dma_start3A_1343 = arith.constant 2 : i32
    %dma_start3A_1344 = arith.constant 0 : i32
    %dma_start3A_1345 = arith.constant 0 : i32
    %dma_start3A_1346 = tpu.memref_slice %arg5[%squeeze3A_1342, %dma_start3A_1344, %dma_start3A_1345] : memref<8x16x512xf32, #tpu.memory_space<vmem>> -> memref<1x16x512xf32, #tpu.memory_space<vmem>>
    %dma_start3A_1347 = tpu.memref_squeeze %dma_start3A_1346 : memref<1x16x512xf32, #tpu.memory_space<vmem>> -> memref<16x512xf32, #tpu.memory_space<vmem>>
    %dma_start3A_1348 = arith.constant 0 : i32
    %dma_start3A_1349 = tpu.memref_slice %arg4[%arg0, %dma_start3A_1343, %add3A_1029, %dma_start3A_1348] : memref<2x32x512x512xf32, #tpu.memory_space<hbm>> -> memref<1x1x16x512xf32, #tpu.memory_space<hbm>>
    %dma_start3A_1350 = tpu.memref_squeeze %dma_start3A_1349 : memref<1x1x16x512xf32, #tpu.memory_space<hbm>> -> memref<16x512xf32, #tpu.memory_space<hbm>>
    %dma_start3A_1351 = arith.constant 0 : i32
    %dma_start3A_1352 = tpu.memref_slice %arg4[%arg0, %dma_start3A_1343, %add3A_1029, %dma_start3A_1351] : memref<2x32x512x512xf32, #tpu.memory_space<hbm>> -> memref<1x1x16x512xf32, #tpu.memory_space<hbm>>
    %dma_start3A_1353 = tpu.memref_squeeze %dma_start3A_1352 : memref<1x1x16x512xf32, #tpu.memory_space<hbm>> -> memref<16x512xf32, #tpu.memory_space<hbm>>
    %dma_start3A_1354 = arith.constant 0 : i32
    %dma_start3A_1355 = arith.constant 0 : i32
    %dma_start3A_1356 = tpu.memref_slice %arg5[%squeeze3A_1342, %dma_start3A_1354, %dma_start3A_1355] : memref<8x16x512xf32, #tpu.memory_space<vmem>> -> memref<1x16x512xf32, #tpu.memory_space<vmem>>
    %dma_start3A_1357 = tpu.memref_squeeze %dma_start3A_1356 : memref<1x16x512xf32, #tpu.memory_space<vmem>> -> memref<16x512xf32, #tpu.memory_space<vmem>>
    tpu.enqueue_dma source(%dma_start3A_1357 : memref<16x512xf32, #tpu.memory_space<vmem>>) target(%dma_start3A_1353 : memref<16x512xf32, #tpu.memory_space<hbm>>) target_semaphore(%arg8 : memref<!tpu.dma_semaphore, #tpu.memory_space<semaphore_mem>>)
    %mul3A_1358 = arith.constant 32 : i32
    %mul3A_1359 = arith.muli %arg0, %mul3A_1358 : i32
    %add3A_1360 = arith.constant 3 : i32
    %add3A_1361 = arith.addi %mul3A_1359, %add3A_1360 : i32
    %get3A_1362 = arith.index_cast %add3A_1361 : i32 to index
    %get3A_1363 = tpu.vector_load %arg6[%get3A_1362] {strides = array<i32>} : memref<80xi32, #tpu.memory_space<vmem>>, vector<16xi32>,
    %get3A_1364 = vector.shape_cast %get3A_1363 : vector<16xi32> to vector<16xi32>
    %slice3A_1365 = vector.extract_strided_slice %get3A_1364 {offsets = [0], sizes = [1], strides = [1]} : vector<16xi32> to vector<1xi32>
    %squeeze3A_1366 = vector.extract %slice3A_1365[0] : i32 from vector<1xi32>
    %dma_start3A_1367 = arith.constant 3 : i32
    %dma_start3A_1368 = arith.constant 0 : i32
    %dma_start3A_1369 = arith.constant 0 : i32
    %dma_start3A_1370 = tpu.memref_slice %arg5[%squeeze3A_1366, %dma_start3A_1368, %dma_start3A_1369] : memref<8x16x512xf32, #tpu.memory_space<vmem>> -> memref<1x16x512xf32, #tpu.memory_space<vmem>>
    %dma_start3A_1371 = tpu.memref_squeeze %dma_start3A_1370 : memref<1x16x512xf32, #tpu.memory_space<vmem>> -> memref<16x512xf32, #tpu.memory_space<vmem>>
    %dma_start3A_1372 = arith.constant 0 : i32
    %dma_start3A_1373 = tpu.memref_slice %arg4[%arg0, %dma_start3A_1367, %add3A_1029, %dma_start3A_1372] : memref<2x32x512x512xf32, #tpu.memory_space<hbm>> -> memref<1x1x16x512xf32, #tpu.memory_space<hbm>>
    %dma_start3A_1374 = tpu.memref_squeeze %dma_start3A_1373 : memref<1x1x16x512xf32, #tpu.memory_space<hbm>> -> memref<16x512xf32, #tpu.memory_space<hbm>>
    %dma_start3A_1375 = arith.constant 0 : i32
    %dma_start3A_1376 = tpu.memref_slice %arg4[%arg0, %dma_start3A_1367, %add3A_1029, %dma_start3A_1375] : memref<2x32x512x512xf32, #tpu.memory_space<hbm>> -> memref<1x1x16x512xf32, #tpu.memory_space<hbm>>
    %dma_start3A_1377 = tpu.memref_squeeze %dma_start3A_1376 : memref<1x1x16x512xf32, #tpu.memory_space<hbm>> -> memref<16x512xf32, #tpu.memory_space<hbm>>
    %dma_start3A_1378 = arith.constant 0 : i32
    %dma_start3A_1379 = arith.constant 0 : i32
    %dma_start3A_1380 = tpu.memref_slice %arg5[%squeeze3A_1366, %dma_start3A_1378, %dma_start3A_1379] : memref<8x16x512xf32, #tpu.memory_space<vmem>> -> memref<1x16x512xf32, #tpu.memory_space<vmem>>
    %dma_start3A_1381 = tpu.memref_squeeze %dma_start3A_1380 : memref<1x16x512xf32, #tpu.memory_space<vmem>> -> memref<16x512xf32, #tpu.memory_space<vmem>>
    tpu.enqueue_dma source(%dma_start3A_1381 : memref<16x512xf32, #tpu.memory_space<vmem>>) target(%dma_start3A_1377 : memref<16x512xf32, #tpu.memory_space<hbm>>) target_semaphore(%arg8 : memref<!tpu.dma_semaphore, #tpu.memory_space<semaphore_mem>>)
    %mul3A_1382 = arith.constant 32 : i32
    %mul3A_1383 = arith.muli %arg0, %mul3A_1382 : i32
    %add3A_1384 = arith.constant 4 : i32
    %add3A_1385 = arith.addi %mul3A_1383, %add3A_1384 : i32
    %get3A_1386 = arith.index_cast %add3A_1385 : i32 to index
    %get3A_1387 = tpu.vector_load %arg6[%get3A_1386] {strides = array<i32>} : memref<80xi32, #tpu.memory_space<vmem>>, vector<16xi32>,
    %get3A_1388 = vector.shape_cast %get3A_1387 : vector<16xi32> to vector<16xi32>
    %slice3A_1389 = vector.extract_strided_slice %get3A_1388 {offsets = [0], sizes = [1], strides = [1]} : vector<16xi32> to vector<1xi32>
    %squeeze3A_1390 = vector.extract %slice3A_1389[0] : i32 from vector<1xi32>
    %dma_start3A_1391 = arith.constant 4 : i32
    %dma_start3A_1392 = arith.constant 0 : i32
    %dma_start3A_1393 = arith.constant 0 : i32
    %dma_start3A_1394 = tpu.memref_slice %arg5[%squeeze3A_1390, %dma_start3A_1392, %dma_start3A_1393] : memref<8x16x512xf32, #tpu.memory_space<vmem>> -> memref<1x16x512xf32, #tpu.memory_space<vmem>>
    %dma_start3A_1395 = tpu.memref_squeeze %dma_start3A_1394 : memref<1x16x512xf32, #tpu.memory_space<vmem>> -> memref<16x512xf32, #tpu.memory_space<vmem>>
    %dma_start3A_1396 = arith.constant 0 : i32
    %dma_start3A_1397 = tpu.memref_slice %arg4[%arg0, %dma_start3A_1391, %add3A_1029, %dma_start3A_1396] : memref<2x32x512x512xf32, #tpu.memory_space<hbm>> -> memref<1x1x16x512xf32, #tpu.memory_space<hbm>>
    %dma_start3A_1398 = tpu.memref_squeeze %dma_start3A_1397 : memref<1x1x16x512xf32, #tpu.memory_space<hbm>> -> memref<16x512xf32, #tpu.memory_space<hbm>>
    %dma_start3A_1399 = arith.constant 0 : i32
    %dma_start3A_1400 = tpu.memref_slice %arg4[%arg0, %dma_start3A_1391, %add3A_1029, %dma_start3A_1399] : memref<2x32x512x512xf32, #tpu.memory_space<hbm>> -> memref<1x1x16x512xf32, #tpu.memory_space<hbm>>
    %dma_start3A_1401 = tpu.memref_squeeze %dma_start3A_1400 : memref<1x1x16x512xf32, #tpu.memory_space<hbm>> -> memref<16x512xf32, #tpu.memory_space<hbm>>
    %dma_start3A_1402 = arith.constant 0 : i32
    %dma_start3A_1403 = arith.constant 0 : i32
    %dma_start3A_1404 = tpu.memref_slice %arg5[%squeeze3A_1390, %dma_start3A_1402, %dma_start3A_1403] : memref<8x16x512xf32, #tpu.memory_space<vmem>> -> memref<1x16x512xf32, #tpu.memory_space<vmem>>
    %dma_start3A_1405 = tpu.memref_squeeze %dma_start3A_1404 : memref<1x16x512xf32, #tpu.memory_space<vmem>> -> memref<16x512xf32, #tpu.memory_space<vmem>>
    tpu.enqueue_dma source(%dma_start3A_1405 : memref<16x512xf32, #tpu.memory_space<vmem>>) target(%dma_start3A_1401 : memref<16x512xf32, #tpu.memory_space<hbm>>) target_semaphore(%arg8 : memref<!tpu.dma_semaphore, #tpu.memory_space<semaphore_mem>>)
    %mul3A_1406 = arith.constant 32 : i32
    %mul3A_1407 = arith.muli %arg0, %mul3A_1406 : i32
    %add3A_1408 = arith.constant 5 : i32
    %add3A_1409 = arith.addi %mul3A_1407, %add3A_1408 : i32
    %get3A_1410 = arith.index_cast %add3A_1409 : i32 to index
    %get3A_1411 = tpu.vector_load %arg6[%get3A_1410] {strides = array<i32>} : memref<80xi32, #tpu.memory_space<vmem>>, vector<16xi32>,
    %get3A_1412 = vector.shape_cast %get3A_1411 : vector<16xi32> to vector<16xi32>
    %slice3A_1413 = vector.extract_strided_slice %get3A_1412 {offsets = [0], sizes = [1], strides = [1]} : vector<16xi32> to vector<1xi32>
    %squeeze3A_1414 = vector.extract %slice3A_1413[0] : i32 from vector<1xi32>
    %dma_start3A_1415 = arith.constant 5 : i32
    %dma_start3A_1416 = arith.constant 0 : i32
    %dma_start3A_1417 = arith.constant 0 : i32
    %dma_start3A_1418 = tpu.memref_slice %arg5[%squeeze3A_1414, %dma_start3A_1416, %dma_start3A_1417] : memref<8x16x512xf32, #tpu.memory_space<vmem>> -> memref<1x16x512xf32, #tpu.memory_space<vmem>>
    %dma_start3A_1419 = tpu.memref_squeeze %dma_start3A_1418 : memref<1x16x512xf32, #tpu.memory_space<vmem>> -> memref<16x512xf32, #tpu.memory_space<vmem>>
    %dma_start3A_1420 = arith.constant 0 : i32
    %dma_start3A_1421 = tpu.memref_slice %arg4[%arg0, %dma_start3A_1415, %add3A_1029, %dma_start3A_1420] : memref<2x32x512x512xf32, #tpu.memory_space<hbm>> -> memref<1x1x16x512xf32, #tpu.memory_space<hbm>>
    %dma_start3A_1422 = tpu.memref_squeeze %dma_start3A_1421 : memref<1x1x16x512xf32, #tpu.memory_space<hbm>> -> memref<16x512xf32, #tpu.memory_space<hbm>>
    %dma_start3A_1423 = arith.constant 0 : i32
    %dma_start3A_1424 = tpu.memref_slice %arg4[%arg0, %dma_start3A_1415, %add3A_1029, %dma_start3A_1423] : memref<2x32x512x512xf32, #tpu.memory_space<hbm>> -> memref<1x1x16x512xf32, #tpu.memory_space<hbm>>
    %dma_start3A_1425 = tpu.memref_squeeze %dma_start3A_1424 : memref<1x1x16x512xf32, #tpu.memory_space<hbm>> -> memref<16x512xf32, #tpu.memory_space<hbm>>
    %dma_start3A_1426 = arith.constant 0 : i32
    %dma_start3A_1427 = arith.constant 0 : i32
    %dma_start3A_1428 = tpu.memref_slice %arg5[%squeeze3A_1414, %dma_start3A_1426, %dma_start3A_1427] : memref<8x16x512xf32, #tpu.memory_space<vmem>> -> memref<1x16x512xf32, #tpu.memory_space<vmem>>
    %dma_start3A_1429 = tpu.memref_squeeze %dma_start3A_1428 : memref<1x16x512xf32, #tpu.memory_space<vmem>> -> memref<16x512xf32, #tpu.memory_space<vmem>>
    tpu.enqueue_dma source(%dma_start3A_1429 : memref<16x512xf32, #tpu.memory_space<vmem>>) target(%dma_start3A_1425 : memref<16x512xf32, #tpu.memory_space<hbm>>) target_semaphore(%arg8 : memref<!tpu.dma_semaphore, #tpu.memory_space<semaphore_mem>>)
    %mul3A_1430 = arith.constant 32 : i32
    %mul3A_1431 = arith.muli %arg0, %mul3A_1430 : i32
    %add3A_1432 = arith.constant 6 : i32
    %add3A_1433 = arith.addi %mul3A_1431, %add3A_1432 : i32
    %get3A_1434 = arith.index_cast %add3A_1433 : i32 to index
    %get3A_1435 = tpu.vector_load %arg6[%get3A_1434] {strides = array<i32>} : memref<80xi32, #tpu.memory_space<vmem>>, vector<16xi32>,
    %get3A_1436 = vector.shape_cast %get3A_1435 : vector<16xi32> to vector<16xi32>
    %slice3A_1437 = vector.extract_strided_slice %get3A_1436 {offsets = [0], sizes = [1], strides = [1]} : vector<16xi32> to vector<1xi32>
    %squeeze3A_1438 = vector.extract %slice3A_1437[0] : i32 from vector<1xi32>
    %dma_start3A_1439 = arith.constant 6 : i32
    %dma_start3A_1440 = arith.constant 0 : i32
    %dma_start3A_1441 = arith.constant 0 : i32
    %dma_start3A_1442 = tpu.memref_slice %arg5[%squeeze3A_1438, %dma_start3A_1440, %dma_start3A_1441] : memref<8x16x512xf32, #tpu.memory_space<vmem>> -> memref<1x16x512xf32, #tpu.memory_space<vmem>>
    %dma_start3A_1443 = tpu.memref_squeeze %dma_start3A_1442 : memref<1x16x512xf32, #tpu.memory_space<vmem>> -> memref<16x512xf32, #tpu.memory_space<vmem>>
    %dma_start3A_1444 = arith.constant 0 : i32
    %dma_start3A_1445 = tpu.memref_slice %arg4[%arg0, %dma_start3A_1439, %add3A_1029, %dma_start3A_1444] : memref<2x32x512x512xf32, #tpu.memory_space<hbm>> -> memref<1x1x16x512xf32, #tpu.memory_space<hbm>>
    %dma_start3A_1446 = tpu.memref_squeeze %dma_start3A_1445 : memref<1x1x16x512xf32, #tpu.memory_space<hbm>> -> memref<16x512xf32, #tpu.memory_space<hbm>>
    %dma_start3A_1447 = arith.constant 0 : i32
    %dma_start3A_1448 = tpu.memref_slice %arg4[%arg0, %dma_start3A_1439, %add3A_1029, %dma_start3A_1447] : memref<2x32x512x512xf32, #tpu.memory_space<hbm>> -> memref<1x1x16x512xf32, #tpu.memory_space<hbm>>
    %dma_start3A_1449 = tpu.memref_squeeze %dma_start3A_1448 : memref<1x1x16x512xf32, #tpu.memory_space<hbm>> -> memref<16x512xf32, #tpu.memory_space<hbm>>
    %dma_start3A_1450 = arith.constant 0 : i32
    %dma_start3A_1451 = arith.constant 0 : i32
    %dma_start3A_1452 = tpu.memref_slice %arg5[%squeeze3A_1438, %dma_start3A_1450, %dma_start3A_1451] : memref<8x16x512xf32, #tpu.memory_space<vmem>> -> memref<1x16x512xf32, #tpu.memory_space<vmem>>
    %dma_start3A_1453 = tpu.memref_squeeze %dma_start3A_1452 : memref<1x16x512xf32, #tpu.memory_space<vmem>> -> memref<16x512xf32, #tpu.memory_space<vmem>>
    tpu.enqueue_dma source(%dma_start3A_1453 : memref<16x512xf32, #tpu.memory_space<vmem>>) target(%dma_start3A_1449 : memref<16x512xf32, #tpu.memory_space<hbm>>) target_semaphore(%arg8 : memref<!tpu.dma_semaphore, #tpu.memory_space<semaphore_mem>>)
    %mul3A_1454 = arith.constant 32 : i32
    %mul3A_1455 = arith.muli %arg0, %mul3A_1454 : i32
    %add3A_1456 = arith.constant 7 : i32
    %add3A_1457 = arith.addi %mul3A_1455, %add3A_1456 : i32
    %get3A_1458 = arith.index_cast %add3A_1457 : i32 to index
    %get3A_1459 = tpu.vector_load %arg6[%get3A_1458] {strides = array<i32>} : memref<80xi32, #tpu.memory_space<vmem>>, vector<16xi32>,
    %get3A_1460 = vector.shape_cast %get3A_1459 : vector<16xi32> to vector<16xi32>
    %slice3A_1461 = vector.extract_strided_slice %get3A_1460 {offsets = [0], sizes = [1], strides = [1]} : vector<16xi32> to vector<1xi32>
    %squeeze3A_1462 = vector.extract %slice3A_1461[0] : i32 from vector<1xi32>
    %dma_start3A_1463 = arith.constant 7 : i32
    %dma_start3A_1464 = arith.constant 0 : i32
    %dma_start3A_1465 = arith.constant 0 : i32
    %dma_start3A_1466 = tpu.memref_slice %arg5[%squeeze3A_1462, %dma_start3A_1464, %dma_start3A_1465] : memref<8x16x512xf32, #tpu.memory_space<vmem>> -> memref<1x16x512xf32, #tpu.memory_space<vmem>>
    %dma_start3A_1467 = tpu.memref_squeeze %dma_start3A_1466 : memref<1x16x512xf32, #tpu.memory_space<vmem>> -> memref<16x512xf32, #tpu.memory_space<vmem>>
    %dma_start3A_1468 = arith.constant 0 : i32
    %dma_start3A_1469 = tpu.memref_slice %arg4[%arg0, %dma_start3A_1463, %add3A_1029, %dma_start3A_1468] : memref<2x32x512x512xf32, #tpu.memory_space<hbm>> -> memref<1x1x16x512xf32, #tpu.memory_space<hbm>>
    %dma_start3A_1470 = tpu.memref_squeeze %dma_start3A_1469 : memref<1x1x16x512xf32, #tpu.memory_space<hbm>> -> memref<16x512xf32, #tpu.memory_space<hbm>>
    %dma_start3A_1471 = arith.constant 0 : i32
    %dma_start3A_1472 = tpu.memref_slice %arg4[%arg0, %dma_start3A_1463, %add3A_1029, %dma_start3A_1471] : memref<2x32x512x512xf32, #tpu.memory_space<hbm>> -> memref<1x1x16x512xf32, #tpu.memory_space<hbm>>
    %dma_start3A_1473 = tpu.memref_squeeze %dma_start3A_1472 : memref<1x1x16x512xf32, #tpu.memory_space<hbm>> -> memref<16x512xf32, #tpu.memory_space<hbm>>
    %dma_start3A_1474 = arith.constant 0 : i32
    %dma_start3A_1475 = arith.constant 0 : i32
    %dma_start3A_1476 = tpu.memref_slice %arg5[%squeeze3A_1462, %dma_start3A_1474, %dma_start3A_1475] : memref<8x16x512xf32, #tpu.memory_space<vmem>> -> memref<1x16x512xf32, #tpu.memory_space<vmem>>
    %dma_start3A_1477 = tpu.memref_squeeze %dma_start3A_1476 : memref<1x16x512xf32, #tpu.memory_space<vmem>> -> memref<16x512xf32, #tpu.memory_space<vmem>>
    tpu.enqueue_dma source(%dma_start3A_1477 : memref<16x512xf32, #tpu.memory_space<vmem>>) target(%dma_start3A_1473 : memref<16x512xf32, #tpu.memory_space<hbm>>) target_semaphore(%arg8 : memref<!tpu.dma_semaphore, #tpu.memory_space<semaphore_mem>>)
    %mul3A_1478 = arith.constant 32 : i32
    %mul3A_1479 = arith.muli %arg0, %mul3A_1478 : i32
    %add3A_1480 = arith.constant 8 : i32
    %add3A_1481 = arith.addi %mul3A_1479, %add3A_1480 : i32
    %get3A_1482 = arith.index_cast %add3A_1481 : i32 to index
    %get3A_1483 = tpu.vector_load %arg6[%get3A_1482] {strides = array<i32>} : memref<80xi32, #tpu.memory_space<vmem>>, vector<16xi32>,
    %get3A_1484 = vector.shape_cast %get3A_1483 : vector<16xi32> to vector<16xi32>
    %slice3A_1485 = vector.extract_strided_slice %get3A_1484 {offsets = [0], sizes = [1], strides = [1]} : vector<16xi32> to vector<1xi32>
    %squeeze3A_1486 = vector.extract %slice3A_1485[0] : i32 from vector<1xi32>
    %dma_start3A_1487 = arith.constant 8 : i32
    %dma_start3A_1488 = arith.constant 0 : i32
    %dma_start3A_1489 = arith.constant 0 : i32
    %dma_start3A_1490 = tpu.memref_slice %arg5[%squeeze3A_1486, %dma_start3A_1488, %dma_start3A_1489] : memref<8x16x512xf32, #tpu.memory_space<vmem>> -> memref<1x16x512xf32, #tpu.memory_space<vmem>>
    %dma_start3A_1491 = tpu.memref_squeeze %dma_start3A_1490 : memref<1x16x512xf32, #tpu.memory_space<vmem>> -> memref<16x512xf32, #tpu.memory_space<vmem>>
    %dma_start3A_1492 = arith.constant 0 : i32
    %dma_start3A_1493 = tpu.memref_slice %arg4[%arg0, %dma_start3A_1487, %add3A_1029, %dma_start3A_1492] : memref<2x32x512x512xf32, #tpu.memory_space<hbm>> -> memref<1x1x16x512xf32, #tpu.memory_space<hbm>>
    %dma_start3A_1494 = tpu.memref_squeeze %dma_start3A_1493 : memref<1x1x16x512xf32, #tpu.memory_space<hbm>> -> memref<16x512xf32, #tpu.memory_space<hbm>>
    %dma_start3A_1495 = arith.constant 0 : i32
    %dma_start3A_1496 = tpu.memref_slice %arg4[%arg0, %dma_start3A_1487, %add3A_1029, %dma_start3A_1495] : memref<2x32x512x512xf32, #tpu.memory_space<hbm>> -> memref<1x1x16x512xf32, #tpu.memory_space<hbm>>
    %dma_start3A_1497 = tpu.memref_squeeze %dma_start3A_1496 : memref<1x1x16x512xf32, #tpu.memory_space<hbm>> -> memref<16x512xf32, #tpu.memory_space<hbm>>
    %dma_start3A_1498 = arith.constant 0 : i32
    %dma_start3A_1499 = arith.constant 0 : i32
    %dma_start3A_1500 = tpu.memref_slice %arg5[%squeeze3A_1486, %dma_start3A_1498, %dma_start3A_1499] : memref<8x16x512xf32, #tpu.memory_space<vmem>> -> memref<1x16x512xf32, #tpu.memory_space<vmem>>
    %dma_start3A_1501 = tpu.memref_squeeze %dma_start3A_1500 : memref<1x16x512xf32, #tpu.memory_space<vmem>> -> memref<16x512xf32, #tpu.memory_space<vmem>>
    tpu.enqueue_dma source(%dma_start3A_1501 : memref<16x512xf32, #tpu.memory_space<vmem>>) target(%dma_start3A_1497 : memref<16x512xf32, #tpu.memory_space<hbm>>) target_semaphore(%arg8 : memref<!tpu.dma_semaphore, #tpu.memory_space<semaphore_mem>>)
    %mul3A_1502 = arith.constant 32 : i32
    %mul3A_1503 = arith.muli %arg0, %mul3A_1502 : i32
    %add3A_1504 = arith.constant 9 : i32
    %add3A_1505 = arith.addi %mul3A_1503, %add3A_1504 : i32
    %get3A_1506 = arith.index_cast %add3A_1505 : i32 to index
    %get3A_1507 = tpu.vector_load %arg6[%get3A_1506] {strides = array<i32>} : memref<80xi32, #tpu.memory_space<vmem>>, vector<16xi32>,
    %get3A_1508 = vector.shape_cast %get3A_1507 : vector<16xi32> to vector<16xi32>
    %slice3A_1509 = vector.extract_strided_slice %get3A_1508 {offsets = [0], sizes = [1], strides = [1]} : vector<16xi32> to vector<1xi32>
    %squeeze3A_1510 = vector.extract %slice3A_1509[0] : i32 from vector<1xi32>
    %dma_start3A_1511 = arith.constant 9 : i32
    %dma_start3A_1512 = arith.constant 0 : i32
    %dma_start3A_1513 = arith.constant 0 : i32
    %dma_start3A_1514 = tpu.memref_slice %arg5[%squeeze3A_1510, %dma_start3A_1512, %dma_start3A_1513] : memref<8x16x512xf32, #tpu.memory_space<vmem>> -> memref<1x16x512xf32, #tpu.memory_space<vmem>>
    %dma_start3A_1515 = tpu.memref_squeeze %dma_start3A_1514 : memref<1x16x512xf32, #tpu.memory_space<vmem>> -> memref<16x512xf32, #tpu.memory_space<vmem>>
    %dma_start3A_1516 = arith.constant 0 : i32
    %dma_start3A_1517 = tpu.memref_slice %arg4[%arg0, %dma_start3A_1511, %add3A_1029, %dma_start3A_1516] : memref<2x32x512x512xf32, #tpu.memory_space<hbm>> -> memref<1x1x16x512xf32, #tpu.memory_space<hbm>>
    %dma_start3A_1518 = tpu.memref_squeeze %dma_start3A_1517 : memref<1x1x16x512xf32, #tpu.memory_space<hbm>> -> memref<16x512xf32, #tpu.memory_space<hbm>>
    %dma_start3A_1519 = arith.constant 0 : i32
    %dma_start3A_1520 = tpu.memref_slice %arg4[%arg0, %dma_start3A_1511, %add3A_1029, %dma_start3A_1519] : memref<2x32x512x512xf32, #tpu.memory_space<hbm>> -> memref<1x1x16x512xf32, #tpu.memory_space<hbm>>
    %dma_start3A_1521 = tpu.memref_squeeze %dma_start3A_1520 : memref<1x1x16x512xf32, #tpu.memory_space<hbm>> -> memref<16x512xf32, #tpu.memory_space<hbm>>
    %dma_start3A_1522 = arith.constant 0 : i32
    %dma_start3A_1523 = arith.constant 0 : i32
    %dma_start3A_1524 = tpu.memref_slice %arg5[%squeeze3A_1510, %dma_start3A_1522, %dma_start3A_1523] : memref<8x16x512xf32, #tpu.memory_space<vmem>> -> memref<1x16x512xf32, #tpu.memory_space<vmem>>
    %dma_start3A_1525 = tpu.memref_squeeze %dma_start3A_1524 : memref<1x16x512xf32, #tpu.memory_space<vmem>> -> memref<16x512xf32, #tpu.memory_space<vmem>>
    tpu.enqueue_dma source(%dma_start3A_1525 : memref<16x512xf32, #tpu.memory_space<vmem>>) target(%dma_start3A_1521 : memref<16x512xf32, #tpu.memory_space<hbm>>) target_semaphore(%arg8 : memref<!tpu.dma_semaphore, #tpu.memory_space<semaphore_mem>>)
    %mul3A_1526 = arith.constant 32 : i32
    %mul3A_1527 = arith.muli %arg0, %mul3A_1526 : i32
    %add3A_1528 = arith.constant 10 : i32
    %add3A_1529 = arith.addi %mul3A_1527, %add3A_1528 : i32
    %get3A_1530 = arith.index_cast %add3A_1529 : i32 to index
    %get3A_1531 = tpu.vector_load %arg6[%get3A_1530] {strides = array<i32>} : memref<80xi32, #tpu.memory_space<vmem>>, vector<16xi32>,
    %get3A_1532 = vector.shape_cast %get3A_1531 : vector<16xi32> to vector<16xi32>
    %slice3A_1533 = vector.extract_strided_slice %get3A_1532 {offsets = [0], sizes = [1], strides = [1]} : vector<16xi32> to vector<1xi32>
    %squeeze3A_1534 = vector.extract %slice3A_1533[0] : i32 from vector<1xi32>
    %dma_start3A_1535 = arith.constant 10 : i32
    %dma_start3A_1536 = arith.constant 0 : i32
    %dma_start3A_1537 = arith.constant 0 : i32
    %dma_start3A_1538 = tpu.memref_slice %arg5[%squeeze3A_1534, %dma_start3A_1536, %dma_start3A_1537] : memref<8x16x512xf32, #tpu.memory_space<vmem>> -> memref<1x16x512xf32, #tpu.memory_space<vmem>>
    %dma_start3A_1539 = tpu.memref_squeeze %dma_start3A_1538 : memref<1x16x512xf32, #tpu.memory_space<vmem>> -> memref<16x512xf32, #tpu.memory_space<vmem>>
    %dma_start3A_1540 = arith.constant 0 : i32
    %dma_start3A_1541 = tpu.memref_slice %arg4[%arg0, %dma_start3A_1535, %add3A_1029, %dma_start3A_1540] : memref<2x32x512x512xf32, #tpu.memory_space<hbm>> -> memref<1x1x16x512xf32, #tpu.memory_space<hbm>>
    %dma_start3A_1542 = tpu.memref_squeeze %dma_start3A_1541 : memref<1x1x16x512xf32, #tpu.memory_space<hbm>> -> memref<16x512xf32, #tpu.memory_space<hbm>>
    %dma_start3A_1543 = arith.constant 0 : i32
    %dma_start3A_1544 = tpu.memref_slice %arg4[%arg0, %dma_start3A_1535, %add3A_1029, %dma_start3A_1543] : memref<2x32x512x512xf32, #tpu.memory_space<hbm>> -> memref<1x1x16x512xf32, #tpu.memory_space<hbm>>
    %dma_start3A_1545 = tpu.memref_squeeze %dma_start3A_1544 : memref<1x1x16x512xf32, #tpu.memory_space<hbm>> -> memref<16x512xf32, #tpu.memory_space<hbm>>
    %dma_start3A_1546 = arith.constant 0 : i32
    %dma_start3A_1547 = arith.constant 0 : i32
    %dma_start3A_1548 = tpu.memref_slice %arg5[%squeeze3A_1534, %dma_start3A_1546, %dma_start3A_1547] : memref<8x16x512xf32, #tpu.memory_space<vmem>> -> memref<1x16x512xf32, #tpu.memory_space<vmem>>
    %dma_start3A_1549 = tpu.memref_squeeze %dma_start3A_1548 : memref<1x16x512xf32, #tpu.memory_space<vmem>> -> memref<16x512xf32, #tpu.memory_space<vmem>>
    tpu.enqueue_dma source(%dma_start3A_1549 : memref<16x512xf32, #tpu.memory_space<vmem>>) target(%dma_start3A_1545 : memref<16x512xf32, #tpu.memory_space<hbm>>) target_semaphore(%arg8 : memref<!tpu.dma_semaphore, #tpu.memory_space<semaphore_mem>>)
    %mul3A_1550 = arith.constant 32 : i32
    %mul3A_1551 = arith.muli %arg0, %mul3A_1550 : i32
    %add3A_1552 = arith.constant 11 : i32
    %add3A_1553 = arith.addi %mul3A_1551, %add3A_1552 : i32
    %get3A_1554 = arith.index_cast %add3A_1553 : i32 to index
    %get3A_1555 = tpu.vector_load %arg6[%get3A_1554] {strides = array<i32>} : memref<80xi32, #tpu.memory_space<vmem>>, vector<16xi32>,
    %get3A_1556 = vector.shape_cast %get3A_1555 : vector<16xi32> to vector<16xi32>
    %slice3A_1557 = vector.extract_strided_slice %get3A_1556 {offsets = [0], sizes = [1], strides = [1]} : vector<16xi32> to vector<1xi32>
    %squeeze3A_1558 = vector.extract %slice3A_1557[0] : i32 from vector<1xi32>
    %dma_start3A_1559 = arith.constant 11 : i32
    %dma_start3A_1560 = arith.constant 0 : i32
    %dma_start3A_1561 = arith.constant 0 : i32
    %dma_start3A_1562 = tpu.memref_slice %arg5[%squeeze3A_1558, %dma_start3A_1560, %dma_start3A_1561] : memref<8x16x512xf32, #tpu.memory_space<vmem>> -> memref<1x16x512xf32, #tpu.memory_space<vmem>>
    %dma_start3A_1563 = tpu.memref_squeeze %dma_start3A_1562 : memref<1x16x512xf32, #tpu.memory_space<vmem>> -> memref<16x512xf32, #tpu.memory_space<vmem>>
    %dma_start3A_1564 = arith.constant 0 : i32
    %dma_start3A_1565 = tpu.memref_slice %arg4[%arg0, %dma_start3A_1559, %add3A_1029, %dma_start3A_1564] : memref<2x32x512x512xf32, #tpu.memory_space<hbm>> -> memref<1x1x16x512xf32, #tpu.memory_space<hbm>>
    %dma_start3A_1566 = tpu.memref_squeeze %dma_start3A_1565 : memref<1x1x16x512xf32, #tpu.memory_space<hbm>> -> memref<16x512xf32, #tpu.memory_space<hbm>>
    %dma_start3A_1567 = arith.constant 0 : i32
    %dma_start3A_1568 = tpu.memref_slice %arg4[%arg0, %dma_start3A_1559, %add3A_1029, %dma_start3A_1567] : memref<2x32x512x512xf32, #tpu.memory_space<hbm>> -> memref<1x1x16x512xf32, #tpu.memory_space<hbm>>
    %dma_start3A_1569 = tpu.memref_squeeze %dma_start3A_1568 : memref<1x1x16x512xf32, #tpu.memory_space<hbm>> -> memref<16x512xf32, #tpu.memory_space<hbm>>
    %dma_start3A_1570 = arith.constant 0 : i32
    %dma_start3A_1571 = arith.constant 0 : i32
    %dma_start3A_1572 = tpu.memref_slice %arg5[%squeeze3A_1558, %dma_start3A_1570, %dma_start3A_1571] : memref<8x16x512xf32, #tpu.memory_space<vmem>> -> memref<1x16x512xf32, #tpu.memory_space<vmem>>
    %dma_start3A_1573 = tpu.memref_squeeze %dma_start3A_1572 : memref<1x16x512xf32, #tpu.memory_space<vmem>> -> memref<16x512xf32, #tpu.memory_space<vmem>>
    tpu.enqueue_dma source(%dma_start3A_1573 : memref<16x512xf32, #tpu.memory_space<vmem>>) target(%dma_start3A_1569 : memref<16x512xf32, #tpu.memory_space<hbm>>) target_semaphore(%arg8 : memref<!tpu.dma_semaphore, #tpu.memory_space<semaphore_mem>>)
    %mul3A_1574 = arith.constant 32 : i32
    %mul3A_1575 = arith.muli %arg0, %mul3A_1574 : i32
    %add3A_1576 = arith.constant 12 : i32
    %add3A_1577 = arith.addi %mul3A_1575, %add3A_1576 : i32
    %get3A_1578 = arith.index_cast %add3A_1577 : i32 to index
    %get3A_1579 = tpu.vector_load %arg6[%get3A_1578] {strides = array<i32>} : memref<80xi32, #tpu.memory_space<vmem>>, vector<16xi32>,
    %get3A_1580 = vector.shape_cast %get3A_1579 : vector<16xi32> to vector<16xi32>
    %slice3A_1581 = vector.extract_strided_slice %get3A_1580 {offsets = [0], sizes = [1], strides = [1]} : vector<16xi32> to vector<1xi32>
    %squeeze3A_1582 = vector.extract %slice3A_1581[0] : i32 from vector<1xi32>
    %dma_start3A_1583 = arith.constant 12 : i32
    %dma_start3A_1584 = arith.constant 0 : i32
    %dma_start3A_1585 = arith.constant 0 : i32
    %dma_start3A_1586 = tpu.memref_slice %arg5[%squeeze3A_1582, %dma_start3A_1584, %dma_start3A_1585] : memref<8x16x512xf32, #tpu.memory_space<vmem>> -> memref<1x16x512xf32, #tpu.memory_space<vmem>>
    %dma_start3A_1587 = tpu.memref_squeeze %dma_start3A_1586 : memref<1x16x512xf32, #tpu.memory_space<vmem>> -> memref<16x512xf32, #tpu.memory_space<vmem>>
    %dma_start3A_1588 = arith.constant 0 : i32
    %dma_start3A_1589 = tpu.memref_slice %arg4[%arg0, %dma_start3A_1583, %add3A_1029, %dma_start3A_1588] : memref<2x32x512x512xf32, #tpu.memory_space<hbm>> -> memref<1x1x16x512xf32, #tpu.memory_space<hbm>>
    %dma_start3A_1590 = tpu.memref_squeeze %dma_start3A_1589 : memref<1x1x16x512xf32, #tpu.memory_space<hbm>> -> memref<16x512xf32, #tpu.memory_space<hbm>>
    %dma_start3A_1591 = arith.constant 0 : i32
    %dma_start3A_1592 = tpu.memref_slice %arg4[%arg0, %dma_start3A_1583, %add3A_1029, %dma_start3A_1591] : memref<2x32x512x512xf32, #tpu.memory_space<hbm>> -> memref<1x1x16x512xf32, #tpu.memory_space<hbm>>
    %dma_start3A_1593 = tpu.memref_squeeze %dma_start3A_1592 : memref<1x1x16x512xf32, #tpu.memory_space<hbm>> -> memref<16x512xf32, #tpu.memory_space<hbm>>
    %dma_start3A_1594 = arith.constant 0 : i32
    %dma_start3A_1595 = arith.constant 0 : i32
    %dma_start3A_1596 = tpu.memref_slice %arg5[%squeeze3A_1582, %dma_start3A_1594, %dma_start3A_1595] : memref<8x16x512xf32, #tpu.memory_space<vmem>> -> memref<1x16x512xf32, #tpu.memory_space<vmem>>
    %dma_start3A_1597 = tpu.memref_squeeze %dma_start3A_1596 : memref<1x16x512xf32, #tpu.memory_space<vmem>> -> memref<16x512xf32, #tpu.memory_space<vmem>>
    tpu.enqueue_dma source(%dma_start3A_1597 : memref<16x512xf32, #tpu.memory_space<vmem>>) target(%dma_start3A_1593 : memref<16x512xf32, #tpu.memory_space<hbm>>) target_semaphore(%arg8 : memref<!tpu.dma_semaphore, #tpu.memory_space<semaphore_mem>>)
    %mul3A_1598 = arith.constant 32 : i32
    %mul3A_1599 = arith.muli %arg0, %mul3A_1598 : i32
    %add3A_1600 = arith.constant 13 : i32
    %add3A_1601 = arith.addi %mul3A_1599, %add3A_1600 : i32
    %get3A_1602 = arith.index_cast %add3A_1601 : i32 to index
    %get3A_1603 = tpu.vector_load %arg6[%get3A_1602] {strides = array<i32>} : memref<80xi32, #tpu.memory_space<vmem>>, vector<16xi32>,
    %get3A_1604 = vector.shape_cast %get3A_1603 : vector<16xi32> to vector<16xi32>
    %slice3A_1605 = vector.extract_strided_slice %get3A_1604 {offsets = [0], sizes = [1], strides = [1]} : vector<16xi32> to vector<1xi32>
    %squeeze3A_1606 = vector.extract %slice3A_1605[0] : i32 from vector<1xi32>
    %dma_start3A_1607 = arith.constant 13 : i32
    %dma_start3A_1608 = arith.constant 0 : i32
    %dma_start3A_1609 = arith.constant 0 : i32
    %dma_start3A_1610 = tpu.memref_slice %arg5[%squeeze3A_1606, %dma_start3A_1608, %dma_start3A_1609] : memref<8x16x512xf32, #tpu.memory_space<vmem>> -> memref<1x16x512xf32, #tpu.memory_space<vmem>>
    %dma_start3A_1611 = tpu.memref_squeeze %dma_start3A_1610 : memref<1x16x512xf32, #tpu.memory_space<vmem>> -> memref<16x512xf32, #tpu.memory_space<vmem>>
    %dma_start3A_1612 = arith.constant 0 : i32
    %dma_start3A_1613 = tpu.memref_slice %arg4[%arg0, %dma_start3A_1607, %add3A_1029, %dma_start3A_1612] : memref<2x32x512x512xf32, #tpu.memory_space<hbm>> -> memref<1x1x16x512xf32, #tpu.memory_space<hbm>>
    %dma_start3A_1614 = tpu.memref_squeeze %dma_start3A_1613 : memref<1x1x16x512xf32, #tpu.memory_space<hbm>> -> memref<16x512xf32, #tpu.memory_space<hbm>>
    %dma_start3A_1615 = arith.constant 0 : i32
    %dma_start3A_1616 = tpu.memref_slice %arg4[%arg0, %dma_start3A_1607, %add3A_1029, %dma_start3A_1615] : memref<2x32x512x512xf32, #tpu.memory_space<hbm>> -> memref<1x1x16x512xf32, #tpu.memory_space<hbm>>
    %dma_start3A_1617 = tpu.memref_squeeze %dma_start3A_1616 : memref<1x1x16x512xf32, #tpu.memory_space<hbm>> -> memref<16x512xf32, #tpu.memory_space<hbm>>
    %dma_start3A_1618 = arith.constant 0 : i32
    %dma_start3A_1619 = arith.constant 0 : i32
    %dma_start3A_1620 = tpu.memref_slice %arg5[%squeeze3A_1606, %dma_start3A_1618, %dma_start3A_1619] : memref<8x16x512xf32, #tpu.memory_space<vmem>> -> memref<1x16x512xf32, #tpu.memory_space<vmem>>
    %dma_start3A_1621 = tpu.memref_squeeze %dma_start3A_1620 : memref<1x16x512xf32, #tpu.memory_space<vmem>> -> memref<16x512xf32, #tpu.memory_space<vmem>>
    tpu.enqueue_dma source(%dma_start3A_1621 : memref<16x512xf32, #tpu.memory_space<vmem>>) target(%dma_start3A_1617 : memref<16x512xf32, #tpu.memory_space<hbm>>) target_semaphore(%arg8 : memref<!tpu.dma_semaphore, #tpu.memory_space<semaphore_mem>>)
    %mul3A_1622 = arith.constant 32 : i32
    %mul3A_1623 = arith.muli %arg0, %mul3A_1622 : i32
    %add3A_1624 = arith.constant 14 : i32
    %add3A_1625 = arith.addi %mul3A_1623, %add3A_1624 : i32
    %get3A_1626 = arith.index_cast %add3A_1625 : i32 to index
    %get3A_1627 = tpu.vector_load %arg6[%get3A_1626] {strides = array<i32>} : memref<80xi32, #tpu.memory_space<vmem>>, vector<16xi32>,
    %get3A_1628 = vector.shape_cast %get3A_1627 : vector<16xi32> to vector<16xi32>
    %slice3A_1629 = vector.extract_strided_slice %get3A_1628 {offsets = [0], sizes = [1], strides = [1]} : vector<16xi32> to vector<1xi32>
    %squeeze3A_1630 = vector.extract %slice3A_1629[0] : i32 from vector<1xi32>
    %dma_start3A_1631 = arith.constant 14 : i32
    %dma_start3A_1632 = arith.constant 0 : i32
    %dma_start3A_1633 = arith.constant 0 : i32
    %dma_start3A_1634 = tpu.memref_slice %arg5[%squeeze3A_1630, %dma_start3A_1632, %dma_start3A_1633] : memref<8x16x512xf32, #tpu.memory_space<vmem>> -> memref<1x16x512xf32, #tpu.memory_space<vmem>>
    %dma_start3A_1635 = tpu.memref_squeeze %dma_start3A_1634 : memref<1x16x512xf32, #tpu.memory_space<vmem>> -> memref<16x512xf32, #tpu.memory_space<vmem>>
    %dma_start3A_1636 = arith.constant 0 : i32
    %dma_start3A_1637 = tpu.memref_slice %arg4[%arg0, %dma_start3A_1631, %add3A_1029, %dma_start3A_1636] : memref<2x32x512x512xf32, #tpu.memory_space<hbm>> -> memref<1x1x16x512xf32, #tpu.memory_space<hbm>>
    %dma_start3A_1638 = tpu.memref_squeeze %dma_start3A_1637 : memref<1x1x16x512xf32, #tpu.memory_space<hbm>> -> memref<16x512xf32, #tpu.memory_space<hbm>>
    %dma_start3A_1639 = arith.constant 0 : i32
    %dma_start3A_1640 = tpu.memref_slice %arg4[%arg0, %dma_start3A_1631, %add3A_1029, %dma_start3A_1639] : memref<2x32x512x512xf32, #tpu.memory_space<hbm>> -> memref<1x1x16x512xf32, #tpu.memory_space<hbm>>
    %dma_start3A_1641 = tpu.memref_squeeze %dma_start3A_1640 : memref<1x1x16x512xf32, #tpu.memory_space<hbm>> -> memref<16x512xf32, #tpu.memory_space<hbm>>
    %dma_start3A_1642 = arith.constant 0 : i32
    %dma_start3A_1643 = arith.constant 0 : i32
    %dma_start3A_1644 = tpu.memref_slice %arg5[%squeeze3A_1630, %dma_start3A_1642, %dma_start3A_1643] : memref<8x16x512xf32, #tpu.memory_space<vmem>> -> memref<1x16x512xf32, #tpu.memory_space<vmem>>
    %dma_start3A_1645 = tpu.memref_squeeze %dma_start3A_1644 : memref<1x16x512xf32, #tpu.memory_space<vmem>> -> memref<16x512xf32, #tpu.memory_space<vmem>>
    tpu.enqueue_dma source(%dma_start3A_1645 : memref<16x512xf32, #tpu.memory_space<vmem>>) target(%dma_start3A_1641 : memref<16x512xf32, #tpu.memory_space<hbm>>) target_semaphore(%arg8 : memref<!tpu.dma_semaphore, #tpu.memory_space<semaphore_mem>>)
    %mul3A_1646 = arith.constant 32 : i32
    %mul3A_1647 = arith.muli %arg0, %mul3A_1646 : i32
    %add3A_1648 = arith.constant 15 : i32
    %add3A_1649 = arith.addi %mul3A_1647, %add3A_1648 : i32
    %get3A_1650 = arith.index_cast %add3A_1649 : i32 to index
    %get3A_1651 = tpu.vector_load %arg6[%get3A_1650] {strides = array<i32>} : memref<80xi32, #tpu.memory_space<vmem>>, vector<16xi32>,
    %get3A_1652 = vector.shape_cast %get3A_1651 : vector<16xi32> to vector<16xi32>
    %slice3A_1653 = vector.extract_strided_slice %get3A_1652 {offsets = [0], sizes = [1], strides = [1]} : vector<16xi32> to vector<1xi32>
    %squeeze3A_1654 = vector.extract %slice3A_1653[0] : i32 from vector<1xi32>
    %dma_start3A_1655 = arith.constant 15 : i32
    %dma_start3A_1656 = arith.constant 0 : i32
    %dma_start3A_1657 = arith.constant 0 : i32
    %dma_start3A_1658 = tpu.memref_slice %arg5[%squeeze3A_1654, %dma_start3A_1656, %dma_start3A_1657] : memref<8x16x512xf32, #tpu.memory_space<vmem>> -> memref<1x16x512xf32, #tpu.memory_space<vmem>>
    %dma_start3A_1659 = tpu.memref_squeeze %dma_start3A_1658 : memref<1x16x512xf32, #tpu.memory_space<vmem>> -> memref<16x512xf32, #tpu.memory_space<vmem>>
    %dma_start3A_1660 = arith.constant 0 : i32
    %dma_start3A_1661 = tpu.memref_slice %arg4[%arg0, %dma_start3A_1655, %add3A_1029, %dma_start3A_1660] : memref<2x32x512x512xf32, #tpu.memory_space<hbm>> -> memref<1x1x16x512xf32, #tpu.memory_space<hbm>>
    %dma_start3A_1662 = tpu.memref_squeeze %dma_start3A_1661 : memref<1x1x16x512xf32, #tpu.memory_space<hbm>> -> memref<16x512xf32, #tpu.memory_space<hbm>>
    %dma_start3A_1663 = arith.constant 0 : i32
    %dma_start3A_1664 = tpu.memref_slice %arg4[%arg0, %dma_start3A_1655, %add3A_1029, %dma_start3A_1663] : memref<2x32x512x512xf32, #tpu.memory_space<hbm>> -> memref<1x1x16x512xf32, #tpu.memory_space<hbm>>
    %dma_start3A_1665 = tpu.memref_squeeze %dma_start3A_1664 : memref<1x1x16x512xf32, #tpu.memory_space<hbm>> -> memref<16x512xf32, #tpu.memory_space<hbm>>
    %dma_start3A_1666 = arith.constant 0 : i32
    %dma_start3A_1667 = arith.constant 0 : i32
    %dma_start3A_1668 = tpu.memref_slice %arg5[%squeeze3A_1654, %dma_start3A_1666, %dma_start3A_1667] : memref<8x16x512xf32, #tpu.memory_space<vmem>> -> memref<1x16x512xf32, #tpu.memory_space<vmem>>
    %dma_start3A_1669 = tpu.memref_squeeze %dma_start3A_1668 : memref<1x16x512xf32, #tpu.memory_space<vmem>> -> memref<16x512xf32, #tpu.memory_space<vmem>>
    tpu.enqueue_dma source(%dma_start3A_1669 : memref<16x512xf32, #tpu.memory_space<vmem>>) target(%dma_start3A_1665 : memref<16x512xf32, #tpu.memory_space<hbm>>) target_semaphore(%arg8 : memref<!tpu.dma_semaphore, #tpu.memory_space<semaphore_mem>>)
    %mul3A_1670 = arith.constant 32 : i32
    %mul3A_1671 = arith.muli %arg0, %mul3A_1670 : i32
    %add3A_1672 = arith.constant 16 : i32
    %add3A_1673 = arith.addi %mul3A_1671, %add3A_1672 : i32
    %get3A_1674 = arith.index_cast %add3A_1673 : i32 to index
    %get3A_1675 = tpu.vector_load %arg6[%get3A_1674] {strides = array<i32>} : memref<80xi32, #tpu.memory_space<vmem>>, vector<16xi32>,
    %get3A_1676 = vector.shape_cast %get3A_1675 : vector<16xi32> to vector<16xi32>
    %slice3A_1677 = vector.extract_strided_slice %get3A_1676 {offsets = [0], sizes = [1], strides = [1]} : vector<16xi32> to vector<1xi32>
    %squeeze3A_1678 = vector.extract %slice3A_1677[0] : i32 from vector<1xi32>
    %dma_start3A_1679 = arith.constant 16 : i32
    %dma_start3A_1680 = arith.constant 0 : i32
    %dma_start3A_1681 = arith.constant 0 : i32
    %dma_start3A_1682 = tpu.memref_slice %arg5[%squeeze3A_1678, %dma_start3A_1680, %dma_start3A_1681] : memref<8x16x512xf32, #tpu.memory_space<vmem>> -> memref<1x16x512xf32, #tpu.memory_space<vmem>>
    %dma_start3A_1683 = tpu.memref_squeeze %dma_start3A_1682 : memref<1x16x512xf32, #tpu.memory_space<vmem>> -> memref<16x512xf32, #tpu.memory_space<vmem>>
    %dma_start3A_1684 = arith.constant 0 : i32
    %dma_start3A_1685 = tpu.memref_slice %arg4[%arg0, %dma_start3A_1679, %add3A_1029, %dma_start3A_1684] : memref<2x32x512x512xf32, #tpu.memory_space<hbm>> -> memref<1x1x16x512xf32, #tpu.memory_space<hbm>>
    %dma_start3A_1686 = tpu.memref_squeeze %dma_start3A_1685 : memref<1x1x16x512xf32, #tpu.memory_space<hbm>> -> memref<16x512xf32, #tpu.memory_space<hbm>>
    %dma_start3A_1687 = arith.constant 0 : i32
    %dma_start3A_1688 = tpu.memref_slice %arg4[%arg0, %dma_start3A_1679, %add3A_1029, %dma_start3A_1687] : memref<2x32x512x512xf32, #tpu.memory_space<hbm>> -> memref<1x1x16x512xf32, #tpu.memory_space<hbm>>
    %dma_start3A_1689 = tpu.memref_squeeze %dma_start3A_1688 : memref<1x1x16x512xf32, #tpu.memory_space<hbm>> -> memref<16x512xf32, #tpu.memory_space<hbm>>
    %dma_start3A_1690 = arith.constant 0 : i32
    %dma_start3A_1691 = arith.constant 0 : i32
    %dma_start3A_1692 = tpu.memref_slice %arg5[%squeeze3A_1678, %dma_start3A_1690, %dma_start3A_1691] : memref<8x16x512xf32, #tpu.memory_space<vmem>> -> memref<1x16x512xf32, #tpu.memory_space<vmem>>
    %dma_start3A_1693 = tpu.memref_squeeze %dma_start3A_1692 : memref<1x16x512xf32, #tpu.memory_space<vmem>> -> memref<16x512xf32, #tpu.memory_space<vmem>>
    tpu.enqueue_dma source(%dma_start3A_1693 : memref<16x512xf32, #tpu.memory_space<vmem>>) target(%dma_start3A_1689 : memref<16x512xf32, #tpu.memory_space<hbm>>) target_semaphore(%arg8 : memref<!tpu.dma_semaphore, #tpu.memory_space<semaphore_mem>>)
    %mul3A_1694 = arith.constant 32 : i32
    %mul3A_1695 = arith.muli %arg0, %mul3A_1694 : i32
    %add3A_1696 = arith.constant 17 : i32
    %add3A_1697 = arith.addi %mul3A_1695, %add3A_1696 : i32
    %get3A_1698 = arith.index_cast %add3A_1697 : i32 to index
    %get3A_1699 = tpu.vector_load %arg6[%get3A_1698] {strides = array<i32>} : memref<80xi32, #tpu.memory_space<vmem>>, vector<16xi32>,
    %get3A_1700 = vector.shape_cast %get3A_1699 : vector<16xi32> to vector<16xi32>
    %slice3A_1701 = vector.extract_strided_slice %get3A_1700 {offsets = [0], sizes = [1], strides = [1]} : vector<16xi32> to vector<1xi32>
    %squeeze3A_1702 = vector.extract %slice3A_1701[0] : i32 from vector<1xi32>
    %dma_start3A_1703 = arith.constant 17 : i32
    %dma_start3A_1704 = arith.constant 0 : i32
    %dma_start3A_1705 = arith.constant 0 : i32
    %dma_start3A_1706 = tpu.memref_slice %arg5[%squeeze3A_1702, %dma_start3A_1704, %dma_start3A_1705] : memref<8x16x512xf32, #tpu.memory_space<vmem>> -> memref<1x16x512xf32, #tpu.memory_space<vmem>>
    %dma_start3A_1707 = tpu.memref_squeeze %dma_start3A_1706 : memref<1x16x512xf32, #tpu.memory_space<vmem>> -> memref<16x512xf32, #tpu.memory_space<vmem>>
    %dma_start3A_1708 = arith.constant 0 : i32
    %dma_start3A_1709 = tpu.memref_slice %arg4[%arg0, %dma_start3A_1703, %add3A_1029, %dma_start3A_1708] : memref<2x32x512x512xf32, #tpu.memory_space<hbm>> -> memref<1x1x16x512xf32, #tpu.memory_space<hbm>>
    %dma_start3A_1710 = tpu.memref_squeeze %dma_start3A_1709 : memref<1x1x16x512xf32, #tpu.memory_space<hbm>> -> memref<16x512xf32, #tpu.memory_space<hbm>>
    %dma_start3A_1711 = arith.constant 0 : i32
    %dma_start3A_1712 = tpu.memref_slice %arg4[%arg0, %dma_start3A_1703, %add3A_1029, %dma_start3A_1711] : memref<2x32x512x512xf32, #tpu.memory_space<hbm>> -> memref<1x1x16x512xf32, #tpu.memory_space<hbm>>
    %dma_start3A_1713 = tpu.memref_squeeze %dma_start3A_1712 : memref<1x1x16x512xf32, #tpu.memory_space<hbm>> -> memref<16x512xf32, #tpu.memory_space<hbm>>
    %dma_start3A_1714 = arith.constant 0 : i32
    %dma_start3A_1715 = arith.constant 0 : i32
    %dma_start3A_1716 = tpu.memref_slice %arg5[%squeeze3A_1702, %dma_start3A_1714, %dma_start3A_1715] : memref<8x16x512xf32, #tpu.memory_space<vmem>> -> memref<1x16x512xf32, #tpu.memory_space<vmem>>
    %dma_start3A_1717 = tpu.memref_squeeze %dma_start3A_1716 : memref<1x16x512xf32, #tpu.memory_space<vmem>> -> memref<16x512xf32, #tpu.memory_space<vmem>>
    tpu.enqueue_dma source(%dma_start3A_1717 : memref<16x512xf32, #tpu.memory_space<vmem>>) target(%dma_start3A_1713 : memref<16x512xf32, #tpu.memory_space<hbm>>) target_semaphore(%arg8 : memref<!tpu.dma_semaphore, #tpu.memory_space<semaphore_mem>>)
    %mul3A_1718 = arith.constant 32 : i32
    %mul3A_1719 = arith.muli %arg0, %mul3A_1718 : i32
    %add3A_1720 = arith.constant 18 : i32
    %add3A_1721 = arith.addi %mul3A_1719, %add3A_1720 : i32
    %get3A_1722 = arith.index_cast %add3A_1721 : i32 to index
    %get3A_1723 = tpu.vector_load %arg6[%get3A_1722] {strides = array<i32>} : memref<80xi32, #tpu.memory_space<vmem>>, vector<16xi32>,
    %get3A_1724 = vector.shape_cast %get3A_1723 : vector<16xi32> to vector<16xi32>
    %slice3A_1725 = vector.extract_strided_slice %get3A_1724 {offsets = [0], sizes = [1], strides = [1]} : vector<16xi32> to vector<1xi32>
    %squeeze3A_1726 = vector.extract %slice3A_1725[0] : i32 from vector<1xi32>
    %dma_start3A_1727 = arith.constant 18 : i32
    %dma_start3A_1728 = arith.constant 0 : i32
    %dma_start3A_1729 = arith.constant 0 : i32
    %dma_start3A_1730 = tpu.memref_slice %arg5[%squeeze3A_1726, %dma_start3A_1728, %dma_start3A_1729] : memref<8x16x512xf32, #tpu.memory_space<vmem>> -> memref<1x16x512xf32, #tpu.memory_space<vmem>>
    %dma_start3A_1731 = tpu.memref_squeeze %dma_start3A_1730 : memref<1x16x512xf32, #tpu.memory_space<vmem>> -> memref<16x512xf32, #tpu.memory_space<vmem>>
    %dma_start3A_1732 = arith.constant 0 : i32
    %dma_start3A_1733 = tpu.memref_slice %arg4[%arg0, %dma_start3A_1727, %add3A_1029, %dma_start3A_1732] : memref<2x32x512x512xf32, #tpu.memory_space<hbm>> -> memref<1x1x16x512xf32, #tpu.memory_space<hbm>>
    %dma_start3A_1734 = tpu.memref_squeeze %dma_start3A_1733 : memref<1x1x16x512xf32, #tpu.memory_space<hbm>> -> memref<16x512xf32, #tpu.memory_space<hbm>>
    %dma_start3A_1735 = arith.constant 0 : i32
    %dma_start3A_1736 = tpu.memref_slice %arg4[%arg0, %dma_start3A_1727, %add3A_1029, %dma_start3A_1735] : memref<2x32x512x512xf32, #tpu.memory_space<hbm>> -> memref<1x1x16x512xf32, #tpu.memory_space<hbm>>
    %dma_start3A_1737 = tpu.memref_squeeze %dma_start3A_1736 : memref<1x1x16x512xf32, #tpu.memory_space<hbm>> -> memref<16x512xf32, #tpu.memory_space<hbm>>
    %dma_start3A_1738 = arith.constant 0 : i32
    %dma_start3A_1739 = arith.constant 0 : i32
    %dma_start3A_1740 = tpu.memref_slice %arg5[%squeeze3A_1726, %dma_start3A_1738, %dma_start3A_1739] : memref<8x16x512xf32, #tpu.memory_space<vmem>> -> memref<1x16x512xf32, #tpu.memory_space<vmem>>
    %dma_start3A_1741 = tpu.memref_squeeze %dma_start3A_1740 : memref<1x16x512xf32, #tpu.memory_space<vmem>> -> memref<16x512xf32, #tpu.memory_space<vmem>>
    tpu.enqueue_dma source(%dma_start3A_1741 : memref<16x512xf32, #tpu.memory_space<vmem>>) target(%dma_start3A_1737 : memref<16x512xf32, #tpu.memory_space<hbm>>) target_semaphore(%arg8 : memref<!tpu.dma_semaphore, #tpu.memory_space<semaphore_mem>>)
    %mul3A_1742 = arith.constant 32 : i32
    %mul3A_1743 = arith.muli %arg0, %mul3A_1742 : i32
    %add3A_1744 = arith.constant 19 : i32
    %add3A_1745 = arith.addi %mul3A_1743, %add3A_1744 : i32
    %get3A_1746 = arith.index_cast %add3A_1745 : i32 to index
    %get3A_1747 = tpu.vector_load %arg6[%get3A_1746] {strides = array<i32>} : memref<80xi32, #tpu.memory_space<vmem>>, vector<16xi32>,
    %get3A_1748 = vector.shape_cast %get3A_1747 : vector<16xi32> to vector<16xi32>
    %slice3A_1749 = vector.extract_strided_slice %get3A_1748 {offsets = [0], sizes = [1], strides = [1]} : vector<16xi32> to vector<1xi32>
    %squeeze3A_1750 = vector.extract %slice3A_1749[0] : i32 from vector<1xi32>
    %dma_start3A_1751 = arith.constant 19 : i32
    %dma_start3A_1752 = arith.constant 0 : i32
    %dma_start3A_1753 = arith.constant 0 : i32
    %dma_start3A_1754 = tpu.memref_slice %arg5[%squeeze3A_1750, %dma_start3A_1752, %dma_start3A_1753] : memref<8x16x512xf32, #tpu.memory_space<vmem>> -> memref<1x16x512xf32, #tpu.memory_space<vmem>>
    %dma_start3A_1755 = tpu.memref_squeeze %dma_start3A_1754 : memref<1x16x512xf32, #tpu.memory_space<vmem>> -> memref<16x512xf32, #tpu.memory_space<vmem>>
    %dma_start3A_1756 = arith.constant 0 : i32
    %dma_start3A_1757 = tpu.memref_slice %arg4[%arg0, %dma_start3A_1751, %add3A_1029, %dma_start3A_1756] : memref<2x32x512x512xf32, #tpu.memory_space<hbm>> -> memref<1x1x16x512xf32, #tpu.memory_space<hbm>>
    %dma_start3A_1758 = tpu.memref_squeeze %dma_start3A_1757 : memref<1x1x16x512xf32, #tpu.memory_space<hbm>> -> memref<16x512xf32, #tpu.memory_space<hbm>>
    %dma_start3A_1759 = arith.constant 0 : i32
    %dma_start3A_1760 = tpu.memref_slice %arg4[%arg0, %dma_start3A_1751, %add3A_1029, %dma_start3A_1759] : memref<2x32x512x512xf32, #tpu.memory_space<hbm>> -> memref<1x1x16x512xf32, #tpu.memory_space<hbm>>
    %dma_start3A_1761 = tpu.memref_squeeze %dma_start3A_1760 : memref<1x1x16x512xf32, #tpu.memory_space<hbm>> -> memref<16x512xf32, #tpu.memory_space<hbm>>
    %dma_start3A_1762 = arith.constant 0 : i32
    %dma_start3A_1763 = arith.constant 0 : i32
    %dma_start3A_1764 = tpu.memref_slice %arg5[%squeeze3A_1750, %dma_start3A_1762, %dma_start3A_1763] : memref<8x16x512xf32, #tpu.memory_space<vmem>> -> memref<1x16x512xf32, #tpu.memory_space<vmem>>
    %dma_start3A_1765 = tpu.memref_squeeze %dma_start3A_1764 : memref<1x16x512xf32, #tpu.memory_space<vmem>> -> memref<16x512xf32, #tpu.memory_space<vmem>>
    tpu.enqueue_dma source(%dma_start3A_1765 : memref<16x512xf32, #tpu.memory_space<vmem>>) target(%dma_start3A_1761 : memref<16x512xf32, #tpu.memory_space<hbm>>) target_semaphore(%arg8 : memref<!tpu.dma_semaphore, #tpu.memory_space<semaphore_mem>>)
    %mul3A_1766 = arith.constant 32 : i32
    %mul3A_1767 = arith.muli %arg0, %mul3A_1766 : i32
    %add3A_1768 = arith.constant 20 : i32
    %add3A_1769 = arith.addi %mul3A_1767, %add3A_1768 : i32
    %get3A_1770 = arith.index_cast %add3A_1769 : i32 to index
    %get3A_1771 = tpu.vector_load %arg6[%get3A_1770] {strides = array<i32>} : memref<80xi32, #tpu.memory_space<vmem>>, vector<16xi32>,
    %get3A_1772 = vector.shape_cast %get3A_1771 : vector<16xi32> to vector<16xi32>
    %slice3A_1773 = vector.extract_strided_slice %get3A_1772 {offsets = [0], sizes = [1], strides = [1]} : vector<16xi32> to vector<1xi32>
    %squeeze3A_1774 = vector.extract %slice3A_1773[0] : i32 from vector<1xi32>
    %dma_start3A_1775 = arith.constant 20 : i32
    %dma_start3A_1776 = arith.constant 0 : i32
    %dma_start3A_1777 = arith.constant 0 : i32
    %dma_start3A_1778 = tpu.memref_slice %arg5[%squeeze3A_1774, %dma_start3A_1776, %dma_start3A_1777] : memref<8x16x512xf32, #tpu.memory_space<vmem>> -> memref<1x16x512xf32, #tpu.memory_space<vmem>>
    %dma_start3A_1779 = tpu.memref_squeeze %dma_start3A_1778 : memref<1x16x512xf32, #tpu.memory_space<vmem>> -> memref<16x512xf32, #tpu.memory_space<vmem>>
    %dma_start3A_1780 = arith.constant 0 : i32
    %dma_start3A_1781 = tpu.memref_slice %arg4[%arg0, %dma_start3A_1775, %add3A_1029, %dma_start3A_1780] : memref<2x32x512x512xf32, #tpu.memory_space<hbm>> -> memref<1x1x16x512xf32, #tpu.memory_space<hbm>>
    %dma_start3A_1782 = tpu.memref_squeeze %dma_start3A_1781 : memref<1x1x16x512xf32, #tpu.memory_space<hbm>> -> memref<16x512xf32, #tpu.memory_space<hbm>>
    %dma_start3A_1783 = arith.constant 0 : i32
    %dma_start3A_1784 = tpu.memref_slice %arg4[%arg0, %dma_start3A_1775, %add3A_1029, %dma_start3A_1783] : memref<2x32x512x512xf32, #tpu.memory_space<hbm>> -> memref<1x1x16x512xf32, #tpu.memory_space<hbm>>
    %dma_start3A_1785 = tpu.memref_squeeze %dma_start3A_1784 : memref<1x1x16x512xf32, #tpu.memory_space<hbm>> -> memref<16x512xf32, #tpu.memory_space<hbm>>
    %dma_start3A_1786 = arith.constant 0 : i32
    %dma_start3A_1787 = arith.constant 0 : i32
    %dma_start3A_1788 = tpu.memref_slice %arg5[%squeeze3A_1774, %dma_start3A_1786, %dma_start3A_1787] : memref<8x16x512xf32, #tpu.memory_space<vmem>> -> memref<1x16x512xf32, #tpu.memory_space<vmem>>
    %dma_start3A_1789 = tpu.memref_squeeze %dma_start3A_1788 : memref<1x16x512xf32, #tpu.memory_space<vmem>> -> memref<16x512xf32, #tpu.memory_space<vmem>>
    tpu.enqueue_dma source(%dma_start3A_1789 : memref<16x512xf32, #tpu.memory_space<vmem>>) target(%dma_start3A_1785 : memref<16x512xf32, #tpu.memory_space<hbm>>) target_semaphore(%arg8 : memref<!tpu.dma_semaphore, #tpu.memory_space<semaphore_mem>>)
    %mul3A_1790 = arith.constant 32 : i32
    %mul3A_1791 = arith.muli %arg0, %mul3A_1790 : i32
    %add3A_1792 = arith.constant 21 : i32
    %add3A_1793 = arith.addi %mul3A_1791, %add3A_1792 : i32
    %get3A_1794 = arith.index_cast %add3A_1793 : i32 to index
    %get3A_1795 = tpu.vector_load %arg6[%get3A_1794] {strides = array<i32>} : memref<80xi32, #tpu.memory_space<vmem>>, vector<16xi32>,
    %get3A_1796 = vector.shape_cast %get3A_1795 : vector<16xi32> to vector<16xi32>
    %slice3A_1797 = vector.extract_strided_slice %get3A_1796 {offsets = [0], sizes = [1], strides = [1]} : vector<16xi32> to vector<1xi32>
    %squeeze3A_1798 = vector.extract %slice3A_1797[0] : i32 from vector<1xi32>
    %dma_start3A_1799 = arith.constant 21 : i32
    %dma_start3A_1800 = arith.constant 0 : i32
    %dma_start3A_1801 = arith.constant 0 : i32
    %dma_start3A_1802 = tpu.memref_slice %arg5[%squeeze3A_1798, %dma_start3A_1800, %dma_start3A_1801] : memref<8x16x512xf32, #tpu.memory_space<vmem>> -> memref<1x16x512xf32, #tpu.memory_space<vmem>>
    %dma_start3A_1803 = tpu.memref_squeeze %dma_start3A_1802 : memref<1x16x512xf32, #tpu.memory_space<vmem>> -> memref<16x512xf32, #tpu.memory_space<vmem>>
    %dma_start3A_1804 = arith.constant 0 : i32
    %dma_start3A_1805 = tpu.memref_slice %arg4[%arg0, %dma_start3A_1799, %add3A_1029, %dma_start3A_1804] : memref<2x32x512x512xf32, #tpu.memory_space<hbm>> -> memref<1x1x16x512xf32, #tpu.memory_space<hbm>>
    %dma_start3A_1806 = tpu.memref_squeeze %dma_start3A_1805 : memref<1x1x16x512xf32, #tpu.memory_space<hbm>> -> memref<16x512xf32, #tpu.memory_space<hbm>>
    %dma_start3A_1807 = arith.constant 0 : i32
    %dma_start3A_1808 = tpu.memref_slice %arg4[%arg0, %dma_start3A_1799, %add3A_1029, %dma_start3A_1807] : memref<2x32x512x512xf32, #tpu.memory_space<hbm>> -> memref<1x1x16x512xf32, #tpu.memory_space<hbm>>
    %dma_start3A_1809 = tpu.memref_squeeze %dma_start3A_1808 : memref<1x1x16x512xf32, #tpu.memory_space<hbm>> -> memref<16x512xf32, #tpu.memory_space<hbm>>
    %dma_start3A_1810 = arith.constant 0 : i32
    %dma_start3A_1811 = arith.constant 0 : i32
    %dma_start3A_1812 = tpu.memref_slice %arg5[%squeeze3A_1798, %dma_start3A_1810, %dma_start3A_1811] : memref<8x16x512xf32, #tpu.memory_space<vmem>> -> memref<1x16x512xf32, #tpu.memory_space<vmem>>
    %dma_start3A_1813 = tpu.memref_squeeze %dma_start3A_1812 : memref<1x16x512xf32, #tpu.memory_space<vmem>> -> memref<16x512xf32, #tpu.memory_space<vmem>>
    tpu.enqueue_dma source(%dma_start3A_1813 : memref<16x512xf32, #tpu.memory_space<vmem>>) target(%dma_start3A_1809 : memref<16x512xf32, #tpu.memory_space<hbm>>) target_semaphore(%arg8 : memref<!tpu.dma_semaphore, #tpu.memory_space<semaphore_mem>>)
    %mul3A_1814 = arith.constant 32 : i32
    %mul3A_1815 = arith.muli %arg0, %mul3A_1814 : i32
    %add3A_1816 = arith.constant 22 : i32
    %add3A_1817 = arith.addi %mul3A_1815, %add3A_1816 : i32
    %get3A_1818 = arith.index_cast %add3A_1817 : i32 to index
    %get3A_1819 = tpu.vector_load %arg6[%get3A_1818] {strides = array<i32>} : memref<80xi32, #tpu.memory_space<vmem>>, vector<16xi32>,
    %get3A_1820 = vector.shape_cast %get3A_1819 : vector<16xi32> to vector<16xi32>
    %slice3A_1821 = vector.extract_strided_slice %get3A_1820 {offsets = [0], sizes = [1], strides = [1]} : vector<16xi32> to vector<1xi32>
    %squeeze3A_1822 = vector.extract %slice3A_1821[0] : i32 from vector<1xi32>
    %dma_start3A_1823 = arith.constant 22 : i32
    %dma_start3A_1824 = arith.constant 0 : i32
    %dma_start3A_1825 = arith.constant 0 : i32
    %dma_start3A_1826 = tpu.memref_slice %arg5[%squeeze3A_1822, %dma_start3A_1824, %dma_start3A_1825] : memref<8x16x512xf32, #tpu.memory_space<vmem>> -> memref<1x16x512xf32, #tpu.memory_space<vmem>>
    %dma_start3A_1827 = tpu.memref_squeeze %dma_start3A_1826 : memref<1x16x512xf32, #tpu.memory_space<vmem>> -> memref<16x512xf32, #tpu.memory_space<vmem>>
    %dma_start3A_1828 = arith.constant 0 : i32
    %dma_start3A_1829 = tpu.memref_slice %arg4[%arg0, %dma_start3A_1823, %add3A_1029, %dma_start3A_1828] : memref<2x32x512x512xf32, #tpu.memory_space<hbm>> -> memref<1x1x16x512xf32, #tpu.memory_space<hbm>>
    %dma_start3A_1830 = tpu.memref_squeeze %dma_start3A_1829 : memref<1x1x16x512xf32, #tpu.memory_space<hbm>> -> memref<16x512xf32, #tpu.memory_space<hbm>>
    %dma_start3A_1831 = arith.constant 0 : i32
    %dma_start3A_1832 = tpu.memref_slice %arg4[%arg0, %dma_start3A_1823, %add3A_1029, %dma_start3A_1831] : memref<2x32x512x512xf32, #tpu.memory_space<hbm>> -> memref<1x1x16x512xf32, #tpu.memory_space<hbm>>
    %dma_start3A_1833 = tpu.memref_squeeze %dma_start3A_1832 : memref<1x1x16x512xf32, #tpu.memory_space<hbm>> -> memref<16x512xf32, #tpu.memory_space<hbm>>
    %dma_start3A_1834 = arith.constant 0 : i32
    %dma_start3A_1835 = arith.constant 0 : i32
    %dma_start3A_1836 = tpu.memref_slice %arg5[%squeeze3A_1822, %dma_start3A_1834, %dma_start3A_1835] : memref<8x16x512xf32, #tpu.memory_space<vmem>> -> memref<1x16x512xf32, #tpu.memory_space<vmem>>
    %dma_start3A_1837 = tpu.memref_squeeze %dma_start3A_1836 : memref<1x16x512xf32, #tpu.memory_space<vmem>> -> memref<16x512xf32, #tpu.memory_space<vmem>>
    tpu.enqueue_dma source(%dma_start3A_1837 : memref<16x512xf32, #tpu.memory_space<vmem>>) target(%dma_start3A_1833 : memref<16x512xf32, #tpu.memory_space<hbm>>) target_semaphore(%arg8 : memref<!tpu.dma_semaphore, #tpu.memory_space<semaphore_mem>>)
    %mul3A_1838 = arith.constant 32 : i32
    %mul3A_1839 = arith.muli %arg0, %mul3A_1838 : i32
    %add3A_1840 = arith.constant 23 : i32
    %add3A_1841 = arith.addi %mul3A_1839, %add3A_1840 : i32
    %get3A_1842 = arith.index_cast %add3A_1841 : i32 to index
    %get3A_1843 = tpu.vector_load %arg6[%get3A_1842] {strides = array<i32>} : memref<80xi32, #tpu.memory_space<vmem>>, vector<16xi32>,
    %get3A_1844 = vector.shape_cast %get3A_1843 : vector<16xi32> to vector<16xi32>
    %slice3A_1845 = vector.extract_strided_slice %get3A_1844 {offsets = [0], sizes = [1], strides = [1]} : vector<16xi32> to vector<1xi32>
    %squeeze3A_1846 = vector.extract %slice3A_1845[0] : i32 from vector<1xi32>
    %dma_start3A_1847 = arith.constant 23 : i32
    %dma_start3A_1848 = arith.constant 0 : i32
    %dma_start3A_1849 = arith.constant 0 : i32
    %dma_start3A_1850 = tpu.memref_slice %arg5[%squeeze3A_1846, %dma_start3A_1848, %dma_start3A_1849] : memref<8x16x512xf32, #tpu.memory_space<vmem>> -> memref<1x16x512xf32, #tpu.memory_space<vmem>>
    %dma_start3A_1851 = tpu.memref_squeeze %dma_start3A_1850 : memref<1x16x512xf32, #tpu.memory_space<vmem>> -> memref<16x512xf32, #tpu.memory_space<vmem>>
    %dma_start3A_1852 = arith.constant 0 : i32
    %dma_start3A_1853 = tpu.memref_slice %arg4[%arg0, %dma_start3A_1847, %add3A_1029, %dma_start3A_1852] : memref<2x32x512x512xf32, #tpu.memory_space<hbm>> -> memref<1x1x16x512xf32, #tpu.memory_space<hbm>>
    %dma_start3A_1854 = tpu.memref_squeeze %dma_start3A_1853 : memref<1x1x16x512xf32, #tpu.memory_space<hbm>> -> memref<16x512xf32, #tpu.memory_space<hbm>>
    %dma_start3A_1855 = arith.constant 0 : i32
    %dma_start3A_1856 = tpu.memref_slice %arg4[%arg0, %dma_start3A_1847, %add3A_1029, %dma_start3A_1855] : memref<2x32x512x512xf32, #tpu.memory_space<hbm>> -> memref<1x1x16x512xf32, #tpu.memory_space<hbm>>
    %dma_start3A_1857 = tpu.memref_squeeze %dma_start3A_1856 : memref<1x1x16x512xf32, #tpu.memory_space<hbm>> -> memref<16x512xf32, #tpu.memory_space<hbm>>
    %dma_start3A_1858 = arith.constant 0 : i32
    %dma_start3A_1859 = arith.constant 0 : i32
    %dma_start3A_1860 = tpu.memref_slice %arg5[%squeeze3A_1846, %dma_start3A_1858, %dma_start3A_1859] : memref<8x16x512xf32, #tpu.memory_space<vmem>> -> memref<1x16x512xf32, #tpu.memory_space<vmem>>
    %dma_start3A_1861 = tpu.memref_squeeze %dma_start3A_1860 : memref<1x16x512xf32, #tpu.memory_space<vmem>> -> memref<16x512xf32, #tpu.memory_space<vmem>>
    tpu.enqueue_dma source(%dma_start3A_1861 : memref<16x512xf32, #tpu.memory_space<vmem>>) target(%dma_start3A_1857 : memref<16x512xf32, #tpu.memory_space<hbm>>) target_semaphore(%arg8 : memref<!tpu.dma_semaphore, #tpu.memory_space<semaphore_mem>>)
    %mul3A_1862 = arith.constant 32 : i32
    %mul3A_1863 = arith.muli %arg0, %mul3A_1862 : i32
    %add3A_1864 = arith.constant 24 : i32
    %add3A_1865 = arith.addi %mul3A_1863, %add3A_1864 : i32
    %get3A_1866 = arith.index_cast %add3A_1865 : i32 to index
    %get3A_1867 = tpu.vector_load %arg6[%get3A_1866] {strides = array<i32>} : memref<80xi32, #tpu.memory_space<vmem>>, vector<16xi32>,
    %get3A_1868 = vector.shape_cast %get3A_1867 : vector<16xi32> to vector<16xi32>
    %slice3A_1869 = vector.extract_strided_slice %get3A_1868 {offsets = [0], sizes = [1], strides = [1]} : vector<16xi32> to vector<1xi32>
    %squeeze3A_1870 = vector.extract %slice3A_1869[0] : i32 from vector<1xi32>
    %dma_start3A_1871 = arith.constant 24 : i32
    %dma_start3A_1872 = arith.constant 0 : i32
    %dma_start3A_1873 = arith.constant 0 : i32
    %dma_start3A_1874 = tpu.memref_slice %arg5[%squeeze3A_1870, %dma_start3A_1872, %dma_start3A_1873] : memref<8x16x512xf32, #tpu.memory_space<vmem>> -> memref<1x16x512xf32, #tpu.memory_space<vmem>>
    %dma_start3A_1875 = tpu.memref_squeeze %dma_start3A_1874 : memref<1x16x512xf32, #tpu.memory_space<vmem>> -> memref<16x512xf32, #tpu.memory_space<vmem>>
    %dma_start3A_1876 = arith.constant 0 : i32
    %dma_start3A_1877 = tpu.memref_slice %arg4[%arg0, %dma_start3A_1871, %add3A_1029, %dma_start3A_1876] : memref<2x32x512x512xf32, #tpu.memory_space<hbm>> -> memref<1x1x16x512xf32, #tpu.memory_space<hbm>>
    %dma_start3A_1878 = tpu.memref_squeeze %dma_start3A_1877 : memref<1x1x16x512xf32, #tpu.memory_space<hbm>> -> memref<16x512xf32, #tpu.memory_space<hbm>>
    %dma_start3A_1879 = arith.constant 0 : i32
    %dma_start3A_1880 = tpu.memref_slice %arg4[%arg0, %dma_start3A_1871, %add3A_1029, %dma_start3A_1879] : memref<2x32x512x512xf32, #tpu.memory_space<hbm>> -> memref<1x1x16x512xf32, #tpu.memory_space<hbm>>
    %dma_start3A_1881 = tpu.memref_squeeze %dma_start3A_1880 : memref<1x1x16x512xf32, #tpu.memory_space<hbm>> -> memref<16x512xf32, #tpu.memory_space<hbm>>
    %dma_start3A_1882 = arith.constant 0 : i32
    %dma_start3A_1883 = arith.constant 0 : i32
    %dma_start3A_1884 = tpu.memref_slice %arg5[%squeeze3A_1870, %dma_start3A_1882, %dma_start3A_1883] : memref<8x16x512xf32, #tpu.memory_space<vmem>> -> memref<1x16x512xf32, #tpu.memory_space<vmem>>
    %dma_start3A_1885 = tpu.memref_squeeze %dma_start3A_1884 : memref<1x16x512xf32, #tpu.memory_space<vmem>> -> memref<16x512xf32, #tpu.memory_space<vmem>>
    tpu.enqueue_dma source(%dma_start3A_1885 : memref<16x512xf32, #tpu.memory_space<vmem>>) target(%dma_start3A_1881 : memref<16x512xf32, #tpu.memory_space<hbm>>) target_semaphore(%arg8 : memref<!tpu.dma_semaphore, #tpu.memory_space<semaphore_mem>>)
    %mul3A_1886 = arith.constant 32 : i32
    %mul3A_1887 = arith.muli %arg0, %mul3A_1886 : i32
    %add3A_1888 = arith.constant 25 : i32
    %add3A_1889 = arith.addi %mul3A_1887, %add3A_1888 : i32
    %get3A_1890 = arith.index_cast %add3A_1889 : i32 to index
    %get3A_1891 = tpu.vector_load %arg6[%get3A_1890] {strides = array<i32>} : memref<80xi32, #tpu.memory_space<vmem>>, vector<16xi32>,
    %get3A_1892 = vector.shape_cast %get3A_1891 : vector<16xi32> to vector<16xi32>
    %slice3A_1893 = vector.extract_strided_slice %get3A_1892 {offsets = [0], sizes = [1], strides = [1]} : vector<16xi32> to vector<1xi32>
    %squeeze3A_1894 = vector.extract %slice3A_1893[0] : i32 from vector<1xi32>
    %dma_start3A_1895 = arith.constant 25 : i32
    %dma_start3A_1896 = arith.constant 0 : i32
    %dma_start3A_1897 = arith.constant 0 : i32
    %dma_start3A_1898 = tpu.memref_slice %arg5[%squeeze3A_1894, %dma_start3A_1896, %dma_start3A_1897] : memref<8x16x512xf32, #tpu.memory_space<vmem>> -> memref<1x16x512xf32, #tpu.memory_space<vmem>>
    %dma_start3A_1899 = tpu.memref_squeeze %dma_start3A_1898 : memref<1x16x512xf32, #tpu.memory_space<vmem>> -> memref<16x512xf32, #tpu.memory_space<vmem>>
    %dma_start3A_1900 = arith.constant 0 : i32
    %dma_start3A_1901 = tpu.memref_slice %arg4[%arg0, %dma_start3A_1895, %add3A_1029, %dma_start3A_1900] : memref<2x32x512x512xf32, #tpu.memory_space<hbm>> -> memref<1x1x16x512xf32, #tpu.memory_space<hbm>>
    %dma_start3A_1902 = tpu.memref_squeeze %dma_start3A_1901 : memref<1x1x16x512xf32, #tpu.memory_space<hbm>> -> memref<16x512xf32, #tpu.memory_space<hbm>>
    %dma_start3A_1903 = arith.constant 0 : i32
    %dma_start3A_1904 = tpu.memref_slice %arg4[%arg0, %dma_start3A_1895, %add3A_1029, %dma_start3A_1903] : memref<2x32x512x512xf32, #tpu.memory_space<hbm>> -> memref<1x1x16x512xf32, #tpu.memory_space<hbm>>
    %dma_start3A_1905 = tpu.memref_squeeze %dma_start3A_1904 : memref<1x1x16x512xf32, #tpu.memory_space<hbm>> -> memref<16x512xf32, #tpu.memory_space<hbm>>
    %dma_start3A_1906 = arith.constant 0 : i32
    %dma_start3A_1907 = arith.constant 0 : i32
    %dma_start3A_1908 = tpu.memref_slice %arg5[%squeeze3A_1894, %dma_start3A_1906, %dma_start3A_1907] : memref<8x16x512xf32, #tpu.memory_space<vmem>> -> memref<1x16x512xf32, #tpu.memory_space<vmem>>
    %dma_start3A_1909 = tpu.memref_squeeze %dma_start3A_1908 : memref<1x16x512xf32, #tpu.memory_space<vmem>> -> memref<16x512xf32, #tpu.memory_space<vmem>>
    tpu.enqueue_dma source(%dma_start3A_1909 : memref<16x512xf32, #tpu.memory_space<vmem>>) target(%dma_start3A_1905 : memref<16x512xf32, #tpu.memory_space<hbm>>) target_semaphore(%arg8 : memref<!tpu.dma_semaphore, #tpu.memory_space<semaphore_mem>>)
    %mul3A_1910 = arith.constant 32 : i32
    %mul3A_1911 = arith.muli %arg0, %mul3A_1910 : i32
    %add3A_1912 = arith.constant 26 : i32
    %add3A_1913 = arith.addi %mul3A_1911, %add3A_1912 : i32
    %get3A_1914 = arith.index_cast %add3A_1913 : i32 to index
    %get3A_1915 = tpu.vector_load %arg6[%get3A_1914] {strides = array<i32>} : memref<80xi32, #tpu.memory_space<vmem>>, vector<16xi32>,
    %get3A_1916 = vector.shape_cast %get3A_1915 : vector<16xi32> to vector<16xi32>
    %slice3A_1917 = vector.extract_strided_slice %get3A_1916 {offsets = [0], sizes = [1], strides = [1]} : vector<16xi32> to vector<1xi32>
    %squeeze3A_1918 = vector.extract %slice3A_1917[0] : i32 from vector<1xi32>
    %dma_start3A_1919 = arith.constant 26 : i32
    %dma_start3A_1920 = arith.constant 0 : i32
    %dma_start3A_1921 = arith.constant 0 : i32
    %dma_start3A_1922 = tpu.memref_slice %arg5[%squeeze3A_1918, %dma_start3A_1920, %dma_start3A_1921] : memref<8x16x512xf32, #tpu.memory_space<vmem>> -> memref<1x16x512xf32, #tpu.memory_space<vmem>>
    %dma_start3A_1923 = tpu.memref_squeeze %dma_start3A_1922 : memref<1x16x512xf32, #tpu.memory_space<vmem>> -> memref<16x512xf32, #tpu.memory_space<vmem>>
    %dma_start3A_1924 = arith.constant 0 : i32
    %dma_start3A_1925 = tpu.memref_slice %arg4[%arg0, %dma_start3A_1919, %add3A_1029, %dma_start3A_1924] : memref<2x32x512x512xf32, #tpu.memory_space<hbm>> -> memref<1x1x16x512xf32, #tpu.memory_space<hbm>>
    %dma_start3A_1926 = tpu.memref_squeeze %dma_start3A_1925 : memref<1x1x16x512xf32, #tpu.memory_space<hbm>> -> memref<16x512xf32, #tpu.memory_space<hbm>>
    %dma_start3A_1927 = arith.constant 0 : i32
    %dma_start3A_1928 = tpu.memref_slice %arg4[%arg0, %dma_start3A_1919, %add3A_1029, %dma_start3A_1927] : memref<2x32x512x512xf32, #tpu.memory_space<hbm>> -> memref<1x1x16x512xf32, #tpu.memory_space<hbm>>
    %dma_start3A_1929 = tpu.memref_squeeze %dma_start3A_1928 : memref<1x1x16x512xf32, #tpu.memory_space<hbm>> -> memref<16x512xf32, #tpu.memory_space<hbm>>
    %dma_start3A_1930 = arith.constant 0 : i32
    %dma_start3A_1931 = arith.constant 0 : i32
    %dma_start3A_1932 = tpu.memref_slice %arg5[%squeeze3A_1918, %dma_start3A_1930, %dma_start3A_1931] : memref<8x16x512xf32, #tpu.memory_space<vmem>> -> memref<1x16x512xf32, #tpu.memory_space<vmem>>
    %dma_start3A_1933 = tpu.memref_squeeze %dma_start3A_1932 : memref<1x16x512xf32, #tpu.memory_space<vmem>> -> memref<16x512xf32, #tpu.memory_space<vmem>>
    tpu.enqueue_dma source(%dma_start3A_1933 : memref<16x512xf32, #tpu.memory_space<vmem>>) target(%dma_start3A_1929 : memref<16x512xf32, #tpu.memory_space<hbm>>) target_semaphore(%arg8 : memref<!tpu.dma_semaphore, #tpu.memory_space<semaphore_mem>>)
    %mul3A_1934 = arith.constant 32 : i32
    %mul3A_1935 = arith.muli %arg0, %mul3A_1934 : i32
    %add3A_1936 = arith.constant 27 : i32
    %add3A_1937 = arith.addi %mul3A_1935, %add3A_1936 : i32
    %get3A_1938 = arith.index_cast %add3A_1937 : i32 to index
    %get3A_1939 = tpu.vector_load %arg6[%get3A_1938] {strides = array<i32>} : memref<80xi32, #tpu.memory_space<vmem>>, vector<16xi32>,
    %get3A_1940 = vector.shape_cast %get3A_1939 : vector<16xi32> to vector<16xi32>
    %slice3A_1941 = vector.extract_strided_slice %get3A_1940 {offsets = [0], sizes = [1], strides = [1]} : vector<16xi32> to vector<1xi32>
    %squeeze3A_1942 = vector.extract %slice3A_1941[0] : i32 from vector<1xi32>
    %dma_start3A_1943 = arith.constant 27 : i32
    %dma_start3A_1944 = arith.constant 0 : i32
    %dma_start3A_1945 = arith.constant 0 : i32
    %dma_start3A_1946 = tpu.memref_slice %arg5[%squeeze3A_1942, %dma_start3A_1944, %dma_start3A_1945] : memref<8x16x512xf32, #tpu.memory_space<vmem>> -> memref<1x16x512xf32, #tpu.memory_space<vmem>>
    %dma_start3A_1947 = tpu.memref_squeeze %dma_start3A_1946 : memref<1x16x512xf32, #tpu.memory_space<vmem>> -> memref<16x512xf32, #tpu.memory_space<vmem>>
    %dma_start3A_1948 = arith.constant 0 : i32
    %dma_start3A_1949 = tpu.memref_slice %arg4[%arg0, %dma_start3A_1943, %add3A_1029, %dma_start3A_1948] : memref<2x32x512x512xf32, #tpu.memory_space<hbm>> -> memref<1x1x16x512xf32, #tpu.memory_space<hbm>>
    %dma_start3A_1950 = tpu.memref_squeeze %dma_start3A_1949 : memref<1x1x16x512xf32, #tpu.memory_space<hbm>> -> memref<16x512xf32, #tpu.memory_space<hbm>>
    %dma_start3A_1951 = arith.constant 0 : i32
    %dma_start3A_1952 = tpu.memref_slice %arg4[%arg0, %dma_start3A_1943, %add3A_1029, %dma_start3A_1951] : memref<2x32x512x512xf32, #tpu.memory_space<hbm>> -> memref<1x1x16x512xf32, #tpu.memory_space<hbm>>
    %dma_start3A_1953 = tpu.memref_squeeze %dma_start3A_1952 : memref<1x1x16x512xf32, #tpu.memory_space<hbm>> -> memref<16x512xf32, #tpu.memory_space<hbm>>
    %dma_start3A_1954 = arith.constant 0 : i32
    %dma_start3A_1955 = arith.constant 0 : i32
    %dma_start3A_1956 = tpu.memref_slice %arg5[%squeeze3A_1942, %dma_start3A_1954, %dma_start3A_1955] : memref<8x16x512xf32, #tpu.memory_space<vmem>> -> memref<1x16x512xf32, #tpu.memory_space<vmem>>
    %dma_start3A_1957 = tpu.memref_squeeze %dma_start3A_1956 : memref<1x16x512xf32, #tpu.memory_space<vmem>> -> memref<16x512xf32, #tpu.memory_space<vmem>>
    tpu.enqueue_dma source(%dma_start3A_1957 : memref<16x512xf32, #tpu.memory_space<vmem>>) target(%dma_start3A_1953 : memref<16x512xf32, #tpu.memory_space<hbm>>) target_semaphore(%arg8 : memref<!tpu.dma_semaphore, #tpu.memory_space<semaphore_mem>>)
    %mul3A_1958 = arith.constant 32 : i32
    %mul3A_1959 = arith.muli %arg0, %mul3A_1958 : i32
    %add3A_1960 = arith.constant 28 : i32
    %add3A_1961 = arith.addi %mul3A_1959, %add3A_1960 : i32
    %get3A_1962 = arith.index_cast %add3A_1961 : i32 to index
    %get3A_1963 = tpu.vector_load %arg6[%get3A_1962] {strides = array<i32>} : memref<80xi32, #tpu.memory_space<vmem>>, vector<16xi32>,
    %get3A_1964 = vector.shape_cast %get3A_1963 : vector<16xi32> to vector<16xi32>
    %slice3A_1965 = vector.extract_strided_slice %get3A_1964 {offsets = [0], sizes = [1], strides = [1]} : vector<16xi32> to vector<1xi32>
    %squeeze3A_1966 = vector.extract %slice3A_1965[0] : i32 from vector<1xi32>
    %dma_start3A_1967 = arith.constant 28 : i32
    %dma_start3A_1968 = arith.constant 0 : i32
    %dma_start3A_1969 = arith.constant 0 : i32
    %dma_start3A_1970 = tpu.memref_slice %arg5[%squeeze3A_1966, %dma_start3A_1968, %dma_start3A_1969] : memref<8x16x512xf32, #tpu.memory_space<vmem>> -> memref<1x16x512xf32, #tpu.memory_space<vmem>>
    %dma_start3A_1971 = tpu.memref_squeeze %dma_start3A_1970 : memref<1x16x512xf32, #tpu.memory_space<vmem>> -> memref<16x512xf32, #tpu.memory_space<vmem>>
    %dma_start3A_1972 = arith.constant 0 : i32
    %dma_start3A_1973 = tpu.memref_slice %arg4[%arg0, %dma_start3A_1967, %add3A_1029, %dma_start3A_1972] : memref<2x32x512x512xf32, #tpu.memory_space<hbm>> -> memref<1x1x16x512xf32, #tpu.memory_space<hbm>>
    %dma_start3A_1974 = tpu.memref_squeeze %dma_start3A_1973 : memref<1x1x16x512xf32, #tpu.memory_space<hbm>> -> memref<16x512xf32, #tpu.memory_space<hbm>>
    %dma_start3A_1975 = arith.constant 0 : i32
    %dma_start3A_1976 = tpu.memref_slice %arg4[%arg0, %dma_start3A_1967, %add3A_1029, %dma_start3A_1975] : memref<2x32x512x512xf32, #tpu.memory_space<hbm>> -> memref<1x1x16x512xf32, #tpu.memory_space<hbm>>
    %dma_start3A_1977 = tpu.memref_squeeze %dma_start3A_1976 : memref<1x1x16x512xf32, #tpu.memory_space<hbm>> -> memref<16x512xf32, #tpu.memory_space<hbm>>
    %dma_start3A_1978 = arith.constant 0 : i32
    %dma_start3A_1979 = arith.constant 0 : i32
    %dma_start3A_1980 = tpu.memref_slice %arg5[%squeeze3A_1966, %dma_start3A_1978, %dma_start3A_1979] : memref<8x16x512xf32, #tpu.memory_space<vmem>> -> memref<1x16x512xf32, #tpu.memory_space<vmem>>
    %dma_start3A_1981 = tpu.memref_squeeze %dma_start3A_1980 : memref<1x16x512xf32, #tpu.memory_space<vmem>> -> memref<16x512xf32, #tpu.memory_space<vmem>>
    tpu.enqueue_dma source(%dma_start3A_1981 : memref<16x512xf32, #tpu.memory_space<vmem>>) target(%dma_start3A_1977 : memref<16x512xf32, #tpu.memory_space<hbm>>) target_semaphore(%arg8 : memref<!tpu.dma_semaphore, #tpu.memory_space<semaphore_mem>>)
    %mul3A_1982 = arith.constant 32 : i32
    %mul3A_1983 = arith.muli %arg0, %mul3A_1982 : i32
    %add3A_1984 = arith.constant 29 : i32
    %add3A_1985 = arith.addi %mul3A_1983, %add3A_1984 : i32
    %get3A_1986 = arith.index_cast %add3A_1985 : i32 to index
    %get3A_1987 = tpu.vector_load %arg6[%get3A_1986] {strides = array<i32>} : memref<80xi32, #tpu.memory_space<vmem>>, vector<16xi32>,
    %get3A_1988 = vector.shape_cast %get3A_1987 : vector<16xi32> to vector<16xi32>
    %slice3A_1989 = vector.extract_strided_slice %get3A_1988 {offsets = [0], sizes = [1], strides = [1]} : vector<16xi32> to vector<1xi32>
    %squeeze3A_1990 = vector.extract %slice3A_1989[0] : i32 from vector<1xi32>
    %dma_start3A_1991 = arith.constant 29 : i32
    %dma_start3A_1992 = arith.constant 0 : i32
    %dma_start3A_1993 = arith.constant 0 : i32
    %dma_start3A_1994 = tpu.memref_slice %arg5[%squeeze3A_1990, %dma_start3A_1992, %dma_start3A_1993] : memref<8x16x512xf32, #tpu.memory_space<vmem>> -> memref<1x16x512xf32, #tpu.memory_space<vmem>>
    %dma_start3A_1995 = tpu.memref_squeeze %dma_start3A_1994 : memref<1x16x512xf32, #tpu.memory_space<vmem>> -> memref<16x512xf32, #tpu.memory_space<vmem>>
    %dma_start3A_1996 = arith.constant 0 : i32
    %dma_start3A_1997 = tpu.memref_slice %arg4[%arg0, %dma_start3A_1991, %add3A_1029, %dma_start3A_1996] : memref<2x32x512x512xf32, #tpu.memory_space<hbm>> -> memref<1x1x16x512xf32, #tpu.memory_space<hbm>>
    %dma_start3A_1998 = tpu.memref_squeeze %dma_start3A_1997 : memref<1x1x16x512xf32, #tpu.memory_space<hbm>> -> memref<16x512xf32, #tpu.memory_space<hbm>>
    %dma_start3A_1999 = arith.constant 0 : i32
    %dma_start3A_2000 = tpu.memref_slice %arg4[%arg0, %dma_start3A_1991, %add3A_1029, %dma_start3A_1999] : memref<2x32x512x512xf32, #tpu.memory_space<hbm>> -> memref<1x1x16x512xf32, #tpu.memory_space<hbm>>
    %dma_start3A_2001 = tpu.memref_squeeze %dma_start3A_2000 : memref<1x1x16x512xf32, #tpu.memory_space<hbm>> -> memref<16x512xf32, #tpu.memory_space<hbm>>
    %dma_start3A_2002 = arith.constant 0 : i32
    %dma_start3A_2003 = arith.constant 0 : i32
    %dma_start3A_2004 = tpu.memref_slice %arg5[%squeeze3A_1990, %dma_start3A_2002, %dma_start3A_2003] : memref<8x16x512xf32, #tpu.memory_space<vmem>> -> memref<1x16x512xf32, #tpu.memory_space<vmem>>
    %dma_start3A_2005 = tpu.memref_squeeze %dma_start3A_2004 : memref<1x16x512xf32, #tpu.memory_space<vmem>> -> memref<16x512xf32, #tpu.memory_space<vmem>>
    tpu.enqueue_dma source(%dma_start3A_2005 : memref<16x512xf32, #tpu.memory_space<vmem>>) target(%dma_start3A_2001 : memref<16x512xf32, #tpu.memory_space<hbm>>) target_semaphore(%arg8 : memref<!tpu.dma_semaphore, #tpu.memory_space<semaphore_mem>>)
    %mul3A_2006 = arith.constant 32 : i32
    %mul3A_2007 = arith.muli %arg0, %mul3A_2006 : i32
    %add3A_2008 = arith.constant 30 : i32
    %add3A_2009 = arith.addi %mul3A_2007, %add3A_2008 : i32
    %get3A_2010 = arith.index_cast %add3A_2009 : i32 to index
    %get3A_2011 = tpu.vector_load %arg6[%get3A_2010] {strides = array<i32>} : memref<80xi32, #tpu.memory_space<vmem>>, vector<16xi32>,
    %get3A_2012 = vector.shape_cast %get3A_2011 : vector<16xi32> to vector<16xi32>
    %slice3A_2013 = vector.extract_strided_slice %get3A_2012 {offsets = [0], sizes = [1], strides = [1]} : vector<16xi32> to vector<1xi32>
    %squeeze3A_2014 = vector.extract %slice3A_2013[0] : i32 from vector<1xi32>
    %dma_start3A_2015 = arith.constant 30 : i32
    %dma_start3A_2016 = arith.constant 0 : i32
    %dma_start3A_2017 = arith.constant 0 : i32
    %dma_start3A_2018 = tpu.memref_slice %arg5[%squeeze3A_2014, %dma_start3A_2016, %dma_start3A_2017] : memref<8x16x512xf32, #tpu.memory_space<vmem>> -> memref<1x16x512xf32, #tpu.memory_space<vmem>>
    %dma_start3A_2019 = tpu.memref_squeeze %dma_start3A_2018 : memref<1x16x512xf32, #tpu.memory_space<vmem>> -> memref<16x512xf32, #tpu.memory_space<vmem>>
    %dma_start3A_2020 = arith.constant 0 : i32
    %dma_start3A_2021 = tpu.memref_slice %arg4[%arg0, %dma_start3A_2015, %add3A_1029, %dma_start3A_2020] : memref<2x32x512x512xf32, #tpu.memory_space<hbm>> -> memref<1x1x16x512xf32, #tpu.memory_space<hbm>>
    %dma_start3A_2022 = tpu.memref_squeeze %dma_start3A_2021 : memref<1x1x16x512xf32, #tpu.memory_space<hbm>> -> memref<16x512xf32, #tpu.memory_space<hbm>>
    %dma_start3A_2023 = arith.constant 0 : i32
    %dma_start3A_2024 = tpu.memref_slice %arg4[%arg0, %dma_start3A_2015, %add3A_1029, %dma_start3A_2023] : memref<2x32x512x512xf32, #tpu.memory_space<hbm>> -> memref<1x1x16x512xf32, #tpu.memory_space<hbm>>
    %dma_start3A_2025 = tpu.memref_squeeze %dma_start3A_2024 : memref<1x1x16x512xf32, #tpu.memory_space<hbm>> -> memref<16x512xf32, #tpu.memory_space<hbm>>
    %dma_start3A_2026 = arith.constant 0 : i32
    %dma_start3A_2027 = arith.constant 0 : i32
    %dma_start3A_2028 = tpu.memref_slice %arg5[%squeeze3A_2014, %dma_start3A_2026, %dma_start3A_2027] : memref<8x16x512xf32, #tpu.memory_space<vmem>> -> memref<1x16x512xf32, #tpu.memory_space<vmem>>
    %dma_start3A_2029 = tpu.memref_squeeze %dma_start3A_2028 : memref<1x16x512xf32, #tpu.memory_space<vmem>> -> memref<16x512xf32, #tpu.memory_space<vmem>>
    tpu.enqueue_dma source(%dma_start3A_2029 : memref<16x512xf32, #tpu.memory_space<vmem>>) target(%dma_start3A_2025 : memref<16x512xf32, #tpu.memory_space<hbm>>) target_semaphore(%arg8 : memref<!tpu.dma_semaphore, #tpu.memory_space<semaphore_mem>>)
    %mul3A_2030 = arith.constant 32 : i32
    %mul3A_2031 = arith.muli %arg0, %mul3A_2030 : i32
    %add3A_2032 = arith.constant 31 : i32
    %add3A_2033 = arith.addi %mul3A_2031, %add3A_2032 : i32
    %get3A_2034 = arith.index_cast %add3A_2033 : i32 to index
    %get3A_2035 = tpu.vector_load %arg6[%get3A_2034] {strides = array<i32>} : memref<80xi32, #tpu.memory_space<vmem>>, vector<16xi32>,
    %get3A_2036 = vector.shape_cast %get3A_2035 : vector<16xi32> to vector<16xi32>
    %slice3A_2037 = vector.extract_strided_slice %get3A_2036 {offsets = [0], sizes = [1], strides = [1]} : vector<16xi32> to vector<1xi32>
    %squeeze3A_2038 = vector.extract %slice3A_2037[0] : i32 from vector<1xi32>
    %dma_start3A_2039 = arith.constant 31 : i32
    %dma_start3A_2040 = arith.constant 0 : i32
    %dma_start3A_2041 = arith.constant 0 : i32
    %dma_start3A_2042 = tpu.memref_slice %arg5[%squeeze3A_2038, %dma_start3A_2040, %dma_start3A_2041] : memref<8x16x512xf32, #tpu.memory_space<vmem>> -> memref<1x16x512xf32, #tpu.memory_space<vmem>>
    %dma_start3A_2043 = tpu.memref_squeeze %dma_start3A_2042 : memref<1x16x512xf32, #tpu.memory_space<vmem>> -> memref<16x512xf32, #tpu.memory_space<vmem>>
    %dma_start3A_2044 = arith.constant 0 : i32
    %dma_start3A_2045 = tpu.memref_slice %arg4[%arg0, %dma_start3A_2039, %add3A_1029, %dma_start3A_2044] : memref<2x32x512x512xf32, #tpu.memory_space<hbm>> -> memref<1x1x16x512xf32, #tpu.memory_space<hbm>>
    %dma_start3A_2046 = tpu.memref_squeeze %dma_start3A_2045 : memref<1x1x16x512xf32, #tpu.memory_space<hbm>> -> memref<16x512xf32, #tpu.memory_space<hbm>>
    %dma_start3A_2047 = arith.constant 0 : i32
    %dma_start3A_2048 = tpu.memref_slice %arg4[%arg0, %dma_start3A_2039, %add3A_1029, %dma_start3A_2047] : memref<2x32x512x512xf32, #tpu.memory_space<hbm>> -> memref<1x1x16x512xf32, #tpu.memory_space<hbm>>
    %dma_start3A_2049 = tpu.memref_squeeze %dma_start3A_2048 : memref<1x1x16x512xf32, #tpu.memory_space<hbm>> -> memref<16x512xf32, #tpu.memory_space<hbm>>
    %dma_start3A_2050 = arith.constant 0 : i32
    %dma_start3A_2051 = arith.constant 0 : i32
    %dma_start3A_2052 = tpu.memref_slice %arg5[%squeeze3A_2038, %dma_start3A_2050, %dma_start3A_2051] : memref<8x16x512xf32, #tpu.memory_space<vmem>> -> memref<1x16x512xf32, #tpu.memory_space<vmem>>
    %dma_start3A_2053 = tpu.memref_squeeze %dma_start3A_2052 : memref<1x16x512xf32, #tpu.memory_space<vmem>> -> memref<16x512xf32, #tpu.memory_space<vmem>>
    tpu.enqueue_dma source(%dma_start3A_2053 : memref<16x512xf32, #tpu.memory_space<vmem>>) target(%dma_start3A_2049 : memref<16x512xf32, #tpu.memory_space<hbm>>) target_semaphore(%arg8 : memref<!tpu.dma_semaphore, #tpu.memory_space<semaphore_mem>>)
    %scan3A_2054 = arith.constant 0 : i32
    %scan3A_2055 = arith.constant 0 : i32
    %scan3A_2056 = arith.constant 32 : i32
    %scan3A_2057 = arith.addi %scan3A_2055, %scan3A_2056 : i32
    %scan3A_2058 = arith.constant 1 : i32
    scf.for %scan3A_2060 = %scan3A_2055 to %scan3A_2057 step %scan3A_2058  : i32 {
      %dma_wait3A_2061 = arith.constant 0 : i32
      %dma_wait3A_2062 = arith.constant 0 : i32
      %dma_wait3A_2063 = arith.constant 0 : i32
      %dma_wait3A_2064 = arith.constant 0 : i32
      %dma_wait3A_2065 = arith.constant 0 : i32
      %dma_wait3A_2066 = tpu.memref_slice %arg5[%dma_wait3A_2061, %dma_wait3A_2064, %dma_wait3A_2065] : memref<8x16x512xf32, #tpu.memory_space<vmem>> -> memref<1x16x512xf32, #tpu.memory_space<vmem>>
      %dma_wait3A_2067 = tpu.memref_squeeze %dma_wait3A_2066 : memref<1x16x512xf32, #tpu.memory_space<vmem>> -> memref<16x512xf32, #tpu.memory_space<vmem>>
      %dma_wait3A_2068 = arith.constant 0 : i32
      %dma_wait3A_2069 = tpu.memref_slice %arg4[%dma_wait3A_2062, %dma_wait3A_2063, %add3A_1029, %dma_wait3A_2068] : memref<2x32x512x512xf32, #tpu.memory_space<hbm>> -> memref<1x1x16x512xf32, #tpu.memory_space<hbm>>
      %dma_wait3A_2070 = tpu.memref_squeeze %dma_wait3A_2069 : memref<1x1x16x512xf32, #tpu.memory_space<hbm>> -> memref<16x512xf32, #tpu.memory_space<hbm>>
      %dma_wait3A_2071 = arith.constant 0 : i32
      %dma_wait3A_2072 = tpu.memref_slice %arg4[%dma_wait3A_2062, %dma_wait3A_2063, %add3A_1029, %dma_wait3A_2071] : memref<2x32x512x512xf32, #tpu.memory_space<hbm>> -> memref<1x1x16x512xf32, #tpu.memory_space<hbm>>
      %dma_wait3A_2073 = tpu.memref_squeeze %dma_wait3A_2072 : memref<1x1x16x512xf32, #tpu.memory_space<hbm>> -> memref<16x512xf32, #tpu.memory_space<hbm>>
      %dma_wait3A_2074 = arith.constant 0 : i32
      %dma_wait3A_2075 = arith.constant 0 : i32
      %dma_wait3A_2076 = tpu.memref_slice %arg5[%dma_wait3A_2061, %dma_wait3A_2074, %dma_wait3A_2075] : memref<8x16x512xf32, #tpu.memory_space<vmem>> -> memref<1x16x512xf32, #tpu.memory_space<vmem>>
      %dma_wait3A_2077 = tpu.memref_squeeze %dma_wait3A_2076 : memref<1x16x512xf32, #tpu.memory_space<vmem>> -> memref<16x512xf32, #tpu.memory_space<vmem>>
      tpu.wait_dma2 semaphore(%arg8 : memref<!tpu.dma_semaphore, #tpu.memory_space<semaphore_mem>>) src(%dma_wait3A_2077 : memref<16x512xf32, #tpu.memory_space<vmem>>) dst(%dma_wait3A_2073 : memref<16x512xf32, #tpu.memory_space<hbm>>)
    }
    %scan3A_2059 = arith.constant 32 : i32
    return
  }
}

module attributes {stable_mosaic.version = 14 : i64} {
  func.func @_norm_body(%arg0: i32, %arg1: memref<1x512x512xf32, #tpu.memory_space<vmem>>, %arg2: memref<1x512x1xf32, #tpu.memory_space<vmem>>, %arg3: memref<1x512x512xf32, #tpu.memory_space<vmem>>) attributes {dimension_semantics = [#tpu.dimension_semantics<arbitrary>], iteration_bounds = array<i64: 8>, scalar_prefetch = 0 : i64, scratch_operands = 0 : i64, tpu.core_type = #tpu.core_type<tc>, window_params = [{transform_indices = @transform_0, window_bounds = array<i64: 1, 512, 512>}, {transform_indices = @transform_1, window_bounds = array<i64: 1, 512, 1>}, {transform_indices = @transform_2, window_bounds = array<i64: 1, 512, 512>}]} {
    %get3A = arith.constant 0 : index
    %get3A_0 = arith.constant 0 : index
    %get3A_1 = arith.constant 0 : index
    %get3A_2 = vector.load %arg1[%get3A, %get3A_0, %get3A_1] : memref<1x512x512xf32, #tpu.memory_space<vmem>>, vector<1x512x512xf32>
    %get3A_3 = vector.shape_cast %get3A_2 : vector<1x512x512xf32> to vector<512x512xf32>
    %iota3A = tpu.iota {dimensions = array<i32: 0>} : vector<512x512xi32>
    %iota3A_4 = tpu.iota {dimensions = array<i32: 1>} : vector<512x512xi32>
    %eq3A = arith.cmpi eq, %iota3A, %iota3A_4 : vector<512x512xi32>
    %jit3A = arith.constant 0.000000e+00 : f32
    %broadcast_in_dim3A = vector.broadcast %jit3A : f32 to vector<512x512xf32>
    %select_n3A = arith.select %eq3A, %broadcast_in_dim3A, %get3A_3 : vector<512x512xi1>, vector<512x512xf32>
    %abs3A = math.absf %select_n3A : vector<512x512xf32>
    %reduce_sum3A = arith.constant dense<0.000000e+00> : vector<512xf32>
    %reduce_sum3A_5 = vector.multi_reduction <add>, %abs3A, %reduce_sum3A [1] : vector<512x512xf32> to vector<512xf32>
    %broadcast_in_dim3A_6 = vector.shape_cast %reduce_sum3A_5 : vector<512xf32> to vector<512x1xf32>
    %jit3A_7 = arith.constant 9.99999997E-7 : f32
    %max3A = vector.broadcast %jit3A_7 : f32 to vector<512x1xf32>
    %max3A_8 = arith.maximumf %max3A, %broadcast_in_dim3A_6 : vector<512x1xf32>
    %get3A_9 = arith.constant 0 : index
    %get3A_10 = arith.constant 0 : index
    %get3A_11 = arith.constant 0 : index
    %get3A_12 = vector.load %arg2[%get3A_9, %get3A_10, %get3A_11] : memref<1x512x1xf32, #tpu.memory_space<vmem>>, vector<1x512x1xf32>
    %get3A_13 = vector.shape_cast %get3A_12 : vector<1x512x1xf32> to vector<512x1xf32>
    %max3A_14 = arith.constant 0.000000e+00 : f32
    %max3A_15 = vector.broadcast %max3A_14 : f32 to vector<512x1xf32>
    %max3A_16 = arith.maximumf %get3A_13, %max3A_15 : vector<512x1xf32>
    %abs3A_17 = math.absf %get3A_13 : vector<512x1xf32>
    %neg3A = arith.constant 0.000000e+00 : f32
    %neg3A_18 = vector.broadcast %neg3A : f32 to vector<512x1xf32>
    %neg3A_19 = arith.subf %neg3A_18, %abs3A_17 : vector<512x1xf32>
    %exp3A = math.exp %neg3A_19 : vector<512x1xf32>
    %log1p3A = math.log1p %exp3A : vector<512x1xf32>
    %add3A = arith.addf %max3A_16, %log1p3A : vector<512x1xf32>
    %add3A_20 = arith.constant 9.99999997E-7 : f32
    %add3A_21 = vector.broadcast %add3A_20 : f32 to vector<512x1xf32>
    %add3A_22 = arith.addf %add3A, %add3A_21 : vector<512x1xf32>
    %reduce_sum3A_23 = vector.shape_cast %add3A_22 : vector<512x1xf32> to vector<1x512x1xf32>
    %reduce_sum3A_24 = arith.constant dense<0.000000e+00> : vector<1xf32>
    %reduce_sum3A_25 = vector.multi_reduction <add>, %reduce_sum3A_23, %reduce_sum3A_24 [1, 2] : vector<1x512x1xf32> to vector<1xf32>
    %reduce_sum3A_26 = vector.shape_cast %reduce_sum3A_25 : vector<1xf32> to vector<1x1x1xf32>
    %reduce_sum3A_27 = vector.extract %reduce_sum3A_26[0, 0, 0] : f32 from vector<1x1x1xf32>
    %jit3A_28 = arith.constant 9.99999997E-7 : f32
    %max3A_29 = arith.maximumf %jit3A_28, %reduce_sum3A_27 : f32
    %div3A = arith.constant 5.120000e+02 : f32
    %div3A_30 = arith.divf %div3A, %max3A_29 : f32
    %mul3A = vector.broadcast %div3A_30 : f32 to vector<512x1xf32>
    %mul3A_31 = arith.mulf %add3A_22, %mul3A : vector<512x1xf32>
    %div3A_32 = arith.divf %mul3A_31, %max3A_8 : vector<512x1xf32>
    %mul3A_33 = vector.broadcast %div3A_32 : vector<512x1xf32> to vector<512x512xf32>
    %mul3A_34 = arith.mulf %select_n3A, %mul3A_33 : vector<512x512xf32>
    %swap3A = arith.constant 0 : index
    %swap3A_35 = arith.constant 0 : index
    %swap3A_36 = arith.constant 0 : index
    %swap3A_37 = vector.load %arg3[%swap3A, %swap3A_35, %swap3A_36] : memref<1x512x512xf32, #tpu.memory_space<vmem>>, vector<1x512x512xf32>
    %swap3A_38 = vector.shape_cast %swap3A_37 : vector<1x512x512xf32> to vector<512x512xf32>
    %swap3A_39 = vector.shape_cast %mul3A_34 : vector<512x512xf32> to vector<1x512x512xf32>
    tpu.vector_store %arg3[%swap3A, %swap3A_35, %swap3A_36], %swap3A_39 {strides = array<i32>} : memref<1x512x512xf32, #tpu.memory_space<vmem>>, vector<1x512x512xf32>,
    return
  }
  func.func @transform_0(%arg0: i32) -> (i32, i32, i32) {
    %c0_i32 = arith.constant 0 : i32
    %c0_i32_0 = arith.constant 0 : i32
    %c0_i32_1 = arith.constant 0 : i32
    return %arg0, %c0_i32, %c0_i32_0 : i32, i32, i32
  }
  func.func @transform_1(%arg0: i32) -> (i32, i32, i32) {
    %c0_i32 = arith.constant 0 : i32
    %c0_i32_0 = arith.constant 0 : i32
    %c0_i32_1 = arith.constant 0 : i32
    return %arg0, %c0_i32, %c0_i32_0 : i32, i32, i32
  }
  func.func @transform_2(%arg0: i32) -> (i32, i32, i32) {
    %c0_i32 = arith.constant 0 : i32
    %c0_i32_0 = arith.constant 0 : i32
    %c0_i32_1 = arith.constant 0 : i32
    return %arg0, %c0_i32, %c0_i32_0 : i32, i32, i32
  }
}

</mosaic_0001>

<sc_bundles>
// kernel: kernel.4.cloned.1.call-start
scs
__scs_entry_jumppad:
0x0: {  	(pc) =	sbr.rel $0x88, $3  }
0x1: {  	(tag) =	ssettag $0x0;
	lr =	simm.s32 $0x1  }
0x2: {  	[smem:$0x3F9E] =	sst lr;
	_ =	strace $0xD0000000  }
0x3: {  	_ = 	snop  }
0x4: {  	_ = 	snop  }
0x5: {  	_ = 	snop  }
0x6: {  	_ = 	snop  }
0x7: {  	_ = 	snop  }
__scs_overlays_trampoline_lowered:
0x8: {  	[smem:$0x3FAD] =	sst s0  }
0x9: {  	[smem:$0x3FAE] =	sst s1  }
0xa: {  	[smem:$0x3FAF] =	sst s2  }
0xb: {  	[smem:$0x3FB0] =	sst s3  }
0xc: {  	[smem:$0x3FB1] =	sst s4  }
0xd: {  	[smem:$0x3FB2] =	sst s5  }
0xe: {  	[smem:$0x3FB3] =	sst s6  }
0xf: {  	[smem:$0x3FB4] =	sst s7  }
0x10: {  	[smem:$0x3FB5] =	sst s8  }
0x11: {  	[smem:$0x3FB6] =	sst s9;
	s0 =	simm.s32 @!p0 $0x0  }
0x12: {  	s1 =	sld [smem:$0x3F9C];
	s0 =	simm.s32 @p0 $0x1  }
0x13: {  	[smem:$0x3FB7] =	sst s0;
	s0 =	simm.s32 @!p1 $0x0  }
0x14: {  	s2 =	sld [smem:$0x3F9B];
	s0 =	simm.s32 @p1 $0x1  }
0x15: {  	[smem:$0x3FB8] =	sst s0;
	s0 =	simm.s32 @!p2 $0x0  }
0x16: {  	s3 =	sld [smem:$0x3FDB];
	s0 =	simm.s32 @p2 $0x1  }
0x17: {  	s4 =	simm.s32 $0x1BF5;
	[smem:$0x3FBA] =	sst s0  }
0x18: {  	s0 =	sld [smem:$0x3F9D];
	_ =	swait.ge [sflag:s4], $0x0  }
0x19: {  	s7 =	sld [smem:$0x3F9E]  }
0x1a: {  	s8 =	sadd.s32 $0xFFFFE003, lr  }
0x1b: {  	s9 =	sadd.s32 $0xFFFFFEF7, lr;
	s5 =	simm.s32 $0xFFFFFFFF;
	p2 =	slt.u32 s8, $0xFFFFF086  }
0x1c: {  	p1 =	slt.u32 s9, $0xF7A;
	s5 =	simm.s32 @!p2 $0x0  }
0x1d: {  	s5 =	simm.s32 @p1 $0x1;
	p0 =	seq.s32 s7, s2  }
0x1e: {  	s7 =	smul.u32 @!p0 $0xF7A, s2;
	p2 =	seq.s32 @!p0 s5, $0x0  }
0x1f: {  	s9 =	smul.u32 $0xF7A, s1;
	s8 =	simm.s32 @!p0 $0x1BF5;
	p2 =	por !p2, p0  }
0x20: {  	[sflag:s8] =	ssyncset.s32 @!p0 $0xFFFFF086;
	s6 =	sadd.s32 @!p0 s3, s7;
	s7 =	simm.s32 @!p0 $0x108  }
0x21: {  	s3 =	sadd.s32 s3, s9;
	s6 =	sadd.s32 @!p0 $0x88, s6;
	s7 =	simm.s32 @p2 $0x1082  }
0x22: {  	[simem:s7], [sflag:s8] =	dma.local @!p0 [hbm:s6], $0xF7A  }
0x23: {  	s9 =	sor.u32 $0xD0000000, s2;
	s6 =	simm.s32 $0x108;
	_ =	swait.ge @!p0 [sflag:s8], $0x0  }
0x24: {  	s3 =	sadd.s32 $0x88, s3;
	s6 =	simm.s32 @!p1 $0x1082;
	[sflag:s4] =	ssyncset.s32 $0xFFFFF086  }
0x25: {  	[simem:s6], [sflag:s4] =	dma.local [hbm:s3], $0xF7A  }
0x26: {  	[smem:$0x3F9E] =	sst s1;
	(tag) =	ssettag s2;
	_ =	strace s9  }
0x27: {  	s1 =	sld [smem:$0x3FAE]  }
0x28: {  	s2 =	sld [smem:$0x3FAF]  }
0x29: {  	s4 =	sld [smem:$0x3FB1]  }
0x2a: {  	p0 =	seq.s32 s5, $0x0;
	s5 =	sld [smem:$0x3FB2]  }
0x2b: {  	s6 =	sld [smem:$0x3FB3]  }
0x2c: {  	s7 =	sld [smem:$0x3FB4]  }
0x2d: {  	s3 =	simm.s32 $0x108;
	s8 =	sld [smem:$0x3FB5]  }
0x2e: {  	s3 =	simm.s32 @!p0 $0x1082;
	s9 =	sld [smem:$0x3FB6]  }
0x2f: {  	lr =	sadd.s32 s0, s3;
	s0 =	sld [smem:$0x3FAD]  }
0x30: {  	s3 =	sld [smem:$0x3FB0]  }
0x31: {  	[smem:$0x3FB9] =	sst s10  }
0x32: {  	s10 =	sld [smem:$0x3FB7];
	_ =	sdelay $0x3  }
0x33: {  	p0 =	seq.s32 s10, $0x1;
	s10 =	sld [smem:$0x3FB9];
	_ =	sdelay $0x3  }
0x34: {  	[smem:$0x3FB9] =	sst s10  }
0x35: {  	s10 =	sld [smem:$0x3FB8];
	_ =	sdelay $0x3  }
0x36: {  	p1 =	seq.s32 s10, $0x1;
	s10 =	sld [smem:$0x3FB9];
	_ =	sdelay $0x3  }
0x37: {  	[smem:$0x3FB9] =	sst s10  }
0x38: {  	s10 =	sld [smem:$0x3FBA]  }
0x39: {  	_ = 	snop;
	(pc) =	sbr.ind lr, $3  }
0x3a: {  	_ = 	snop  }
0x3b: {  	_ = 	snop  }
0x3c: {  	p2 =	seq.s32 s10, $0x1;
	s10 =	sld [smem:$0x3FB9]  }
0x3d: {  	_ =	shalt  }
0x3e: {  	_ =	shalt  }
0x3f: {  	_ =	shalt  }
0x40: {  	_ =	shalt  }
0x41: {  	_ =	shalt  }
0x42: {  	_ =	shalt  }
0x43: {  	_ =	shalt  }
0x44: {  	_ =	shalt  }
0x45: {  	_ =	shalt  }
0x46: {  	_ =	shalt  }
0x47: {  	_ =	shalt  }
0x48: {  	_ =	shalt  }
0x49: {  	_ =	shalt  }
0x4a: {  	_ =	shalt  }
0x4b: {  	_ =	shalt  }
0x4c: {  	_ =	shalt  }
0x4d: {  	_ =	shalt  }
0x4e: {  	_ =	shalt  }
0x4f: {  	_ =	shalt  }
0x50: {  	_ =	shalt  }
0x51: {  	_ =	shalt  }
0x52: {  	_ =	shalt  }
0x53: {  	_ =	shalt  }
0x54: {  	_ =	shalt  }
0x55: {  	_ =	shalt  }
0x56: {  	_ =	shalt  }
0x57: {  	_ =	shalt  }
0x58: {  	_ =	shalt  }
0x59: {  	_ =	shalt  }
0x5a: {  	_ =	shalt  }
0x5b: {  	_ =	shalt  }
0x5c: {  	_ =	shalt  }
0x5d: {  	_ =	shalt  }
0x5e: {  	_ =	shalt  }
0x5f: {  	_ =	shalt  }
0x60: {  	_ =	shalt  }
0x61: {  	_ =	shalt  }
0x62: {  	_ =	shalt  }
0x63: {  	_ =	shalt  }
0x64: {  	_ =	shalt  }
0x65: {  	_ =	shalt  }
0x66: {  	_ =	shalt  }
0x67: {  	_ =	shalt  }
0x68: {  	_ =	shalt  }
0x69: {  	_ =	shalt  }
0x6a: {  	_ =	shalt  }
0x6b: {  	_ =	shalt  }
0x6c: {  	_ =	shalt  }
0x6d: {  	_ =	shalt  }
0x6e: {  	_ =	shalt  }
0x6f: {  	_ =	shalt  }
0x70: {  	_ =	shalt  }
0x71: {  	_ =	shalt  }
0x72: {  	_ =	shalt  }
0x73: {  	_ =	shalt  }
0x74: {  	_ =	shalt  }
0x75: {  	_ =	shalt  }
0x76: {  	_ =	shalt  }
0x77: {  	_ =	shalt  }
0x78: {  	_ =	shalt  }
0x79: {  	_ =	shalt  }
0x7a: {  	_ =	shalt  }
0x7b: {  	_ =	shalt  }
0x7c: {  	_ =	shalt  }
0x7d: {  	_ =	shalt  }
0x7e: {  	_ =	shalt  }
0x7f: {  	_ =	shalt  }
0x80: {  	_ =	shalt  }
0x81: {  	_ =	shalt  }
0x82: {  	_ =	shalt  }
0x83: {  	_ =	shalt  }
0x84: {  	_ =	shalt  }
0x85: {  	_ =	shalt  }
0x86: {  	_ =	shalt  }
0x87: {  	_ =	shalt  }
.Lfunc_end0:
.L_simem_size_0:
called_computation_lowered:
.L_overlay_start_0:
0x88: {  	s2 =	sld [smem:$0x3FD9]  }
0x89: {  	s3 =	sld [smem:$0x3FFE];
	_ =	sdelay $0x1  }
0x8a: {  	s1 =	srdreg.scid  }
0x8b: {  	s0 =	sand.u32 $0x1, s1  }
0x8c: {  	s17 =	sshll.u32 s0, $0xA;
	s2 =	sadd.s32 s3, s2  }
0x8d: {  	s2 =	sadd.s32 s2, s17  }
0x8e: {  	[smem:$0x3FC5] =	sst s2  }
0x8f: {  	_ = 	snop  }
0x90: {  	s2 =	sld [smem:$0x3FC9]  }
0x91: {  	s18 =	sld [smem:$0x3FD0];
	(tm) =	ssettm $0x1  }
0x92: {  	s4 =	sld [smem:$0x3FFB];
	_ =	sdelay $0x3  }
0x93: {  	_ =	strace s4  }
0x94: {  	s4 =	sld [smem:$0x3FFC];
	_ =	sdelay $0x3  }
0x95: {  	_ =	strace s4  }
0x96: {  	s4 =	sld [smem:$0x3FFD];
	_ =	sdelay $0x3  }
0x97: {  	_ =	strace s4  }
0x98: {  	_ =	strace $0x8FFFFFFF  }
0x99: {  	s19 =	sld [smem:$0x3FDB];
	_ =	sdelay $0x1  }
0x9a: {  	s5 =	simm.s32 $_scs_section_size  }
0x9b: {  	s6 =	simm.s32 $_size__tile_overlayer_lowered;
	s7 =	simm.s32 $_tile_overlayer_lowered  }
0x9c: {  	s22 =	simm.s32 $0x1BFF;
	s21 =	sshll.u32 s7, $0x1;
	s4 =	sadd.s32 s5, s19  }
0x9d: {  	s8 =	simm.s32 $0x0;
	s20 =	sshll.u32 s6, $0x1;
	s6 =	sadd.s32 s21, s4  }
0x9e: {  	[timem:s8], [sflag:s22] =	dma.local [hbm:s6], s20  }
0x9f: {  	_ =	swait.ge [sflag:s22], s20  }
0xa0: {  	s5 =	ssub.s32 $0x0, s20;
	[sflag:s22] =	ssyncset.done $0x0  }
0xa1: {  	[sflag:s22] =	ssyncadd.s32 s5;
	_ =	sdelay $0x1  }
0xa2: {  	s23 =	simm.s32 $0x1B8B  }
0xa3: {  	_ =	swait.ge [sflag:s23], $0x1  }
0xa4: {  	[sflag:s23] =	ssyncset.done $0x0  }
0xa5: {  	s25 =	simm.s32 $0x1B8E;
	s24 =	sld [smem:$0x3FFE];
	[sflag:s23] =	ssyncadd.s32 $0xFFFFFFFF  }
0xa6: {  	s26 =	simm.s32 $execute0_lowered;
	[smem:$0x3FD2] =	sst s25  }
0xa7: {  	s6 =	sshll.u32 s26, $0x1;
	_ =	strace $0x80000046;
	[dreg:$0x1] =	wrdreg $0xFFFFFFFF  }
0xa8: {  	s28 =	simm.s32 $_size_execute0_lowered;
	s4 =	sadd.s32 s4, s6;
	[dreg:$0x0] =	wrdreg $0x0  }
0xa9: {  	s6 =	sshll.u32 s28, $0x1;
	[dreg:$0x2] =	wrdreg s4  }
0xaa: {  	[dreg:$0x3] =	wrdreg s6  }
0xab: {  	[dreg:$0x4] =	wrdreg $0xC0  }
0xac: {  	_ =	task [dreg:s8], $0x5FFFF  }
0xad: {  	[dreg:$0x1] =	wrdreg $0xFFFFFFFF  }
0xae: {  	[dreg:$0x0] =	wrdreg $0x60  }
0xaf: {  	[dreg:$0x2] =	wrdreg s24  }
0xb0: {  	[dreg:$0x3] =	wrdreg s2  }
0xb1: {  	[dreg:$0x4] =	wrdreg s18  }
0xb2: {  	[dreg:$0x5] =	wrdreg $0x9  }
0xb3: {  	_ =	task.clear_ibuf [dreg:s8], $0x6FFFF;
	_ =	strace $0x90000046  }
0xb4: {  	s29 =	simm.s32 $0x9;
	_ =	strace $0x80000048  }
0xb5: {  	_ =	swait.ge [sflag:s29], $0x1  }
0xb6: {  	[sflag:s29] =	ssyncadd.s32 $0xFFFFFFFF  }
0xb7: {  	_ =	strace $0x90000048  }
0xb8: {  	_ =	sfence  }
0xb9: {  	s30 =	sld [smem:$0x0];
	_ =	sdelay $0x2  }
0xba: {  	s31 =	sshll.u32 s1, $0xD;
	s1 =	sshrl.u32 s1, $0x2  }
0xbb: {  	s3 =	sand.u32 $0x4000, s31;
	s1 =	sadd.s32 s1, s30  }
0xbc: {  	s0 =	sor.u32 s3, s0;
	s1 =	sshll.u32 s1, $0x11  }
0xbd: {  	s0 =	sor.u32 s1, s0  }
0xbe: {  	s0 =	sadd.s32 $0x8F2B, s0  }
0xbf: {  	[sflag:s0] =	ssyncadd.remote.s32 $0x1  }
0xc0: {  	_ =	sfence.sel $0xFFFF  }
0xc1: {  	[dreg:$0x0] =	wrdreg $0xFFFFFFFF;
	(pc) =	sbr.abs _section_cstart, $3  }
0xc2: {  	[dreg:$0x1] =	wrdreg $0xFFFFFFFF  }
0xc3: {  	_ =	task.clear_ibuf [dreg:s8], $0x2FFFF;
	_ =	strace $0x9FFFFFFF  }
0xc4: {  	(tm) =	ssettm $0x7FFFFFFF  }
0xc5: {  	_ =	shalt  }
tec
execute0_lowered:
.L_overlay_start_1:
0x0: {  	(tag) =	ssettag $0x1  }
0x1: {  	s0 =	rddreg [dreg:$0x0]  }
0x2: {  	s1 =	rddreg [dreg:$0x1]  }
0x3: {  	s5 =	rddreg [dreg:$0x2]  }
0x4: {  	s2 =	simm.s32 $0x0;
	[dreg:$0x4] =	wrdreg s1  }
0x5: {  	s25 =	srdreg.scid;
	s23 =	sadd.s32 $0x800, s0;
	[smem:$0x7FF] =	sst s2  }
0x6: {  	s1 =	sand.u32 $0x1, s25;
	[smem:$0x7CC] =	sst s23  }
0x7: {  	s6 =	sadd.s32 $0x8000, s5;
	_ =	strace $0x80000047;
	[smem:$0x7F8] =	sst s1  }
0x8: {  	s8 =	sadd.s32 $0x10000, s5;
	[smem:$0x7D7] =	sst s6  }
0x9: {  	s10 =	sadd.s32 $0x18000, s5;
	[smem:$0x7D9] =	sst s8  }
0xa: {  	s3 =	stileid.u32;
	s12 =	sadd.s32 $0x20000, s5;
	[smem:$0x7DB] =	sst s10  }
0xb: {  	s24 =	sshll.u32 s3, $0xB;
	s14 =	sadd.s32 $0x28000, s5;
	[smem:$0x7DD] =	sst s12  }
0xc: {  	s17 =	sadd.s32 $0x30000, s5;
	s16 =	sadd.s32 s23, s24;
	[smem:$0x7DF] =	sst s14  }
0xd: {  	s0 =	sadd.s32 $0x8000, s16;
	[smem:$0x7E1] =	sst s17  }
0xe: {  	s26 =	sadd.s32 $0x10000, s16;
	[dreg:$0x5] =	wrdreg s0  }
0xf: {  	s28 =	sadd.s32 $0x18000, s16;
	[dreg:$0x6] =	wrdreg s26  }
0x10: {  	s29 =	sadd.s32 $0x20000, s16;
	[dreg:$0x7] =	wrdreg s28  }
0x11: {  	s1 =	sshll.u32 s1, $0x17;
	[dreg:$0x8] =	wrdreg s29  }
0x12: {  	s21 =	sshll.u32 s3, $0xE;
	s30 =	sadd.s32 $0x28000, s16;
	[smem:$0x7D3] =	sst s1  }
0x13: {  	s31 =	sadd.s32 $0x30000, s16;
	[dreg:$0x9] =	wrdreg s30;
	s1 =	sor.u32 s21, s1  }
0x14: {  	s3 =	sadd.s32 $0x38000, s16;
	[dreg:$0xa] =	wrdreg s31;
	s30 =	sshrl.u32 s1, $0x3  }
0x15: {  	[dreg:$0xb] =	wrdreg s3;
	s4 =	sadd.s32 s5, s30  }
0x16: {  	s7 =	sadd.s32 s30, s6;
	[dreg:$0xc] =	wrdreg s4  }
0x17: {  	s9 =	sadd.s32 s30, s8;
	[dreg:$0xd] =	wrdreg s7  }
0x18: {  	s11 =	sadd.s32 s30, s10;
	[dreg:$0xe] =	wrdreg s9  }
0x19: {  	s13 =	sadd.s32 s30, s12;
	[dreg:$0xf] =	wrdreg s11  }
0x1a: {  	s0 =	sor.u32 $0x2000, s21;
	s15 =	sadd.s32 s30, s14;
	[dreg:$0x10] =	wrdreg s13  }
0x1b: {  	s18 =	sadd.s32 s30, s17;
	s14 =	sadd.s32 $0x38000, s5;
	[dreg:$0x11] =	wrdreg s15  }
0x1c: {  	s17 =	sadd.s32 $0x50000, s5;
	[dreg:$0x12] =	wrdreg s18;
	s19 =	sadd.s32 s30, s14  }
0x1d: {  	s12 =	sadd.s32 $0xB0000, s5;
	s23 =	sadd.s32 s30, s17;
	[dreg:$0x13] =	wrdreg s19  }
0x1e: {  	s15 =	sadd.s32 $0x40000, s5;
	s8 =	sadd.s32 s30, s12;
	[dreg:$0x16] =	wrdreg s23  }
0x1f: {  	s13 =	sadd.s32 $0x48000, s5;
	s20 =	sadd.s32 s30, s15;
	[smem:$0x7C2] =	sst s8  }
0x20: {  	s18 =	sadd.s32 $0x58000, s5;
	s22 =	sadd.s32 s30, s13;
	[dreg:$0x14] =	wrdreg s20  }
0x21: {  	s11 =	sadd.s32 $0xB8000, s5;
	s24 =	sadd.s32 s30, s18;
	[dreg:$0x15] =	wrdreg s22  }
0x22: {  	s19 =	sadd.s32 $0x60000, s5;
	s9 =	sadd.s32 s30, s11;
	[dreg:$0x17] =	wrdreg s24  }
0x23: {  	s23 =	sadd.s32 $0x78000, s5;
	s25 =	sadd.s32 s30, s19;
	[smem:$0x7C3] =	sst s9  }
0x24: {  	s20 =	sadd.s32 $0x68000, s5;
	s29 =	sadd.s32 s30, s23;
	[dreg:$0x18] =	wrdreg s25  }
0x25: {  	s22 =	sadd.s32 $0x70000, s5;
	s26 =	sadd.s32 s30, s20;
	[dreg:$0x1b] =	wrdreg s29  }
0x26: {  	s24 =	sadd.s32 $0x80000, s5;
	s28 =	sadd.s32 s30, s22;
	[dreg:$0x19] =	wrdreg s26  }
0x27: {  	s31 =	sadd.s32 s30, s24;
	s25 =	sadd.s32 $0x88000, s5;
	[dreg:$0x1a] =	wrdreg s28  }
0x28: {  	s29 =	sadd.s32 $0xA0000, s5;
	[dreg:$0x1c] =	wrdreg s31;
	s1 =	sadd.s32 s30, s25  }
0x29: {  	s26 =	sadd.s32 $0x90000, s5;
	s6 =	sadd.s32 s30, s29;
	[dreg:$0x1d] =	wrdreg s1  }
0x2a: {  	s28 =	sadd.s32 $0x98000, s5;
	s3 =	sadd.s32 s30, s26;
	[smem:$0x7C0] =	sst s6  }
0x2b: {  	s31 =	sadd.s32 $0xA8000, s5;
	s4 =	sadd.s32 s30, s28;
	[dreg:$0x1e] =	wrdreg s3  }
0x2c: {  	s10 =	sadd.s32 $0xC0000, s5;
	s7 =	sadd.s32 s30, s31;
	[dreg:$0x1f] =	wrdreg s4  }
0x2d: {  	s9 =	sadd.s32 $0xC8000, s5;
	s1 =	sadd.s32 s30, s10;
	[smem:$0x7C1] =	sst s7  }
0x2e: {  	s8 =	sadd.s32 $0xD0000, s5;
	[smem:$0x7C4] =	sst s1;
	s3 =	sadd.s32 s30, s9  }
0x2f: {  	s4 =	sadd.s32 s30, s8;
	s7 =	sadd.s32 $0xD8000, s5;
	[smem:$0x7C5] =	sst s3  }
0x30: {  	[smem:$0x7C6] =	sst s4;
	s6 =	sadd.s32 s30, s7;
	s4 =	sadd.s32 $0xE0000, s5  }
0x31: {  	[smem:$0x7C7] =	sst s6;
	s1 =	sadd.s32 s30, s4;
	s6 =	sadd.s32 $0xE8000, s5  }
0x32: {  	[smem:$0x7C8] =	sst s1;
	s3 =	sadd.s32 s30, s6;
	s1 =	sadd.s32 $0xF0000, s5  }
0x33: {  	s21 =	sadd.s32 $0xF8000, s5;
	[smem:$0x7C9] =	sst s3;
	s3 =	sadd.s32 s30, s1  }
0x34: {  	[smem:$0x7CA] =	sst s3;
	s3 =	sadd.s32 s30, s21  }
0x35: {  	[smem:$0x7CB] =	sst s3  }
0x36: {  	s3 =	sld [smem:$0x7CC];
	_ =	sdelay $0x1  }
0x37: {  	s30 =	sshrl.u32 s0, $0x3  }
0x38: {  	s3 =	sadd.s32 s3, s30;
	s30 =	sadd.s32 $0x8400, s16  }
0x39: {  	[smem:$0x7CE] =	sst s30;
	s30 =	sadd.s32 $0x10400, s16  }
0x3a: {  	[smem:$0x7CF] =	sst s30;
	s30 =	sadd.s32 $0x18400, s16  }
0x3b: {  	[smem:$0x7D0] =	sst s30;
	s30 =	sadd.s32 $0x20400, s16  }
0x3c: {  	[smem:$0x7D1] =	sst s30;
	s30 =	sadd.s32 $0x28400, s16  }
0x3d: {  	[smem:$0x7D2] =	sst s30  }
0x3e: {  	s30 =	sld [smem:$0x7D3];
	_ =	sdelay $0x1  }
0x3f: {  	[smem:$0x7CD] =	sst s3;
	s3 =	sadd.s32 $0x38400, s16  }
0x40: {  	[smem:$0x7D5] =	sst s3;
	s0 =	sor.u32 s30, s0;
	s30 =	sadd.s32 $0x30400, s16  }
0x41: {  	[smem:$0x7D4] =	sst s30;
	s30 =	sshrl.u32 s0, $0x3  }
0x42: {  	s3 =	sadd.s32 s5, s30;
	s5 =	sld [smem:$0x7D7]  }
0x43: {  	[smem:$0x7D6] =	sst s3  }
0x44: {  	s17 =	sadd.s32 s30, s17;
	s3 =	sld [smem:$0x7D9]  }
0x45: {  	s18 =	sadd.s32 s30, s18;
	[smem:$0x7E6] =	sst s17  }
0x46: {  	s19 =	sadd.s32 s30, s19;
	[smem:$0x7E7] =	sst s18  }
0x47: {  	s20 =	sadd.s32 s30, s20;
	[smem:$0x7E8] =	sst s19  }
0x48: {  	s22 =	sadd.s32 s30, s22;
	[smem:$0x7E9] =	sst s20  }
0x49: {  	s23 =	sadd.s32 s30, s23;
	[smem:$0x7EA] =	sst s22  }
0x4a: {  	s24 =	sadd.s32 s30, s24;
	[smem:$0x7EB] =	sst s23  }
0x4b: {  	s25 =	sadd.s32 s30, s25;
	[smem:$0x7EC] =	sst s24  }
0x4c: {  	s26 =	sadd.s32 s30, s26;
	[smem:$0x7ED] =	sst s25  }
0x4d: {  	[smem:$0x7EE] =	sst s26  }
0x4e: {  	s17 =	sadd.s32 s30, s10;
	s23 =	sld [smem:$0x7F8]  }
0x4f: {  	s18 =	sadd.s32 s30, s9;
	[smem:$0x7F4] =	sst s17  }
0x50: {  	s19 =	sadd.s32 s30, s8;
	[smem:$0x7F5] =	sst s18  }
0x51: {  	s20 =	sadd.s32 s30, s7;
	[smem:$0x7F6] =	sst s19  }
0x52: {  	s22 =	sadd.s32 s30, s4;
	[smem:$0x7F7] =	sst s20  }
0x53: {  	s25 =	sadd.s32 s30, s6;
	[smem:$0x7F9] =	sst s22  }
0x54: {  	[smem:$0x7FA] =	sst s25  }
0x55: {  	s0 =	sadd.s32 s30, s5;
	s5 =	sld [smem:$0x7DB]  }
0x56: {  	[smem:$0x7D8] =	sst s0  }
0x57: {  	s0 =	sadd.s32 s30, s3;
	s3 =	sld [smem:$0x7DD]  }
0x58: {  	[smem:$0x7DA] =	sst s0  }
0x59: {  	s0 =	sadd.s32 s30, s5;
	s5 =	sld [smem:$0x7DF]  }
0x5a: {  	[smem:$0x7DC] =	sst s0  }
0x5b: {  	s0 =	sadd.s32 s30, s3;
	s3 =	sld [smem:$0x7E1]  }
0x5c: {  	[smem:$0x7DE] =	sst s0;
	s0 =	sadd.s32 s30, s5  }
0x5d: {  	s5 =	sadd.s32 s30, s14;
	[smem:$0x7E0] =	sst s0  }
0x5e: {  	s14 =	sadd.s32 s30, s15;
	[smem:$0x7E3] =	sst s5  }
0x5f: {  	s6 =	simm.s32 $0x3;
	s15 =	sadd.s32 s30, s13;
	[smem:$0x7E4] =	sst s14  }
0x60: {  	s7 =	simm.s32 $0x2000;
	s13 =	sadd.s32 s30, s31;
	[smem:$0x7E5] =	sst s15  }
0x61: {  	s8 =	simm.s32 $0x4000;
	s31 =	simm.s32 $0x10000;
	[smem:$0x7F1] =	sst s13  }
0x62: {  	s9 =	simm.s32 $0x6000;
	s0 =	sadd.s32 s30, s3;
	[smem:$0x7FD] =	sst s31  }
0x63: {  	s10 =	simm.s32 $0x8000;
	s3 =	sadd.s32 s30, s28;
	[smem:$0x7E2] =	sst s0  }
0x64: {  	s24 =	ssub.s32 $0x2, s23;
	s5 =	sadd.s32 s30, s29;
	[smem:$0x7EF] =	sst s3  }
0x65: {  	s4 =	sshll.u32 s23, $0x5;
	s14 =	sadd.s32 s30, s12;
	[smem:$0x7F0] =	sst s5  }
0x66: {  	s26 =	sshrl.u32 s24, $0x1;
	s15 =	sadd.s32 s30, s11;
	[smem:$0x7F2] =	sst s14  }
0x67: {  	s28 =	sadd.s32 s30, s1;
	s29 =	ssub.s32 s24, s26;
	[smem:$0x7F3] =	sst s15  }
0x68: {  	s30 =	sadd.s32 s30, s21;
	s11 =	simm.s32 $0xA000;
	[smem:$0x7FB] =	sst s28  }
0x69: {  	s12 =	simm.s32 $0xC000;
	s13 =	simm.s32 $0xE000;
	[smem:$0x7FC] =	sst s30  }
0x6a: {  	s5 =	smax.u32 s29, $0x1;
	s14 =	simm.s32 $0x1;
	s15 =	simm.s32 $0x2  }
.LBB2_1:
0x6b: {  	s1 =	sld [smem:$0x7FD];
	_ =	sdelay $0x1  }
0x6c: {  	s0 =	rddreg [dreg:$0x4]  }
0x6d: {  	[tilespmem:s1], [sflag:$0x3] =	stream.linear.gather [hbm4b:s0+s2], $0x40, $0x38;
	[tilespmem:$0x10080] =	vst v63  }
0x6e: {  	_ =	swait.ge [sflag:s6], $0x40  }
0x6f: {  	[sflag:s6] =	ssyncset.done $0x0  }
0x70: {  	[sflag:s6] =	ssyncadd.s32 $0xFFFFFFC0  }
0x71: {  	[tilespmem:s2], [sflag:$0x1] =	stream.linear.gather [hbm4b:s16+s2], $0x2000, $0x38;
	[tilespmem:$0x10080] =	vst v63  }
0x72: {  	s17 =	rddreg [dreg:$0x5]  }
0x73: {  	[tilespmem:s7], [sflag:$0x1] =	stream.linear.gather [hbm4b:s17+s2], $0x2000, $0x38;
	[tilespmem:$0x10080] =	vst v63  }
0x74: {  	s18 =	rddreg [dreg:$0x6]  }
0x75: {  	[tilespmem:s8], [sflag:$0x1] =	stream.linear.gather [hbm4b:s18+s2], $0x2000, $0x38;
	[tilespmem:$0x10080] =	vst v63  }
0x76: {  	s19 =	rddreg [dreg:$0x7]  }
0x77: {  	[tilespmem:s9], [sflag:$0x1] =	stream.linear.gather [hbm4b:s19+s2], $0x2000, $0x38;
	[tilespmem:$0x10080] =	vst v63  }
0x78: {  	s20 =	rddreg [dreg:$0x8]  }
0x79: {  	[tilespmem:s10], [sflag:$0x1] =	stream.linear.gather [hbm4b:s20+s2], $0x2000, $0x38;
	[tilespmem:$0x10080] =	vst v63  }
0x7a: {  	s21 =	rddreg [dreg:$0x9]  }
0x7b: {  	[tilespmem:s11], [sflag:$0x1] =	stream.linear.gather [hbm4b:s21+s2], $0x2000, $0x38;
	[tilespmem:$0x10080] =	vst v63  }
0x7c: {  	s0 =	rddreg [dreg:$0xa]  }
0x7d: {  	[tilespmem:s12], [sflag:$0x1] =	stream.linear.gather [hbm4b:s0+s2], $0x2000, $0x38;
	[tilespmem:$0x10080] =	vst v63  }
0x7e: {  	s22 =	rddreg [dreg:$0xb]  }
0x7f: {  	[tilespmem:s13], [sflag:$0x1] =	stream.linear.gather [hbm4b:s22+s2], $0x2000, $0x38;
	[tilespmem:$0x10080] =	vst v63  }
0x80: {  	_ =	swait.ge [sflag:s14], $0x2000  }
0x81: {  	[sflag:s14] =	ssyncset.done $0x0  }
0x82: {  	[sflag:s14] =	ssyncadd.s32 $0xFFFFE000  }
0x83: {  	_ =	swait.ge [sflag:s14], $0x2000  }
0x84: {  	[sflag:s14] =	ssyncset.done $0x0  }
0x85: {  	[sflag:s14] =	ssyncadd.s32 $0xFFFFE000  }
0x86: {  	_ =	swait.ge [sflag:s14], $0x2000  }
0x87: {  	[sflag:s14] =	ssyncset.done $0x0  }
0x88: {  	[sflag:s14] =	ssyncadd.s32 $0xFFFFE000  }
0x89: {  	_ =	swait.ge [sflag:s14], $0x2000  }
0x8a: {  	[sflag:s14] =	ssyncset.done $0x0  }
0x8b: {  	[sflag:s14] =	ssyncadd.s32 $0xFFFFE000  }
0x8c: {  	_ =	swait.ge [sflag:s14], $0x2000  }
0x8d: {  	[sflag:s14] =	ssyncset.done $0x0  }
0x8e: {  	[sflag:s14] =	ssyncadd.s32 $0xFFFFE000  }
0x8f: {  	_ =	swait.ge [sflag:s14], $0x2000  }
0x90: {  	[sflag:s14] =	ssyncset.done $0x0  }
0x91: {  	[sflag:s14] =	ssyncadd.s32 $0xFFFFE000  }
0x92: {  	_ =	swait.ge [sflag:s14], $0x2000  }
0x93: {  	[sflag:s14] =	ssyncset.done $0x0  }
0x94: {  	[sflag:s14] =	ssyncadd.s32 $0xFFFFE000  }
0x95: {  	_ =	swait.ge [sflag:s14], $0x2000  }
0x96: {  	[sflag:s14] =	ssyncset.done $0x0  }
0x97: {  	[sflag:s14] =	ssyncadd.s32 $0xFFFFE000  }
0x98: {  	v0 =	vld [tilespmem:s4+$0x10000];
	_ =	sdelay $0x4  }
0x99: {  	(v2sf) =	vpush v0, $0x0;
	_ =	sdelay $0xe  }
0x9a: {  	s23 =	spop (v2sf)  }
0x9b: {  	s0 =	sshll.u32 s23, $0xF  }
0x9c: {  	s24 =	rddreg [dreg:$0xc];
	s0 =	sshra.s32 s0, $0x2  }
0x9d: {  	[hbm4b:s24+s2] =	stream.linear.scatter [tilespmem:s0], [sflag:$0x2], $0x2000, $0x38;
	[tilespmem:$0x10080] =	vst v63  }
0x9e: {  	v61 =	vld [tilespmem:s4+$0x10001];
	_ =	sdelay $0x4  }
0x9f: {  	(v2sf) =	vpush v61, $0x0;
	_ =	sdelay $0xe  }
0xa0: {  	s25 =	spop (v2sf)  }
0xa1: {  	s0 =	sshll.u32 s25, $0xF  }
0xa2: {  	s26 =	rddreg [dreg:$0xd];
	s0 =	sshra.s32 s0, $0x2  }
0xa3: {  	[hbm4b:s26+s2] =	stream.linear.scatter [tilespmem:s0], [sflag:$0x2], $0x2000, $0x38;
	[tilespmem:$0x10080] =	vst v63  }
0xa4: {  	v62 =	vld [tilespmem:s4+$0x10002];
	_ =	sdelay $0x4  }
0xa5: {  	(v2sf) =	vpush v62, $0x0;
	_ =	sdelay $0xe  }
0xa6: {  	s28 =	spop (v2sf)  }
0xa7: {  	s0 =	sshll.u32 s28, $0xF  }
0xa8: {  	s29 =	rddreg [dreg:$0xe];
	s0 =	sshra.s32 s0, $0x2  }
0xa9: {  	[hbm4b:s29+s2] =	stream.linear.scatter [tilespmem:s0], [sflag:$0x2], $0x2000, $0x38;
	[tilespmem:$0x10080] =	vst v63  }
0xaa: {  	v63 =	vld [tilespmem:s4+$0x10003];
	_ =	sdelay $0x4  }
0xab: {  	(v2sf) =	vpush v63, $0x0;
	_ =	sdelay $0xe  }
0xac: {  	s30 =	spop (v2sf)  }
0xad: {  	s0 =	sshll.u32 s30, $0xF  }
0xae: {  	s31 =	rddreg [dreg:$0xf];
	s0 =	sshra.s32 s0, $0x2  }
0xaf: {  	[hbm4b:s31+s2] =	stream.linear.scatter [tilespmem:s0], [sflag:$0x2], $0x2000, $0x38;
	[tilespmem:$0x10080] =	vst v63  }
0xb0: {  	v4 =	vld [tilespmem:s4+$0x10004];
	_ =	sdelay $0x4  }
0xb1: {  	(v2sf) =	vpush v4, $0x0;
	_ =	sdelay $0xe  }
0xb2: {  	s1 =	spop (v2sf)  }
0xb3: {  	s0 =	sshll.u32 s1, $0xF  }
0xb4: {  	s3 =	rddreg [dreg:$0x10];
	s0 =	sshra.s32 s0, $0x2  }
0xb5: {  	[hbm4b:s3+s2] =	stream.linear.scatter [tilespmem:s0], [sflag:$0x2], $0x2000, $0x38;
	[tilespmem:$0x10080] =	vst v63  }
0xb6: {  	v5 =	vld [tilespmem:s4+$0x10005];
	_ =	sdelay $0x4  }
0xb7: {  	(v2sf) =	vpush v5, $0x0;
	_ =	sdelay $0xe  }
0xb8: {  	s17 =	spop (v2sf)  }
0xb9: {  	s0 =	sshll.u32 s17, $0xF  }
0xba: {  	s18 =	rddreg [dreg:$0x11];
	s0 =	sshra.s32 s0, $0x2  }
0xbb: {  	[hbm4b:s18+s2] =	stream.linear.scatter [tilespmem:s0], [sflag:$0x2], $0x2000, $0x38;
	[tilespmem:$0x10080] =	vst v63  }
0xbc: {  	v6 =	vld [tilespmem:s4+$0x10006];
	_ =	sdelay $0x4  }
0xbd: {  	(v2sf) =	vpush v6, $0x0;
	_ =	sdelay $0xe  }
0xbe: {  	s19 =	spop (v2sf)  }
0xbf: {  	s0 =	sshll.u32 s19, $0xF  }
0xc0: {  	s20 =	rddreg [dreg:$0x12];
	s0 =	sshra.s32 s0, $0x2  }
0xc1: {  	[hbm4b:s20+s2] =	stream.linear.scatter [tilespmem:s0], [sflag:$0x2], $0x2000, $0x38;
	[tilespmem:$0x10080] =	vst v63  }
0xc2: {  	v7 =	vld [tilespmem:s4+$0x10007];
	_ =	sdelay $0x4  }
0xc3: {  	(v2sf) =	vpush v7, $0x0;
	_ =	sdelay $0xe  }
0xc4: {  	s21 =	spop (v2sf)  }
0xc5: {  	s0 =	sshll.u32 s21, $0xF  }
0xc6: {  	s22 =	rddreg [dreg:$0x13];
	s0 =	sshra.s32 s0, $0x2  }
0xc7: {  	[hbm4b:s22+s2] =	stream.linear.scatter [tilespmem:s0], [sflag:$0x2], $0x2000, $0x38;
	[tilespmem:$0x10080] =	vst v63  }
0xc8: {  	v8 =	vld [tilespmem:s4+$0x10008];
	_ =	sdelay $0x4  }
0xc9: {  	(v2sf) =	vpush v8, $0x0;
	_ =	sdelay $0xe  }
0xca: {  	s23 =	spop (v2sf)  }
0xcb: {  	s0 =	sshll.u32 s23, $0xF  }
0xcc: {  	s24 =	rddreg [dreg:$0x14];
	s0 =	sshra.s32 s0, $0x2  }
0xcd: {  	[hbm4b:s24+s2] =	stream.linear.scatter [tilespmem:s0], [sflag:$0x2], $0x2000, $0x38;
	[tilespmem:$0x10080] =	vst v63  }
0xce: {  	v9 =	vld [tilespmem:s4+$0x10009];
	_ =	sdelay $0x4  }
0xcf: {  	(v2sf) =	vpush v9, $0x0;
	_ =	sdelay $0xe  }
0xd0: {  	s25 =	spop (v2sf)  }
0xd1: {  	s0 =	sshll.u32 s25, $0xF  }
0xd2: {  	s26 =	rddreg [dreg:$0x15];
	s0 =	sshra.s32 s0, $0x2  }
0xd3: {  	[hbm4b:s26+s2] =	stream.linear.scatter [tilespmem:s0], [sflag:$0x2], $0x2000, $0x38;
	[tilespmem:$0x10080] =	vst v63  }
0xd4: {  	v10 =	vld [tilespmem:s4+$0x1000A];
	_ =	sdelay $0x4  }
0xd5: {  	(v2sf) =	vpush v10, $0x0;
	_ =	sdelay $0xe  }
0xd6: {  	s28 =	spop (v2sf)  }
0xd7: {  	s0 =	sshll.u32 s28, $0xF  }
0xd8: {  	s29 =	rddreg [dreg:$0x16];
	s0 =	sshra.s32 s0, $0x2  }
0xd9: {  	[hbm4b:s29+s2] =	stream.linear.scatter [tilespmem:s0], [sflag:$0x2], $0x2000, $0x38;
	[tilespmem:$0x10080] =	vst v63  }
0xda: {  	v11 =	vld [tilespmem:s4+$0x1000B];
	_ =	sdelay $0x4  }
0xdb: {  	(v2sf) =	vpush v11, $0x0;
	_ =	sdelay $0xe  }
0xdc: {  	s30 =	spop (v2sf)  }
0xdd: {  	s0 =	sshll.u32 s30, $0xF  }
0xde: {  	s31 =	rddreg [dreg:$0x17];
	s0 =	sshra.s32 s0, $0x2  }
0xdf: {  	[hbm4b:s31+s2] =	stream.linear.scatter [tilespmem:s0], [sflag:$0x2], $0x2000, $0x38;
	[tilespmem:$0x10080] =	vst v63  }
0xe0: {  	v12 =	vld [tilespmem:s4+$0x1000C];
	_ =	sdelay $0x4  }
0xe1: {  	(v2sf) =	vpush v12, $0x0;
	_ =	sdelay $0xe  }
0xe2: {  	s1 =	spop (v2sf)  }
0xe3: {  	s0 =	sshll.u32 s1, $0xF  }
0xe4: {  	s3 =	rddreg [dreg:$0x18];
	s0 =	sshra.s32 s0, $0x2  }
0xe5: {  	[hbm4b:s3+s2] =	stream.linear.scatter [tilespmem:s0], [sflag:$0x2], $0x2000, $0x38;
	[tilespmem:$0x10080] =	vst v63  }
0xe6: {  	v13 =	vld [tilespmem:s4+$0x1000D];
	_ =	sdelay $0x4  }
0xe7: {  	(v2sf) =	vpush v13, $0x0;
	_ =	sdelay $0xe  }
0xe8: {  	s17 =	spop (v2sf)  }
0xe9: {  	s0 =	sshll.u32 s17, $0xF  }
0xea: {  	s18 =	rddreg [dreg:$0x19];
	s0 =	sshra.s32 s0, $0x2  }
0xeb: {  	[hbm4b:s18+s2] =	stream.linear.scatter [tilespmem:s0], [sflag:$0x2], $0x2000, $0x38;
	[tilespmem:$0x10080] =	vst v63  }
0xec: {  	v14 =	vld [tilespmem:s4+$0x1000E];
	_ =	sdelay $0x4  }
0xed: {  	(v2sf) =	vpush v14, $0x0;
	_ =	sdelay $0xe  }
0xee: {  	s19 =	spop (v2sf)  }
0xef: {  	s0 =	sshll.u32 s19, $0xF  }
0xf0: {  	s20 =	rddreg [dreg:$0x1a];
	s0 =	sshra.s32 s0, $0x2  }
0xf1: {  	[hbm4b:s20+s2] =	stream.linear.scatter [tilespmem:s0], [sflag:$0x2], $0x2000, $0x38;
	[tilespmem:$0x10080] =	vst v63  }
0xf2: {  	v15 =	vld [tilespmem:s4+$0x1000F];
	_ =	sdelay $0x4  }
0xf3: {  	(v2sf) =	vpush v15, $0x0;
	_ =	sdelay $0xe  }
0xf4: {  	s21 =	spop (v2sf)  }
0xf5: {  	s0 =	sshll.u32 s21, $0xF  }
0xf6: {  	s22 =	rddreg [dreg:$0x1b];
	s0 =	sshra.s32 s0, $0x2  }
0xf7: {  	[hbm4b:s22+s2] =	stream.linear.scatter [tilespmem:s0], [sflag:$0x2], $0x2000, $0x38;
	[tilespmem:$0x10080] =	vst v63  }
0xf8: {  	v16 =	vld [tilespmem:s4+$0x10010];
	_ =	sdelay $0x4  }
0xf9: {  	(v2sf) =	vpush v16, $0x0;
	_ =	sdelay $0xe  }
0xfa: {  	s23 =	spop (v2sf)  }
0xfb: {  	s0 =	sshll.u32 s23, $0xF  }
0xfc: {  	s24 =	rddreg [dreg:$0x1c];
	s0 =	sshra.s32 s0, $0x2  }
0xfd: {  	[hbm4b:s24+s2] =	stream.linear.scatter [tilespmem:s0], [sflag:$0x2], $0x2000, $0x38;
	[tilespmem:$0x10080] =	vst v63  }
0xfe: {  	v17 =	vld [tilespmem:s4+$0x10011];
	_ =	sdelay $0x4  }
0xff: {  	(v2sf) =	vpush v17, $0x0;
	_ =	sdelay $0xe  }
0x100: {  	s25 =	spop (v2sf)  }
0x101: {  	s0 =	sshll.u32 s25, $0xF  }
0x102: {  	s26 =	rddreg [dreg:$0x1d];
	s0 =	sshra.s32 s0, $0x2  }
0x103: {  	[hbm4b:s26+s2] =	stream.linear.scatter [tilespmem:s0], [sflag:$0x2], $0x2000, $0x38;
	[tilespmem:$0x10080] =	vst v63  }
0x104: {  	v18 =	vld [tilespmem:s4+$0x10012];
	_ =	sdelay $0x4  }
0x105: {  	(v2sf) =	vpush v18, $0x0;
	_ =	sdelay $0xe  }
0x106: {  	s28 =	spop (v2sf)  }
0x107: {  	s0 =	sshll.u32 s28, $0xF  }
0x108: {  	s29 =	rddreg [dreg:$0x1e];
	s0 =	sshra.s32 s0, $0x2  }
0x109: {  	[hbm4b:s29+s2] =	stream.linear.scatter [tilespmem:s0], [sflag:$0x2], $0x2000, $0x38;
	[tilespmem:$0x10080] =	vst v63  }
0x10a: {  	v19 =	vld [tilespmem:s4+$0x10013];
	_ =	sdelay $0x4  }
0x10b: {  	(v2sf) =	vpush v19, $0x0;
	_ =	sdelay $0xe  }
0x10c: {  	s30 =	spop (v2sf)  }
0x10d: {  	s0 =	sshll.u32 s30, $0xF  }
0x10e: {  	s31 =	rddreg [dreg:$0x1f];
	s0 =	sshra.s32 s0, $0x2  }
0x10f: {  	[hbm4b:s31+s2] =	stream.linear.scatter [tilespmem:s0], [sflag:$0x2], $0x2000, $0x38;
	[tilespmem:$0x10080] =	vst v63  }
0x110: {  	v20 =	vld [tilespmem:s4+$0x10014];
	_ =	sdelay $0x4  }
0x111: {  	(v2sf) =	vpush v20, $0x0;
	_ =	sdelay $0xe  }
0x112: {  	s3 =	sld [smem:$0x7C0];
	s1 =	spop (v2sf)  }
0x113: {  	s0 =	sshll.u32 s1, $0xF  }
0x114: {  	s0 =	sshra.s32 s0, $0x2  }
0x115: {  	[hbm4b:s3+s2] =	stream.linear.scatter [tilespmem:s0], [sflag:$0x2], $0x2000, $0x38;
	[tilespmem:$0x10080] =	vst v63  }
0x116: {  	v21 =	vld [tilespmem:s4+$0x10015];
	_ =	sdelay $0x4  }
0x117: {  	(v2sf) =	vpush v21, $0x0;
	_ =	sdelay $0xe  }
0x118: {  	s18 =	sld [smem:$0x7C1];
	s17 =	spop (v2sf)  }
0x119: {  	s0 =	sshll.u32 s17, $0xF  }
0x11a: {  	s0 =	sshra.s32 s0, $0x2  }
0x11b: {  	[hbm4b:s18+s2] =	stream.linear.scatter [tilespmem:s0], [sflag:$0x2], $0x2000, $0x38;
	[tilespmem:$0x10080] =	vst v63  }
0x11c: {  	v22 =	vld [tilespmem:s4+$0x10016];
	_ =	sdelay $0x4  }
0x11d: {  	(v2sf) =	vpush v22, $0x0;
	_ =	sdelay $0xe  }
0x11e: {  	s20 =	sld [smem:$0x7C2];
	s19 =	spop (v2sf)  }
0x11f: {  	s0 =	sshll.u32 s19, $0xF  }
0x120: {  	s0 =	sshra.s32 s0, $0x2  }
0x121: {  	[hbm4b:s20+s2] =	stream.linear.scatter [tilespmem:s0], [sflag:$0x2], $0x2000, $0x38;
	[tilespmem:$0x10080] =	vst v63  }
0x122: {  	v23 =	vld [tilespmem:s4+$0x10017];
	_ =	sdelay $0x4  }
0x123: {  	(v2sf) =	vpush v23, $0x0;
	_ =	sdelay $0xe  }
0x124: {  	s22 =	sld [smem:$0x7C3];
	s21 =	spop (v2sf)  }
0x125: {  	s0 =	sshll.u32 s21, $0xF  }
0x126: {  	s0 =	sshra.s32 s0, $0x2  }
0x127: {  	[hbm4b:s22+s2] =	stream.linear.scatter [tilespmem:s0], [sflag:$0x2], $0x2000, $0x38;
	[tilespmem:$0x10080] =	vst v63  }
0x128: {  	v24 =	vld [tilespmem:s4+$0x10018];
	_ =	sdelay $0x4  }
0x129: {  	(v2sf) =	vpush v24, $0x0;
	_ =	sdelay $0xe  }
0x12a: {  	s24 =	sld [smem:$0x7C4];
	s23 =	spop (v2sf)  }
0x12b: {  	s0 =	sshll.u32 s23, $0xF  }
0x12c: {  	s0 =	sshra.s32 s0, $0x2  }
0x12d: {  	[hbm4b:s24+s2] =	stream.linear.scatter [tilespmem:s0], [sflag:$0x2], $0x2000, $0x38;
	[tilespmem:$0x10080] =	vst v63  }
0x12e: {  	v25 =	vld [tilespmem:s4+$0x10019];
	_ =	sdelay $0x4  }
0x12f: {  	(v2sf) =	vpush v25, $0x0;
	_ =	sdelay $0xe  }
0x130: {  	s26 =	sld [smem:$0x7C5];
	s25 =	spop (v2sf)  }
0x131: {  	s0 =	sshll.u32 s25, $0xF  }
0x132: {  	s0 =	sshra.s32 s0, $0x2  }
0x133: {  	[hbm4b:s26+s2] =	stream.linear.scatter [tilespmem:s0], [sflag:$0x2], $0x2000, $0x38;
	[tilespmem:$0x10080] =	vst v63  }
0x134: {  	v26 =	vld [tilespmem:s4+$0x1001A];
	_ =	sdelay $0x4  }
0x135: {  	(v2sf) =	vpush v26, $0x0;
	_ =	sdelay $0xe  }
0x136: {  	s29 =	sld [smem:$0x7C6];
	s28 =	spop (v2sf)  }
0x137: {  	s0 =	sshll.u32 s28, $0xF  }
0x138: {  	s0 =	sshra.s32 s0, $0x2  }
0x139: {  	[hbm4b:s29+s2] =	stream.linear.scatter [tilespmem:s0], [sflag:$0x2], $0x2000, $0x38;
	[tilespmem:$0x10080] =	vst v63  }
0x13a: {  	v27 =	vld [tilespmem:s4+$0x1001B];
	_ =	sdelay $0x4  }
0x13b: {  	(v2sf) =	vpush v27, $0x0;
	_ =	sdelay $0xe  }
0x13c: {  	s31 =	sld [smem:$0x7C7];
	s30 =	spop (v2sf)  }
0x13d: {  	s0 =	sshll.u32 s30, $0xF  }
0x13e: {  	s0 =	sshra.s32 s0, $0x2  }
0x13f: {  	[hbm4b:s31+s2] =	stream.linear.scatter [tilespmem:s0], [sflag:$0x2], $0x2000, $0x38;
	[tilespmem:$0x10080] =	vst v63  }
0x140: {  	v28 =	vld [tilespmem:s4+$0x1001C];
	_ =	sdelay $0x4  }
0x141: {  	(v2sf) =	vpush v28, $0x0;
	_ =	sdelay $0xe  }
0x142: {  	s3 =	sld [smem:$0x7C8];
	s1 =	spop (v2sf)  }
0x143: {  	s0 =	sshll.u32 s1, $0xF  }
0x144: {  	s0 =	sshra.s32 s0, $0x2  }
0x145: {  	[hbm4b:s3+s2] =	stream.linear.scatter [tilespmem:s0], [sflag:$0x2], $0x2000, $0x38;
	[tilespmem:$0x10080] =	vst v63  }
0x146: {  	v29 =	vld [tilespmem:s4+$0x1001D];
	_ =	sdelay $0x4  }
0x147: {  	(v2sf) =	vpush v29, $0x0;
	_ =	sdelay $0xe  }
0x148: {  	s18 =	sld [smem:$0x7C9];
	s17 =	spop (v2sf)  }
0x149: {  	s0 =	sshll.u32 s17, $0xF  }
0x14a: {  	s0 =	sshra.s32 s0, $0x2  }
0x14b: {  	[hbm4b:s18+s2] =	stream.linear.scatter [tilespmem:s0], [sflag:$0x2], $0x2000, $0x38;
	[tilespmem:$0x10080] =	vst v63  }
0x14c: {  	v30 =	vld [tilespmem:s4+$0x1001E];
	_ =	sdelay $0x4  }
0x14d: {  	(v2sf) =	vpush v30, $0x0;
	_ =	sdelay $0xe  }
0x14e: {  	s20 =	sld [smem:$0x7CA];
	s19 =	spop (v2sf)  }
0x14f: {  	s0 =	sshll.u32 s19, $0xF  }
0x150: {  	s0 =	sshra.s32 s0, $0x2  }
0x151: {  	[hbm4b:s20+s2] =	stream.linear.scatter [tilespmem:s0], [sflag:$0x2], $0x2000, $0x38;
	[tilespmem:$0x10080] =	vst v63  }
0x152: {  	v31 =	vld [tilespmem:s4+$0x1001F];
	_ =	sdelay $0x4  }
0x153: {  	(v2sf) =	vpush v31, $0x0;
	_ =	sdelay $0xe  }
0x154: {  	s22 =	sld [smem:$0x7CB];
	s21 =	spop (v2sf)  }
0x155: {  	s0 =	sshll.u32 s21, $0xF  }
0x156: {  	s0 =	sshra.s32 s0, $0x2  }
0x157: {  	[hbm4b:s22+s2] =	stream.linear.scatter [tilespmem:s0], [sflag:$0x2], $0x2000, $0x38;
	[tilespmem:$0x10080] =	vst v63  }
0x158: {  	_ =	swait.ge [sflag:s15], $0x2000  }
0x159: {  	[sflag:s15] =	ssyncset.done $0x0  }
0x15a: {  	[sflag:s15] =	ssyncadd.s32 $0xFFFFE000  }
0x15b: {  	_ =	swait.ge [sflag:s15], $0x2000  }
0x15c: {  	[sflag:s15] =	ssyncset.done $0x0  }
0x15d: {  	[sflag:s15] =	ssyncadd.s32 $0xFFFFE000  }
0x15e: {  	_ =	swait.ge [sflag:s15], $0x2000  }
0x15f: {  	[sflag:s15] =	ssyncset.done $0x0  }
0x160: {  	[sflag:s15] =	ssyncadd.s32 $0xFFFFE000  }
0x161: {  	_ =	swait.ge [sflag:s15], $0x2000  }
0x162: {  	[sflag:s15] =	ssyncset.done $0x0  }
0x163: {  	[sflag:s15] =	ssyncadd.s32 $0xFFFFE000  }
0x164: {  	_ =	swait.ge [sflag:s15], $0x2000  }
0x165: {  	[sflag:s15] =	ssyncset.done $0x0  }
0x166: {  	[sflag:s15] =	ssyncadd.s32 $0xFFFFE000  }
0x167: {  	_ =	swait.ge [sflag:s15], $0x2000  }
0x168: {  	[sflag:s15] =	ssyncset.done $0x0  }
0x169: {  	[sflag:s15] =	ssyncadd.s32 $0xFFFFE000  }
0x16a: {  	_ =	swait.ge [sflag:s15], $0x2000  }
0x16b: {  	[sflag:s15] =	ssyncset.done $0x0  }
0x16c: {  	[sflag:s15] =	ssyncadd.s32 $0xFFFFE000  }
0x16d: {  	_ =	swait.ge [sflag:s15], $0x2000  }
0x16e: {  	[sflag:s15] =	ssyncset.done $0x0  }
0x16f: {  	[sflag:s15] =	ssyncadd.s32 $0xFFFFE000  }
0x170: {  	_ =	swait.ge [sflag:s15], $0x2000  }
0x171: {  	[sflag:s15] =	ssyncset.done $0x0  }
0x172: {  	[sflag:s15] =	ssyncadd.s32 $0xFFFFE000  }
0x173: {  	_ =	swait.ge [sflag:s15], $0x2000  }
0x174: {  	[sflag:s15] =	ssyncset.done $0x0  }
0x175: {  	[sflag:s15] =	ssyncadd.s32 $0xFFFFE000  }
0x176: {  	_ =	swait.ge [sflag:s15], $0x2000  }
0x177: {  	[sflag:s15] =	ssyncset.done $0x0  }
0x178: {  	[sflag:s15] =	ssyncadd.s32 $0xFFFFE000  }
0x179: {  	_ =	swait.ge [sflag:s15], $0x2000  }
0x17a: {  	[sflag:s15] =	ssyncset.done $0x0  }
0x17b: {  	[sflag:s15] =	ssyncadd.s32 $0xFFFFE000  }
0x17c: {  	_ =	swait.ge [sflag:s15], $0x2000  }
0x17d: {  	[sflag:s15] =	ssyncset.done $0x0  }
0x17e: {  	[sflag:s15] =	ssyncadd.s32 $0xFFFFE000  }
0x17f: {  	_ =	swait.ge [sflag:s15], $0x2000  }
0x180: {  	[sflag:s15] =	ssyncset.done $0x0  }
0x181: {  	[sflag:s15] =	ssyncadd.s32 $0xFFFFE000  }
0x182: {  	_ =	swait.ge [sflag:s15], $0x2000  }
0x183: {  	[sflag:s15] =	ssyncset.done $0x0  }
0x184: {  	[sflag:s15] =	ssyncadd.s32 $0xFFFFE000  }
0x185: {  	_ =	swait.ge [sflag:s15], $0x2000  }
0x186: {  	[sflag:s15] =	ssyncset.done $0x0  }
0x187: {  	[sflag:s15] =	ssyncadd.s32 $0xFFFFE000  }
0x188: {  	_ =	swait.ge [sflag:s15], $0x2000  }
0x189: {  	[sflag:s15] =	ssyncset.done $0x0  }
0x18a: {  	[sflag:s15] =	ssyncadd.s32 $0xFFFFE000  }
0x18b: {  	_ =	swait.ge [sflag:s15], $0x2000  }
0x18c: {  	[sflag:s15] =	ssyncset.done $0x0  }
0x18d: {  	[sflag:s15] =	ssyncadd.s32 $0xFFFFE000  }
0x18e: {  	_ =	swait.ge [sflag:s15], $0x2000  }
0x18f: {  	[sflag:s15] =	ssyncset.done $0x0  }
0x190: {  	[sflag:s15] =	ssyncadd.s32 $0xFFFFE000  }
0x191: {  	_ =	swait.ge [sflag:s15], $0x2000  }
0x192: {  	[sflag:s15] =	ssyncset.done $0x0  }
0x193: {  	[sflag:s15] =	ssyncadd.s32 $0xFFFFE000  }
0x194: {  	_ =	swait.ge [sflag:s15], $0x2000  }
0x195: {  	[sflag:s15] =	ssyncset.done $0x0  }
0x196: {  	[sflag:s15] =	ssyncadd.s32 $0xFFFFE000  }
0x197: {  	_ =	swait.ge [sflag:s15], $0x2000  }
0x198: {  	[sflag:s15] =	ssyncset.done $0x0  }
0x199: {  	[sflag:s15] =	ssyncadd.s32 $0xFFFFE000  }
0x19a: {  	_ =	swait.ge [sflag:s15], $0x2000  }
0x19b: {  	[sflag:s15] =	ssyncset.done $0x0  }
0x19c: {  	[sflag:s15] =	ssyncadd.s32 $0xFFFFE000  }
0x19d: {  	_ =	swait.ge [sflag:s15], $0x2000  }
0x19e: {  	[sflag:s15] =	ssyncset.done $0x0  }
0x19f: {  	[sflag:s15] =	ssyncadd.s32 $0xFFFFE000  }
0x1a0: {  	_ =	swait.ge [sflag:s15], $0x2000  }
0x1a1: {  	[sflag:s15] =	ssyncset.done $0x0  }
0x1a2: {  	[sflag:s15] =	ssyncadd.s32 $0xFFFFE000  }
0x1a3: {  	_ =	swait.ge [sflag:s15], $0x2000  }
0x1a4: {  	[sflag:s15] =	ssyncset.done $0x0  }
0x1a5: {  	[sflag:s15] =	ssyncadd.s32 $0xFFFFE000  }
0x1a6: {  	_ =	swait.ge [sflag:s15], $0x2000  }
0x1a7: {  	[sflag:s15] =	ssyncset.done $0x0  }
0x1a8: {  	[sflag:s15] =	ssyncadd.s32 $0xFFFFE000  }
0x1a9: {  	_ =	swait.ge [sflag:s15], $0x2000  }
0x1aa: {  	[sflag:s15] =	ssyncset.done $0x0  }
0x1ab: {  	[sflag:s15] =	ssyncadd.s32 $0xFFFFE000  }
0x1ac: {  	_ =	swait.ge [sflag:s15], $0x2000  }
0x1ad: {  	[sflag:s15] =	ssyncset.done $0x0  }
0x1ae: {  	[sflag:s15] =	ssyncadd.s32 $0xFFFFE000  }
0x1af: {  	_ =	swait.ge [sflag:s15], $0x2000  }
0x1b0: {  	[sflag:s15] =	ssyncset.done $0x0  }
0x1b1: {  	[sflag:s15] =	ssyncadd.s32 $0xFFFFE000  }
0x1b2: {  	_ =	swait.ge [sflag:s15], $0x2000  }
0x1b3: {  	[sflag:s15] =	ssyncset.done $0x0  }
0x1b4: {  	[sflag:s15] =	ssyncadd.s32 $0xFFFFE000  }
0x1b5: {  	_ =	swait.ge [sflag:s15], $0x2000  }
0x1b6: {  	s23 =	sld [smem:$0x7CD]  }
0x1b7: {  	[sflag:s15] =	ssyncset.done $0x0  }
0x1b8: {  	s24 =	sld [smem:$0x7CE];
	[sflag:s15] =	ssyncadd.s32 $0xFFFFE000  }
0x1b9: {  	[tilespmem:s2], [sflag:$0x1] =	stream.linear.gather [hbm4b:s23+s2], $0x2000, $0x38;
	[tilespmem:$0x10080] =	vst v63  }
0x1ba: {  	s25 =	sld [smem:$0x7CF]  }
0x1bb: {  	[tilespmem:s7], [sflag:$0x1] =	stream.linear.gather [hbm4b:s24+s2], $0x2000, $0x38;
	[tilespmem:$0x10080] =	vst v63  }
0x1bc: {  	s26 =	sld [smem:$0x7D0]  }
0x1bd: {  	[tilespmem:s8], [sflag:$0x1] =	stream.linear.gather [hbm4b:s25+s2], $0x2000, $0x38;
	[tilespmem:$0x10080] =	vst v63  }
0x1be: {  	s28 =	sld [smem:$0x7D1]  }
0x1bf: {  	[tilespmem:s9], [sflag:$0x1] =	stream.linear.gather [hbm4b:s26+s2], $0x2000, $0x38;
	[tilespmem:$0x10080] =	vst v63  }
0x1c0: {  	s29 =	sld [smem:$0x7D2]  }
0x1c1: {  	[tilespmem:s10], [sflag:$0x1] =	stream.linear.gather [hbm4b:s28+s2], $0x2000, $0x38;
	[tilespmem:$0x10080] =	vst v63  }
0x1c2: {  	s30 =	sld [smem:$0x7D4]  }
0x1c3: {  	[tilespmem:s11], [sflag:$0x1] =	stream.linear.gather [hbm4b:s29+s2], $0x2000, $0x38;
	[tilespmem:$0x10080] =	vst v63  }
0x1c4: {  	s31 =	sld [smem:$0x7D5]  }
0x1c5: {  	[tilespmem:s12], [sflag:$0x1] =	stream.linear.gather [hbm4b:s30+s2], $0x2000, $0x38;
	[tilespmem:$0x10080] =	vst v63  }
0x1c6: {  	_ = 	snop  }
0x1c7: {  	[tilespmem:s13], [sflag:$0x1] =	stream.linear.gather [hbm4b:s31+s2], $0x2000, $0x38;
	[tilespmem:$0x10080] =	vst v63  }
0x1c8: {  	_ =	swait.ge [sflag:s14], $0x2000  }
0x1c9: {  	[sflag:s14] =	ssyncset.done $0x0  }
0x1ca: {  	[sflag:s14] =	ssyncadd.s32 $0xFFFFE000  }
0x1cb: {  	_ =	swait.ge [sflag:s14], $0x2000  }
0x1cc: {  	[sflag:s14] =	ssyncset.done $0x0  }
0x1cd: {  	[sflag:s14] =	ssyncadd.s32 $0xFFFFE000  }
0x1ce: {  	_ =	swait.ge [sflag:s14], $0x2000  }
0x1cf: {  	[sflag:s14] =	ssyncset.done $0x0  }
0x1d0: {  	[sflag:s14] =	ssyncadd.s32 $0xFFFFE000  }
0x1d1: {  	_ =	swait.ge [sflag:s14], $0x2000  }
0x1d2: {  	[sflag:s14] =	ssyncset.done $0x0  }
0x1d3: {  	[sflag:s14] =	ssyncadd.s32 $0xFFFFE000  }
0x1d4: {  	_ =	swait.ge [sflag:s14], $0x2000  }
0x1d5: {  	[sflag:s14] =	ssyncset.done $0x0  }
0x1d6: {  	[sflag:s14] =	ssyncadd.s32 $0xFFFFE000  }
0x1d7: {  	_ =	swait.ge [sflag:s14], $0x2000  }
0x1d8: {  	[sflag:s14] =	ssyncset.done $0x0  }
0x1d9: {  	[sflag:s14] =	ssyncadd.s32 $0xFFFFE000  }
0x1da: {  	_ =	swait.ge [sflag:s14], $0x2000  }
0x1db: {  	[sflag:s14] =	ssyncset.done $0x0  }
0x1dc: {  	[sflag:s14] =	ssyncadd.s32 $0xFFFFE000  }
0x1dd: {  	_ =	swait.ge [sflag:s14], $0x2000  }
0x1de: {  	[sflag:s14] =	ssyncset.done $0x0  }
0x1df: {  	[sflag:s14] =	ssyncadd.s32 $0xFFFFE000  }
0x1e0: {  	v32 =	vld [tilespmem:s4+$0x10000];
	_ =	sdelay $0x4  }
0x1e1: {  	(v2sf) =	vpush v32, $0x0;
	_ =	sdelay $0xe  }
0x1e2: {  	s3 =	sld [smem:$0x7D6];
	s1 =	spop (v2sf)  }
0x1e3: {  	s0 =	sshll.u32 s1, $0xF  }
0x1e4: {  	s0 =	sshra.s32 s0, $0x2  }
0x1e5: {  	[hbm4b:s3+s2] =	stream.linear.scatter [tilespmem:s0], [sflag:$0x2], $0x2000, $0x38;
	[tilespmem:$0x10080] =	vst v63  }
0x1e6: {  	v33 =	vld [tilespmem:s4+$0x10001];
	_ =	sdelay $0x4  }
0x1e7: {  	(v2sf) =	vpush v33, $0x0;
	_ =	sdelay $0xe  }
0x1e8: {  	s18 =	sld [smem:$0x7D8];
	s17 =	spop (v2sf)  }
0x1e9: {  	s0 =	sshll.u32 s17, $0xF  }
0x1ea: {  	s0 =	sshra.s32 s0, $0x2  }
0x1eb: {  	[hbm4b:s18+s2] =	stream.linear.scatter [tilespmem:s0], [sflag:$0x2], $0x2000, $0x38;
	[tilespmem:$0x10080] =	vst v63  }
0x1ec: {  	v34 =	vld [tilespmem:s4+$0x10002];
	_ =	sdelay $0x4  }
0x1ed: {  	(v2sf) =	vpush v34, $0x0;
	_ =	sdelay $0xe  }
0x1ee: {  	s20 =	sld [smem:$0x7DA];
	s19 =	spop (v2sf)  }
0x1ef: {  	s0 =	sshll.u32 s19, $0xF  }
0x1f0: {  	s0 =	sshra.s32 s0, $0x2  }
0x1f1: {  	[hbm4b:s20+s2] =	stream.linear.scatter [tilespmem:s0], [sflag:$0x2], $0x2000, $0x38;
	[tilespmem:$0x10080] =	vst v63  }
0x1f2: {  	v35 =	vld [tilespmem:s4+$0x10003];
	_ =	sdelay $0x4  }
0x1f3: {  	(v2sf) =	vpush v35, $0x0;
	_ =	sdelay $0xe  }
0x1f4: {  	s22 =	sld [smem:$0x7DC];
	s21 =	spop (v2sf)  }
0x1f5: {  	s0 =	sshll.u32 s21, $0xF  }
0x1f6: {  	s0 =	sshra.s32 s0, $0x2  }
0x1f7: {  	[hbm4b:s22+s2] =	stream.linear.scatter [tilespmem:s0], [sflag:$0x2], $0x2000, $0x38;
	[tilespmem:$0x10080] =	vst v63  }
0x1f8: {  	v36 =	vld [tilespmem:s4+$0x10004];
	_ =	sdelay $0x4  }
0x1f9: {  	(v2sf) =	vpush v36, $0x0;
	_ =	sdelay $0xe  }
0x1fa: {  	s24 =	sld [smem:$0x7DE];
	s23 =	spop (v2sf)  }
0x1fb: {  	s0 =	sshll.u32 s23, $0xF  }
0x1fc: {  	s0 =	sshra.s32 s0, $0x2  }
0x1fd: {  	[hbm4b:s24+s2] =	stream.linear.scatter [tilespmem:s0], [sflag:$0x2], $0x2000, $0x38;
	[tilespmem:$0x10080] =	vst v63  }
0x1fe: {  	v37 =	vld [tilespmem:s4+$0x10005];
	_ =	sdelay $0x4  }
0x1ff: {  	(v2sf) =	vpush v37, $0x0;
	_ =	sdelay $0xe  }
0x200: {  	s26 =	sld [smem:$0x7E0];
	s25 =	spop (v2sf)  }
0x201: {  	s0 =	sshll.u32 s25, $0xF  }
0x202: {  	s0 =	sshra.s32 s0, $0x2  }
0x203: {  	[hbm4b:s26+s2] =	stream.linear.scatter [tilespmem:s0], [sflag:$0x2], $0x2000, $0x38;
	[tilespmem:$0x10080] =	vst v63  }
0x204: {  	v38 =	vld [tilespmem:s4+$0x10006];
	_ =	sdelay $0x4  }
0x205: {  	(v2sf) =	vpush v38, $0x0;
	_ =	sdelay $0xe  }
0x206: {  	s29 =	sld [smem:$0x7E2];
	s28 =	spop (v2sf)  }
0x207: {  	s0 =	sshll.u32 s28, $0xF  }
0x208: {  	s0 =	sshra.s32 s0, $0x2  }
0x209: {  	[hbm4b:s29+s2] =	stream.linear.scatter [tilespmem:s0], [sflag:$0x2], $0x2000, $0x38;
	[tilespmem:$0x10080] =	vst v63  }
0x20a: {  	v39 =	vld [tilespmem:s4+$0x10007];
	_ =	sdelay $0x4  }
0x20b: {  	(v2sf) =	vpush v39, $0x0;
	_ =	sdelay $0xe  }
0x20c: {  	s31 =	sld [smem:$0x7E3];
	s30 =	spop (v2sf)  }
0x20d: {  	s0 =	sshll.u32 s30, $0xF  }
0x20e: {  	s0 =	sshra.s32 s0, $0x2  }
0x20f: {  	[hbm4b:s31+s2] =	stream.linear.scatter [tilespmem:s0], [sflag:$0x2], $0x2000, $0x38;
	[tilespmem:$0x10080] =	vst v63  }
0x210: {  	v40 =	vld [tilespmem:s4+$0x10008];
	_ =	sdelay $0x4  }
0x211: {  	(v2sf) =	vpush v40, $0x0;
	_ =	sdelay $0xe  }
0x212: {  	s3 =	sld [smem:$0x7E4];
	s1 =	spop (v2sf)  }
0x213: {  	s0 =	sshll.u32 s1, $0xF  }
0x214: {  	s0 =	sshra.s32 s0, $0x2  }
0x215: {  	[hbm4b:s3+s2] =	stream.linear.scatter [tilespmem:s0], [sflag:$0x2], $0x2000, $0x38;
	[tilespmem:$0x10080] =	vst v63  }
0x216: {  	v41 =	vld [tilespmem:s4+$0x10009];
	_ =	sdelay $0x4  }
0x217: {  	(v2sf) =	vpush v41, $0x0;
	_ =	sdelay $0xe  }
0x218: {  	s18 =	sld [smem:$0x7E5];
	s17 =	spop (v2sf)  }
0x219: {  	s0 =	sshll.u32 s17, $0xF  }
0x21a: {  	s0 =	sshra.s32 s0, $0x2  }
0x21b: {  	[hbm4b:s18+s2] =	stream.linear.scatter [tilespmem:s0], [sflag:$0x2], $0x2000, $0x38;
	[tilespmem:$0x10080] =	vst v63  }
0x21c: {  	v42 =	vld [tilespmem:s4+$0x1000A];
	_ =	sdelay $0x4  }
0x21d: {  	(v2sf) =	vpush v42, $0x0;
	_ =	sdelay $0xe  }
0x21e: {  	s20 =	sld [smem:$0x7E6];
	s19 =	spop (v2sf)  }
0x21f: {  	s0 =	sshll.u32 s19, $0xF  }
0x220: {  	s0 =	sshra.s32 s0, $0x2  }
0x221: {  	[hbm4b:s20+s2] =	stream.linear.scatter [tilespmem:s0], [sflag:$0x2], $0x2000, $0x38;
	[tilespmem:$0x10080] =	vst v63  }
0x222: {  	v43 =	vld [tilespmem:s4+$0x1000B];
	_ =	sdelay $0x4  }
0x223: {  	(v2sf) =	vpush v43, $0x0;
	_ =	sdelay $0xe  }
0x224: {  	s22 =	sld [smem:$0x7E7];
	s21 =	spop (v2sf)  }
0x225: {  	s0 =	sshll.u32 s21, $0xF  }
0x226: {  	s0 =	sshra.s32 s0, $0x2  }
0x227: {  	[hbm4b:s22+s2] =	stream.linear.scatter [tilespmem:s0], [sflag:$0x2], $0x2000, $0x38;
	[tilespmem:$0x10080] =	vst v63  }
0x228: {  	v44 =	vld [tilespmem:s4+$0x1000C];
	_ =	sdelay $0x4  }
0x229: {  	(v2sf) =	vpush v44, $0x0;
	_ =	sdelay $0xe  }
0x22a: {  	s24 =	sld [smem:$0x7E8];
	s23 =	spop (v2sf)  }
0x22b: {  	s0 =	sshll.u32 s23, $0xF  }
0x22c: {  	s0 =	sshra.s32 s0, $0x2  }
0x22d: {  	[hbm4b:s24+s2] =	stream.linear.scatter [tilespmem:s0], [sflag:$0x2], $0x2000, $0x38;
	[tilespmem:$0x10080] =	vst v63  }
0x22e: {  	v45 =	vld [tilespmem:s4+$0x1000D];
	_ =	sdelay $0x4  }
0x22f: {  	(v2sf) =	vpush v45, $0x0;
	_ =	sdelay $0xe  }
0x230: {  	s26 =	sld [smem:$0x7E9];
	s25 =	spop (v2sf)  }
0x231: {  	s0 =	sshll.u32 s25, $0xF  }
0x232: {  	s0 =	sshra.s32 s0, $0x2  }
0x233: {  	[hbm4b:s26+s2] =	stream.linear.scatter [tilespmem:s0], [sflag:$0x2], $0x2000, $0x38;
	[tilespmem:$0x10080] =	vst v63  }
0x234: {  	v46 =	vld [tilespmem:s4+$0x1000E];
	_ =	sdelay $0x4  }
0x235: {  	(v2sf) =	vpush v46, $0x0;
	_ =	sdelay $0xe  }
0x236: {  	s29 =	sld [smem:$0x7EA];
	s28 =	spop (v2sf)  }
0x237: {  	s0 =	sshll.u32 s28, $0xF  }
0x238: {  	s0 =	sshra.s32 s0, $0x2  }
0x239: {  	[hbm4b:s29+s2] =	stream.linear.scatter [tilespmem:s0], [sflag:$0x2], $0x2000, $0x38;
	[tilespmem:$0x10080] =	vst v63  }
0x23a: {  	v47 =	vld [tilespmem:s4+$0x1000F];
	_ =	sdelay $0x4  }
0x23b: {  	(v2sf) =	vpush v47, $0x0;
	_ =	sdelay $0xe  }
0x23c: {  	s31 =	sld [smem:$0x7EB];
	s30 =	spop (v2sf)  }
0x23d: {  	s0 =	sshll.u32 s30, $0xF  }
0x23e: {  	s0 =	sshra.s32 s0, $0x2  }
0x23f: {  	[hbm4b:s31+s2] =	stream.linear.scatter [tilespmem:s0], [sflag:$0x2], $0x2000, $0x38;
	[tilespmem:$0x10080] =	vst v63  }
0x240: {  	v48 =	vld [tilespmem:s4+$0x10010];
	_ =	sdelay $0x4  }
0x241: {  	(v2sf) =	vpush v48, $0x0;
	_ =	sdelay $0xe  }
0x242: {  	s3 =	sld [smem:$0x7EC];
	s1 =	spop (v2sf)  }
0x243: {  	s0 =	sshll.u32 s1, $0xF  }
0x244: {  	s0 =	sshra.s32 s0, $0x2  }
0x245: {  	[hbm4b:s3+s2] =	stream.linear.scatter [tilespmem:s0], [sflag:$0x2], $0x2000, $0x38;
	[tilespmem:$0x10080] =	vst v63  }
0x246: {  	v49 =	vld [tilespmem:s4+$0x10011];
	_ =	sdelay $0x4  }
0x247: {  	(v2sf) =	vpush v49, $0x0;
	_ =	sdelay $0xe  }
0x248: {  	s18 =	sld [smem:$0x7ED];
	s17 =	spop (v2sf)  }
0x249: {  	s0 =	sshll.u32 s17, $0xF  }
0x24a: {  	s0 =	sshra.s32 s0, $0x2  }
0x24b: {  	[hbm4b:s18+s2] =	stream.linear.scatter [tilespmem:s0], [sflag:$0x2], $0x2000, $0x38;
	[tilespmem:$0x10080] =	vst v63  }
0x24c: {  	v50 =	vld [tilespmem:s4+$0x10012];
	_ =	sdelay $0x4  }
0x24d: {  	(v2sf) =	vpush v50, $0x0;
	_ =	sdelay $0xe  }
0x24e: {  	s20 =	sld [smem:$0x7EE];
	s19 =	spop (v2sf)  }
0x24f: {  	s0 =	sshll.u32 s19, $0xF  }
0x250: {  	s0 =	sshra.s32 s0, $0x2  }
0x251: {  	[hbm4b:s20+s2] =	stream.linear.scatter [tilespmem:s0], [sflag:$0x2], $0x2000, $0x38;
	[tilespmem:$0x10080] =	vst v63  }
0x252: {  	v51 =	vld [tilespmem:s4+$0x10013];
	_ =	sdelay $0x4  }
0x253: {  	(v2sf) =	vpush v51, $0x0;
	_ =	sdelay $0xe  }
0x254: {  	s22 =	sld [smem:$0x7EF];
	s21 =	spop (v2sf)  }
0x255: {  	s0 =	sshll.u32 s21, $0xF  }
0x256: {  	s0 =	sshra.s32 s0, $0x2  }
0x257: {  	[hbm4b:s22+s2] =	stream.linear.scatter [tilespmem:s0], [sflag:$0x2], $0x2000, $0x38;
	[tilespmem:$0x10080] =	vst v63  }
0x258: {  	v52 =	vld [tilespmem:s4+$0x10014];
	_ =	sdelay $0x4  }
0x259: {  	(v2sf) =	vpush v52, $0x0;
	_ =	sdelay $0xe  }
0x25a: {  	s24 =	sld [smem:$0x7F0];
	s23 =	spop (v2sf)  }
0x25b: {  	s0 =	sshll.u32 s23, $0xF  }
0x25c: {  	s0 =	sshra.s32 s0, $0x2  }
0x25d: {  	[hbm4b:s24+s2] =	stream.linear.scatter [tilespmem:s0], [sflag:$0x2], $0x2000, $0x38;
	[tilespmem:$0x10080] =	vst v63  }
0x25e: {  	v53 =	vld [tilespmem:s4+$0x10015];
	_ =	sdelay $0x4  }
0x25f: {  	(v2sf) =	vpush v53, $0x0;
	_ =	sdelay $0xe  }
0x260: {  	s26 =	sld [smem:$0x7F1];
	s25 =	spop (v2sf)  }
0x261: {  	s0 =	sshll.u32 s25, $0xF  }
0x262: {  	s0 =	sshra.s32 s0, $0x2  }
0x263: {  	[hbm4b:s26+s2] =	stream.linear.scatter [tilespmem:s0], [sflag:$0x2], $0x2000, $0x38;
	[tilespmem:$0x10080] =	vst v63  }
0x264: {  	v54 =	vld [tilespmem:s4+$0x10016];
	_ =	sdelay $0x4  }
0x265: {  	(v2sf) =	vpush v54, $0x0;
	_ =	sdelay $0xe  }
0x266: {  	s29 =	sld [smem:$0x7F2];
	s28 =	spop (v2sf)  }
0x267: {  	s0 =	sshll.u32 s28, $0xF  }
0x268: {  	s0 =	sshra.s32 s0, $0x2  }
0x269: {  	[hbm4b:s29+s2] =	stream.linear.scatter [tilespmem:s0], [sflag:$0x2], $0x2000, $0x38;
	[tilespmem:$0x10080] =	vst v63  }
0x26a: {  	v55 =	vld [tilespmem:s4+$0x10017];
	_ =	sdelay $0x4  }
0x26b: {  	(v2sf) =	vpush v55, $0x0;
	_ =	sdelay $0xe  }
0x26c: {  	s31 =	sld [smem:$0x7F3];
	s30 =	spop (v2sf)  }
0x26d: {  	s0 =	sshll.u32 s30, $0xF  }
0x26e: {  	s0 =	sshra.s32 s0, $0x2  }
0x26f: {  	[hbm4b:s31+s2] =	stream.linear.scatter [tilespmem:s0], [sflag:$0x2], $0x2000, $0x38;
	[tilespmem:$0x10080] =	vst v63  }
0x270: {  	v56 =	vld [tilespmem:s4+$0x10018];
	_ =	sdelay $0x4  }
0x271: {  	(v2sf) =	vpush v56, $0x0;
	_ =	sdelay $0xe  }
0x272: {  	s3 =	sld [smem:$0x7F4];
	s1 =	spop (v2sf)  }
0x273: {  	s0 =	sshll.u32 s1, $0xF  }
0x274: {  	s0 =	sshra.s32 s0, $0x2  }
0x275: {  	[hbm4b:s3+s2] =	stream.linear.scatter [tilespmem:s0], [sflag:$0x2], $0x2000, $0x38;
	[tilespmem:$0x10080] =	vst v63  }
0x276: {  	v57 =	vld [tilespmem:s4+$0x10019];
	_ =	sdelay $0x4  }
0x277: {  	(v2sf) =	vpush v57, $0x0;
	_ =	sdelay $0xe  }
0x278: {  	s18 =	sld [smem:$0x7F5];
	s17 =	spop (v2sf)  }
0x279: {  	s0 =	sshll.u32 s17, $0xF  }
0x27a: {  	s0 =	sshra.s32 s0, $0x2  }
0x27b: {  	[hbm4b:s18+s2] =	stream.linear.scatter [tilespmem:s0], [sflag:$0x2], $0x2000, $0x38;
	[tilespmem:$0x10080] =	vst v63  }
0x27c: {  	v58 =	vld [tilespmem:s4+$0x1001A];
	_ =	sdelay $0x4  }
0x27d: {  	(v2sf) =	vpush v58, $0x0;
	_ =	sdelay $0xe  }
0x27e: {  	s20 =	sld [smem:$0x7F6];
	s19 =	spop (v2sf)  }
0x27f: {  	s0 =	sshll.u32 s19, $0xF  }
0x280: {  	s0 =	sshra.s32 s0, $0x2  }
0x281: {  	[hbm4b:s20+s2] =	stream.linear.scatter [tilespmem:s0], [sflag:$0x2], $0x2000, $0x38;
	[tilespmem:$0x10080] =	vst v63  }
0x282: {  	v59 =	vld [tilespmem:s4+$0x1001B];
	_ =	sdelay $0x4  }
0x283: {  	(v2sf) =	vpush v59, $0x0;
	_ =	sdelay $0xe  }
0x284: {  	s22 =	sld [smem:$0x7F7];
	s21 =	spop (v2sf)  }
0x285: {  	s0 =	sshll.u32 s21, $0xF  }
0x286: {  	s0 =	sshra.s32 s0, $0x2  }
0x287: {  	[hbm4b:s22+s2] =	stream.linear.scatter [tilespmem:s0], [sflag:$0x2], $0x2000, $0x38;
	[tilespmem:$0x10080] =	vst v63  }
0x288: {  	v60 =	vld [tilespmem:s4+$0x1001C];
	_ =	sdelay $0x4  }
0x289: {  	(v2sf) =	vpush v60, $0x0;
	_ =	sdelay $0xe  }
0x28a: {  	s24 =	sld [smem:$0x7F9];
	s23 =	spop (v2sf)  }
0x28b: {  	s0 =	sshll.u32 s23, $0xF  }
0x28c: {  	s0 =	sshra.s32 s0, $0x2  }
0x28d: {  	[hbm4b:s24+s2] =	stream.linear.scatter [tilespmem:s0], [sflag:$0x2], $0x2000, $0x38;
	[tilespmem:$0x10080] =	vst v63  }
0x28e: {  	v61 =	vld [tilespmem:s4+$0x1001D];
	_ =	sdelay $0x4  }
0x28f: {  	(v2sf) =	vpush v61, $0x0;
	_ =	sdelay $0xe  }
0x290: {  	s26 =	sld [smem:$0x7FA];
	s25 =	spop (v2sf)  }
0x291: {  	s0 =	sshll.u32 s25, $0xF  }
0x292: {  	s0 =	sshra.s32 s0, $0x2  }
0x293: {  	[hbm4b:s26+s2] =	stream.linear.scatter [tilespmem:s0], [sflag:$0x2], $0x2000, $0x38;
	[tilespmem:$0x10080] =	vst v63  }
0x294: {  	v62 =	vld [tilespmem:s4+$0x1001E];
	_ =	sdelay $0x4  }
0x295: {  	(v2sf) =	vpush v62, $0x0;
	_ =	sdelay $0xe  }
0x296: {  	s29 =	sld [smem:$0x7FB];
	s28 =	spop (v2sf)  }
0x297: {  	s0 =	sshll.u32 s28, $0xF  }
0x298: {  	s0 =	sshra.s32 s0, $0x2  }
0x299: {  	[hbm4b:s29+s2] =	stream.linear.scatter [tilespmem:s0], [sflag:$0x2], $0x2000, $0x38;
	[tilespmem:$0x10080] =	vst v63  }
0x29a: {  	v63 =	vld [tilespmem:s4+$0x1001F];
	_ =	sdelay $0x4  }
0x29b: {  	(v2sf) =	vpush v63, $0x0;
	_ =	sdelay $0xe  }
0x29c: {  	s31 =	sld [smem:$0x7FC];
	s30 =	spop (v2sf)  }
0x29d: {  	s0 =	sshll.u32 s30, $0xF  }
0x29e: {  	s0 =	sshra.s32 s0, $0x2  }
0x29f: {  	[hbm4b:s31+s2] =	stream.linear.scatter [tilespmem:s0], [sflag:$0x2], $0x2000, $0x38;
	[tilespmem:$0x10080] =	vst v63  }
0x2a0: {  	_ =	swait.ge [sflag:s15], $0x2000  }
0x2a1: {  	[sflag:s15] =	ssyncset.done $0x0  }
0x2a2: {  	[sflag:s15] =	ssyncadd.s32 $0xFFFFE000  }
0x2a3: {  	_ =	swait.ge [sflag:s15], $0x2000  }
0x2a4: {  	[sflag:s15] =	ssyncset.done $0x0  }
0x2a5: {  	[sflag:s15] =	ssyncadd.s32 $0xFFFFE000  }
0x2a6: {  	_ =	swait.ge [sflag:s15], $0x2000  }
0x2a7: {  	[sflag:s15] =	ssyncset.done $0x0  }
0x2a8: {  	[sflag:s15] =	ssyncadd.s32 $0xFFFFE000  }
0x2a9: {  	_ =	swait.ge [sflag:s15], $0x2000  }
0x2aa: {  	[sflag:s15] =	ssyncset.done $0x0  }
0x2ab: {  	[sflag:s15] =	ssyncadd.s32 $0xFFFFE000  }
0x2ac: {  	_ =	swait.ge [sflag:s15], $0x2000  }
0x2ad: {  	[sflag:s15] =	ssyncset.done $0x0  }
0x2ae: {  	[sflag:s15] =	ssyncadd.s32 $0xFFFFE000  }
0x2af: {  	_ =	swait.ge [sflag:s15], $0x2000  }
0x2b0: {  	[sflag:s15] =	ssyncset.done $0x0  }
0x2b1: {  	[sflag:s15] =	ssyncadd.s32 $0xFFFFE000  }
0x2b2: {  	_ =	swait.ge [sflag:s15], $0x2000  }
0x2b3: {  	[sflag:s15] =	ssyncset.done $0x0  }
0x2b4: {  	[sflag:s15] =	ssyncadd.s32 $0xFFFFE000  }
0x2b5: {  	_ =	swait.ge [sflag:s15], $0x2000  }
0x2b6: {  	[sflag:s15] =	ssyncset.done $0x0  }
0x2b7: {  	[sflag:s15] =	ssyncadd.s32 $0xFFFFE000  }
0x2b8: {  	_ =	swait.ge [sflag:s15], $0x2000  }
0x2b9: {  	[sflag:s15] =	ssyncset.done $0x0  }
0x2ba: {  	[sflag:s15] =	ssyncadd.s32 $0xFFFFE000  }
0x2bb: {  	_ =	swait.ge [sflag:s15], $0x2000  }
0x2bc: {  	[sflag:s15] =	ssyncset.done $0x0  }
0x2bd: {  	[sflag:s15] =	ssyncadd.s32 $0xFFFFE000  }
0x2be: {  	_ =	swait.ge [sflag:s15], $0x2000  }
0x2bf: {  	[sflag:s15] =	ssyncset.done $0x0  }
0x2c0: {  	[sflag:s15] =	ssyncadd.s32 $0xFFFFE000  }
0x2c1: {  	_ =	swait.ge [sflag:s15], $0x2000  }
0x2c2: {  	[sflag:s15] =	ssyncset.done $0x0  }
0x2c3: {  	[sflag:s15] =	ssyncadd.s32 $0xFFFFE000  }
0x2c4: {  	_ =	swait.ge [sflag:s15], $0x2000  }
0x2c5: {  	[sflag:s15] =	ssyncset.done $0x0  }
0x2c6: {  	[sflag:s15] =	ssyncadd.s32 $0xFFFFE000  }
0x2c7: {  	_ =	swait.ge [sflag:s15], $0x2000  }
0x2c8: {  	[sflag:s15] =	ssyncset.done $0x0  }
0x2c9: {  	[sflag:s15] =	ssyncadd.s32 $0xFFFFE000  }
0x2ca: {  	_ =	swait.ge [sflag:s15], $0x2000  }
0x2cb: {  	[sflag:s15] =	ssyncset.done $0x0  }
0x2cc: {  	[sflag:s15] =	ssyncadd.s32 $0xFFFFE000  }
0x2cd: {  	_ =	swait.ge [sflag:s15], $0x2000  }
0x2ce: {  	[sflag:s15] =	ssyncset.done $0x0  }
0x2cf: {  	[sflag:s15] =	ssyncadd.s32 $0xFFFFE000  }
0x2d0: {  	_ =	swait.ge [sflag:s15], $0x2000  }
0x2d1: {  	[sflag:s15] =	ssyncset.done $0x0  }
0x2d2: {  	[sflag:s15] =	ssyncadd.s32 $0xFFFFE000  }
0x2d3: {  	_ =	swait.ge [sflag:s15], $0x2000  }
0x2d4: {  	[sflag:s15] =	ssyncset.done $0x0  }
0x2d5: {  	[sflag:s15] =	ssyncadd.s32 $0xFFFFE000  }
0x2d6: {  	_ =	swait.ge [sflag:s15], $0x2000  }
0x2d7: {  	[sflag:s15] =	ssyncset.done $0x0  }
0x2d8: {  	[sflag:s15] =	ssyncadd.s32 $0xFFFFE000  }
0x2d9: {  	_ =	swait.ge [sflag:s15], $0x2000  }
0x2da: {  	[sflag:s15] =	ssyncset.done $0x0  }
0x2db: {  	[sflag:s15] =	ssyncadd.s32 $0xFFFFE000  }
0x2dc: {  	_ =	swait.ge [sflag:s15], $0x2000  }
0x2dd: {  	[sflag:s15] =	ssyncset.done $0x0  }
0x2de: {  	[sflag:s15] =	ssyncadd.s32 $0xFFFFE000  }
0x2df: {  	_ =	swait.ge [sflag:s15], $0x2000  }
0x2e0: {  	[sflag:s15] =	ssyncset.done $0x0  }
0x2e1: {  	[sflag:s15] =	ssyncadd.s32 $0xFFFFE000  }
0x2e2: {  	_ =	swait.ge [sflag:s15], $0x2000  }
0x2e3: {  	[sflag:s15] =	ssyncset.done $0x0  }
0x2e4: {  	[sflag:s15] =	ssyncadd.s32 $0xFFFFE000  }
0x2e5: {  	_ =	swait.ge [sflag:s15], $0x2000  }
0x2e6: {  	[sflag:s15] =	ssyncset.done $0x0  }
0x2e7: {  	[sflag:s15] =	ssyncadd.s32 $0xFFFFE000  }
0x2e8: {  	_ =	swait.ge [sflag:s15], $0x2000  }
0x2e9: {  	[sflag:s15] =	ssyncset.done $0x0  }
0x2ea: {  	[sflag:s15] =	ssyncadd.s32 $0xFFFFE000  }
0x2eb: {  	_ =	swait.ge [sflag:s15], $0x2000  }
0x2ec: {  	[sflag:s15] =	ssyncset.done $0x0  }
0x2ed: {  	[sflag:s15] =	ssyncadd.s32 $0xFFFFE000  }
0x2ee: {  	_ =	swait.ge [sflag:s15], $0x2000  }
0x2ef: {  	[sflag:s15] =	ssyncset.done $0x0  }
0x2f0: {  	[sflag:s15] =	ssyncadd.s32 $0xFFFFE000  }
0x2f1: {  	_ =	swait.ge [sflag:s15], $0x2000  }
0x2f2: {  	[sflag:s15] =	ssyncset.done $0x0  }
0x2f3: {  	[sflag:s15] =	ssyncadd.s32 $0xFFFFE000  }
0x2f4: {  	_ =	swait.ge [sflag:s15], $0x2000  }
0x2f5: {  	[sflag:s15] =	ssyncset.done $0x0  }
0x2f6: {  	[sflag:s15] =	ssyncadd.s32 $0xFFFFE000  }
0x2f7: {  	_ =	swait.ge [sflag:s15], $0x2000  }
0x2f8: {  	[sflag:s15] =	ssyncset.done $0x0  }
0x2f9: {  	[sflag:s15] =	ssyncadd.s32 $0xFFFFE000  }
0x2fa: {  	p0 =	sne.s32 s5, $0x1;
	_ =	swait.ge [sflag:s15], $0x2000  }
.Ltmp0:
0x2fb: {  	[sflag:s15] =	ssyncset.done $0x0;
	(pc) =	sbr.rel @p0 .LBB2_1-.Ltmp0, $4  }
0x2fc: {  	[sflag:s15] =	ssyncadd.s32 $0xFFFFE000  }
0x2fd: {  	_ =	swait.ge [sflag:s15], $0x2000  }
0x2fe: {  	[sflag:s15] =	ssyncset.done $0x0  }
0x2ff: {  	s5 =	sadd.s32 $0xFFFFFFFF, s5;
	[sflag:s15] =	ssyncadd.s32 $0xFFFFE000  }
0x300: {  	_ =	sfence.sel $0x180000  }
0x301: {  	[bflag:$0x0] =	sbarrier.arrive $0xFFFF  }
0x302: {  	_ =	strace $0x90000047  }
0x303: {  	s0 =	stileid.u32;
	[bflag:$0x2] =	sbarrier.arrive $0xFFFF  }
0x304: {  	p0 =	sne.s32 s0, $0x0;
	s0 =	rddreg [dreg:$0x3]  }
0x305: {  	s0 =	sadd.s32 @!p0 $0x100000, s0  }
0x306: {  	[sflag:s0] =	ssyncadd.tile.s32 @!p0 $0x1;
	_ =	shalt  }
.Lfunc_end2:
_tile_overlayer_lowered:
.L_overlay_start_2:
0x307: {  	(tag) =	ssettag $0x2  }
0x308: {  	s0 =	rddreg [dreg:$0x0];
	s2 =	stileid.u32  }
0x309: {  	s1 =	rddreg [dreg:$0x1];
	p0 =	sne.s32 s2, $0x0  }
0x30a: {  	s3 =	rddreg [dreg:$0x2];
	[bflag:$0x3] =	sbarrier.arrive $0xFFFF;
	s2 =	simm.s32 @!p0 $0x1C03  }
0x30b: {  	[timem:s3], [sflag:s2] =	dma.local @!p0 [hbm:s0], s1  }
0x30c: {  	s0 =	simm.s32 @!p0 $0x3  }
0x30d: {  	_ =	swait.ge @!p0 [sflag:s0], s1  }
0x30e: {  	s1 =	ssub.s32 @!p0 $0x0, s1;
	[sflag:s0] =	ssyncset.done @!p0 $0x0  }
0x30f: {  	[sflag:s0] =	ssyncadd.s32 @!p0 s1  }
0x310: {  	[bflag:$0x3] =	sbarrier.arrive $0xFFFF  }
0x311: {  	_ =	shalt  }

</sc_bundles>
